<compile_context>
chip_gen: v7x
topology: tpu7x:2x2x1
jax: 0.10.2.dev20260603
libtpu: 0.0.44.dev20260713+nightly
codegen_flags: <defaults>
</compile_context>

<pallas_src>
import functools

import jax
import jax.numpy as jnp
from jax import lax
from jax.experimental import pallas as pl
from jax.experimental.pallas import tpu as pltpu
from jax.experimental.pallas import tpu_sc as plsc

VOCAB = 1000
NBATCH = 4096
T = 20
NC = 2
NS = 16
NW = NC * NS
L = 16
VT = VOCAB // 8
VTA = 63
VTB = VT - VTA
BT = NBATCH // 128


def _one_hot_body(xt_hbm, out_hbm, idx_v, buf_a, buf_b, sem_a, sem_b):
    cid = lax.axis_index("c")
    sid = lax.axis_index("s")
    wid = sid * NC + cid

    pltpu.sync_copy(xt_hbm.at[pl.ds(0, T), pl.ds(wid * 128, 128)], idx_v)

    zeros = jnp.zeros((L,), jnp.float32)
    ones = jnp.full((L,), 1.0, jnp.float32)
    lane = lax.iota(jnp.int32, L)
    zlane = lane * 0

    def zero_buf(buf, nvt):
        def body(i, carry):
            vt = i // 8
            vi = i % 8
            for c0 in range(0, 128, L):
                buf[0, vt, 0, vi, pl.ds(c0, L)] = zeros
            return carry
        lax.fori_loop(0, nvt * 8, body, 0)

    def scatter_a(t, val):
        for g in range(128 // L):
            col = idx_v[t, pl.ds(g * L, L)]
            blane = lane + g * L
            vt = col // 8
            plsc.store_scatter(
                buf_a, [zlane, jnp.minimum(vt, VTA - 1), zlane, col % 8,
                        blane], val, mask=vt < VTA)

    def scatter_b(t, val):
        for g in range(128 // L):
            col = idx_v[t, pl.ds(g * L, L)]
            blane = lane + g * L
            vt = col // 8
            plsc.store_scatter(
                buf_b, [zlane, jnp.maximum(vt - VTA, 0), zlane, col % 8,
                        blane], val, mask=vt >= VTA)

    def dst_a(t):
        return out_hbm.at[pl.ds(t, 1), pl.ds(0, VTA), pl.ds(wid, 1),
                          pl.ds(0, 8), pl.ds(0, 128)]

    def dst_b(t):
        return out_hbm.at[pl.ds(t, 1), pl.ds(VTA, VTB), pl.ds(wid, 1),
                          pl.ds(0, 8), pl.ds(0, 128)]

    def start_a(t):
        pltpu.make_async_copy(buf_a, dst_a(t), sem_a).start()

    def start_b(t):
        pltpu.make_async_copy(buf_b, dst_b(t), sem_b).start()

    def wait_a():
        pltpu.make_async_copy(buf_a, dst_a(0), sem_a).wait()

    def wait_b():
        pltpu.make_async_copy(buf_b, dst_b(0), sem_b).wait()

    zero_buf(buf_a, VTA)
    scatter_a(0, ones)
    start_a(0)
    zero_buf(buf_b, VTB)
    scatter_b(0, ones)
    start_b(0)

    def loop_body(t, carry):
        wait_a()
        scatter_a(t - 1, zeros)
        scatter_a(t, ones)
        start_a(t)
        wait_b()
        scatter_b(t - 1, zeros)
        scatter_b(t, ones)
        start_b(t)
        return carry

    lax.fori_loop(1, T, loop_body, 0)
    wait_a()
    wait_b()


_one_hot_sc = functools.partial(
    pl.kernel,
    out_type=jax.ShapeDtypeStruct((T, VT, BT, 8, 128), jnp.float32),
    mesh=plsc.VectorSubcoreMesh(
        core_axis_name="c", subcore_axis_name="s",
        num_cores=NC, num_subcores=NS),
    compiler_params=pltpu.CompilerParams(needs_layout_passes=False),
    scratch_types=[
        pltpu.VMEM((T, 128), jnp.int32),
        pltpu.VMEM((1, VTA, 1, 8, 128), jnp.float32),
        pltpu.VMEM((1, VTB, 1, 8, 128), jnp.float32),
        pltpu.SemaphoreType.DMA,
        pltpu.SemaphoreType.DMA,
    ],
)(_one_hot_body)


@jax.jit
def kernel(x, table):
    del table
    xt = jnp.transpose(x)
    out5 = _one_hot_sc(xt)
    return out5.transpose(2, 4, 0, 1, 3).reshape(NBATCH, T, VOCAB)

# --- scband reference (transcript-rebuilt; emitter-appended) ---
"""Pipeline reference for scband-encode-60112362275308 (READ-ONLY COPY).

The authoritative reference and input builder live on the scoring server;
editing this copy changes nothing except your own understanding.
"""

import jax, jax.numpy as jnp
import numpy as np

VOCAB = 1000

def setup_inputs(seed: int = 0) -> dict:
    key = jax.random.key(seed)
    x = jax.random.randint(key, (4096, 20), 0, VOCAB, dtype=jnp.int32)
    # The torch module builds torch.eye(vocab_size) on the fly; we materialize it
    # as a constant float table so the op maps to a row-gather (SparseCore friendly).
    table = jnp.eye(VOCAB, dtype=jnp.float32)
    return {"x": x, "table": table}

def reference(x, table):
    # torch.eye(vocab_size)[x]  ->  row gather from identity matrix == one-hot encode
    return jnp.take(table, x, axis=0)

if __name__ == "__main__":
    import jax
    _d = setup_inputs()
    print(jax.jit(kernel)(*tuple(_d.values())))

</pallas_src>

<mosaic_0001>
#map = affine_map<(d0, d1) -> (0, 0)>
#map1 = affine_map<(d0, d1) -> (0, 0, 0, 0, 0)>
module attributes {stable_mosaic.version = 14 : i64} {
  func.func @_one_hot_body(%arg0: i32, %arg1: i32, %arg2: memref<20x4096xi32, #tpu.memory_space<hbm>>, %arg3: memref<20x125x32x8x128xf32, #tpu.memory_space<hbm>>, %arg4: memref<20x128xi32, #tpu.memory_space<vmem>>, %arg5: memref<1x63x1x8x128xf32, #tpu.memory_space<vmem>>, %arg6: memref<1x62x1x8x128xf32, #tpu.memory_space<vmem>>, %arg7: memref<!tpu.dma_semaphore, #tpu.memory_space<semaphore_mem>>, %arg8: memref<!tpu.dma_semaphore, #tpu.memory_space<semaphore_mem>>) attributes {dimension_semantics = [#tpu.dimension_semantics<core_parallel>, #tpu.dimension_semantics<subcore_parallel>], iteration_bounds = array<i64: 2, 16>, scalar_prefetch = 0 : i64, scratch_operands = 5 : i64, tpu.core_type = #tpu.core_type<sc_vector_subcore>, window_params = [{transform_indices = #map}, {transform_indices = #map1}]} {
    %mul3A = arith.constant 2 : i32
    %mul3A_0 = arith.muli %arg1, %mul3A : i32
    %add3A = arith.addi %mul3A_0, %arg0 : i32
    %mul3A_1 = arith.constant 128 : i32
    %mul3A_2 = arith.muli %add3A, %mul3A_1 : i32
    "tpu.region"() ({
      %run_scoped3A = tpu.sem_alloc : memref<!tpu.dma_semaphore, #tpu.memory_space<semaphore_mem>>
      %dma_start3A_1130 = arith.constant 0 : i32
      %dma_start3A_1131 = tpu.memref_slice %arg2[%dma_start3A_1130, %mul3A_2] : memref<20x4096xi32, #tpu.memory_space<hbm>> -> memref<20x128xi32, #tpu.memory_space<hbm>>
      %dma_start3A_1132 = arith.constant 0 : i32
      %dma_start3A_1133 = tpu.memref_slice %arg2[%dma_start3A_1132, %mul3A_2] : memref<20x4096xi32, #tpu.memory_space<hbm>> -> memref<20x128xi32, #tpu.memory_space<hbm>>
      tpu.enqueue_dma source(%dma_start3A_1133 : memref<20x128xi32, #tpu.memory_space<hbm>>) target(%arg4 : memref<20x128xi32, #tpu.memory_space<vmem>>) target_semaphore(%run_scoped3A : memref<!tpu.dma_semaphore, #tpu.memory_space<semaphore_mem>>)
      %dma_wait3A_1134 = arith.constant 0 : i32
      %dma_wait3A_1135 = tpu.memref_slice %arg2[%dma_wait3A_1134, %mul3A_2] : memref<20x4096xi32, #tpu.memory_space<hbm>> -> memref<20x128xi32, #tpu.memory_space<hbm>>
      %dma_wait3A_1136 = arith.constant 0 : i32
      %dma_wait3A_1137 = tpu.memref_slice %arg2[%dma_wait3A_1136, %mul3A_2] : memref<20x4096xi32, #tpu.memory_space<hbm>> -> memref<20x128xi32, #tpu.memory_space<hbm>>
      tpu.wait_dma2 semaphore(%run_scoped3A : memref<!tpu.dma_semaphore, #tpu.memory_space<semaphore_mem>>) src(%dma_wait3A_1137 : memref<20x128xi32, #tpu.memory_space<hbm>>) dst(%arg4 : memref<20x128xi32, #tpu.memory_space<vmem>>)
      tpu.yield
    }) : () -> ()
    %broadcast_in_dim3A = arith.constant 0.000000e+00 : f32
    %broadcast_in_dim3A_3 = vector.broadcast %broadcast_in_dim3A : f32 to vector<16xf32>
    %broadcast_in_dim3A_4 = arith.constant 1.000000e+00 : f32
    %broadcast_in_dim3A_5 = vector.broadcast %broadcast_in_dim3A_4 : f32 to vector<16xf32>
    %iota3A = tpu.iota {dimensions = array<i32: 0>} : vector<16xi32>
    %mul3A_6 = arith.constant 0 : i32
    %mul3A_7 = vector.broadcast %mul3A_6 : i32 to vector<16xi32>
    %mul3A_8 = arith.muli %iota3A, %mul3A_7 : vector<16xi32>
    %scan3A = arith.constant 0 : i32
    %scan3A_9 = arith.constant 0 : i32
    %scan3A_10 = arith.constant 504 : i32
    %scan3A_11 = arith.addi %scan3A_9, %scan3A_10 : i32
    %scan3A_12 = arith.constant 1 : i32
    scf.for %scan3A_1130 = %scan3A_9 to %scan3A_11 step %scan3A_12  : i32 {
      %jit3A_1131 = arith.constant 8 : i32
      %div3A_1132 = arith.divsi %scan3A_1130, %jit3A_1131 : i32
      %sign3A_1133 = arith.constant 0 : i32
      %sign3A_1134 = arith.cmpi sgt, %scan3A_1130, %sign3A_1133 : i32
      %sign3A_1135 = arith.extui %sign3A_1134 : i1 to i32
      %sign3A_1136 = arith.constant 0 : i32
      %sign3A_1137 = arith.cmpi slt, %scan3A_1130, %sign3A_1136 : i32
      %sign3A_1138 = arith.extui %sign3A_1137 : i1 to i32
      %sign3A_1139 = arith.subi %sign3A_1135, %sign3A_1138 : i32
      %sign3A_1140 = arith.constant 0 : i32
      %sign3A_1141 = arith.cmpi sgt, %jit3A_1131, %sign3A_1140 : i32
      %sign3A_1142 = arith.extui %sign3A_1141 : i1 to i32
      %sign3A_1143 = arith.constant 0 : i32
      %sign3A_1144 = arith.cmpi slt, %jit3A_1131, %sign3A_1143 : i32
      %sign3A_1145 = arith.extui %sign3A_1144 : i1 to i32
      %sign3A_1146 = arith.subi %sign3A_1142, %sign3A_1145 : i32
      %ne3A_1147 = arith.cmpi ne, %sign3A_1139, %sign3A_1146 : i32
      %rem3A_1148 = arith.remsi %scan3A_1130, %jit3A_1131 : i32
      %ne3A_1149 = arith.constant 0 : i32
      %ne3A_1150 = arith.cmpi ne, %rem3A_1148, %ne3A_1149 : i32
      %and3A_1151 = arith.andi %ne3A_1147, %ne3A_1150 : i1
      %sub3A_1152 = arith.constant 1 : i32
      %sub3A_1153 = arith.subi %div3A_1132, %sub3A_1152 : i32
      %select_n3A_1154 = arith.select %and3A_1151, %sub3A_1153, %div3A_1132 : i32
      %jit3A_1155 = arith.constant 8 : i32
      %eq3A_1156 = arith.constant 0 : i32
      %eq3A_1157 = arith.cmpi eq, %jit3A_1155, %eq3A_1156 : i32
      %jit3A_1158 = arith.constant 1 : i32
      %select_n3A_1159 = arith.select %eq3A_1157, %jit3A_1158, %jit3A_1155 : i32
      %rem3A_1160 = arith.remsi %scan3A_1130, %select_n3A_1159 : i32
      %ne3A_1161 = arith.constant 0 : i32
      %ne3A_1162 = arith.cmpi ne, %rem3A_1160, %ne3A_1161 : i32
      %lt3A_1163 = arith.constant 0 : i32
      %lt3A_1164 = arith.cmpi slt, %rem3A_1160, %lt3A_1163 : i32
      %lt3A_1165 = arith.constant 0 : i32
      %lt3A_1166 = arith.cmpi slt, %select_n3A_1159, %lt3A_1165 : i32
      %ne3A_1167 = arith.xori %lt3A_1164, %lt3A_1166 : i1
      %and3A_1168 = arith.andi %ne3A_1167, %ne3A_1162 : i1
      %add3A_1169 = arith.addi %rem3A_1160, %select_n3A_1159 : i32
      %select_n3A_1170 = arith.select %and3A_1168, %add3A_1169, %rem3A_1160 : i32
      %swap3A = arith.constant 0 : i32
      %swap3A_1171 = arith.constant 0 : i32
      %swap3A_1172 = arith.index_cast %swap3A : i32 to index
      %swap3A_1173 = arith.index_cast %select_n3A_1154 : i32 to index
      %swap3A_1174 = arith.index_cast %swap3A_1171 : i32 to index
      %swap3A_1175 = arith.index_cast %select_n3A_1170 : i32 to index
      %swap3A_1176 = arith.constant 0 : index
      %swap3A_1177 = tpu.vector_load %arg5[%swap3A_1172, %swap3A_1173, %swap3A_1174, %swap3A_1175, %swap3A_1176] {strides = array<i32>} : memref<1x63x1x8x128xf32, #tpu.memory_space<vmem>>, vector<16xf32>,
      tpu.vector_store %arg5[%swap3A_1172, %swap3A_1173, %swap3A_1174, %swap3A_1175, %swap3A_1176], %broadcast_in_dim3A_3 {strides = array<i32>} : memref<1x63x1x8x128xf32, #tpu.memory_space<vmem>>, vector<16xf32>,
      %swap3A_1178 = arith.constant 0 : i32
      %swap3A_1179 = arith.constant 0 : i32
      %swap3A_1180 = arith.index_cast %swap3A_1178 : i32 to index
      %swap3A_1181 = arith.index_cast %select_n3A_1154 : i32 to index
      %swap3A_1182 = arith.index_cast %swap3A_1179 : i32 to index
      %swap3A_1183 = arith.index_cast %select_n3A_1170 : i32 to index
      %swap3A_1184 = arith.constant 16 : index
      %swap3A_1185 = tpu.vector_load %arg5[%swap3A_1180, %swap3A_1181, %swap3A_1182, %swap3A_1183, %swap3A_1184] {strides = array<i32>} : memref<1x63x1x8x128xf32, #tpu.memory_space<vmem>>, vector<16xf32>,
      tpu.vector_store %arg5[%swap3A_1180, %swap3A_1181, %swap3A_1182, %swap3A_1183, %swap3A_1184], %broadcast_in_dim3A_3 {strides = array<i32>} : memref<1x63x1x8x128xf32, #tpu.memory_space<vmem>>, vector<16xf32>,
      %swap3A_1186 = arith.constant 0 : i32
      %swap3A_1187 = arith.constant 0 : i32
      %swap3A_1188 = arith.index_cast %swap3A_1186 : i32 to index
      %swap3A_1189 = arith.index_cast %select_n3A_1154 : i32 to index
      %swap3A_1190 = arith.index_cast %swap3A_1187 : i32 to index
      %swap3A_1191 = arith.index_cast %select_n3A_1170 : i32 to index
      %swap3A_1192 = arith.constant 32 : index
      %swap3A_1193 = tpu.vector_load %arg5[%swap3A_1188, %swap3A_1189, %swap3A_1190, %swap3A_1191, %swap3A_1192] {strides = array<i32>} : memref<1x63x1x8x128xf32, #tpu.memory_space<vmem>>, vector<16xf32>,
      tpu.vector_store %arg5[%swap3A_1188, %swap3A_1189, %swap3A_1190, %swap3A_1191, %swap3A_1192], %broadcast_in_dim3A_3 {strides = array<i32>} : memref<1x63x1x8x128xf32, #tpu.memory_space<vmem>>, vector<16xf32>,
      %swap3A_1194 = arith.constant 0 : i32
      %swap3A_1195 = arith.constant 0 : i32
      %swap3A_1196 = arith.index_cast %swap3A_1194 : i32 to index
      %swap3A_1197 = arith.index_cast %select_n3A_1154 : i32 to index
      %swap3A_1198 = arith.index_cast %swap3A_1195 : i32 to index
      %swap3A_1199 = arith.index_cast %select_n3A_1170 : i32 to index
      %swap3A_1200 = arith.constant 48 : index
      %swap3A_1201 = tpu.vector_load %arg5[%swap3A_1196, %swap3A_1197, %swap3A_1198, %swap3A_1199, %swap3A_1200] {strides = array<i32>} : memref<1x63x1x8x128xf32, #tpu.memory_space<vmem>>, vector<16xf32>,
      tpu.vector_store %arg5[%swap3A_1196, %swap3A_1197, %swap3A_1198, %swap3A_1199, %swap3A_1200], %broadcast_in_dim3A_3 {strides = array<i32>} : memref<1x63x1x8x128xf32, #tpu.memory_space<vmem>>, vector<16xf32>,
      %swap3A_1202 = arith.constant 0 : i32
      %swap3A_1203 = arith.constant 0 : i32
      %swap3A_1204 = arith.index_cast %swap3A_1202 : i32 to index
      %swap3A_1205 = arith.index_cast %select_n3A_1154 : i32 to index
      %swap3A_1206 = arith.index_cast %swap3A_1203 : i32 to index
      %swap3A_1207 = arith.index_cast %select_n3A_1170 : i32 to index
      %swap3A_1208 = arith.constant 64 : index
      %swap3A_1209 = tpu.vector_load %arg5[%swap3A_1204, %swap3A_1205, %swap3A_1206, %swap3A_1207, %swap3A_1208] {strides = array<i32>} : memref<1x63x1x8x128xf32, #tpu.memory_space<vmem>>, vector<16xf32>,
      tpu.vector_store %arg5[%swap3A_1204, %swap3A_1205, %swap3A_1206, %swap3A_1207, %swap3A_1208], %broadcast_in_dim3A_3 {strides = array<i32>} : memref<1x63x1x8x128xf32, #tpu.memory_space<vmem>>, vector<16xf32>,
      %swap3A_1210 = arith.constant 0 : i32
      %swap3A_1211 = arith.constant 0 : i32
      %swap3A_1212 = arith.index_cast %swap3A_1210 : i32 to index
      %swap3A_1213 = arith.index_cast %select_n3A_1154 : i32 to index
      %swap3A_1214 = arith.index_cast %swap3A_1211 : i32 to index
      %swap3A_1215 = arith.index_cast %select_n3A_1170 : i32 to index
      %swap3A_1216 = arith.constant 80 : index
      %swap3A_1217 = tpu.vector_load %arg5[%swap3A_1212, %swap3A_1213, %swap3A_1214, %swap3A_1215, %swap3A_1216] {strides = array<i32>} : memref<1x63x1x8x128xf32, #tpu.memory_space<vmem>>, vector<16xf32>,
      tpu.vector_store %arg5[%swap3A_1212, %swap3A_1213, %swap3A_1214, %swap3A_1215, %swap3A_1216], %broadcast_in_dim3A_3 {strides = array<i32>} : memref<1x63x1x8x128xf32, #tpu.memory_space<vmem>>, vector<16xf32>,
      %swap3A_1218 = arith.constant 0 : i32
      %swap3A_1219 = arith.constant 0 : i32
      %swap3A_1220 = arith.index_cast %swap3A_1218 : i32 to index
      %swap3A_1221 = arith.index_cast %select_n3A_1154 : i32 to index
      %swap3A_1222 = arith.index_cast %swap3A_1219 : i32 to index
      %swap3A_1223 = arith.index_cast %select_n3A_1170 : i32 to index
      %swap3A_1224 = arith.constant 96 : index
      %swap3A_1225 = tpu.vector_load %arg5[%swap3A_1220, %swap3A_1221, %swap3A_1222, %swap3A_1223, %swap3A_1224] {strides = array<i32>} : memref<1x63x1x8x128xf32, #tpu.memory_space<vmem>>, vector<16xf32>,
      tpu.vector_store %arg5[%swap3A_1220, %swap3A_1221, %swap3A_1222, %swap3A_1223, %swap3A_1224], %broadcast_in_dim3A_3 {strides = array<i32>} : memref<1x63x1x8x128xf32, #tpu.memory_space<vmem>>, vector<16xf32>,
      %swap3A_1226 = arith.constant 0 : i32
      %swap3A_1227 = arith.constant 0 : i32
      %swap3A_1228 = arith.index_cast %swap3A_1226 : i32 to index
      %swap3A_1229 = arith.index_cast %select_n3A_1154 : i32 to index
      %swap3A_1230 = arith.index_cast %swap3A_1227 : i32 to index
      %swap3A_1231 = arith.index_cast %select_n3A_1170 : i32 to index
      %swap3A_1232 = arith.constant 112 : index
      %swap3A_1233 = tpu.vector_load %arg5[%swap3A_1228, %swap3A_1229, %swap3A_1230, %swap3A_1231, %swap3A_1232] {strides = array<i32>} : memref<1x63x1x8x128xf32, #tpu.memory_space<vmem>>, vector<16xf32>,
      tpu.vector_store %arg5[%swap3A_1228, %swap3A_1229, %swap3A_1230, %swap3A_1231, %swap3A_1232], %broadcast_in_dim3A_3 {strides = array<i32>} : memref<1x63x1x8x128xf32, #tpu.memory_space<vmem>>, vector<16xf32>,
    }
    %scan3A_13 = arith.constant 504 : i32
    %get3A = arith.constant 0 : i32
    %get3A_14 = arith.index_cast %get3A : i32 to index
    %get3A_15 = arith.constant 0 : index
    %get3A_16 = tpu.vector_load %arg4[%get3A_14, %get3A_15] {strides = array<i32>} : memref<20x128xi32, #tpu.memory_space<vmem>>, vector<16xi32>,
    %add3A_17 = arith.constant 0 : i32
    %add3A_18 = vector.broadcast %add3A_17 : i32 to vector<16xi32>
    %add3A_19 = arith.addi %iota3A, %add3A_18 : vector<16xi32>
    %jit3A = arith.constant 8 : i32
    %div3A = vector.broadcast %jit3A : i32 to vector<16xi32>
    %div3A_20 = arith.divsi %get3A_16, %div3A : vector<16xi32>
    %sign3A = arith.constant 0 : i32
    %sign3A_21 = vector.broadcast %sign3A : i32 to vector<16xi32>
    %sign3A_22 = arith.cmpi sgt, %get3A_16, %sign3A_21 : vector<16xi32>
    %sign3A_23 = arith.extui %sign3A_22 : vector<16xi1> to vector<16xi32>
    %sign3A_24 = arith.constant 0 : i32
    %sign3A_25 = vector.broadcast %sign3A_24 : i32 to vector<16xi32>
    %sign3A_26 = arith.cmpi slt, %get3A_16, %sign3A_25 : vector<16xi32>
    %sign3A_27 = arith.extui %sign3A_26 : vector<16xi1> to vector<16xi32>
    %sign3A_28 = arith.subi %sign3A_23, %sign3A_27 : vector<16xi32>
    %sign3A_29 = arith.constant 0 : i32
    %sign3A_30 = arith.cmpi sgt, %jit3A, %sign3A_29 : i32
    %sign3A_31 = arith.extui %sign3A_30 : i1 to i32
    %sign3A_32 = arith.constant 0 : i32
    %sign3A_33 = arith.cmpi slt, %jit3A, %sign3A_32 : i32
    %sign3A_34 = arith.extui %sign3A_33 : i1 to i32
    %sign3A_35 = arith.subi %sign3A_31, %sign3A_34 : i32
    %ne3A = vector.broadcast %sign3A_35 : i32 to vector<16xi32>
    %ne3A_36 = arith.cmpi ne, %sign3A_28, %ne3A : vector<16xi32>
    %rem3A = vector.broadcast %jit3A : i32 to vector<16xi32>
    %rem3A_37 = arith.remsi %get3A_16, %rem3A : vector<16xi32>
    %ne3A_38 = arith.constant 0 : i32
    %ne3A_39 = vector.broadcast %ne3A_38 : i32 to vector<16xi32>
    %ne3A_40 = arith.cmpi ne, %rem3A_37, %ne3A_39 : vector<16xi32>
    %and3A = arith.andi %ne3A_36, %ne3A_40 : vector<16xi1>
    %sub3A = arith.constant 1 : i32
    %sub3A_41 = vector.broadcast %sub3A : i32 to vector<16xi32>
    %sub3A_42 = arith.subi %div3A_20, %sub3A_41 : vector<16xi32>
    %select_n3A = arith.select %and3A, %sub3A_42, %div3A_20 : vector<16xi1>, vector<16xi32>
    %min3A = arith.constant 62 : i32
    %min3A_43 = vector.broadcast %min3A : i32 to vector<16xi32>
    %min3A_44 = arith.minsi %select_n3A, %min3A_43 : vector<16xi32>
    %jit3A_45 = arith.constant 8 : i32
    %eq3A = arith.constant 0 : i32
    %eq3A_46 = arith.cmpi eq, %jit3A_45, %eq3A : i32
    %jit3A_47 = arith.constant 1 : i32
    %select_n3A_48 = arith.select %eq3A_46, %jit3A_47, %jit3A_45 : i32
    %rem3A_49 = vector.broadcast %select_n3A_48 : i32 to vector<16xi32>
    %rem3A_50 = arith.remsi %get3A_16, %rem3A_49 : vector<16xi32>
    %ne3A_51 = arith.constant 0 : i32
    %ne3A_52 = vector.broadcast %ne3A_51 : i32 to vector<16xi32>
    %ne3A_53 = arith.cmpi ne, %rem3A_50, %ne3A_52 : vector<16xi32>
    %lt3A = arith.constant 0 : i32
    %lt3A_54 = vector.broadcast %lt3A : i32 to vector<16xi32>
    %lt3A_55 = arith.cmpi slt, %rem3A_50, %lt3A_54 : vector<16xi32>
    %lt3A_56 = arith.constant 0 : i32
    %lt3A_57 = arith.cmpi slt, %select_n3A_48, %lt3A_56 : i32
    %ne3A_58 = vector.broadcast %lt3A_57 : i1 to vector<16xi1>
    %ne3A_59 = vector.broadcast %ne3A_58 : vector<16xi1> to vector<16xi1>
    %ne3A_60 = arith.xori %lt3A_55, %ne3A_59 : vector<16xi1>
    %and3A_61 = arith.andi %ne3A_60, %ne3A_53 : vector<16xi1>
    %add3A_62 = vector.broadcast %select_n3A_48 : i32 to vector<16xi32>
    %add3A_63 = arith.addi %rem3A_50, %add3A_62 : vector<16xi32>
    %select_n3A_64 = arith.select %and3A_61, %add3A_63, %rem3A_50 : vector<16xi1>, vector<16xi32>
    %lt3A_65 = arith.constant 63 : i32
    %lt3A_66 = vector.broadcast %lt3A_65 : i32 to vector<16xi32>
    %lt3A_67 = arith.cmpi slt, %select_n3A, %lt3A_66 : vector<16xi32>
    tpu.vector_store_idx %arg5[%mul3A_8, %min3A_44, %mul3A_8, %select_n3A_64, %add3A_19], %broadcast_in_dim3A_5 masked %lt3A_67 : memref<1x63x1x8x128xf32, #tpu.memory_space<vmem>>[vector<16xi32>, vector<16xi32>, vector<16xi32>, vector<16xi32>, vector<16xi32>], vector<16xf32>, vector<16xi1>
    %get3A_68 = arith.constant 0 : i32
    %get3A_69 = arith.index_cast %get3A_68 : i32 to index
    %get3A_70 = arith.constant 16 : index
    %get3A_71 = tpu.vector_load %arg4[%get3A_69, %get3A_70] {strides = array<i32>} : memref<20x128xi32, #tpu.memory_space<vmem>>, vector<16xi32>,
    %add3A_72 = arith.constant 16 : i32
    %add3A_73 = vector.broadcast %add3A_72 : i32 to vector<16xi32>
    %add3A_74 = arith.addi %iota3A, %add3A_73 : vector<16xi32>
    %jit3A_75 = arith.constant 8 : i32
    %div3A_76 = vector.broadcast %jit3A_75 : i32 to vector<16xi32>
    %div3A_77 = arith.divsi %get3A_71, %div3A_76 : vector<16xi32>
    %sign3A_78 = arith.constant 0 : i32
    %sign3A_79 = vector.broadcast %sign3A_78 : i32 to vector<16xi32>
    %sign3A_80 = arith.cmpi sgt, %get3A_71, %sign3A_79 : vector<16xi32>
    %sign3A_81 = arith.extui %sign3A_80 : vector<16xi1> to vector<16xi32>
    %sign3A_82 = arith.constant 0 : i32
    %sign3A_83 = vector.broadcast %sign3A_82 : i32 to vector<16xi32>
    %sign3A_84 = arith.cmpi slt, %get3A_71, %sign3A_83 : vector<16xi32>
    %sign3A_85 = arith.extui %sign3A_84 : vector<16xi1> to vector<16xi32>
    %sign3A_86 = arith.subi %sign3A_81, %sign3A_85 : vector<16xi32>
    %sign3A_87 = arith.constant 0 : i32
    %sign3A_88 = arith.cmpi sgt, %jit3A_75, %sign3A_87 : i32
    %sign3A_89 = arith.extui %sign3A_88 : i1 to i32
    %sign3A_90 = arith.constant 0 : i32
    %sign3A_91 = arith.cmpi slt, %jit3A_75, %sign3A_90 : i32
    %sign3A_92 = arith.extui %sign3A_91 : i1 to i32
    %sign3A_93 = arith.subi %sign3A_89, %sign3A_92 : i32
    %ne3A_94 = vector.broadcast %sign3A_93 : i32 to vector<16xi32>
    %ne3A_95 = arith.cmpi ne, %sign3A_86, %ne3A_94 : vector<16xi32>
    %rem3A_96 = vector.broadcast %jit3A_75 : i32 to vector<16xi32>
    %rem3A_97 = arith.remsi %get3A_71, %rem3A_96 : vector<16xi32>
    %ne3A_98 = arith.constant 0 : i32
    %ne3A_99 = vector.broadcast %ne3A_98 : i32 to vector<16xi32>
    %ne3A_100 = arith.cmpi ne, %rem3A_97, %ne3A_99 : vector<16xi32>
    %and3A_101 = arith.andi %ne3A_95, %ne3A_100 : vector<16xi1>
    %sub3A_102 = arith.constant 1 : i32
    %sub3A_103 = vector.broadcast %sub3A_102 : i32 to vector<16xi32>
    %sub3A_104 = arith.subi %div3A_77, %sub3A_103 : vector<16xi32>
    %select_n3A_105 = arith.select %and3A_101, %sub3A_104, %div3A_77 : vector<16xi1>, vector<16xi32>
    %min3A_106 = arith.constant 62 : i32
    %min3A_107 = vector.broadcast %min3A_106 : i32 to vector<16xi32>
    %min3A_108 = arith.minsi %select_n3A_105, %min3A_107 : vector<16xi32>
    %jit3A_109 = arith.constant 8 : i32
    %eq3A_110 = arith.constant 0 : i32
    %eq3A_111 = arith.cmpi eq, %jit3A_109, %eq3A_110 : i32
    %jit3A_112 = arith.constant 1 : i32
    %select_n3A_113 = arith.select %eq3A_111, %jit3A_112, %jit3A_109 : i32
    %rem3A_114 = vector.broadcast %select_n3A_113 : i32 to vector<16xi32>
    %rem3A_115 = arith.remsi %get3A_71, %rem3A_114 : vector<16xi32>
    %ne3A_116 = arith.constant 0 : i32
    %ne3A_117 = vector.broadcast %ne3A_116 : i32 to vector<16xi32>
    %ne3A_118 = arith.cmpi ne, %rem3A_115, %ne3A_117 : vector<16xi32>
    %lt3A_119 = arith.constant 0 : i32
    %lt3A_120 = vector.broadcast %lt3A_119 : i32 to vector<16xi32>
    %lt3A_121 = arith.cmpi slt, %rem3A_115, %lt3A_120 : vector<16xi32>
    %lt3A_122 = arith.constant 0 : i32
    %lt3A_123 = arith.cmpi slt, %select_n3A_113, %lt3A_122 : i32
    %ne3A_124 = vector.broadcast %lt3A_123 : i1 to vector<16xi1>
    %ne3A_125 = vector.broadcast %ne3A_124 : vector<16xi1> to vector<16xi1>
    %ne3A_126 = arith.xori %lt3A_121, %ne3A_125 : vector<16xi1>
    %and3A_127 = arith.andi %ne3A_126, %ne3A_118 : vector<16xi1>
    %add3A_128 = vector.broadcast %select_n3A_113 : i32 to vector<16xi32>
    %add3A_129 = arith.addi %rem3A_115, %add3A_128 : vector<16xi32>
    %select_n3A_130 = arith.select %and3A_127, %add3A_129, %rem3A_115 : vector<16xi1>, vector<16xi32>
    %lt3A_131 = arith.constant 63 : i32
    %lt3A_132 = vector.broadcast %lt3A_131 : i32 to vector<16xi32>
    %lt3A_133 = arith.cmpi slt, %select_n3A_105, %lt3A_132 : vector<16xi32>
    tpu.vector_store_idx %arg5[%mul3A_8, %min3A_108, %mul3A_8, %select_n3A_130, %add3A_74], %broadcast_in_dim3A_5 masked %lt3A_133 : memref<1x63x1x8x128xf32, #tpu.memory_space<vmem>>[vector<16xi32>, vector<16xi32>, vector<16xi32>, vector<16xi32>, vector<16xi32>], vector<16xf32>, vector<16xi1>
    %get3A_134 = arith.constant 0 : i32
    %get3A_135 = arith.index_cast %get3A_134 : i32 to index
    %get3A_136 = arith.constant 32 : index
    %get3A_137 = tpu.vector_load %arg4[%get3A_135, %get3A_136] {strides = array<i32>} : memref<20x128xi32, #tpu.memory_space<vmem>>, vector<16xi32>,
    %add3A_138 = arith.constant 32 : i32
    %add3A_139 = vector.broadcast %add3A_138 : i32 to vector<16xi32>
    %add3A_140 = arith.addi %iota3A, %add3A_139 : vector<16xi32>
    %jit3A_141 = arith.constant 8 : i32
    %div3A_142 = vector.broadcast %jit3A_141 : i32 to vector<16xi32>
    %div3A_143 = arith.divsi %get3A_137, %div3A_142 : vector<16xi32>
    %sign3A_144 = arith.constant 0 : i32
    %sign3A_145 = vector.broadcast %sign3A_144 : i32 to vector<16xi32>
    %sign3A_146 = arith.cmpi sgt, %get3A_137, %sign3A_145 : vector<16xi32>
    %sign3A_147 = arith.extui %sign3A_146 : vector<16xi1> to vector<16xi32>
    %sign3A_148 = arith.constant 0 : i32
    %sign3A_149 = vector.broadcast %sign3A_148 : i32 to vector<16xi32>
    %sign3A_150 = arith.cmpi slt, %get3A_137, %sign3A_149 : vector<16xi32>
    %sign3A_151 = arith.extui %sign3A_150 : vector<16xi1> to vector<16xi32>
    %sign3A_152 = arith.subi %sign3A_147, %sign3A_151 : vector<16xi32>
    %sign3A_153 = arith.constant 0 : i32
    %sign3A_154 = arith.cmpi sgt, %jit3A_141, %sign3A_153 : i32
    %sign3A_155 = arith.extui %sign3A_154 : i1 to i32
    %sign3A_156 = arith.constant 0 : i32
    %sign3A_157 = arith.cmpi slt, %jit3A_141, %sign3A_156 : i32
    %sign3A_158 = arith.extui %sign3A_157 : i1 to i32
    %sign3A_159 = arith.subi %sign3A_155, %sign3A_158 : i32
    %ne3A_160 = vector.broadcast %sign3A_159 : i32 to vector<16xi32>
    %ne3A_161 = arith.cmpi ne, %sign3A_152, %ne3A_160 : vector<16xi32>
    %rem3A_162 = vector.broadcast %jit3A_141 : i32 to vector<16xi32>
    %rem3A_163 = arith.remsi %get3A_137, %rem3A_162 : vector<16xi32>
    %ne3A_164 = arith.constant 0 : i32
    %ne3A_165 = vector.broadcast %ne3A_164 : i32 to vector<16xi32>
    %ne3A_166 = arith.cmpi ne, %rem3A_163, %ne3A_165 : vector<16xi32>
    %and3A_167 = arith.andi %ne3A_161, %ne3A_166 : vector<16xi1>
    %sub3A_168 = arith.constant 1 : i32
    %sub3A_169 = vector.broadcast %sub3A_168 : i32 to vector<16xi32>
    %sub3A_170 = arith.subi %div3A_143, %sub3A_169 : vector<16xi32>
    %select_n3A_171 = arith.select %and3A_167, %sub3A_170, %div3A_143 : vector<16xi1>, vector<16xi32>
    %min3A_172 = arith.constant 62 : i32
    %min3A_173 = vector.broadcast %min3A_172 : i32 to vector<16xi32>
    %min3A_174 = arith.minsi %select_n3A_171, %min3A_173 : vector<16xi32>
    %jit3A_175 = arith.constant 8 : i32
    %eq3A_176 = arith.constant 0 : i32
    %eq3A_177 = arith.cmpi eq, %jit3A_175, %eq3A_176 : i32
    %jit3A_178 = arith.constant 1 : i32
    %select_n3A_179 = arith.select %eq3A_177, %jit3A_178, %jit3A_175 : i32
    %rem3A_180 = vector.broadcast %select_n3A_179 : i32 to vector<16xi32>
    %rem3A_181 = arith.remsi %get3A_137, %rem3A_180 : vector<16xi32>
    %ne3A_182 = arith.constant 0 : i32
    %ne3A_183 = vector.broadcast %ne3A_182 : i32 to vector<16xi32>
    %ne3A_184 = arith.cmpi ne, %rem3A_181, %ne3A_183 : vector<16xi32>
    %lt3A_185 = arith.constant 0 : i32
    %lt3A_186 = vector.broadcast %lt3A_185 : i32 to vector<16xi32>
    %lt3A_187 = arith.cmpi slt, %rem3A_181, %lt3A_186 : vector<16xi32>
    %lt3A_188 = arith.constant 0 : i32
    %lt3A_189 = arith.cmpi slt, %select_n3A_179, %lt3A_188 : i32
    %ne3A_190 = vector.broadcast %lt3A_189 : i1 to vector<16xi1>
    %ne3A_191 = vector.broadcast %ne3A_190 : vector<16xi1> to vector<16xi1>
    %ne3A_192 = arith.xori %lt3A_187, %ne3A_191 : vector<16xi1>
    %and3A_193 = arith.andi %ne3A_192, %ne3A_184 : vector<16xi1>
    %add3A_194 = vector.broadcast %select_n3A_179 : i32 to vector<16xi32>
    %add3A_195 = arith.addi %rem3A_181, %add3A_194 : vector<16xi32>
    %select_n3A_196 = arith.select %and3A_193, %add3A_195, %rem3A_181 : vector<16xi1>, vector<16xi32>
    %lt3A_197 = arith.constant 63 : i32
    %lt3A_198 = vector.broadcast %lt3A_197 : i32 to vector<16xi32>
    %lt3A_199 = arith.cmpi slt, %select_n3A_171, %lt3A_198 : vector<16xi32>
    tpu.vector_store_idx %arg5[%mul3A_8, %min3A_174, %mul3A_8, %select_n3A_196, %add3A_140], %broadcast_in_dim3A_5 masked %lt3A_199 : memref<1x63x1x8x128xf32, #tpu.memory_space<vmem>>[vector<16xi32>, vector<16xi32>, vector<16xi32>, vector<16xi32>, vector<16xi32>], vector<16xf32>, vector<16xi1>
    %get3A_200 = arith.constant 0 : i32
    %get3A_201 = arith.index_cast %get3A_200 : i32 to index
    %get3A_202 = arith.constant 48 : index
    %get3A_203 = tpu.vector_load %arg4[%get3A_201, %get3A_202] {strides = array<i32>} : memref<20x128xi32, #tpu.memory_space<vmem>>, vector<16xi32>,
    %add3A_204 = arith.constant 48 : i32
    %add3A_205 = vector.broadcast %add3A_204 : i32 to vector<16xi32>
    %add3A_206 = arith.addi %iota3A, %add3A_205 : vector<16xi32>
    %jit3A_207 = arith.constant 8 : i32
    %div3A_208 = vector.broadcast %jit3A_207 : i32 to vector<16xi32>
    %div3A_209 = arith.divsi %get3A_203, %div3A_208 : vector<16xi32>
    %sign3A_210 = arith.constant 0 : i32
    %sign3A_211 = vector.broadcast %sign3A_210 : i32 to vector<16xi32>
    %sign3A_212 = arith.cmpi sgt, %get3A_203, %sign3A_211 : vector<16xi32>
    %sign3A_213 = arith.extui %sign3A_212 : vector<16xi1> to vector<16xi32>
    %sign3A_214 = arith.constant 0 : i32
    %sign3A_215 = vector.broadcast %sign3A_214 : i32 to vector<16xi32>
    %sign3A_216 = arith.cmpi slt, %get3A_203, %sign3A_215 : vector<16xi32>
    %sign3A_217 = arith.extui %sign3A_216 : vector<16xi1> to vector<16xi32>
    %sign3A_218 = arith.subi %sign3A_213, %sign3A_217 : vector<16xi32>
    %sign3A_219 = arith.constant 0 : i32
    %sign3A_220 = arith.cmpi sgt, %jit3A_207, %sign3A_219 : i32
    %sign3A_221 = arith.extui %sign3A_220 : i1 to i32
    %sign3A_222 = arith.constant 0 : i32
    %sign3A_223 = arith.cmpi slt, %jit3A_207, %sign3A_222 : i32
    %sign3A_224 = arith.extui %sign3A_223 : i1 to i32
    %sign3A_225 = arith.subi %sign3A_221, %sign3A_224 : i32
    %ne3A_226 = vector.broadcast %sign3A_225 : i32 to vector<16xi32>
    %ne3A_227 = arith.cmpi ne, %sign3A_218, %ne3A_226 : vector<16xi32>
    %rem3A_228 = vector.broadcast %jit3A_207 : i32 to vector<16xi32>
    %rem3A_229 = arith.remsi %get3A_203, %rem3A_228 : vector<16xi32>
    %ne3A_230 = arith.constant 0 : i32
    %ne3A_231 = vector.broadcast %ne3A_230 : i32 to vector<16xi32>
    %ne3A_232 = arith.cmpi ne, %rem3A_229, %ne3A_231 : vector<16xi32>
    %and3A_233 = arith.andi %ne3A_227, %ne3A_232 : vector<16xi1>
    %sub3A_234 = arith.constant 1 : i32
    %sub3A_235 = vector.broadcast %sub3A_234 : i32 to vector<16xi32>
    %sub3A_236 = arith.subi %div3A_209, %sub3A_235 : vector<16xi32>
    %select_n3A_237 = arith.select %and3A_233, %sub3A_236, %div3A_209 : vector<16xi1>, vector<16xi32>
    %min3A_238 = arith.constant 62 : i32
    %min3A_239 = vector.broadcast %min3A_238 : i32 to vector<16xi32>
    %min3A_240 = arith.minsi %select_n3A_237, %min3A_239 : vector<16xi32>
    %jit3A_241 = arith.constant 8 : i32
    %eq3A_242 = arith.constant 0 : i32
    %eq3A_243 = arith.cmpi eq, %jit3A_241, %eq3A_242 : i32
    %jit3A_244 = arith.constant 1 : i32
    %select_n3A_245 = arith.select %eq3A_243, %jit3A_244, %jit3A_241 : i32
    %rem3A_246 = vector.broadcast %select_n3A_245 : i32 to vector<16xi32>
    %rem3A_247 = arith.remsi %get3A_203, %rem3A_246 : vector<16xi32>
    %ne3A_248 = arith.constant 0 : i32
    %ne3A_249 = vector.broadcast %ne3A_248 : i32 to vector<16xi32>
    %ne3A_250 = arith.cmpi ne, %rem3A_247, %ne3A_249 : vector<16xi32>
    %lt3A_251 = arith.constant 0 : i32
    %lt3A_252 = vector.broadcast %lt3A_251 : i32 to vector<16xi32>
    %lt3A_253 = arith.cmpi slt, %rem3A_247, %lt3A_252 : vector<16xi32>
    %lt3A_254 = arith.constant 0 : i32
    %lt3A_255 = arith.cmpi slt, %select_n3A_245, %lt3A_254 : i32
    %ne3A_256 = vector.broadcast %lt3A_255 : i1 to vector<16xi1>
    %ne3A_257 = vector.broadcast %ne3A_256 : vector<16xi1> to vector<16xi1>
    %ne3A_258 = arith.xori %lt3A_253, %ne3A_257 : vector<16xi1>
    %and3A_259 = arith.andi %ne3A_258, %ne3A_250 : vector<16xi1>
    %add3A_260 = vector.broadcast %select_n3A_245 : i32 to vector<16xi32>
    %add3A_261 = arith.addi %rem3A_247, %add3A_260 : vector<16xi32>
    %select_n3A_262 = arith.select %and3A_259, %add3A_261, %rem3A_247 : vector<16xi1>, vector<16xi32>
    %lt3A_263 = arith.constant 63 : i32
    %lt3A_264 = vector.broadcast %lt3A_263 : i32 to vector<16xi32>
    %lt3A_265 = arith.cmpi slt, %select_n3A_237, %lt3A_264 : vector<16xi32>
    tpu.vector_store_idx %arg5[%mul3A_8, %min3A_240, %mul3A_8, %select_n3A_262, %add3A_206], %broadcast_in_dim3A_5 masked %lt3A_265 : memref<1x63x1x8x128xf32, #tpu.memory_space<vmem>>[vector<16xi32>, vector<16xi32>, vector<16xi32>, vector<16xi32>, vector<16xi32>], vector<16xf32>, vector<16xi1>
    %get3A_266 = arith.constant 0 : i32
    %get3A_267 = arith.index_cast %get3A_266 : i32 to index
    %get3A_268 = arith.constant 64 : index
    %get3A_269 = tpu.vector_load %arg4[%get3A_267, %get3A_268] {strides = array<i32>} : memref<20x128xi32, #tpu.memory_space<vmem>>, vector<16xi32>,
    %add3A_270 = arith.constant 64 : i32
    %add3A_271 = vector.broadcast %add3A_270 : i32 to vector<16xi32>
    %add3A_272 = arith.addi %iota3A, %add3A_271 : vector<16xi32>
    %jit3A_273 = arith.constant 8 : i32
    %div3A_274 = vector.broadcast %jit3A_273 : i32 to vector<16xi32>
    %div3A_275 = arith.divsi %get3A_269, %div3A_274 : vector<16xi32>
    %sign3A_276 = arith.constant 0 : i32
    %sign3A_277 = vector.broadcast %sign3A_276 : i32 to vector<16xi32>
    %sign3A_278 = arith.cmpi sgt, %get3A_269, %sign3A_277 : vector<16xi32>
    %sign3A_279 = arith.extui %sign3A_278 : vector<16xi1> to vector<16xi32>
    %sign3A_280 = arith.constant 0 : i32
    %sign3A_281 = vector.broadcast %sign3A_280 : i32 to vector<16xi32>
    %sign3A_282 = arith.cmpi slt, %get3A_269, %sign3A_281 : vector<16xi32>
    %sign3A_283 = arith.extui %sign3A_282 : vector<16xi1> to vector<16xi32>
    %sign3A_284 = arith.subi %sign3A_279, %sign3A_283 : vector<16xi32>
    %sign3A_285 = arith.constant 0 : i32
    %sign3A_286 = arith.cmpi sgt, %jit3A_273, %sign3A_285 : i32
    %sign3A_287 = arith.extui %sign3A_286 : i1 to i32
    %sign3A_288 = arith.constant 0 : i32
    %sign3A_289 = arith.cmpi slt, %jit3A_273, %sign3A_288 : i32
    %sign3A_290 = arith.extui %sign3A_289 : i1 to i32
    %sign3A_291 = arith.subi %sign3A_287, %sign3A_290 : i32
    %ne3A_292 = vector.broadcast %sign3A_291 : i32 to vector<16xi32>
    %ne3A_293 = arith.cmpi ne, %sign3A_284, %ne3A_292 : vector<16xi32>
    %rem3A_294 = vector.broadcast %jit3A_273 : i32 to vector<16xi32>
    %rem3A_295 = arith.remsi %get3A_269, %rem3A_294 : vector<16xi32>
    %ne3A_296 = arith.constant 0 : i32
    %ne3A_297 = vector.broadcast %ne3A_296 : i32 to vector<16xi32>
    %ne3A_298 = arith.cmpi ne, %rem3A_295, %ne3A_297 : vector<16xi32>
    %and3A_299 = arith.andi %ne3A_293, %ne3A_298 : vector<16xi1>
    %sub3A_300 = arith.constant 1 : i32
    %sub3A_301 = vector.broadcast %sub3A_300 : i32 to vector<16xi32>
    %sub3A_302 = arith.subi %div3A_275, %sub3A_301 : vector<16xi32>
    %select_n3A_303 = arith.select %and3A_299, %sub3A_302, %div3A_275 : vector<16xi1>, vector<16xi32>
    %min3A_304 = arith.constant 62 : i32
    %min3A_305 = vector.broadcast %min3A_304 : i32 to vector<16xi32>
    %min3A_306 = arith.minsi %select_n3A_303, %min3A_305 : vector<16xi32>
    %jit3A_307 = arith.constant 8 : i32
    %eq3A_308 = arith.constant 0 : i32
    %eq3A_309 = arith.cmpi eq, %jit3A_307, %eq3A_308 : i32
    %jit3A_310 = arith.constant 1 : i32
    %select_n3A_311 = arith.select %eq3A_309, %jit3A_310, %jit3A_307 : i32
    %rem3A_312 = vector.broadcast %select_n3A_311 : i32 to vector<16xi32>
    %rem3A_313 = arith.remsi %get3A_269, %rem3A_312 : vector<16xi32>
    %ne3A_314 = arith.constant 0 : i32
    %ne3A_315 = vector.broadcast %ne3A_314 : i32 to vector<16xi32>
    %ne3A_316 = arith.cmpi ne, %rem3A_313, %ne3A_315 : vector<16xi32>
    %lt3A_317 = arith.constant 0 : i32
    %lt3A_318 = vector.broadcast %lt3A_317 : i32 to vector<16xi32>
    %lt3A_319 = arith.cmpi slt, %rem3A_313, %lt3A_318 : vector<16xi32>
    %lt3A_320 = arith.constant 0 : i32
    %lt3A_321 = arith.cmpi slt, %select_n3A_311, %lt3A_320 : i32
    %ne3A_322 = vector.broadcast %lt3A_321 : i1 to vector<16xi1>
    %ne3A_323 = vector.broadcast %ne3A_322 : vector<16xi1> to vector<16xi1>
    %ne3A_324 = arith.xori %lt3A_319, %ne3A_323 : vector<16xi1>
    %and3A_325 = arith.andi %ne3A_324, %ne3A_316 : vector<16xi1>
    %add3A_326 = vector.broadcast %select_n3A_311 : i32 to vector<16xi32>
    %add3A_327 = arith.addi %rem3A_313, %add3A_326 : vector<16xi32>
    %select_n3A_328 = arith.select %and3A_325, %add3A_327, %rem3A_313 : vector<16xi1>, vector<16xi32>
    %lt3A_329 = arith.constant 63 : i32
    %lt3A_330 = vector.broadcast %lt3A_329 : i32 to vector<16xi32>
    %lt3A_331 = arith.cmpi slt, %select_n3A_303, %lt3A_330 : vector<16xi32>
    tpu.vector_store_idx %arg5[%mul3A_8, %min3A_306, %mul3A_8, %select_n3A_328, %add3A_272], %broadcast_in_dim3A_5 masked %lt3A_331 : memref<1x63x1x8x128xf32, #tpu.memory_space<vmem>>[vector<16xi32>, vector<16xi32>, vector<16xi32>, vector<16xi32>, vector<16xi32>], vector<16xf32>, vector<16xi1>
    %get3A_332 = arith.constant 0 : i32
    %get3A_333 = arith.index_cast %get3A_332 : i32 to index
    %get3A_334 = arith.constant 80 : index
    %get3A_335 = tpu.vector_load %arg4[%get3A_333, %get3A_334] {strides = array<i32>} : memref<20x128xi32, #tpu.memory_space<vmem>>, vector<16xi32>,
    %add3A_336 = arith.constant 80 : i32
    %add3A_337 = vector.broadcast %add3A_336 : i32 to vector<16xi32>
    %add3A_338 = arith.addi %iota3A, %add3A_337 : vector<16xi32>
    %jit3A_339 = arith.constant 8 : i32
    %div3A_340 = vector.broadcast %jit3A_339 : i32 to vector<16xi32>
    %div3A_341 = arith.divsi %get3A_335, %div3A_340 : vector<16xi32>
    %sign3A_342 = arith.constant 0 : i32
    %sign3A_343 = vector.broadcast %sign3A_342 : i32 to vector<16xi32>
    %sign3A_344 = arith.cmpi sgt, %get3A_335, %sign3A_343 : vector<16xi32>
    %sign3A_345 = arith.extui %sign3A_344 : vector<16xi1> to vector<16xi32>
    %sign3A_346 = arith.constant 0 : i32
    %sign3A_347 = vector.broadcast %sign3A_346 : i32 to vector<16xi32>
    %sign3A_348 = arith.cmpi slt, %get3A_335, %sign3A_347 : vector<16xi32>
    %sign3A_349 = arith.extui %sign3A_348 : vector<16xi1> to vector<16xi32>
    %sign3A_350 = arith.subi %sign3A_345, %sign3A_349 : vector<16xi32>
    %sign3A_351 = arith.constant 0 : i32
    %sign3A_352 = arith.cmpi sgt, %jit3A_339, %sign3A_351 : i32
    %sign3A_353 = arith.extui %sign3A_352 : i1 to i32
    %sign3A_354 = arith.constant 0 : i32
    %sign3A_355 = arith.cmpi slt, %jit3A_339, %sign3A_354 : i32
    %sign3A_356 = arith.extui %sign3A_355 : i1 to i32
    %sign3A_357 = arith.subi %sign3A_353, %sign3A_356 : i32
    %ne3A_358 = vector.broadcast %sign3A_357 : i32 to vector<16xi32>
    %ne3A_359 = arith.cmpi ne, %sign3A_350, %ne3A_358 : vector<16xi32>
    %rem3A_360 = vector.broadcast %jit3A_339 : i32 to vector<16xi32>
    %rem3A_361 = arith.remsi %get3A_335, %rem3A_360 : vector<16xi32>
    %ne3A_362 = arith.constant 0 : i32
    %ne3A_363 = vector.broadcast %ne3A_362 : i32 to vector<16xi32>
    %ne3A_364 = arith.cmpi ne, %rem3A_361, %ne3A_363 : vector<16xi32>
    %and3A_365 = arith.andi %ne3A_359, %ne3A_364 : vector<16xi1>
    %sub3A_366 = arith.constant 1 : i32
    %sub3A_367 = vector.broadcast %sub3A_366 : i32 to vector<16xi32>
    %sub3A_368 = arith.subi %div3A_341, %sub3A_367 : vector<16xi32>
    %select_n3A_369 = arith.select %and3A_365, %sub3A_368, %div3A_341 : vector<16xi1>, vector<16xi32>
    %min3A_370 = arith.constant 62 : i32
    %min3A_371 = vector.broadcast %min3A_370 : i32 to vector<16xi32>
    %min3A_372 = arith.minsi %select_n3A_369, %min3A_371 : vector<16xi32>
    %jit3A_373 = arith.constant 8 : i32
    %eq3A_374 = arith.constant 0 : i32
    %eq3A_375 = arith.cmpi eq, %jit3A_373, %eq3A_374 : i32
    %jit3A_376 = arith.constant 1 : i32
    %select_n3A_377 = arith.select %eq3A_375, %jit3A_376, %jit3A_373 : i32
    %rem3A_378 = vector.broadcast %select_n3A_377 : i32 to vector<16xi32>
    %rem3A_379 = arith.remsi %get3A_335, %rem3A_378 : vector<16xi32>
    %ne3A_380 = arith.constant 0 : i32
    %ne3A_381 = vector.broadcast %ne3A_380 : i32 to vector<16xi32>
    %ne3A_382 = arith.cmpi ne, %rem3A_379, %ne3A_381 : vector<16xi32>
    %lt3A_383 = arith.constant 0 : i32
    %lt3A_384 = vector.broadcast %lt3A_383 : i32 to vector<16xi32>
    %lt3A_385 = arith.cmpi slt, %rem3A_379, %lt3A_384 : vector<16xi32>
    %lt3A_386 = arith.constant 0 : i32
    %lt3A_387 = arith.cmpi slt, %select_n3A_377, %lt3A_386 : i32
    %ne3A_388 = vector.broadcast %lt3A_387 : i1 to vector<16xi1>
    %ne3A_389 = vector.broadcast %ne3A_388 : vector<16xi1> to vector<16xi1>
    %ne3A_390 = arith.xori %lt3A_385, %ne3A_389 : vector<16xi1>
    %and3A_391 = arith.andi %ne3A_390, %ne3A_382 : vector<16xi1>
    %add3A_392 = vector.broadcast %select_n3A_377 : i32 to vector<16xi32>
    %add3A_393 = arith.addi %rem3A_379, %add3A_392 : vector<16xi32>
    %select_n3A_394 = arith.select %and3A_391, %add3A_393, %rem3A_379 : vector<16xi1>, vector<16xi32>
    %lt3A_395 = arith.constant 63 : i32
    %lt3A_396 = vector.broadcast %lt3A_395 : i32 to vector<16xi32>
    %lt3A_397 = arith.cmpi slt, %select_n3A_369, %lt3A_396 : vector<16xi32>
    tpu.vector_store_idx %arg5[%mul3A_8, %min3A_372, %mul3A_8, %select_n3A_394, %add3A_338], %broadcast_in_dim3A_5 masked %lt3A_397 : memref<1x63x1x8x128xf32, #tpu.memory_space<vmem>>[vector<16xi32>, vector<16xi32>, vector<16xi32>, vector<16xi32>, vector<16xi32>], vector<16xf32>, vector<16xi1>
    %get3A_398 = arith.constant 0 : i32
    %get3A_399 = arith.index_cast %get3A_398 : i32 to index
    %get3A_400 = arith.constant 96 : index
    %get3A_401 = tpu.vector_load %arg4[%get3A_399, %get3A_400] {strides = array<i32>} : memref<20x128xi32, #tpu.memory_space<vmem>>, vector<16xi32>,
    %add3A_402 = arith.constant 96 : i32
    %add3A_403 = vector.broadcast %add3A_402 : i32 to vector<16xi32>
    %add3A_404 = arith.addi %iota3A, %add3A_403 : vector<16xi32>
    %jit3A_405 = arith.constant 8 : i32
    %div3A_406 = vector.broadcast %jit3A_405 : i32 to vector<16xi32>
    %div3A_407 = arith.divsi %get3A_401, %div3A_406 : vector<16xi32>
    %sign3A_408 = arith.constant 0 : i32
    %sign3A_409 = vector.broadcast %sign3A_408 : i32 to vector<16xi32>
    %sign3A_410 = arith.cmpi sgt, %get3A_401, %sign3A_409 : vector<16xi32>
    %sign3A_411 = arith.extui %sign3A_410 : vector<16xi1> to vector<16xi32>
    %sign3A_412 = arith.constant 0 : i32
    %sign3A_413 = vector.broadcast %sign3A_412 : i32 to vector<16xi32>
    %sign3A_414 = arith.cmpi slt, %get3A_401, %sign3A_413 : vector<16xi32>
    %sign3A_415 = arith.extui %sign3A_414 : vector<16xi1> to vector<16xi32>
    %sign3A_416 = arith.subi %sign3A_411, %sign3A_415 : vector<16xi32>
    %sign3A_417 = arith.constant 0 : i32
    %sign3A_418 = arith.cmpi sgt, %jit3A_405, %sign3A_417 : i32
    %sign3A_419 = arith.extui %sign3A_418 : i1 to i32
    %sign3A_420 = arith.constant 0 : i32
    %sign3A_421 = arith.cmpi slt, %jit3A_405, %sign3A_420 : i32
    %sign3A_422 = arith.extui %sign3A_421 : i1 to i32
    %sign3A_423 = arith.subi %sign3A_419, %sign3A_422 : i32
    %ne3A_424 = vector.broadcast %sign3A_423 : i32 to vector<16xi32>
    %ne3A_425 = arith.cmpi ne, %sign3A_416, %ne3A_424 : vector<16xi32>
    %rem3A_426 = vector.broadcast %jit3A_405 : i32 to vector<16xi32>
    %rem3A_427 = arith.remsi %get3A_401, %rem3A_426 : vector<16xi32>
    %ne3A_428 = arith.constant 0 : i32
    %ne3A_429 = vector.broadcast %ne3A_428 : i32 to vector<16xi32>
    %ne3A_430 = arith.cmpi ne, %rem3A_427, %ne3A_429 : vector<16xi32>
    %and3A_431 = arith.andi %ne3A_425, %ne3A_430 : vector<16xi1>
    %sub3A_432 = arith.constant 1 : i32
    %sub3A_433 = vector.broadcast %sub3A_432 : i32 to vector<16xi32>
    %sub3A_434 = arith.subi %div3A_407, %sub3A_433 : vector<16xi32>
    %select_n3A_435 = arith.select %and3A_431, %sub3A_434, %div3A_407 : vector<16xi1>, vector<16xi32>
    %min3A_436 = arith.constant 62 : i32
    %min3A_437 = vector.broadcast %min3A_436 : i32 to vector<16xi32>
    %min3A_438 = arith.minsi %select_n3A_435, %min3A_437 : vector<16xi32>
    %jit3A_439 = arith.constant 8 : i32
    %eq3A_440 = arith.constant 0 : i32
    %eq3A_441 = arith.cmpi eq, %jit3A_439, %eq3A_440 : i32
    %jit3A_442 = arith.constant 1 : i32
    %select_n3A_443 = arith.select %eq3A_441, %jit3A_442, %jit3A_439 : i32
    %rem3A_444 = vector.broadcast %select_n3A_443 : i32 to vector<16xi32>
    %rem3A_445 = arith.remsi %get3A_401, %rem3A_444 : vector<16xi32>
    %ne3A_446 = arith.constant 0 : i32
    %ne3A_447 = vector.broadcast %ne3A_446 : i32 to vector<16xi32>
    %ne3A_448 = arith.cmpi ne, %rem3A_445, %ne3A_447 : vector<16xi32>
    %lt3A_449 = arith.constant 0 : i32
    %lt3A_450 = vector.broadcast %lt3A_449 : i32 to vector<16xi32>
    %lt3A_451 = arith.cmpi slt, %rem3A_445, %lt3A_450 : vector<16xi32>
    %lt3A_452 = arith.constant 0 : i32
    %lt3A_453 = arith.cmpi slt, %select_n3A_443, %lt3A_452 : i32
    %ne3A_454 = vector.broadcast %lt3A_453 : i1 to vector<16xi1>
    %ne3A_455 = vector.broadcast %ne3A_454 : vector<16xi1> to vector<16xi1>
    %ne3A_456 = arith.xori %lt3A_451, %ne3A_455 : vector<16xi1>
    %and3A_457 = arith.andi %ne3A_456, %ne3A_448 : vector<16xi1>
    %add3A_458 = vector.broadcast %select_n3A_443 : i32 to vector<16xi32>
    %add3A_459 = arith.addi %rem3A_445, %add3A_458 : vector<16xi32>
    %select_n3A_460 = arith.select %and3A_457, %add3A_459, %rem3A_445 : vector<16xi1>, vector<16xi32>
    %lt3A_461 = arith.constant 63 : i32
    %lt3A_462 = vector.broadcast %lt3A_461 : i32 to vector<16xi32>
    %lt3A_463 = arith.cmpi slt, %select_n3A_435, %lt3A_462 : vector<16xi32>
    tpu.vector_store_idx %arg5[%mul3A_8, %min3A_438, %mul3A_8, %select_n3A_460, %add3A_404], %broadcast_in_dim3A_5 masked %lt3A_463 : memref<1x63x1x8x128xf32, #tpu.memory_space<vmem>>[vector<16xi32>, vector<16xi32>, vector<16xi32>, vector<16xi32>, vector<16xi32>], vector<16xf32>, vector<16xi1>
    %get3A_464 = arith.constant 0 : i32
    %get3A_465 = arith.index_cast %get3A_464 : i32 to index
    %get3A_466 = arith.constant 112 : index
    %get3A_467 = tpu.vector_load %arg4[%get3A_465, %get3A_466] {strides = array<i32>} : memref<20x128xi32, #tpu.memory_space<vmem>>, vector<16xi32>,
    %add3A_468 = arith.constant 112 : i32
    %add3A_469 = vector.broadcast %add3A_468 : i32 to vector<16xi32>
    %add3A_470 = arith.addi %iota3A, %add3A_469 : vector<16xi32>
    %jit3A_471 = arith.constant 8 : i32
    %div3A_472 = vector.broadcast %jit3A_471 : i32 to vector<16xi32>
    %div3A_473 = arith.divsi %get3A_467, %div3A_472 : vector<16xi32>
    %sign3A_474 = arith.constant 0 : i32
    %sign3A_475 = vector.broadcast %sign3A_474 : i32 to vector<16xi32>
    %sign3A_476 = arith.cmpi sgt, %get3A_467, %sign3A_475 : vector<16xi32>
    %sign3A_477 = arith.extui %sign3A_476 : vector<16xi1> to vector<16xi32>
    %sign3A_478 = arith.constant 0 : i32
    %sign3A_479 = vector.broadcast %sign3A_478 : i32 to vector<16xi32>
    %sign3A_480 = arith.cmpi slt, %get3A_467, %sign3A_479 : vector<16xi32>
    %sign3A_481 = arith.extui %sign3A_480 : vector<16xi1> to vector<16xi32>
    %sign3A_482 = arith.subi %sign3A_477, %sign3A_481 : vector<16xi32>
    %sign3A_483 = arith.constant 0 : i32
    %sign3A_484 = arith.cmpi sgt, %jit3A_471, %sign3A_483 : i32
    %sign3A_485 = arith.extui %sign3A_484 : i1 to i32
    %sign3A_486 = arith.constant 0 : i32
    %sign3A_487 = arith.cmpi slt, %jit3A_471, %sign3A_486 : i32
    %sign3A_488 = arith.extui %sign3A_487 : i1 to i32
    %sign3A_489 = arith.subi %sign3A_485, %sign3A_488 : i32
    %ne3A_490 = vector.broadcast %sign3A_489 : i32 to vector<16xi32>
    %ne3A_491 = arith.cmpi ne, %sign3A_482, %ne3A_490 : vector<16xi32>
    %rem3A_492 = vector.broadcast %jit3A_471 : i32 to vector<16xi32>
    %rem3A_493 = arith.remsi %get3A_467, %rem3A_492 : vector<16xi32>
    %ne3A_494 = arith.constant 0 : i32
    %ne3A_495 = vector.broadcast %ne3A_494 : i32 to vector<16xi32>
    %ne3A_496 = arith.cmpi ne, %rem3A_493, %ne3A_495 : vector<16xi32>
    %and3A_497 = arith.andi %ne3A_491, %ne3A_496 : vector<16xi1>
    %sub3A_498 = arith.constant 1 : i32
    %sub3A_499 = vector.broadcast %sub3A_498 : i32 to vector<16xi32>
    %sub3A_500 = arith.subi %div3A_473, %sub3A_499 : vector<16xi32>
    %select_n3A_501 = arith.select %and3A_497, %sub3A_500, %div3A_473 : vector<16xi1>, vector<16xi32>
    %min3A_502 = arith.constant 62 : i32
    %min3A_503 = vector.broadcast %min3A_502 : i32 to vector<16xi32>
    %min3A_504 = arith.minsi %select_n3A_501, %min3A_503 : vector<16xi32>
    %jit3A_505 = arith.constant 8 : i32
    %eq3A_506 = arith.constant 0 : i32
    %eq3A_507 = arith.cmpi eq, %jit3A_505, %eq3A_506 : i32
    %jit3A_508 = arith.constant 1 : i32
    %select_n3A_509 = arith.select %eq3A_507, %jit3A_508, %jit3A_505 : i32
    %rem3A_510 = vector.broadcast %select_n3A_509 : i32 to vector<16xi32>
    %rem3A_511 = arith.remsi %get3A_467, %rem3A_510 : vector<16xi32>
    %ne3A_512 = arith.constant 0 : i32
    %ne3A_513 = vector.broadcast %ne3A_512 : i32 to vector<16xi32>
    %ne3A_514 = arith.cmpi ne, %rem3A_511, %ne3A_513 : vector<16xi32>
    %lt3A_515 = arith.constant 0 : i32
    %lt3A_516 = vector.broadcast %lt3A_515 : i32 to vector<16xi32>
    %lt3A_517 = arith.cmpi slt, %rem3A_511, %lt3A_516 : vector<16xi32>
    %lt3A_518 = arith.constant 0 : i32
    %lt3A_519 = arith.cmpi slt, %select_n3A_509, %lt3A_518 : i32
    %ne3A_520 = vector.broadcast %lt3A_519 : i1 to vector<16xi1>
    %ne3A_521 = vector.broadcast %ne3A_520 : vector<16xi1> to vector<16xi1>
    %ne3A_522 = arith.xori %lt3A_517, %ne3A_521 : vector<16xi1>
    %and3A_523 = arith.andi %ne3A_522, %ne3A_514 : vector<16xi1>
    %add3A_524 = vector.broadcast %select_n3A_509 : i32 to vector<16xi32>
    %add3A_525 = arith.addi %rem3A_511, %add3A_524 : vector<16xi32>
    %select_n3A_526 = arith.select %and3A_523, %add3A_525, %rem3A_511 : vector<16xi1>, vector<16xi32>
    %lt3A_527 = arith.constant 63 : i32
    %lt3A_528 = vector.broadcast %lt3A_527 : i32 to vector<16xi32>
    %lt3A_529 = arith.cmpi slt, %select_n3A_501, %lt3A_528 : vector<16xi32>
    tpu.vector_store_idx %arg5[%mul3A_8, %min3A_504, %mul3A_8, %select_n3A_526, %add3A_470], %broadcast_in_dim3A_5 masked %lt3A_529 : memref<1x63x1x8x128xf32, #tpu.memory_space<vmem>>[vector<16xi32>, vector<16xi32>, vector<16xi32>, vector<16xi32>, vector<16xi32>], vector<16xf32>, vector<16xi1>
    %dma_start3A = arith.constant 0 : i32
    %dma_start3A_530 = arith.constant 0 : i32
    %dma_start3A_531 = arith.constant 0 : i32
    %dma_start3A_532 = arith.constant 0 : i32
    %dma_start3A_533 = tpu.memref_slice %arg3[%dma_start3A, %dma_start3A_530, %add3A, %dma_start3A_531, %dma_start3A_532] : memref<20x125x32x8x128xf32, #tpu.memory_space<hbm>> -> memref<1x63x1x8x128xf32, #tpu.memory_space<hbm>>
    %dma_start3A_534 = arith.constant 0 : i32
    %dma_start3A_535 = arith.constant 0 : i32
    %dma_start3A_536 = arith.constant 0 : i32
    %dma_start3A_537 = arith.constant 0 : i32
    %dma_start3A_538 = tpu.memref_slice %arg3[%dma_start3A_534, %dma_start3A_535, %add3A, %dma_start3A_536, %dma_start3A_537] : memref<20x125x32x8x128xf32, #tpu.memory_space<hbm>> -> memref<1x63x1x8x128xf32, #tpu.memory_space<hbm>>
    tpu.enqueue_dma source(%arg5 : memref<1x63x1x8x128xf32, #tpu.memory_space<vmem>>) target(%dma_start3A_538 : memref<1x63x1x8x128xf32, #tpu.memory_space<hbm>>) target_semaphore(%arg7 : memref<!tpu.dma_semaphore, #tpu.memory_space<semaphore_mem>>)
    %scan3A_539 = arith.constant 0 : i32
    %scan3A_540 = arith.constant 0 : i32
    %scan3A_541 = arith.constant 496 : i32
    %scan3A_542 = arith.addi %scan3A_540, %scan3A_541 : i32
    %scan3A_543 = arith.constant 1 : i32
    scf.for %scan3A_1130 = %scan3A_540 to %scan3A_542 step %scan3A_543  : i32 {
      %jit3A_1131 = arith.constant 8 : i32
      %div3A_1132 = arith.divsi %scan3A_1130, %jit3A_1131 : i32
      %sign3A_1133 = arith.constant 0 : i32
      %sign3A_1134 = arith.cmpi sgt, %scan3A_1130, %sign3A_1133 : i32
      %sign3A_1135 = arith.extui %sign3A_1134 : i1 to i32
      %sign3A_1136 = arith.constant 0 : i32
      %sign3A_1137 = arith.cmpi slt, %scan3A_1130, %sign3A_1136 : i32
      %sign3A_1138 = arith.extui %sign3A_1137 : i1 to i32
      %sign3A_1139 = arith.subi %sign3A_1135, %sign3A_1138 : i32
      %sign3A_1140 = arith.constant 0 : i32
      %sign3A_1141 = arith.cmpi sgt, %jit3A_1131, %sign3A_1140 : i32
      %sign3A_1142 = arith.extui %sign3A_1141 : i1 to i32
      %sign3A_1143 = arith.constant 0 : i32
      %sign3A_1144 = arith.cmpi slt, %jit3A_1131, %sign3A_1143 : i32
      %sign3A_1145 = arith.extui %sign3A_1144 : i1 to i32
      %sign3A_1146 = arith.subi %sign3A_1142, %sign3A_1145 : i32
      %ne3A_1147 = arith.cmpi ne, %sign3A_1139, %sign3A_1146 : i32
      %rem3A_1148 = arith.remsi %scan3A_1130, %jit3A_1131 : i32
      %ne3A_1149 = arith.constant 0 : i32
      %ne3A_1150 = arith.cmpi ne, %rem3A_1148, %ne3A_1149 : i32
      %and3A_1151 = arith.andi %ne3A_1147, %ne3A_1150 : i1
      %sub3A_1152 = arith.constant 1 : i32
      %sub3A_1153 = arith.subi %div3A_1132, %sub3A_1152 : i32
      %select_n3A_1154 = arith.select %and3A_1151, %sub3A_1153, %div3A_1132 : i32
      %jit3A_1155 = arith.constant 8 : i32
      %eq3A_1156 = arith.constant 0 : i32
      %eq3A_1157 = arith.cmpi eq, %jit3A_1155, %eq3A_1156 : i32
      %jit3A_1158 = arith.constant 1 : i32
      %select_n3A_1159 = arith.select %eq3A_1157, %jit3A_1158, %jit3A_1155 : i32
      %rem3A_1160 = arith.remsi %scan3A_1130, %select_n3A_1159 : i32
      %ne3A_1161 = arith.constant 0 : i32
      %ne3A_1162 = arith.cmpi ne, %rem3A_1160, %ne3A_1161 : i32
      %lt3A_1163 = arith.constant 0 : i32
      %lt3A_1164 = arith.cmpi slt, %rem3A_1160, %lt3A_1163 : i32
      %lt3A_1165 = arith.constant 0 : i32
      %lt3A_1166 = arith.cmpi slt, %select_n3A_1159, %lt3A_1165 : i32
      %ne3A_1167 = arith.xori %lt3A_1164, %lt3A_1166 : i1
      %and3A_1168 = arith.andi %ne3A_1167, %ne3A_1162 : i1
      %add3A_1169 = arith.addi %rem3A_1160, %select_n3A_1159 : i32
      %select_n3A_1170 = arith.select %and3A_1168, %add3A_1169, %rem3A_1160 : i32
      %swap3A = arith.constant 0 : i32
      %swap3A_1171 = arith.constant 0 : i32
      %swap3A_1172 = arith.index_cast %swap3A : i32 to index
      %swap3A_1173 = arith.index_cast %select_n3A_1154 : i32 to index
      %swap3A_1174 = arith.index_cast %swap3A_1171 : i32 to index
      %swap3A_1175 = arith.index_cast %select_n3A_1170 : i32 to index
      %swap3A_1176 = arith.constant 0 : index
      %swap3A_1177 = tpu.vector_load %arg6[%swap3A_1172, %swap3A_1173, %swap3A_1174, %swap3A_1175, %swap3A_1176] {strides = array<i32>} : memref<1x62x1x8x128xf32, #tpu.memory_space<vmem>>, vector<16xf32>,
      tpu.vector_store %arg6[%swap3A_1172, %swap3A_1173, %swap3A_1174, %swap3A_1175, %swap3A_1176], %broadcast_in_dim3A_3 {strides = array<i32>} : memref<1x62x1x8x128xf32, #tpu.memory_space<vmem>>, vector<16xf32>,
      %swap3A_1178 = arith.constant 0 : i32
      %swap3A_1179 = arith.constant 0 : i32
      %swap3A_1180 = arith.index_cast %swap3A_1178 : i32 to index
      %swap3A_1181 = arith.index_cast %select_n3A_1154 : i32 to index
      %swap3A_1182 = arith.index_cast %swap3A_1179 : i32 to index
      %swap3A_1183 = arith.index_cast %select_n3A_1170 : i32 to index
      %swap3A_1184 = arith.constant 16 : index
      %swap3A_1185 = tpu.vector_load %arg6[%swap3A_1180, %swap3A_1181, %swap3A_1182, %swap3A_1183, %swap3A_1184] {strides = array<i32>} : memref<1x62x1x8x128xf32, #tpu.memory_space<vmem>>, vector<16xf32>,
      tpu.vector_store %arg6[%swap3A_1180, %swap3A_1181, %swap3A_1182, %swap3A_1183, %swap3A_1184], %broadcast_in_dim3A_3 {strides = array<i32>} : memref<1x62x1x8x128xf32, #tpu.memory_space<vmem>>, vector<16xf32>,
      %swap3A_1186 = arith.constant 0 : i32
      %swap3A_1187 = arith.constant 0 : i32
      %swap3A_1188 = arith.index_cast %swap3A_1186 : i32 to index
      %swap3A_1189 = arith.index_cast %select_n3A_1154 : i32 to index
      %swap3A_1190 = arith.index_cast %swap3A_1187 : i32 to index
      %swap3A_1191 = arith.index_cast %select_n3A_1170 : i32 to index
      %swap3A_1192 = arith.constant 32 : index
      %swap3A_1193 = tpu.vector_load %arg6[%swap3A_1188, %swap3A_1189, %swap3A_1190, %swap3A_1191, %swap3A_1192] {strides = array<i32>} : memref<1x62x1x8x128xf32, #tpu.memory_space<vmem>>, vector<16xf32>,
      tpu.vector_store %arg6[%swap3A_1188, %swap3A_1189, %swap3A_1190, %swap3A_1191, %swap3A_1192], %broadcast_in_dim3A_3 {strides = array<i32>} : memref<1x62x1x8x128xf32, #tpu.memory_space<vmem>>, vector<16xf32>,
      %swap3A_1194 = arith.constant 0 : i32
      %swap3A_1195 = arith.constant 0 : i32
      %swap3A_1196 = arith.index_cast %swap3A_1194 : i32 to index
      %swap3A_1197 = arith.index_cast %select_n3A_1154 : i32 to index
      %swap3A_1198 = arith.index_cast %swap3A_1195 : i32 to index
      %swap3A_1199 = arith.index_cast %select_n3A_1170 : i32 to index
      %swap3A_1200 = arith.constant 48 : index
      %swap3A_1201 = tpu.vector_load %arg6[%swap3A_1196, %swap3A_1197, %swap3A_1198, %swap3A_1199, %swap3A_1200] {strides = array<i32>} : memref<1x62x1x8x128xf32, #tpu.memory_space<vmem>>, vector<16xf32>,
      tpu.vector_store %arg6[%swap3A_1196, %swap3A_1197, %swap3A_1198, %swap3A_1199, %swap3A_1200], %broadcast_in_dim3A_3 {strides = array<i32>} : memref<1x62x1x8x128xf32, #tpu.memory_space<vmem>>, vector<16xf32>,
      %swap3A_1202 = arith.constant 0 : i32
      %swap3A_1203 = arith.constant 0 : i32
      %swap3A_1204 = arith.index_cast %swap3A_1202 : i32 to index
      %swap3A_1205 = arith.index_cast %select_n3A_1154 : i32 to index
      %swap3A_1206 = arith.index_cast %swap3A_1203 : i32 to index
      %swap3A_1207 = arith.index_cast %select_n3A_1170 : i32 to index
      %swap3A_1208 = arith.constant 64 : index
      %swap3A_1209 = tpu.vector_load %arg6[%swap3A_1204, %swap3A_1205, %swap3A_1206, %swap3A_1207, %swap3A_1208] {strides = array<i32>} : memref<1x62x1x8x128xf32, #tpu.memory_space<vmem>>, vector<16xf32>,
      tpu.vector_store %arg6[%swap3A_1204, %swap3A_1205, %swap3A_1206, %swap3A_1207, %swap3A_1208], %broadcast_in_dim3A_3 {strides = array<i32>} : memref<1x62x1x8x128xf32, #tpu.memory_space<vmem>>, vector<16xf32>,
      %swap3A_1210 = arith.constant 0 : i32
      %swap3A_1211 = arith.constant 0 : i32
      %swap3A_1212 = arith.index_cast %swap3A_1210 : i32 to index
      %swap3A_1213 = arith.index_cast %select_n3A_1154 : i32 to index
      %swap3A_1214 = arith.index_cast %swap3A_1211 : i32 to index
      %swap3A_1215 = arith.index_cast %select_n3A_1170 : i32 to index
      %swap3A_1216 = arith.constant 80 : index
      %swap3A_1217 = tpu.vector_load %arg6[%swap3A_1212, %swap3A_1213, %swap3A_1214, %swap3A_1215, %swap3A_1216] {strides = array<i32>} : memref<1x62x1x8x128xf32, #tpu.memory_space<vmem>>, vector<16xf32>,
      tpu.vector_store %arg6[%swap3A_1212, %swap3A_1213, %swap3A_1214, %swap3A_1215, %swap3A_1216], %broadcast_in_dim3A_3 {strides = array<i32>} : memref<1x62x1x8x128xf32, #tpu.memory_space<vmem>>, vector<16xf32>,
      %swap3A_1218 = arith.constant 0 : i32
      %swap3A_1219 = arith.constant 0 : i32
      %swap3A_1220 = arith.index_cast %swap3A_1218 : i32 to index
      %swap3A_1221 = arith.index_cast %select_n3A_1154 : i32 to index
      %swap3A_1222 = arith.index_cast %swap3A_1219 : i32 to index
      %swap3A_1223 = arith.index_cast %select_n3A_1170 : i32 to index
      %swap3A_1224 = arith.constant 96 : index
      %swap3A_1225 = tpu.vector_load %arg6[%swap3A_1220, %swap3A_1221, %swap3A_1222, %swap3A_1223, %swap3A_1224] {strides = array<i32>} : memref<1x62x1x8x128xf32, #tpu.memory_space<vmem>>, vector<16xf32>,
      tpu.vector_store %arg6[%swap3A_1220, %swap3A_1221, %swap3A_1222, %swap3A_1223, %swap3A_1224], %broadcast_in_dim3A_3 {strides = array<i32>} : memref<1x62x1x8x128xf32, #tpu.memory_space<vmem>>, vector<16xf32>,
      %swap3A_1226 = arith.constant 0 : i32
      %swap3A_1227 = arith.constant 0 : i32
      %swap3A_1228 = arith.index_cast %swap3A_1226 : i32 to index
      %swap3A_1229 = arith.index_cast %select_n3A_1154 : i32 to index
      %swap3A_1230 = arith.index_cast %swap3A_1227 : i32 to index
      %swap3A_1231 = arith.index_cast %select_n3A_1170 : i32 to index
      %swap3A_1232 = arith.constant 112 : index
      %swap3A_1233 = tpu.vector_load %arg6[%swap3A_1228, %swap3A_1229, %swap3A_1230, %swap3A_1231, %swap3A_1232] {strides = array<i32>} : memref<1x62x1x8x128xf32, #tpu.memory_space<vmem>>, vector<16xf32>,
      tpu.vector_store %arg6[%swap3A_1228, %swap3A_1229, %swap3A_1230, %swap3A_1231, %swap3A_1232], %broadcast_in_dim3A_3 {strides = array<i32>} : memref<1x62x1x8x128xf32, #tpu.memory_space<vmem>>, vector<16xf32>,
    }
    %scan3A_544 = arith.constant 496 : i32
    %get3A_545 = arith.constant 0 : i32
    %get3A_546 = arith.index_cast %get3A_545 : i32 to index
    %get3A_547 = arith.constant 0 : index
    %get3A_548 = tpu.vector_load %arg4[%get3A_546, %get3A_547] {strides = array<i32>} : memref<20x128xi32, #tpu.memory_space<vmem>>, vector<16xi32>,
    %add3A_549 = arith.constant 0 : i32
    %add3A_550 = vector.broadcast %add3A_549 : i32 to vector<16xi32>
    %add3A_551 = arith.addi %iota3A, %add3A_550 : vector<16xi32>
    %jit3A_552 = arith.constant 8 : i32
    %div3A_553 = vector.broadcast %jit3A_552 : i32 to vector<16xi32>
    %div3A_554 = arith.divsi %get3A_548, %div3A_553 : vector<16xi32>
    %sign3A_555 = arith.constant 0 : i32
    %sign3A_556 = vector.broadcast %sign3A_555 : i32 to vector<16xi32>
    %sign3A_557 = arith.cmpi sgt, %get3A_548, %sign3A_556 : vector<16xi32>
    %sign3A_558 = arith.extui %sign3A_557 : vector<16xi1> to vector<16xi32>
    %sign3A_559 = arith.constant 0 : i32
    %sign3A_560 = vector.broadcast %sign3A_559 : i32 to vector<16xi32>
    %sign3A_561 = arith.cmpi slt, %get3A_548, %sign3A_560 : vector<16xi32>
    %sign3A_562 = arith.extui %sign3A_561 : vector<16xi1> to vector<16xi32>
    %sign3A_563 = arith.subi %sign3A_558, %sign3A_562 : vector<16xi32>
    %sign3A_564 = arith.constant 0 : i32
    %sign3A_565 = arith.cmpi sgt, %jit3A_552, %sign3A_564 : i32
    %sign3A_566 = arith.extui %sign3A_565 : i1 to i32
    %sign3A_567 = arith.constant 0 : i32
    %sign3A_568 = arith.cmpi slt, %jit3A_552, %sign3A_567 : i32
    %sign3A_569 = arith.extui %sign3A_568 : i1 to i32
    %sign3A_570 = arith.subi %sign3A_566, %sign3A_569 : i32
    %ne3A_571 = vector.broadcast %sign3A_570 : i32 to vector<16xi32>
    %ne3A_572 = arith.cmpi ne, %sign3A_563, %ne3A_571 : vector<16xi32>
    %rem3A_573 = vector.broadcast %jit3A_552 : i32 to vector<16xi32>
    %rem3A_574 = arith.remsi %get3A_548, %rem3A_573 : vector<16xi32>
    %ne3A_575 = arith.constant 0 : i32
    %ne3A_576 = vector.broadcast %ne3A_575 : i32 to vector<16xi32>
    %ne3A_577 = arith.cmpi ne, %rem3A_574, %ne3A_576 : vector<16xi32>
    %and3A_578 = arith.andi %ne3A_572, %ne3A_577 : vector<16xi1>
    %sub3A_579 = arith.constant 1 : i32
    %sub3A_580 = vector.broadcast %sub3A_579 : i32 to vector<16xi32>
    %sub3A_581 = arith.subi %div3A_554, %sub3A_580 : vector<16xi32>
    %select_n3A_582 = arith.select %and3A_578, %sub3A_581, %div3A_554 : vector<16xi1>, vector<16xi32>
    %sub3A_583 = arith.constant 63 : i32
    %sub3A_584 = vector.broadcast %sub3A_583 : i32 to vector<16xi32>
    %sub3A_585 = arith.subi %select_n3A_582, %sub3A_584 : vector<16xi32>
    %max3A = arith.constant 0 : i32
    %max3A_586 = vector.broadcast %max3A : i32 to vector<16xi32>
    %max3A_587 = arith.maxsi %sub3A_585, %max3A_586 : vector<16xi32>
    %jit3A_588 = arith.constant 8 : i32
    %eq3A_589 = arith.constant 0 : i32
    %eq3A_590 = arith.cmpi eq, %jit3A_588, %eq3A_589 : i32
    %jit3A_591 = arith.constant 1 : i32
    %select_n3A_592 = arith.select %eq3A_590, %jit3A_591, %jit3A_588 : i32
    %rem3A_593 = vector.broadcast %select_n3A_592 : i32 to vector<16xi32>
    %rem3A_594 = arith.remsi %get3A_548, %rem3A_593 : vector<16xi32>
    %ne3A_595 = arith.constant 0 : i32
    %ne3A_596 = vector.broadcast %ne3A_595 : i32 to vector<16xi32>
    %ne3A_597 = arith.cmpi ne, %rem3A_594, %ne3A_596 : vector<16xi32>
    %lt3A_598 = arith.constant 0 : i32
    %lt3A_599 = vector.broadcast %lt3A_598 : i32 to vector<16xi32>
    %lt3A_600 = arith.cmpi slt, %rem3A_594, %lt3A_599 : vector<16xi32>
    %lt3A_601 = arith.constant 0 : i32
    %lt3A_602 = arith.cmpi slt, %select_n3A_592, %lt3A_601 : i32
    %ne3A_603 = vector.broadcast %lt3A_602 : i1 to vector<16xi1>
    %ne3A_604 = vector.broadcast %ne3A_603 : vector<16xi1> to vector<16xi1>
    %ne3A_605 = arith.xori %lt3A_600, %ne3A_604 : vector<16xi1>
    %and3A_606 = arith.andi %ne3A_605, %ne3A_597 : vector<16xi1>
    %add3A_607 = vector.broadcast %select_n3A_592 : i32 to vector<16xi32>
    %add3A_608 = arith.addi %rem3A_594, %add3A_607 : vector<16xi32>
    %select_n3A_609 = arith.select %and3A_606, %add3A_608, %rem3A_594 : vector<16xi1>, vector<16xi32>
    %ge3A = arith.constant 63 : i32
    %ge3A_610 = vector.broadcast %ge3A : i32 to vector<16xi32>
    %ge3A_611 = arith.cmpi sge, %select_n3A_582, %ge3A_610 : vector<16xi32>
    tpu.vector_store_idx %arg6[%mul3A_8, %max3A_587, %mul3A_8, %select_n3A_609, %add3A_551], %broadcast_in_dim3A_5 masked %ge3A_611 : memref<1x62x1x8x128xf32, #tpu.memory_space<vmem>>[vector<16xi32>, vector<16xi32>, vector<16xi32>, vector<16xi32>, vector<16xi32>], vector<16xf32>, vector<16xi1>
    %get3A_612 = arith.constant 0 : i32
    %get3A_613 = arith.index_cast %get3A_612 : i32 to index
    %get3A_614 = arith.constant 16 : index
    %get3A_615 = tpu.vector_load %arg4[%get3A_613, %get3A_614] {strides = array<i32>} : memref<20x128xi32, #tpu.memory_space<vmem>>, vector<16xi32>,
    %add3A_616 = arith.constant 16 : i32
    %add3A_617 = vector.broadcast %add3A_616 : i32 to vector<16xi32>
    %add3A_618 = arith.addi %iota3A, %add3A_617 : vector<16xi32>
    %jit3A_619 = arith.constant 8 : i32
    %div3A_620 = vector.broadcast %jit3A_619 : i32 to vector<16xi32>
    %div3A_621 = arith.divsi %get3A_615, %div3A_620 : vector<16xi32>
    %sign3A_622 = arith.constant 0 : i32
    %sign3A_623 = vector.broadcast %sign3A_622 : i32 to vector<16xi32>
    %sign3A_624 = arith.cmpi sgt, %get3A_615, %sign3A_623 : vector<16xi32>
    %sign3A_625 = arith.extui %sign3A_624 : vector<16xi1> to vector<16xi32>
    %sign3A_626 = arith.constant 0 : i32
    %sign3A_627 = vector.broadcast %sign3A_626 : i32 to vector<16xi32>
    %sign3A_628 = arith.cmpi slt, %get3A_615, %sign3A_627 : vector<16xi32>
    %sign3A_629 = arith.extui %sign3A_628 : vector<16xi1> to vector<16xi32>
    %sign3A_630 = arith.subi %sign3A_625, %sign3A_629 : vector<16xi32>
    %sign3A_631 = arith.constant 0 : i32
    %sign3A_632 = arith.cmpi sgt, %jit3A_619, %sign3A_631 : i32
    %sign3A_633 = arith.extui %sign3A_632 : i1 to i32
    %sign3A_634 = arith.constant 0 : i32
    %sign3A_635 = arith.cmpi slt, %jit3A_619, %sign3A_634 : i32
    %sign3A_636 = arith.extui %sign3A_635 : i1 to i32
    %sign3A_637 = arith.subi %sign3A_633, %sign3A_636 : i32
    %ne3A_638 = vector.broadcast %sign3A_637 : i32 to vector<16xi32>
    %ne3A_639 = arith.cmpi ne, %sign3A_630, %ne3A_638 : vector<16xi32>
    %rem3A_640 = vector.broadcast %jit3A_619 : i32 to vector<16xi32>
    %rem3A_641 = arith.remsi %get3A_615, %rem3A_640 : vector<16xi32>
    %ne3A_642 = arith.constant 0 : i32
    %ne3A_643 = vector.broadcast %ne3A_642 : i32 to vector<16xi32>
    %ne3A_644 = arith.cmpi ne, %rem3A_641, %ne3A_643 : vector<16xi32>
    %and3A_645 = arith.andi %ne3A_639, %ne3A_644 : vector<16xi1>
    %sub3A_646 = arith.constant 1 : i32
    %sub3A_647 = vector.broadcast %sub3A_646 : i32 to vector<16xi32>
    %sub3A_648 = arith.subi %div3A_621, %sub3A_647 : vector<16xi32>
    %select_n3A_649 = arith.select %and3A_645, %sub3A_648, %div3A_621 : vector<16xi1>, vector<16xi32>
    %sub3A_650 = arith.constant 63 : i32
    %sub3A_651 = vector.broadcast %sub3A_650 : i32 to vector<16xi32>
    %sub3A_652 = arith.subi %select_n3A_649, %sub3A_651 : vector<16xi32>
    %max3A_653 = arith.constant 0 : i32
    %max3A_654 = vector.broadcast %max3A_653 : i32 to vector<16xi32>
    %max3A_655 = arith.maxsi %sub3A_652, %max3A_654 : vector<16xi32>
    %jit3A_656 = arith.constant 8 : i32
    %eq3A_657 = arith.constant 0 : i32
    %eq3A_658 = arith.cmpi eq, %jit3A_656, %eq3A_657 : i32
    %jit3A_659 = arith.constant 1 : i32
    %select_n3A_660 = arith.select %eq3A_658, %jit3A_659, %jit3A_656 : i32
    %rem3A_661 = vector.broadcast %select_n3A_660 : i32 to vector<16xi32>
    %rem3A_662 = arith.remsi %get3A_615, %rem3A_661 : vector<16xi32>
    %ne3A_663 = arith.constant 0 : i32
    %ne3A_664 = vector.broadcast %ne3A_663 : i32 to vector<16xi32>
    %ne3A_665 = arith.cmpi ne, %rem3A_662, %ne3A_664 : vector<16xi32>
    %lt3A_666 = arith.constant 0 : i32
    %lt3A_667 = vector.broadcast %lt3A_666 : i32 to vector<16xi32>
    %lt3A_668 = arith.cmpi slt, %rem3A_662, %lt3A_667 : vector<16xi32>
    %lt3A_669 = arith.constant 0 : i32
    %lt3A_670 = arith.cmpi slt, %select_n3A_660, %lt3A_669 : i32
    %ne3A_671 = vector.broadcast %lt3A_670 : i1 to vector<16xi1>
    %ne3A_672 = vector.broadcast %ne3A_671 : vector<16xi1> to vector<16xi1>
    %ne3A_673 = arith.xori %lt3A_668, %ne3A_672 : vector<16xi1>
    %and3A_674 = arith.andi %ne3A_673, %ne3A_665 : vector<16xi1>
    %add3A_675 = vector.broadcast %select_n3A_660 : i32 to vector<16xi32>
    %add3A_676 = arith.addi %rem3A_662, %add3A_675 : vector<16xi32>
    %select_n3A_677 = arith.select %and3A_674, %add3A_676, %rem3A_662 : vector<16xi1>, vector<16xi32>
    %ge3A_678 = arith.constant 63 : i32
    %ge3A_679 = vector.broadcast %ge3A_678 : i32 to vector<16xi32>
    %ge3A_680 = arith.cmpi sge, %select_n3A_649, %ge3A_679 : vector<16xi32>
    tpu.vector_store_idx %arg6[%mul3A_8, %max3A_655, %mul3A_8, %select_n3A_677, %add3A_618], %broadcast_in_dim3A_5 masked %ge3A_680 : memref<1x62x1x8x128xf32, #tpu.memory_space<vmem>>[vector<16xi32>, vector<16xi32>, vector<16xi32>, vector<16xi32>, vector<16xi32>], vector<16xf32>, vector<16xi1>
    %get3A_681 = arith.constant 0 : i32
    %get3A_682 = arith.index_cast %get3A_681 : i32 to index
    %get3A_683 = arith.constant 32 : index
    %get3A_684 = tpu.vector_load %arg4[%get3A_682, %get3A_683] {strides = array<i32>} : memref<20x128xi32, #tpu.memory_space<vmem>>, vector<16xi32>,
    %add3A_685 = arith.constant 32 : i32
    %add3A_686 = vector.broadcast %add3A_685 : i32 to vector<16xi32>
    %add3A_687 = arith.addi %iota3A, %add3A_686 : vector<16xi32>
    %jit3A_688 = arith.constant 8 : i32
    %div3A_689 = vector.broadcast %jit3A_688 : i32 to vector<16xi32>
    %div3A_690 = arith.divsi %get3A_684, %div3A_689 : vector<16xi32>
    %sign3A_691 = arith.constant 0 : i32
    %sign3A_692 = vector.broadcast %sign3A_691 : i32 to vector<16xi32>
    %sign3A_693 = arith.cmpi sgt, %get3A_684, %sign3A_692 : vector<16xi32>
    %sign3A_694 = arith.extui %sign3A_693 : vector<16xi1> to vector<16xi32>
    %sign3A_695 = arith.constant 0 : i32
    %sign3A_696 = vector.broadcast %sign3A_695 : i32 to vector<16xi32>
    %sign3A_697 = arith.cmpi slt, %get3A_684, %sign3A_696 : vector<16xi32>
    %sign3A_698 = arith.extui %sign3A_697 : vector<16xi1> to vector<16xi32>
    %sign3A_699 = arith.subi %sign3A_694, %sign3A_698 : vector<16xi32>
    %sign3A_700 = arith.constant 0 : i32
    %sign3A_701 = arith.cmpi sgt, %jit3A_688, %sign3A_700 : i32
    %sign3A_702 = arith.extui %sign3A_701 : i1 to i32
    %sign3A_703 = arith.constant 0 : i32
    %sign3A_704 = arith.cmpi slt, %jit3A_688, %sign3A_703 : i32
    %sign3A_705 = arith.extui %sign3A_704 : i1 to i32
    %sign3A_706 = arith.subi %sign3A_702, %sign3A_705 : i32
    %ne3A_707 = vector.broadcast %sign3A_706 : i32 to vector<16xi32>
    %ne3A_708 = arith.cmpi ne, %sign3A_699, %ne3A_707 : vector<16xi32>
    %rem3A_709 = vector.broadcast %jit3A_688 : i32 to vector<16xi32>
    %rem3A_710 = arith.remsi %get3A_684, %rem3A_709 : vector<16xi32>
    %ne3A_711 = arith.constant 0 : i32
    %ne3A_712 = vector.broadcast %ne3A_711 : i32 to vector<16xi32>
    %ne3A_713 = arith.cmpi ne, %rem3A_710, %ne3A_712 : vector<16xi32>
    %and3A_714 = arith.andi %ne3A_708, %ne3A_713 : vector<16xi1>
    %sub3A_715 = arith.constant 1 : i32
    %sub3A_716 = vector.broadcast %sub3A_715 : i32 to vector<16xi32>
    %sub3A_717 = arith.subi %div3A_690, %sub3A_716 : vector<16xi32>
    %select_n3A_718 = arith.select %and3A_714, %sub3A_717, %div3A_690 : vector<16xi1>, vector<16xi32>
    %sub3A_719 = arith.constant 63 : i32
    %sub3A_720 = vector.broadcast %sub3A_719 : i32 to vector<16xi32>
    %sub3A_721 = arith.subi %select_n3A_718, %sub3A_720 : vector<16xi32>
    %max3A_722 = arith.constant 0 : i32
    %max3A_723 = vector.broadcast %max3A_722 : i32 to vector<16xi32>
    %max3A_724 = arith.maxsi %sub3A_721, %max3A_723 : vector<16xi32>
    %jit3A_725 = arith.constant 8 : i32
    %eq3A_726 = arith.constant 0 : i32
    %eq3A_727 = arith.cmpi eq, %jit3A_725, %eq3A_726 : i32
    %jit3A_728 = arith.constant 1 : i32
    %select_n3A_729 = arith.select %eq3A_727, %jit3A_728, %jit3A_725 : i32
    %rem3A_730 = vector.broadcast %select_n3A_729 : i32 to vector<16xi32>
    %rem3A_731 = arith.remsi %get3A_684, %rem3A_730 : vector<16xi32>
    %ne3A_732 = arith.constant 0 : i32
    %ne3A_733 = vector.broadcast %ne3A_732 : i32 to vector<16xi32>
    %ne3A_734 = arith.cmpi ne, %rem3A_731, %ne3A_733 : vector<16xi32>
    %lt3A_735 = arith.constant 0 : i32
    %lt3A_736 = vector.broadcast %lt3A_735 : i32 to vector<16xi32>
    %lt3A_737 = arith.cmpi slt, %rem3A_731, %lt3A_736 : vector<16xi32>
    %lt3A_738 = arith.constant 0 : i32
    %lt3A_739 = arith.cmpi slt, %select_n3A_729, %lt3A_738 : i32
    %ne3A_740 = vector.broadcast %lt3A_739 : i1 to vector<16xi1>
    %ne3A_741 = vector.broadcast %ne3A_740 : vector<16xi1> to vector<16xi1>
    %ne3A_742 = arith.xori %lt3A_737, %ne3A_741 : vector<16xi1>
    %and3A_743 = arith.andi %ne3A_742, %ne3A_734 : vector<16xi1>
    %add3A_744 = vector.broadcast %select_n3A_729 : i32 to vector<16xi32>
    %add3A_745 = arith.addi %rem3A_731, %add3A_744 : vector<16xi32>
    %select_n3A_746 = arith.select %and3A_743, %add3A_745, %rem3A_731 : vector<16xi1>, vector<16xi32>
    %ge3A_747 = arith.constant 63 : i32
    %ge3A_748 = vector.broadcast %ge3A_747 : i32 to vector<16xi32>
    %ge3A_749 = arith.cmpi sge, %select_n3A_718, %ge3A_748 : vector<16xi32>
    tpu.vector_store_idx %arg6[%mul3A_8, %max3A_724, %mul3A_8, %select_n3A_746, %add3A_687], %broadcast_in_dim3A_5 masked %ge3A_749 : memref<1x62x1x8x128xf32, #tpu.memory_space<vmem>>[vector<16xi32>, vector<16xi32>, vector<16xi32>, vector<16xi32>, vector<16xi32>], vector<16xf32>, vector<16xi1>
    %get3A_750 = arith.constant 0 : i32
    %get3A_751 = arith.index_cast %get3A_750 : i32 to index
    %get3A_752 = arith.constant 48 : index
    %get3A_753 = tpu.vector_load %arg4[%get3A_751, %get3A_752] {strides = array<i32>} : memref<20x128xi32, #tpu.memory_space<vmem>>, vector<16xi32>,
    %add3A_754 = arith.constant 48 : i32
    %add3A_755 = vector.broadcast %add3A_754 : i32 to vector<16xi32>
    %add3A_756 = arith.addi %iota3A, %add3A_755 : vector<16xi32>
    %jit3A_757 = arith.constant 8 : i32
    %div3A_758 = vector.broadcast %jit3A_757 : i32 to vector<16xi32>
    %div3A_759 = arith.divsi %get3A_753, %div3A_758 : vector<16xi32>
    %sign3A_760 = arith.constant 0 : i32
    %sign3A_761 = vector.broadcast %sign3A_760 : i32 to vector<16xi32>
    %sign3A_762 = arith.cmpi sgt, %get3A_753, %sign3A_761 : vector<16xi32>
    %sign3A_763 = arith.extui %sign3A_762 : vector<16xi1> to vector<16xi32>
    %sign3A_764 = arith.constant 0 : i32
    %sign3A_765 = vector.broadcast %sign3A_764 : i32 to vector<16xi32>
    %sign3A_766 = arith.cmpi slt, %get3A_753, %sign3A_765 : vector<16xi32>
    %sign3A_767 = arith.extui %sign3A_766 : vector<16xi1> to vector<16xi32>
    %sign3A_768 = arith.subi %sign3A_763, %sign3A_767 : vector<16xi32>
    %sign3A_769 = arith.constant 0 : i32
    %sign3A_770 = arith.cmpi sgt, %jit3A_757, %sign3A_769 : i32
    %sign3A_771 = arith.extui %sign3A_770 : i1 to i32
    %sign3A_772 = arith.constant 0 : i32
    %sign3A_773 = arith.cmpi slt, %jit3A_757, %sign3A_772 : i32
    %sign3A_774 = arith.extui %sign3A_773 : i1 to i32
    %sign3A_775 = arith.subi %sign3A_771, %sign3A_774 : i32
    %ne3A_776 = vector.broadcast %sign3A_775 : i32 to vector<16xi32>
    %ne3A_777 = arith.cmpi ne, %sign3A_768, %ne3A_776 : vector<16xi32>
    %rem3A_778 = vector.broadcast %jit3A_757 : i32 to vector<16xi32>
    %rem3A_779 = arith.remsi %get3A_753, %rem3A_778 : vector<16xi32>
    %ne3A_780 = arith.constant 0 : i32
    %ne3A_781 = vector.broadcast %ne3A_780 : i32 to vector<16xi32>
    %ne3A_782 = arith.cmpi ne, %rem3A_779, %ne3A_781 : vector<16xi32>
    %and3A_783 = arith.andi %ne3A_777, %ne3A_782 : vector<16xi1>
    %sub3A_784 = arith.constant 1 : i32
    %sub3A_785 = vector.broadcast %sub3A_784 : i32 to vector<16xi32>
    %sub3A_786 = arith.subi %div3A_759, %sub3A_785 : vector<16xi32>
    %select_n3A_787 = arith.select %and3A_783, %sub3A_786, %div3A_759 : vector<16xi1>, vector<16xi32>
    %sub3A_788 = arith.constant 63 : i32
    %sub3A_789 = vector.broadcast %sub3A_788 : i32 to vector<16xi32>
    %sub3A_790 = arith.subi %select_n3A_787, %sub3A_789 : vector<16xi32>
    %max3A_791 = arith.constant 0 : i32
    %max3A_792 = vector.broadcast %max3A_791 : i32 to vector<16xi32>
    %max3A_793 = arith.maxsi %sub3A_790, %max3A_792 : vector<16xi32>
    %jit3A_794 = arith.constant 8 : i32
    %eq3A_795 = arith.constant 0 : i32
    %eq3A_796 = arith.cmpi eq, %jit3A_794, %eq3A_795 : i32
    %jit3A_797 = arith.constant 1 : i32
    %select_n3A_798 = arith.select %eq3A_796, %jit3A_797, %jit3A_794 : i32
    %rem3A_799 = vector.broadcast %select_n3A_798 : i32 to vector<16xi32>
    %rem3A_800 = arith.remsi %get3A_753, %rem3A_799 : vector<16xi32>
    %ne3A_801 = arith.constant 0 : i32
    %ne3A_802 = vector.broadcast %ne3A_801 : i32 to vector<16xi32>
    %ne3A_803 = arith.cmpi ne, %rem3A_800, %ne3A_802 : vector<16xi32>
    %lt3A_804 = arith.constant 0 : i32
    %lt3A_805 = vector.broadcast %lt3A_804 : i32 to vector<16xi32>
    %lt3A_806 = arith.cmpi slt, %rem3A_800, %lt3A_805 : vector<16xi32>
    %lt3A_807 = arith.constant 0 : i32
    %lt3A_808 = arith.cmpi slt, %select_n3A_798, %lt3A_807 : i32
    %ne3A_809 = vector.broadcast %lt3A_808 : i1 to vector<16xi1>
    %ne3A_810 = vector.broadcast %ne3A_809 : vector<16xi1> to vector<16xi1>
    %ne3A_811 = arith.xori %lt3A_806, %ne3A_810 : vector<16xi1>
    %and3A_812 = arith.andi %ne3A_811, %ne3A_803 : vector<16xi1>
    %add3A_813 = vector.broadcast %select_n3A_798 : i32 to vector<16xi32>
    %add3A_814 = arith.addi %rem3A_800, %add3A_813 : vector<16xi32>
    %select_n3A_815 = arith.select %and3A_812, %add3A_814, %rem3A_800 : vector<16xi1>, vector<16xi32>
    %ge3A_816 = arith.constant 63 : i32
    %ge3A_817 = vector.broadcast %ge3A_816 : i32 to vector<16xi32>
    %ge3A_818 = arith.cmpi sge, %select_n3A_787, %ge3A_817 : vector<16xi32>
    tpu.vector_store_idx %arg6[%mul3A_8, %max3A_793, %mul3A_8, %select_n3A_815, %add3A_756], %broadcast_in_dim3A_5 masked %ge3A_818 : memref<1x62x1x8x128xf32, #tpu.memory_space<vmem>>[vector<16xi32>, vector<16xi32>, vector<16xi32>, vector<16xi32>, vector<16xi32>], vector<16xf32>, vector<16xi1>
    %get3A_819 = arith.constant 0 : i32
    %get3A_820 = arith.index_cast %get3A_819 : i32 to index
    %get3A_821 = arith.constant 64 : index
    %get3A_822 = tpu.vector_load %arg4[%get3A_820, %get3A_821] {strides = array<i32>} : memref<20x128xi32, #tpu.memory_space<vmem>>, vector<16xi32>,
    %add3A_823 = arith.constant 64 : i32
    %add3A_824 = vector.broadcast %add3A_823 : i32 to vector<16xi32>
    %add3A_825 = arith.addi %iota3A, %add3A_824 : vector<16xi32>
    %jit3A_826 = arith.constant 8 : i32
    %div3A_827 = vector.broadcast %jit3A_826 : i32 to vector<16xi32>
    %div3A_828 = arith.divsi %get3A_822, %div3A_827 : vector<16xi32>
    %sign3A_829 = arith.constant 0 : i32
    %sign3A_830 = vector.broadcast %sign3A_829 : i32 to vector<16xi32>
    %sign3A_831 = arith.cmpi sgt, %get3A_822, %sign3A_830 : vector<16xi32>
    %sign3A_832 = arith.extui %sign3A_831 : vector<16xi1> to vector<16xi32>
    %sign3A_833 = arith.constant 0 : i32
    %sign3A_834 = vector.broadcast %sign3A_833 : i32 to vector<16xi32>
    %sign3A_835 = arith.cmpi slt, %get3A_822, %sign3A_834 : vector<16xi32>
    %sign3A_836 = arith.extui %sign3A_835 : vector<16xi1> to vector<16xi32>
    %sign3A_837 = arith.subi %sign3A_832, %sign3A_836 : vector<16xi32>
    %sign3A_838 = arith.constant 0 : i32
    %sign3A_839 = arith.cmpi sgt, %jit3A_826, %sign3A_838 : i32
    %sign3A_840 = arith.extui %sign3A_839 : i1 to i32
    %sign3A_841 = arith.constant 0 : i32
    %sign3A_842 = arith.cmpi slt, %jit3A_826, %sign3A_841 : i32
    %sign3A_843 = arith.extui %sign3A_842 : i1 to i32
    %sign3A_844 = arith.subi %sign3A_840, %sign3A_843 : i32
    %ne3A_845 = vector.broadcast %sign3A_844 : i32 to vector<16xi32>
    %ne3A_846 = arith.cmpi ne, %sign3A_837, %ne3A_845 : vector<16xi32>
    %rem3A_847 = vector.broadcast %jit3A_826 : i32 to vector<16xi32>
    %rem3A_848 = arith.remsi %get3A_822, %rem3A_847 : vector<16xi32>
    %ne3A_849 = arith.constant 0 : i32
    %ne3A_850 = vector.broadcast %ne3A_849 : i32 to vector<16xi32>
    %ne3A_851 = arith.cmpi ne, %rem3A_848, %ne3A_850 : vector<16xi32>
    %and3A_852 = arith.andi %ne3A_846, %ne3A_851 : vector<16xi1>
    %sub3A_853 = arith.constant 1 : i32
    %sub3A_854 = vector.broadcast %sub3A_853 : i32 to vector<16xi32>
    %sub3A_855 = arith.subi %div3A_828, %sub3A_854 : vector<16xi32>
    %select_n3A_856 = arith.select %and3A_852, %sub3A_855, %div3A_828 : vector<16xi1>, vector<16xi32>
    %sub3A_857 = arith.constant 63 : i32
    %sub3A_858 = vector.broadcast %sub3A_857 : i32 to vector<16xi32>
    %sub3A_859 = arith.subi %select_n3A_856, %sub3A_858 : vector<16xi32>
    %max3A_860 = arith.constant 0 : i32
    %max3A_861 = vector.broadcast %max3A_860 : i32 to vector<16xi32>
    %max3A_862 = arith.maxsi %sub3A_859, %max3A_861 : vector<16xi32>
    %jit3A_863 = arith.constant 8 : i32
    %eq3A_864 = arith.constant 0 : i32
    %eq3A_865 = arith.cmpi eq, %jit3A_863, %eq3A_864 : i32
    %jit3A_866 = arith.constant 1 : i32
    %select_n3A_867 = arith.select %eq3A_865, %jit3A_866, %jit3A_863 : i32
    %rem3A_868 = vector.broadcast %select_n3A_867 : i32 to vector<16xi32>
    %rem3A_869 = arith.remsi %get3A_822, %rem3A_868 : vector<16xi32>
    %ne3A_870 = arith.constant 0 : i32
    %ne3A_871 = vector.broadcast %ne3A_870 : i32 to vector<16xi32>
    %ne3A_872 = arith.cmpi ne, %rem3A_869, %ne3A_871 : vector<16xi32>
    %lt3A_873 = arith.constant 0 : i32
    %lt3A_874 = vector.broadcast %lt3A_873 : i32 to vector<16xi32>
    %lt3A_875 = arith.cmpi slt, %rem3A_869, %lt3A_874 : vector<16xi32>
    %lt3A_876 = arith.constant 0 : i32
    %lt3A_877 = arith.cmpi slt, %select_n3A_867, %lt3A_876 : i32
    %ne3A_878 = vector.broadcast %lt3A_877 : i1 to vector<16xi1>
    %ne3A_879 = vector.broadcast %ne3A_878 : vector<16xi1> to vector<16xi1>
    %ne3A_880 = arith.xori %lt3A_875, %ne3A_879 : vector<16xi1>
    %and3A_881 = arith.andi %ne3A_880, %ne3A_872 : vector<16xi1>
    %add3A_882 = vector.broadcast %select_n3A_867 : i32 to vector<16xi32>
    %add3A_883 = arith.addi %rem3A_869, %add3A_882 : vector<16xi32>
    %select_n3A_884 = arith.select %and3A_881, %add3A_883, %rem3A_869 : vector<16xi1>, vector<16xi32>
    %ge3A_885 = arith.constant 63 : i32
    %ge3A_886 = vector.broadcast %ge3A_885 : i32 to vector<16xi32>
    %ge3A_887 = arith.cmpi sge, %select_n3A_856, %ge3A_886 : vector<16xi32>
    tpu.vector_store_idx %arg6[%mul3A_8, %max3A_862, %mul3A_8, %select_n3A_884, %add3A_825], %broadcast_in_dim3A_5 masked %ge3A_887 : memref<1x62x1x8x128xf32, #tpu.memory_space<vmem>>[vector<16xi32>, vector<16xi32>, vector<16xi32>, vector<16xi32>, vector<16xi32>], vector<16xf32>, vector<16xi1>
    %get3A_888 = arith.constant 0 : i32
    %get3A_889 = arith.index_cast %get3A_888 : i32 to index
    %get3A_890 = arith.constant 80 : index
    %get3A_891 = tpu.vector_load %arg4[%get3A_889, %get3A_890] {strides = array<i32>} : memref<20x128xi32, #tpu.memory_space<vmem>>, vector<16xi32>,
    %add3A_892 = arith.constant 80 : i32
    %add3A_893 = vector.broadcast %add3A_892 : i32 to vector<16xi32>
    %add3A_894 = arith.addi %iota3A, %add3A_893 : vector<16xi32>
    %jit3A_895 = arith.constant 8 : i32
    %div3A_896 = vector.broadcast %jit3A_895 : i32 to vector<16xi32>
    %div3A_897 = arith.divsi %get3A_891, %div3A_896 : vector<16xi32>
    %sign3A_898 = arith.constant 0 : i32
    %sign3A_899 = vector.broadcast %sign3A_898 : i32 to vector<16xi32>
    %sign3A_900 = arith.cmpi sgt, %get3A_891, %sign3A_899 : vector<16xi32>
    %sign3A_901 = arith.extui %sign3A_900 : vector<16xi1> to vector<16xi32>
    %sign3A_902 = arith.constant 0 : i32
    %sign3A_903 = vector.broadcast %sign3A_902 : i32 to vector<16xi32>
    %sign3A_904 = arith.cmpi slt, %get3A_891, %sign3A_903 : vector<16xi32>
    %sign3A_905 = arith.extui %sign3A_904 : vector<16xi1> to vector<16xi32>
    %sign3A_906 = arith.subi %sign3A_901, %sign3A_905 : vector<16xi32>
    %sign3A_907 = arith.constant 0 : i32
    %sign3A_908 = arith.cmpi sgt, %jit3A_895, %sign3A_907 : i32
    %sign3A_909 = arith.extui %sign3A_908 : i1 to i32
    %sign3A_910 = arith.constant 0 : i32
    %sign3A_911 = arith.cmpi slt, %jit3A_895, %sign3A_910 : i32
    %sign3A_912 = arith.extui %sign3A_911 : i1 to i32
    %sign3A_913 = arith.subi %sign3A_909, %sign3A_912 : i32
    %ne3A_914 = vector.broadcast %sign3A_913 : i32 to vector<16xi32>
    %ne3A_915 = arith.cmpi ne, %sign3A_906, %ne3A_914 : vector<16xi32>
    %rem3A_916 = vector.broadcast %jit3A_895 : i32 to vector<16xi32>
    %rem3A_917 = arith.remsi %get3A_891, %rem3A_916 : vector<16xi32>
    %ne3A_918 = arith.constant 0 : i32
    %ne3A_919 = vector.broadcast %ne3A_918 : i32 to vector<16xi32>
    %ne3A_920 = arith.cmpi ne, %rem3A_917, %ne3A_919 : vector<16xi32>
    %and3A_921 = arith.andi %ne3A_915, %ne3A_920 : vector<16xi1>
    %sub3A_922 = arith.constant 1 : i32
    %sub3A_923 = vector.broadcast %sub3A_922 : i32 to vector<16xi32>
    %sub3A_924 = arith.subi %div3A_897, %sub3A_923 : vector<16xi32>
    %select_n3A_925 = arith.select %and3A_921, %sub3A_924, %div3A_897 : vector<16xi1>, vector<16xi32>
    %sub3A_926 = arith.constant 63 : i32
    %sub3A_927 = vector.broadcast %sub3A_926 : i32 to vector<16xi32>
    %sub3A_928 = arith.subi %select_n3A_925, %sub3A_927 : vector<16xi32>
    %max3A_929 = arith.constant 0 : i32
    %max3A_930 = vector.broadcast %max3A_929 : i32 to vector<16xi32>
    %max3A_931 = arith.maxsi %sub3A_928, %max3A_930 : vector<16xi32>
    %jit3A_932 = arith.constant 8 : i32
    %eq3A_933 = arith.constant 0 : i32
    %eq3A_934 = arith.cmpi eq, %jit3A_932, %eq3A_933 : i32
    %jit3A_935 = arith.constant 1 : i32
    %select_n3A_936 = arith.select %eq3A_934, %jit3A_935, %jit3A_932 : i32
    %rem3A_937 = vector.broadcast %select_n3A_936 : i32 to vector<16xi32>
    %rem3A_938 = arith.remsi %get3A_891, %rem3A_937 : vector<16xi32>
    %ne3A_939 = arith.constant 0 : i32
    %ne3A_940 = vector.broadcast %ne3A_939 : i32 to vector<16xi32>
    %ne3A_941 = arith.cmpi ne, %rem3A_938, %ne3A_940 : vector<16xi32>
    %lt3A_942 = arith.constant 0 : i32
    %lt3A_943 = vector.broadcast %lt3A_942 : i32 to vector<16xi32>
    %lt3A_944 = arith.cmpi slt, %rem3A_938, %lt3A_943 : vector<16xi32>
    %lt3A_945 = arith.constant 0 : i32
    %lt3A_946 = arith.cmpi slt, %select_n3A_936, %lt3A_945 : i32
    %ne3A_947 = vector.broadcast %lt3A_946 : i1 to vector<16xi1>
    %ne3A_948 = vector.broadcast %ne3A_947 : vector<16xi1> to vector<16xi1>
    %ne3A_949 = arith.xori %lt3A_944, %ne3A_948 : vector<16xi1>
    %and3A_950 = arith.andi %ne3A_949, %ne3A_941 : vector<16xi1>
    %add3A_951 = vector.broadcast %select_n3A_936 : i32 to vector<16xi32>
    %add3A_952 = arith.addi %rem3A_938, %add3A_951 : vector<16xi32>
    %select_n3A_953 = arith.select %and3A_950, %add3A_952, %rem3A_938 : vector<16xi1>, vector<16xi32>
    %ge3A_954 = arith.constant 63 : i32
    %ge3A_955 = vector.broadcast %ge3A_954 : i32 to vector<16xi32>
    %ge3A_956 = arith.cmpi sge, %select_n3A_925, %ge3A_955 : vector<16xi32>
    tpu.vector_store_idx %arg6[%mul3A_8, %max3A_931, %mul3A_8, %select_n3A_953, %add3A_894], %broadcast_in_dim3A_5 masked %ge3A_956 : memref<1x62x1x8x128xf32, #tpu.memory_space<vmem>>[vector<16xi32>, vector<16xi32>, vector<16xi32>, vector<16xi32>, vector<16xi32>], vector<16xf32>, vector<16xi1>
    %get3A_957 = arith.constant 0 : i32
    %get3A_958 = arith.index_cast %get3A_957 : i32 to index
    %get3A_959 = arith.constant 96 : index
    %get3A_960 = tpu.vector_load %arg4[%get3A_958, %get3A_959] {strides = array<i32>} : memref<20x128xi32, #tpu.memory_space<vmem>>, vector<16xi32>,
    %add3A_961 = arith.constant 96 : i32
    %add3A_962 = vector.broadcast %add3A_961 : i32 to vector<16xi32>
    %add3A_963 = arith.addi %iota3A, %add3A_962 : vector<16xi32>
    %jit3A_964 = arith.constant 8 : i32
    %div3A_965 = vector.broadcast %jit3A_964 : i32 to vector<16xi32>
    %div3A_966 = arith.divsi %get3A_960, %div3A_965 : vector<16xi32>
    %sign3A_967 = arith.constant 0 : i32
    %sign3A_968 = vector.broadcast %sign3A_967 : i32 to vector<16xi32>
    %sign3A_969 = arith.cmpi sgt, %get3A_960, %sign3A_968 : vector<16xi32>
    %sign3A_970 = arith.extui %sign3A_969 : vector<16xi1> to vector<16xi32>
    %sign3A_971 = arith.constant 0 : i32
    %sign3A_972 = vector.broadcast %sign3A_971 : i32 to vector<16xi32>
    %sign3A_973 = arith.cmpi slt, %get3A_960, %sign3A_972 : vector<16xi32>
    %sign3A_974 = arith.extui %sign3A_973 : vector<16xi1> to vector<16xi32>
    %sign3A_975 = arith.subi %sign3A_970, %sign3A_974 : vector<16xi32>
    %sign3A_976 = arith.constant 0 : i32
    %sign3A_977 = arith.cmpi sgt, %jit3A_964, %sign3A_976 : i32
    %sign3A_978 = arith.extui %sign3A_977 : i1 to i32
    %sign3A_979 = arith.constant 0 : i32
    %sign3A_980 = arith.cmpi slt, %jit3A_964, %sign3A_979 : i32
    %sign3A_981 = arith.extui %sign3A_980 : i1 to i32
    %sign3A_982 = arith.subi %sign3A_978, %sign3A_981 : i32
    %ne3A_983 = vector.broadcast %sign3A_982 : i32 to vector<16xi32>
    %ne3A_984 = arith.cmpi ne, %sign3A_975, %ne3A_983 : vector<16xi32>
    %rem3A_985 = vector.broadcast %jit3A_964 : i32 to vector<16xi32>
    %rem3A_986 = arith.remsi %get3A_960, %rem3A_985 : vector<16xi32>
    %ne3A_987 = arith.constant 0 : i32
    %ne3A_988 = vector.broadcast %ne3A_987 : i32 to vector<16xi32>
    %ne3A_989 = arith.cmpi ne, %rem3A_986, %ne3A_988 : vector<16xi32>
    %and3A_990 = arith.andi %ne3A_984, %ne3A_989 : vector<16xi1>
    %sub3A_991 = arith.constant 1 : i32
    %sub3A_992 = vector.broadcast %sub3A_991 : i32 to vector<16xi32>
    %sub3A_993 = arith.subi %div3A_966, %sub3A_992 : vector<16xi32>
    %select_n3A_994 = arith.select %and3A_990, %sub3A_993, %div3A_966 : vector<16xi1>, vector<16xi32>
    %sub3A_995 = arith.constant 63 : i32
    %sub3A_996 = vector.broadcast %sub3A_995 : i32 to vector<16xi32>
    %sub3A_997 = arith.subi %select_n3A_994, %sub3A_996 : vector<16xi32>
    %max3A_998 = arith.constant 0 : i32
    %max3A_999 = vector.broadcast %max3A_998 : i32 to vector<16xi32>
    %max3A_1000 = arith.maxsi %sub3A_997, %max3A_999 : vector<16xi32>
    %jit3A_1001 = arith.constant 8 : i32
    %eq3A_1002 = arith.constant 0 : i32
    %eq3A_1003 = arith.cmpi eq, %jit3A_1001, %eq3A_1002 : i32
    %jit3A_1004 = arith.constant 1 : i32
    %select_n3A_1005 = arith.select %eq3A_1003, %jit3A_1004, %jit3A_1001 : i32
    %rem3A_1006 = vector.broadcast %select_n3A_1005 : i32 to vector<16xi32>
    %rem3A_1007 = arith.remsi %get3A_960, %rem3A_1006 : vector<16xi32>
    %ne3A_1008 = arith.constant 0 : i32
    %ne3A_1009 = vector.broadcast %ne3A_1008 : i32 to vector<16xi32>
    %ne3A_1010 = arith.cmpi ne, %rem3A_1007, %ne3A_1009 : vector<16xi32>
    %lt3A_1011 = arith.constant 0 : i32
    %lt3A_1012 = vector.broadcast %lt3A_1011 : i32 to vector<16xi32>
    %lt3A_1013 = arith.cmpi slt, %rem3A_1007, %lt3A_1012 : vector<16xi32>
    %lt3A_1014 = arith.constant 0 : i32
    %lt3A_1015 = arith.cmpi slt, %select_n3A_1005, %lt3A_1014 : i32
    %ne3A_1016 = vector.broadcast %lt3A_1015 : i1 to vector<16xi1>
    %ne3A_1017 = vector.broadcast %ne3A_1016 : vector<16xi1> to vector<16xi1>
    %ne3A_1018 = arith.xori %lt3A_1013, %ne3A_1017 : vector<16xi1>
    %and3A_1019 = arith.andi %ne3A_1018, %ne3A_1010 : vector<16xi1>
    %add3A_1020 = vector.broadcast %select_n3A_1005 : i32 to vector<16xi32>
    %add3A_1021 = arith.addi %rem3A_1007, %add3A_1020 : vector<16xi32>
    %select_n3A_1022 = arith.select %and3A_1019, %add3A_1021, %rem3A_1007 : vector<16xi1>, vector<16xi32>
    %ge3A_1023 = arith.constant 63 : i32
    %ge3A_1024 = vector.broadcast %ge3A_1023 : i32 to vector<16xi32>
    %ge3A_1025 = arith.cmpi sge, %select_n3A_994, %ge3A_1024 : vector<16xi32>
    tpu.vector_store_idx %arg6[%mul3A_8, %max3A_1000, %mul3A_8, %select_n3A_1022, %add3A_963], %broadcast_in_dim3A_5 masked %ge3A_1025 : memref<1x62x1x8x128xf32, #tpu.memory_space<vmem>>[vector<16xi32>, vector<16xi32>, vector<16xi32>, vector<16xi32>, vector<16xi32>], vector<16xf32>, vector<16xi1>
    %get3A_1026 = arith.constant 0 : i32
    %get3A_1027 = arith.index_cast %get3A_1026 : i32 to index
    %get3A_1028 = arith.constant 112 : index
    %get3A_1029 = tpu.vector_load %arg4[%get3A_1027, %get3A_1028] {strides = array<i32>} : memref<20x128xi32, #tpu.memory_space<vmem>>, vector<16xi32>,
    %add3A_1030 = arith.constant 112 : i32
    %add3A_1031 = vector.broadcast %add3A_1030 : i32 to vector<16xi32>
    %add3A_1032 = arith.addi %iota3A, %add3A_1031 : vector<16xi32>
    %jit3A_1033 = arith.constant 8 : i32
    %div3A_1034 = vector.broadcast %jit3A_1033 : i32 to vector<16xi32>
    %div3A_1035 = arith.divsi %get3A_1029, %div3A_1034 : vector<16xi32>
    %sign3A_1036 = arith.constant 0 : i32
    %sign3A_1037 = vector.broadcast %sign3A_1036 : i32 to vector<16xi32>
    %sign3A_1038 = arith.cmpi sgt, %get3A_1029, %sign3A_1037 : vector<16xi32>
    %sign3A_1039 = arith.extui %sign3A_1038 : vector<16xi1> to vector<16xi32>
    %sign3A_1040 = arith.constant 0 : i32
    %sign3A_1041 = vector.broadcast %sign3A_1040 : i32 to vector<16xi32>
    %sign3A_1042 = arith.cmpi slt, %get3A_1029, %sign3A_1041 : vector<16xi32>
    %sign3A_1043 = arith.extui %sign3A_1042 : vector<16xi1> to vector<16xi32>
    %sign3A_1044 = arith.subi %sign3A_1039, %sign3A_1043 : vector<16xi32>
    %sign3A_1045 = arith.constant 0 : i32
    %sign3A_1046 = arith.cmpi sgt, %jit3A_1033, %sign3A_1045 : i32
    %sign3A_1047 = arith.extui %sign3A_1046 : i1 to i32
    %sign3A_1048 = arith.constant 0 : i32
    %sign3A_1049 = arith.cmpi slt, %jit3A_1033, %sign3A_1048 : i32
    %sign3A_1050 = arith.extui %sign3A_1049 : i1 to i32
    %sign3A_1051 = arith.subi %sign3A_1047, %sign3A_1050 : i32
    %ne3A_1052 = vector.broadcast %sign3A_1051 : i32 to vector<16xi32>
    %ne3A_1053 = arith.cmpi ne, %sign3A_1044, %ne3A_1052 : vector<16xi32>
    %rem3A_1054 = vector.broadcast %jit3A_1033 : i32 to vector<16xi32>
    %rem3A_1055 = arith.remsi %get3A_1029, %rem3A_1054 : vector<16xi32>
    %ne3A_1056 = arith.constant 0 : i32
    %ne3A_1057 = vector.broadcast %ne3A_1056 : i32 to vector<16xi32>
    %ne3A_1058 = arith.cmpi ne, %rem3A_1055, %ne3A_1057 : vector<16xi32>
    %and3A_1059 = arith.andi %ne3A_1053, %ne3A_1058 : vector<16xi1>
    %sub3A_1060 = arith.constant 1 : i32
    %sub3A_1061 = vector.broadcast %sub3A_1060 : i32 to vector<16xi32>
    %sub3A_1062 = arith.subi %div3A_1035, %sub3A_1061 : vector<16xi32>
    %select_n3A_1063 = arith.select %and3A_1059, %sub3A_1062, %div3A_1035 : vector<16xi1>, vector<16xi32>
    %sub3A_1064 = arith.constant 63 : i32
    %sub3A_1065 = vector.broadcast %sub3A_1064 : i32 to vector<16xi32>
    %sub3A_1066 = arith.subi %select_n3A_1063, %sub3A_1065 : vector<16xi32>
    %max3A_1067 = arith.constant 0 : i32
    %max3A_1068 = vector.broadcast %max3A_1067 : i32 to vector<16xi32>
    %max3A_1069 = arith.maxsi %sub3A_1066, %max3A_1068 : vector<16xi32>
    %jit3A_1070 = arith.constant 8 : i32
    %eq3A_1071 = arith.constant 0 : i32
    %eq3A_1072 = arith.cmpi eq, %jit3A_1070, %eq3A_1071 : i32
    %jit3A_1073 = arith.constant 1 : i32
    %select_n3A_1074 = arith.select %eq3A_1072, %jit3A_1073, %jit3A_1070 : i32
    %rem3A_1075 = vector.broadcast %select_n3A_1074 : i32 to vector<16xi32>
    %rem3A_1076 = arith.remsi %get3A_1029, %rem3A_1075 : vector<16xi32>
    %ne3A_1077 = arith.constant 0 : i32
    %ne3A_1078 = vector.broadcast %ne3A_1077 : i32 to vector<16xi32>
    %ne3A_1079 = arith.cmpi ne, %rem3A_1076, %ne3A_1078 : vector<16xi32>
    %lt3A_1080 = arith.constant 0 : i32
    %lt3A_1081 = vector.broadcast %lt3A_1080 : i32 to vector<16xi32>
    %lt3A_1082 = arith.cmpi slt, %rem3A_1076, %lt3A_1081 : vector<16xi32>
    %lt3A_1083 = arith.constant 0 : i32
    %lt3A_1084 = arith.cmpi slt, %select_n3A_1074, %lt3A_1083 : i32
    %ne3A_1085 = vector.broadcast %lt3A_1084 : i1 to vector<16xi1>
    %ne3A_1086 = vector.broadcast %ne3A_1085 : vector<16xi1> to vector<16xi1>
    %ne3A_1087 = arith.xori %lt3A_1082, %ne3A_1086 : vector<16xi1>
    %and3A_1088 = arith.andi %ne3A_1087, %ne3A_1079 : vector<16xi1>
    %add3A_1089 = vector.broadcast %select_n3A_1074 : i32 to vector<16xi32>
    %add3A_1090 = arith.addi %rem3A_1076, %add3A_1089 : vector<16xi32>
    %select_n3A_1091 = arith.select %and3A_1088, %add3A_1090, %rem3A_1076 : vector<16xi1>, vector<16xi32>
    %ge3A_1092 = arith.constant 63 : i32
    %ge3A_1093 = vector.broadcast %ge3A_1092 : i32 to vector<16xi32>
    %ge3A_1094 = arith.cmpi sge, %select_n3A_1063, %ge3A_1093 : vector<16xi32>
    tpu.vector_store_idx %arg6[%mul3A_8, %max3A_1069, %mul3A_8, %select_n3A_1091, %add3A_1032], %broadcast_in_dim3A_5 masked %ge3A_1094 : memref<1x62x1x8x128xf32, #tpu.memory_space<vmem>>[vector<16xi32>, vector<16xi32>, vector<16xi32>, vector<16xi32>, vector<16xi32>], vector<16xf32>, vector<16xi1>
    %dma_start3A_1095 = arith.constant 0 : i32
    %dma_start3A_1096 = arith.constant 63 : i32
    %dma_start3A_1097 = arith.constant 0 : i32
    %dma_start3A_1098 = arith.constant 0 : i32
    %dma_start3A_1099 = tpu.memref_slice %arg3[%dma_start3A_1095, %dma_start3A_1096, %add3A, %dma_start3A_1097, %dma_start3A_1098] : memref<20x125x32x8x128xf32, #tpu.memory_space<hbm>> -> memref<1x62x1x8x128xf32, #tpu.memory_space<hbm>>
    %dma_start3A_1100 = arith.constant 0 : i32
    %dma_start3A_1101 = arith.constant 63 : i32
    %dma_start3A_1102 = arith.constant 0 : i32
    %dma_start3A_1103 = arith.constant 0 : i32
    %dma_start3A_1104 = tpu.memref_slice %arg3[%dma_start3A_1100, %dma_start3A_1101, %add3A, %dma_start3A_1102, %dma_start3A_1103] : memref<20x125x32x8x128xf32, #tpu.memory_space<hbm>> -> memref<1x62x1x8x128xf32, #tpu.memory_space<hbm>>
    tpu.enqueue_dma source(%arg6 : memref<1x62x1x8x128xf32, #tpu.memory_space<vmem>>) target(%dma_start3A_1104 : memref<1x62x1x8x128xf32, #tpu.memory_space<hbm>>) target_semaphore(%arg8 : memref<!tpu.dma_semaphore, #tpu.memory_space<semaphore_mem>>)
    %scan3A_1105 = arith.constant 0 : i32
    %scan3A_1106 = arith.constant 1 : i32
    %scan3A_1107 = arith.constant 19 : i32
    %scan3A_1108 = arith.addi %scan3A_1106, %scan3A_1107 : i32
    %scan3A_1109 = arith.constant 1 : i32
    scf.for %scan3A_1130 = %scan3A_1106 to %scan3A_1108 step %scan3A_1109  : i32 {
      %dma_wait3A_1131 = arith.constant 0 : i32
      %dma_wait3A_1132 = arith.constant 0 : i32
      %dma_wait3A_1133 = arith.constant 0 : i32
      %dma_wait3A_1134 = arith.constant 0 : i32
      %dma_wait3A_1135 = tpu.memref_slice %arg3[%dma_wait3A_1131, %dma_wait3A_1132, %add3A, %dma_wait3A_1133, %dma_wait3A_1134] : memref<20x125x32x8x128xf32, #tpu.memory_space<hbm>> -> memref<1x63x1x8x128xf32, #tpu.memory_space<hbm>>
      %dma_wait3A_1136 = arith.constant 0 : i32
      %dma_wait3A_1137 = arith.constant 0 : i32
      %dma_wait3A_1138 = arith.constant 0 : i32
      %dma_wait3A_1139 = arith.constant 0 : i32
      %dma_wait3A_1140 = tpu.memref_slice %arg3[%dma_wait3A_1136, %dma_wait3A_1137, %add3A, %dma_wait3A_1138, %dma_wait3A_1139] : memref<20x125x32x8x128xf32, #tpu.memory_space<hbm>> -> memref<1x63x1x8x128xf32, #tpu.memory_space<hbm>>
      tpu.wait_dma2 semaphore(%arg7 : memref<!tpu.dma_semaphore, #tpu.memory_space<semaphore_mem>>) src(%arg5 : memref<1x63x1x8x128xf32, #tpu.memory_space<vmem>>) dst(%dma_wait3A_1140 : memref<1x63x1x8x128xf32, #tpu.memory_space<hbm>>)
      %sub3A_1141 = arith.constant 1 : i32
      %sub3A_1142 = arith.subi %scan3A_1130, %sub3A_1141 : i32
      %get3A_1143 = arith.index_cast %sub3A_1142 : i32 to index
      %get3A_1144 = arith.constant 0 : index
      %get3A_1145 = tpu.vector_load %arg4[%get3A_1143, %get3A_1144] {strides = array<i32>} : memref<20x128xi32, #tpu.memory_space<vmem>>, vector<16xi32>,
      %add3A_1146 = arith.constant 0 : i32
      %add3A_1147 = vector.broadcast %add3A_1146 : i32 to vector<16xi32>
      %add3A_1148 = arith.addi %iota3A, %add3A_1147 : vector<16xi32>
      %jit3A_1149 = arith.constant 8 : i32
      %div3A_1150 = vector.broadcast %jit3A_1149 : i32 to vector<16xi32>
      %div3A_1151 = arith.divsi %get3A_1145, %div3A_1150 : vector<16xi32>
      %sign3A_1152 = arith.constant 0 : i32
      %sign3A_1153 = vector.broadcast %sign3A_1152 : i32 to vector<16xi32>
      %sign3A_1154 = arith.cmpi sgt, %get3A_1145, %sign3A_1153 : vector<16xi32>
      %sign3A_1155 = arith.extui %sign3A_1154 : vector<16xi1> to vector<16xi32>
      %sign3A_1156 = arith.constant 0 : i32
      %sign3A_1157 = vector.broadcast %sign3A_1156 : i32 to vector<16xi32>
      %sign3A_1158 = arith.cmpi slt, %get3A_1145, %sign3A_1157 : vector<16xi32>
      %sign3A_1159 = arith.extui %sign3A_1158 : vector<16xi1> to vector<16xi32>
      %sign3A_1160 = arith.subi %sign3A_1155, %sign3A_1159 : vector<16xi32>
      %sign3A_1161 = arith.constant 0 : i32
      %sign3A_1162 = arith.cmpi sgt, %jit3A_1149, %sign3A_1161 : i32
      %sign3A_1163 = arith.extui %sign3A_1162 : i1 to i32
      %sign3A_1164 = arith.constant 0 : i32
      %sign3A_1165 = arith.cmpi slt, %jit3A_1149, %sign3A_1164 : i32
      %sign3A_1166 = arith.extui %sign3A_1165 : i1 to i32
      %sign3A_1167 = arith.subi %sign3A_1163, %sign3A_1166 : i32
      %ne3A_1168 = vector.broadcast %sign3A_1167 : i32 to vector<16xi32>
      %ne3A_1169 = arith.cmpi ne, %sign3A_1160, %ne3A_1168 : vector<16xi32>
      %rem3A_1170 = vector.broadcast %jit3A_1149 : i32 to vector<16xi32>
      %rem3A_1171 = arith.remsi %get3A_1145, %rem3A_1170 : vector<16xi32>
      %ne3A_1172 = arith.constant 0 : i32
      %ne3A_1173 = vector.broadcast %ne3A_1172 : i32 to vector<16xi32>
      %ne3A_1174 = arith.cmpi ne, %rem3A_1171, %ne3A_1173 : vector<16xi32>
      %and3A_1175 = arith.andi %ne3A_1169, %ne3A_1174 : vector<16xi1>
      %sub3A_1176 = arith.constant 1 : i32
      %sub3A_1177 = vector.broadcast %sub3A_1176 : i32 to vector<16xi32>
      %sub3A_1178 = arith.subi %div3A_1151, %sub3A_1177 : vector<16xi32>
      %select_n3A_1179 = arith.select %and3A_1175, %sub3A_1178, %div3A_1151 : vector<16xi1>, vector<16xi32>
      %min3A_1180 = arith.constant 62 : i32
      %min3A_1181 = vector.broadcast %min3A_1180 : i32 to vector<16xi32>
      %min3A_1182 = arith.minsi %select_n3A_1179, %min3A_1181 : vector<16xi32>
      %jit3A_1183 = arith.constant 8 : i32
      %eq3A_1184 = arith.constant 0 : i32
      %eq3A_1185 = arith.cmpi eq, %jit3A_1183, %eq3A_1184 : i32
      %jit3A_1186 = arith.constant 1 : i32
      %select_n3A_1187 = arith.select %eq3A_1185, %jit3A_1186, %jit3A_1183 : i32
      %rem3A_1188 = vector.broadcast %select_n3A_1187 : i32 to vector<16xi32>
      %rem3A_1189 = arith.remsi %get3A_1145, %rem3A_1188 : vector<16xi32>
      %ne3A_1190 = arith.constant 0 : i32
      %ne3A_1191 = vector.broadcast %ne3A_1190 : i32 to vector<16xi32>
      %ne3A_1192 = arith.cmpi ne, %rem3A_1189, %ne3A_1191 : vector<16xi32>
      %lt3A_1193 = arith.constant 0 : i32
      %lt3A_1194 = vector.broadcast %lt3A_1193 : i32 to vector<16xi32>
      %lt3A_1195 = arith.cmpi slt, %rem3A_1189, %lt3A_1194 : vector<16xi32>
      %lt3A_1196 = arith.constant 0 : i32
      %lt3A_1197 = arith.cmpi slt, %select_n3A_1187, %lt3A_1196 : i32
      %ne3A_1198 = vector.broadcast %lt3A_1197 : i1 to vector<16xi1>
      %ne3A_1199 = vector.broadcast %ne3A_1198 : vector<16xi1> to vector<16xi1>
      %ne3A_1200 = arith.xori %lt3A_1195, %ne3A_1199 : vector<16xi1>
      %and3A_1201 = arith.andi %ne3A_1200, %ne3A_1192 : vector<16xi1>
      %add3A_1202 = vector.broadcast %select_n3A_1187 : i32 to vector<16xi32>
      %add3A_1203 = arith.addi %rem3A_1189, %add3A_1202 : vector<16xi32>
      %select_n3A_1204 = arith.select %and3A_1201, %add3A_1203, %rem3A_1189 : vector<16xi1>, vector<16xi32>
      %lt3A_1205 = arith.constant 63 : i32
      %lt3A_1206 = vector.broadcast %lt3A_1205 : i32 to vector<16xi32>
      %lt3A_1207 = arith.cmpi slt, %select_n3A_1179, %lt3A_1206 : vector<16xi32>
      tpu.vector_store_idx %arg5[%mul3A_8, %min3A_1182, %mul3A_8, %select_n3A_1204, %add3A_1148], %broadcast_in_dim3A_3 masked %lt3A_1207 : memref<1x63x1x8x128xf32, #tpu.memory_space<vmem>>[vector<16xi32>, vector<16xi32>, vector<16xi32>, vector<16xi32>, vector<16xi32>], vector<16xf32>, vector<16xi1>
      %get3A_1208 = arith.index_cast %sub3A_1142 : i32 to index
      %get3A_1209 = arith.constant 16 : index
      %get3A_1210 = tpu.vector_load %arg4[%get3A_1208, %get3A_1209] {strides = array<i32>} : memref<20x128xi32, #tpu.memory_space<vmem>>, vector<16xi32>,
      %add3A_1211 = arith.constant 16 : i32
      %add3A_1212 = vector.broadcast %add3A_1211 : i32 to vector<16xi32>
      %add3A_1213 = arith.addi %iota3A, %add3A_1212 : vector<16xi32>
      %jit3A_1214 = arith.constant 8 : i32
      %div3A_1215 = vector.broadcast %jit3A_1214 : i32 to vector<16xi32>
      %div3A_1216 = arith.divsi %get3A_1210, %div3A_1215 : vector<16xi32>
      %sign3A_1217 = arith.constant 0 : i32
      %sign3A_1218 = vector.broadcast %sign3A_1217 : i32 to vector<16xi32>
      %sign3A_1219 = arith.cmpi sgt, %get3A_1210, %sign3A_1218 : vector<16xi32>
      %sign3A_1220 = arith.extui %sign3A_1219 : vector<16xi1> to vector<16xi32>
      %sign3A_1221 = arith.constant 0 : i32
      %sign3A_1222 = vector.broadcast %sign3A_1221 : i32 to vector<16xi32>
      %sign3A_1223 = arith.cmpi slt, %get3A_1210, %sign3A_1222 : vector<16xi32>
      %sign3A_1224 = arith.extui %sign3A_1223 : vector<16xi1> to vector<16xi32>
      %sign3A_1225 = arith.subi %sign3A_1220, %sign3A_1224 : vector<16xi32>
      %sign3A_1226 = arith.constant 0 : i32
      %sign3A_1227 = arith.cmpi sgt, %jit3A_1214, %sign3A_1226 : i32
      %sign3A_1228 = arith.extui %sign3A_1227 : i1 to i32
      %sign3A_1229 = arith.constant 0 : i32
      %sign3A_1230 = arith.cmpi slt, %jit3A_1214, %sign3A_1229 : i32
      %sign3A_1231 = arith.extui %sign3A_1230 : i1 to i32
      %sign3A_1232 = arith.subi %sign3A_1228, %sign3A_1231 : i32
      %ne3A_1233 = vector.broadcast %sign3A_1232 : i32 to vector<16xi32>
      %ne3A_1234 = arith.cmpi ne, %sign3A_1225, %ne3A_1233 : vector<16xi32>
      %rem3A_1235 = vector.broadcast %jit3A_1214 : i32 to vector<16xi32>
      %rem3A_1236 = arith.remsi %get3A_1210, %rem3A_1235 : vector<16xi32>
      %ne3A_1237 = arith.constant 0 : i32
      %ne3A_1238 = vector.broadcast %ne3A_1237 : i32 to vector<16xi32>
      %ne3A_1239 = arith.cmpi ne, %rem3A_1236, %ne3A_1238 : vector<16xi32>
      %and3A_1240 = arith.andi %ne3A_1234, %ne3A_1239 : vector<16xi1>
      %sub3A_1241 = arith.constant 1 : i32
      %sub3A_1242 = vector.broadcast %sub3A_1241 : i32 to vector<16xi32>
      %sub3A_1243 = arith.subi %div3A_1216, %sub3A_1242 : vector<16xi32>
      %select_n3A_1244 = arith.select %and3A_1240, %sub3A_1243, %div3A_1216 : vector<16xi1>, vector<16xi32>
      %min3A_1245 = arith.constant 62 : i32
      %min3A_1246 = vector.broadcast %min3A_1245 : i32 to vector<16xi32>
      %min3A_1247 = arith.minsi %select_n3A_1244, %min3A_1246 : vector<16xi32>
      %jit3A_1248 = arith.constant 8 : i32
      %eq3A_1249 = arith.constant 0 : i32
      %eq3A_1250 = arith.cmpi eq, %jit3A_1248, %eq3A_1249 : i32
      %jit3A_1251 = arith.constant 1 : i32
      %select_n3A_1252 = arith.select %eq3A_1250, %jit3A_1251, %jit3A_1248 : i32
      %rem3A_1253 = vector.broadcast %select_n3A_1252 : i32 to vector<16xi32>
      %rem3A_1254 = arith.remsi %get3A_1210, %rem3A_1253 : vector<16xi32>
      %ne3A_1255 = arith.constant 0 : i32
      %ne3A_1256 = vector.broadcast %ne3A_1255 : i32 to vector<16xi32>
      %ne3A_1257 = arith.cmpi ne, %rem3A_1254, %ne3A_1256 : vector<16xi32>
      %lt3A_1258 = arith.constant 0 : i32
      %lt3A_1259 = vector.broadcast %lt3A_1258 : i32 to vector<16xi32>
      %lt3A_1260 = arith.cmpi slt, %rem3A_1254, %lt3A_1259 : vector<16xi32>
      %lt3A_1261 = arith.constant 0 : i32
      %lt3A_1262 = arith.cmpi slt, %select_n3A_1252, %lt3A_1261 : i32
      %ne3A_1263 = vector.broadcast %lt3A_1262 : i1 to vector<16xi1>
      %ne3A_1264 = vector.broadcast %ne3A_1263 : vector<16xi1> to vector<16xi1>
      %ne3A_1265 = arith.xori %lt3A_1260, %ne3A_1264 : vector<16xi1>
      %and3A_1266 = arith.andi %ne3A_1265, %ne3A_1257 : vector<16xi1>
      %add3A_1267 = vector.broadcast %select_n3A_1252 : i32 to vector<16xi32>
      %add3A_1268 = arith.addi %rem3A_1254, %add3A_1267 : vector<16xi32>
      %select_n3A_1269 = arith.select %and3A_1266, %add3A_1268, %rem3A_1254 : vector<16xi1>, vector<16xi32>
      %lt3A_1270 = arith.constant 63 : i32
      %lt3A_1271 = vector.broadcast %lt3A_1270 : i32 to vector<16xi32>
      %lt3A_1272 = arith.cmpi slt, %select_n3A_1244, %lt3A_1271 : vector<16xi32>
      tpu.vector_store_idx %arg5[%mul3A_8, %min3A_1247, %mul3A_8, %select_n3A_1269, %add3A_1213], %broadcast_in_dim3A_3 masked %lt3A_1272 : memref<1x63x1x8x128xf32, #tpu.memory_space<vmem>>[vector<16xi32>, vector<16xi32>, vector<16xi32>, vector<16xi32>, vector<16xi32>], vector<16xf32>, vector<16xi1>
      %get3A_1273 = arith.index_cast %sub3A_1142 : i32 to index
      %get3A_1274 = arith.constant 32 : index
      %get3A_1275 = tpu.vector_load %arg4[%get3A_1273, %get3A_1274] {strides = array<i32>} : memref<20x128xi32, #tpu.memory_space<vmem>>, vector<16xi32>,
      %add3A_1276 = arith.constant 32 : i32
      %add3A_1277 = vector.broadcast %add3A_1276 : i32 to vector<16xi32>
      %add3A_1278 = arith.addi %iota3A, %add3A_1277 : vector<16xi32>
      %jit3A_1279 = arith.constant 8 : i32
      %div3A_1280 = vector.broadcast %jit3A_1279 : i32 to vector<16xi32>
      %div3A_1281 = arith.divsi %get3A_1275, %div3A_1280 : vector<16xi32>
      %sign3A_1282 = arith.constant 0 : i32
      %sign3A_1283 = vector.broadcast %sign3A_1282 : i32 to vector<16xi32>
      %sign3A_1284 = arith.cmpi sgt, %get3A_1275, %sign3A_1283 : vector<16xi32>
      %sign3A_1285 = arith.extui %sign3A_1284 : vector<16xi1> to vector<16xi32>
      %sign3A_1286 = arith.constant 0 : i32
      %sign3A_1287 = vector.broadcast %sign3A_1286 : i32 to vector<16xi32>
      %sign3A_1288 = arith.cmpi slt, %get3A_1275, %sign3A_1287 : vector<16xi32>
      %sign3A_1289 = arith.extui %sign3A_1288 : vector<16xi1> to vector<16xi32>
      %sign3A_1290 = arith.subi %sign3A_1285, %sign3A_1289 : vector<16xi32>
      %sign3A_1291 = arith.constant 0 : i32
      %sign3A_1292 = arith.cmpi sgt, %jit3A_1279, %sign3A_1291 : i32
      %sign3A_1293 = arith.extui %sign3A_1292 : i1 to i32
      %sign3A_1294 = arith.constant 0 : i32
      %sign3A_1295 = arith.cmpi slt, %jit3A_1279, %sign3A_1294 : i32
      %sign3A_1296 = arith.extui %sign3A_1295 : i1 to i32
      %sign3A_1297 = arith.subi %sign3A_1293, %sign3A_1296 : i32
      %ne3A_1298 = vector.broadcast %sign3A_1297 : i32 to vector<16xi32>
      %ne3A_1299 = arith.cmpi ne, %sign3A_1290, %ne3A_1298 : vector<16xi32>
      %rem3A_1300 = vector.broadcast %jit3A_1279 : i32 to vector<16xi32>
      %rem3A_1301 = arith.remsi %get3A_1275, %rem3A_1300 : vector<16xi32>
      %ne3A_1302 = arith.constant 0 : i32
      %ne3A_1303 = vector.broadcast %ne3A_1302 : i32 to vector<16xi32>
      %ne3A_1304 = arith.cmpi ne, %rem3A_1301, %ne3A_1303 : vector<16xi32>
      %and3A_1305 = arith.andi %ne3A_1299, %ne3A_1304 : vector<16xi1>
      %sub3A_1306 = arith.constant 1 : i32
      %sub3A_1307 = vector.broadcast %sub3A_1306 : i32 to vector<16xi32>
      %sub3A_1308 = arith.subi %div3A_1281, %sub3A_1307 : vector<16xi32>
      %select_n3A_1309 = arith.select %and3A_1305, %sub3A_1308, %div3A_1281 : vector<16xi1>, vector<16xi32>
      %min3A_1310 = arith.constant 62 : i32
      %min3A_1311 = vector.broadcast %min3A_1310 : i32 to vector<16xi32>
      %min3A_1312 = arith.minsi %select_n3A_1309, %min3A_1311 : vector<16xi32>
      %jit3A_1313 = arith.constant 8 : i32
      %eq3A_1314 = arith.constant 0 : i32
      %eq3A_1315 = arith.cmpi eq, %jit3A_1313, %eq3A_1314 : i32
      %jit3A_1316 = arith.constant 1 : i32
      %select_n3A_1317 = arith.select %eq3A_1315, %jit3A_1316, %jit3A_1313 : i32
      %rem3A_1318 = vector.broadcast %select_n3A_1317 : i32 to vector<16xi32>
      %rem3A_1319 = arith.remsi %get3A_1275, %rem3A_1318 : vector<16xi32>
      %ne3A_1320 = arith.constant 0 : i32
      %ne3A_1321 = vector.broadcast %ne3A_1320 : i32 to vector<16xi32>
      %ne3A_1322 = arith.cmpi ne, %rem3A_1319, %ne3A_1321 : vector<16xi32>
      %lt3A_1323 = arith.constant 0 : i32
      %lt3A_1324 = vector.broadcast %lt3A_1323 : i32 to vector<16xi32>
      %lt3A_1325 = arith.cmpi slt, %rem3A_1319, %lt3A_1324 : vector<16xi32>
      %lt3A_1326 = arith.constant 0 : i32
      %lt3A_1327 = arith.cmpi slt, %select_n3A_1317, %lt3A_1326 : i32
      %ne3A_1328 = vector.broadcast %lt3A_1327 : i1 to vector<16xi1>
      %ne3A_1329 = vector.broadcast %ne3A_1328 : vector<16xi1> to vector<16xi1>
      %ne3A_1330 = arith.xori %lt3A_1325, %ne3A_1329 : vector<16xi1>
      %and3A_1331 = arith.andi %ne3A_1330, %ne3A_1322 : vector<16xi1>
      %add3A_1332 = vector.broadcast %select_n3A_1317 : i32 to vector<16xi32>
      %add3A_1333 = arith.addi %rem3A_1319, %add3A_1332 : vector<16xi32>
      %select_n3A_1334 = arith.select %and3A_1331, %add3A_1333, %rem3A_1319 : vector<16xi1>, vector<16xi32>
      %lt3A_1335 = arith.constant 63 : i32
      %lt3A_1336 = vector.broadcast %lt3A_1335 : i32 to vector<16xi32>
      %lt3A_1337 = arith.cmpi slt, %select_n3A_1309, %lt3A_1336 : vector<16xi32>
      tpu.vector_store_idx %arg5[%mul3A_8, %min3A_1312, %mul3A_8, %select_n3A_1334, %add3A_1278], %broadcast_in_dim3A_3 masked %lt3A_1337 : memref<1x63x1x8x128xf32, #tpu.memory_space<vmem>>[vector<16xi32>, vector<16xi32>, vector<16xi32>, vector<16xi32>, vector<16xi32>], vector<16xf32>, vector<16xi1>
      %get3A_1338 = arith.index_cast %sub3A_1142 : i32 to index
      %get3A_1339 = arith.constant 48 : index
      %get3A_1340 = tpu.vector_load %arg4[%get3A_1338, %get3A_1339] {strides = array<i32>} : memref<20x128xi32, #tpu.memory_space<vmem>>, vector<16xi32>,
      %add3A_1341 = arith.constant 48 : i32
      %add3A_1342 = vector.broadcast %add3A_1341 : i32 to vector<16xi32>
      %add3A_1343 = arith.addi %iota3A, %add3A_1342 : vector<16xi32>
      %jit3A_1344 = arith.constant 8 : i32
      %div3A_1345 = vector.broadcast %jit3A_1344 : i32 to vector<16xi32>
      %div3A_1346 = arith.divsi %get3A_1340, %div3A_1345 : vector<16xi32>
      %sign3A_1347 = arith.constant 0 : i32
      %sign3A_1348 = vector.broadcast %sign3A_1347 : i32 to vector<16xi32>
      %sign3A_1349 = arith.cmpi sgt, %get3A_1340, %sign3A_1348 : vector<16xi32>
      %sign3A_1350 = arith.extui %sign3A_1349 : vector<16xi1> to vector<16xi32>
      %sign3A_1351 = arith.constant 0 : i32
      %sign3A_1352 = vector.broadcast %sign3A_1351 : i32 to vector<16xi32>
      %sign3A_1353 = arith.cmpi slt, %get3A_1340, %sign3A_1352 : vector<16xi32>
      %sign3A_1354 = arith.extui %sign3A_1353 : vector<16xi1> to vector<16xi32>
      %sign3A_1355 = arith.subi %sign3A_1350, %sign3A_1354 : vector<16xi32>
      %sign3A_1356 = arith.constant 0 : i32
      %sign3A_1357 = arith.cmpi sgt, %jit3A_1344, %sign3A_1356 : i32
      %sign3A_1358 = arith.extui %sign3A_1357 : i1 to i32
      %sign3A_1359 = arith.constant 0 : i32
      %sign3A_1360 = arith.cmpi slt, %jit3A_1344, %sign3A_1359 : i32
      %sign3A_1361 = arith.extui %sign3A_1360 : i1 to i32
      %sign3A_1362 = arith.subi %sign3A_1358, %sign3A_1361 : i32
      %ne3A_1363 = vector.broadcast %sign3A_1362 : i32 to vector<16xi32>
      %ne3A_1364 = arith.cmpi ne, %sign3A_1355, %ne3A_1363 : vector<16xi32>
      %rem3A_1365 = vector.broadcast %jit3A_1344 : i32 to vector<16xi32>
      %rem3A_1366 = arith.remsi %get3A_1340, %rem3A_1365 : vector<16xi32>
      %ne3A_1367 = arith.constant 0 : i32
      %ne3A_1368 = vector.broadcast %ne3A_1367 : i32 to vector<16xi32>
      %ne3A_1369 = arith.cmpi ne, %rem3A_1366, %ne3A_1368 : vector<16xi32>
      %and3A_1370 = arith.andi %ne3A_1364, %ne3A_1369 : vector<16xi1>
      %sub3A_1371 = arith.constant 1 : i32
      %sub3A_1372 = vector.broadcast %sub3A_1371 : i32 to vector<16xi32>
      %sub3A_1373 = arith.subi %div3A_1346, %sub3A_1372 : vector<16xi32>
      %select_n3A_1374 = arith.select %and3A_1370, %sub3A_1373, %div3A_1346 : vector<16xi1>, vector<16xi32>
      %min3A_1375 = arith.constant 62 : i32
      %min3A_1376 = vector.broadcast %min3A_1375 : i32 to vector<16xi32>
      %min3A_1377 = arith.minsi %select_n3A_1374, %min3A_1376 : vector<16xi32>
      %jit3A_1378 = arith.constant 8 : i32
      %eq3A_1379 = arith.constant 0 : i32
      %eq3A_1380 = arith.cmpi eq, %jit3A_1378, %eq3A_1379 : i32
      %jit3A_1381 = arith.constant 1 : i32
      %select_n3A_1382 = arith.select %eq3A_1380, %jit3A_1381, %jit3A_1378 : i32
      %rem3A_1383 = vector.broadcast %select_n3A_1382 : i32 to vector<16xi32>
      %rem3A_1384 = arith.remsi %get3A_1340, %rem3A_1383 : vector<16xi32>
      %ne3A_1385 = arith.constant 0 : i32
      %ne3A_1386 = vector.broadcast %ne3A_1385 : i32 to vector<16xi32>
      %ne3A_1387 = arith.cmpi ne, %rem3A_1384, %ne3A_1386 : vector<16xi32>
      %lt3A_1388 = arith.constant 0 : i32
      %lt3A_1389 = vector.broadcast %lt3A_1388 : i32 to vector<16xi32>
      %lt3A_1390 = arith.cmpi slt, %rem3A_1384, %lt3A_1389 : vector<16xi32>
      %lt3A_1391 = arith.constant 0 : i32
      %lt3A_1392 = arith.cmpi slt, %select_n3A_1382, %lt3A_1391 : i32
      %ne3A_1393 = vector.broadcast %lt3A_1392 : i1 to vector<16xi1>
      %ne3A_1394 = vector.broadcast %ne3A_1393 : vector<16xi1> to vector<16xi1>
      %ne3A_1395 = arith.xori %lt3A_1390, %ne3A_1394 : vector<16xi1>
      %and3A_1396 = arith.andi %ne3A_1395, %ne3A_1387 : vector<16xi1>
      %add3A_1397 = vector.broadcast %select_n3A_1382 : i32 to vector<16xi32>
      %add3A_1398 = arith.addi %rem3A_1384, %add3A_1397 : vector<16xi32>
      %select_n3A_1399 = arith.select %and3A_1396, %add3A_1398, %rem3A_1384 : vector<16xi1>, vector<16xi32>
      %lt3A_1400 = arith.constant 63 : i32
      %lt3A_1401 = vector.broadcast %lt3A_1400 : i32 to vector<16xi32>
      %lt3A_1402 = arith.cmpi slt, %select_n3A_1374, %lt3A_1401 : vector<16xi32>
      tpu.vector_store_idx %arg5[%mul3A_8, %min3A_1377, %mul3A_8, %select_n3A_1399, %add3A_1343], %broadcast_in_dim3A_3 masked %lt3A_1402 : memref<1x63x1x8x128xf32, #tpu.memory_space<vmem>>[vector<16xi32>, vector<16xi32>, vector<16xi32>, vector<16xi32>, vector<16xi32>], vector<16xf32>, vector<16xi1>
      %get3A_1403 = arith.index_cast %sub3A_1142 : i32 to index
      %get3A_1404 = arith.constant 64 : index
      %get3A_1405 = tpu.vector_load %arg4[%get3A_1403, %get3A_1404] {strides = array<i32>} : memref<20x128xi32, #tpu.memory_space<vmem>>, vector<16xi32>,
      %add3A_1406 = arith.constant 64 : i32
      %add3A_1407 = vector.broadcast %add3A_1406 : i32 to vector<16xi32>
      %add3A_1408 = arith.addi %iota3A, %add3A_1407 : vector<16xi32>
      %jit3A_1409 = arith.constant 8 : i32
      %div3A_1410 = vector.broadcast %jit3A_1409 : i32 to vector<16xi32>
      %div3A_1411 = arith.divsi %get3A_1405, %div3A_1410 : vector<16xi32>
      %sign3A_1412 = arith.constant 0 : i32
      %sign3A_1413 = vector.broadcast %sign3A_1412 : i32 to vector<16xi32>
      %sign3A_1414 = arith.cmpi sgt, %get3A_1405, %sign3A_1413 : vector<16xi32>
      %sign3A_1415 = arith.extui %sign3A_1414 : vector<16xi1> to vector<16xi32>
      %sign3A_1416 = arith.constant 0 : i32
      %sign3A_1417 = vector.broadcast %sign3A_1416 : i32 to vector<16xi32>
      %sign3A_1418 = arith.cmpi slt, %get3A_1405, %sign3A_1417 : vector<16xi32>
      %sign3A_1419 = arith.extui %sign3A_1418 : vector<16xi1> to vector<16xi32>
      %sign3A_1420 = arith.subi %sign3A_1415, %sign3A_1419 : vector<16xi32>
      %sign3A_1421 = arith.constant 0 : i32
      %sign3A_1422 = arith.cmpi sgt, %jit3A_1409, %sign3A_1421 : i32
      %sign3A_1423 = arith.extui %sign3A_1422 : i1 to i32
      %sign3A_1424 = arith.constant 0 : i32
      %sign3A_1425 = arith.cmpi slt, %jit3A_1409, %sign3A_1424 : i32
      %sign3A_1426 = arith.extui %sign3A_1425 : i1 to i32
      %sign3A_1427 = arith.subi %sign3A_1423, %sign3A_1426 : i32
      %ne3A_1428 = vector.broadcast %sign3A_1427 : i32 to vector<16xi32>
      %ne3A_1429 = arith.cmpi ne, %sign3A_1420, %ne3A_1428 : vector<16xi32>
      %rem3A_1430 = vector.broadcast %jit3A_1409 : i32 to vector<16xi32>
      %rem3A_1431 = arith.remsi %get3A_1405, %rem3A_1430 : vector<16xi32>
      %ne3A_1432 = arith.constant 0 : i32
      %ne3A_1433 = vector.broadcast %ne3A_1432 : i32 to vector<16xi32>
      %ne3A_1434 = arith.cmpi ne, %rem3A_1431, %ne3A_1433 : vector<16xi32>
      %and3A_1435 = arith.andi %ne3A_1429, %ne3A_1434 : vector<16xi1>
      %sub3A_1436 = arith.constant 1 : i32
      %sub3A_1437 = vector.broadcast %sub3A_1436 : i32 to vector<16xi32>
      %sub3A_1438 = arith.subi %div3A_1411, %sub3A_1437 : vector<16xi32>
      %select_n3A_1439 = arith.select %and3A_1435, %sub3A_1438, %div3A_1411 : vector<16xi1>, vector<16xi32>
      %min3A_1440 = arith.constant 62 : i32
      %min3A_1441 = vector.broadcast %min3A_1440 : i32 to vector<16xi32>
      %min3A_1442 = arith.minsi %select_n3A_1439, %min3A_1441 : vector<16xi32>
      %jit3A_1443 = arith.constant 8 : i32
      %eq3A_1444 = arith.constant 0 : i32
      %eq3A_1445 = arith.cmpi eq, %jit3A_1443, %eq3A_1444 : i32
      %jit3A_1446 = arith.constant 1 : i32
      %select_n3A_1447 = arith.select %eq3A_1445, %jit3A_1446, %jit3A_1443 : i32
      %rem3A_1448 = vector.broadcast %select_n3A_1447 : i32 to vector<16xi32>
      %rem3A_1449 = arith.remsi %get3A_1405, %rem3A_1448 : vector<16xi32>
      %ne3A_1450 = arith.constant 0 : i32
      %ne3A_1451 = vector.broadcast %ne3A_1450 : i32 to vector<16xi32>
      %ne3A_1452 = arith.cmpi ne, %rem3A_1449, %ne3A_1451 : vector<16xi32>
      %lt3A_1453 = arith.constant 0 : i32
      %lt3A_1454 = vector.broadcast %lt3A_1453 : i32 to vector<16xi32>
      %lt3A_1455 = arith.cmpi slt, %rem3A_1449, %lt3A_1454 : vector<16xi32>
      %lt3A_1456 = arith.constant 0 : i32
      %lt3A_1457 = arith.cmpi slt, %select_n3A_1447, %lt3A_1456 : i32
      %ne3A_1458 = vector.broadcast %lt3A_1457 : i1 to vector<16xi1>
      %ne3A_1459 = vector.broadcast %ne3A_1458 : vector<16xi1> to vector<16xi1>
      %ne3A_1460 = arith.xori %lt3A_1455, %ne3A_1459 : vector<16xi1>
      %and3A_1461 = arith.andi %ne3A_1460, %ne3A_1452 : vector<16xi1>
      %add3A_1462 = vector.broadcast %select_n3A_1447 : i32 to vector<16xi32>
      %add3A_1463 = arith.addi %rem3A_1449, %add3A_1462 : vector<16xi32>
      %select_n3A_1464 = arith.select %and3A_1461, %add3A_1463, %rem3A_1449 : vector<16xi1>, vector<16xi32>
      %lt3A_1465 = arith.constant 63 : i32
      %lt3A_1466 = vector.broadcast %lt3A_1465 : i32 to vector<16xi32>
      %lt3A_1467 = arith.cmpi slt, %select_n3A_1439, %lt3A_1466 : vector<16xi32>
      tpu.vector_store_idx %arg5[%mul3A_8, %min3A_1442, %mul3A_8, %select_n3A_1464, %add3A_1408], %broadcast_in_dim3A_3 masked %lt3A_1467 : memref<1x63x1x8x128xf32, #tpu.memory_space<vmem>>[vector<16xi32>, vector<16xi32>, vector<16xi32>, vector<16xi32>, vector<16xi32>], vector<16xf32>, vector<16xi1>
      %get3A_1468 = arith.index_cast %sub3A_1142 : i32 to index
      %get3A_1469 = arith.constant 80 : index
      %get3A_1470 = tpu.vector_load %arg4[%get3A_1468, %get3A_1469] {strides = array<i32>} : memref<20x128xi32, #tpu.memory_space<vmem>>, vector<16xi32>,
      %add3A_1471 = arith.constant 80 : i32
      %add3A_1472 = vector.broadcast %add3A_1471 : i32 to vector<16xi32>
      %add3A_1473 = arith.addi %iota3A, %add3A_1472 : vector<16xi32>
      %jit3A_1474 = arith.constant 8 : i32
      %div3A_1475 = vector.broadcast %jit3A_1474 : i32 to vector<16xi32>
      %div3A_1476 = arith.divsi %get3A_1470, %div3A_1475 : vector<16xi32>
      %sign3A_1477 = arith.constant 0 : i32
      %sign3A_1478 = vector.broadcast %sign3A_1477 : i32 to vector<16xi32>
      %sign3A_1479 = arith.cmpi sgt, %get3A_1470, %sign3A_1478 : vector<16xi32>
      %sign3A_1480 = arith.extui %sign3A_1479 : vector<16xi1> to vector<16xi32>
      %sign3A_1481 = arith.constant 0 : i32
      %sign3A_1482 = vector.broadcast %sign3A_1481 : i32 to vector<16xi32>
      %sign3A_1483 = arith.cmpi slt, %get3A_1470, %sign3A_1482 : vector<16xi32>
      %sign3A_1484 = arith.extui %sign3A_1483 : vector<16xi1> to vector<16xi32>
      %sign3A_1485 = arith.subi %sign3A_1480, %sign3A_1484 : vector<16xi32>
      %sign3A_1486 = arith.constant 0 : i32
      %sign3A_1487 = arith.cmpi sgt, %jit3A_1474, %sign3A_1486 : i32
      %sign3A_1488 = arith.extui %sign3A_1487 : i1 to i32
      %sign3A_1489 = arith.constant 0 : i32
      %sign3A_1490 = arith.cmpi slt, %jit3A_1474, %sign3A_1489 : i32
      %sign3A_1491 = arith.extui %sign3A_1490 : i1 to i32
      %sign3A_1492 = arith.subi %sign3A_1488, %sign3A_1491 : i32
      %ne3A_1493 = vector.broadcast %sign3A_1492 : i32 to vector<16xi32>
      %ne3A_1494 = arith.cmpi ne, %sign3A_1485, %ne3A_1493 : vector<16xi32>
      %rem3A_1495 = vector.broadcast %jit3A_1474 : i32 to vector<16xi32>
      %rem3A_1496 = arith.remsi %get3A_1470, %rem3A_1495 : vector<16xi32>
      %ne3A_1497 = arith.constant 0 : i32
      %ne3A_1498 = vector.broadcast %ne3A_1497 : i32 to vector<16xi32>
      %ne3A_1499 = arith.cmpi ne, %rem3A_1496, %ne3A_1498 : vector<16xi32>
      %and3A_1500 = arith.andi %ne3A_1494, %ne3A_1499 : vector<16xi1>
      %sub3A_1501 = arith.constant 1 : i32
      %sub3A_1502 = vector.broadcast %sub3A_1501 : i32 to vector<16xi32>
      %sub3A_1503 = arith.subi %div3A_1476, %sub3A_1502 : vector<16xi32>
      %select_n3A_1504 = arith.select %and3A_1500, %sub3A_1503, %div3A_1476 : vector<16xi1>, vector<16xi32>
      %min3A_1505 = arith.constant 62 : i32
      %min3A_1506 = vector.broadcast %min3A_1505 : i32 to vector<16xi32>
      %min3A_1507 = arith.minsi %select_n3A_1504, %min3A_1506 : vector<16xi32>
      %jit3A_1508 = arith.constant 8 : i32
      %eq3A_1509 = arith.constant 0 : i32
      %eq3A_1510 = arith.cmpi eq, %jit3A_1508, %eq3A_1509 : i32
      %jit3A_1511 = arith.constant 1 : i32
      %select_n3A_1512 = arith.select %eq3A_1510, %jit3A_1511, %jit3A_1508 : i32
      %rem3A_1513 = vector.broadcast %select_n3A_1512 : i32 to vector<16xi32>
      %rem3A_1514 = arith.remsi %get3A_1470, %rem3A_1513 : vector<16xi32>
      %ne3A_1515 = arith.constant 0 : i32
      %ne3A_1516 = vector.broadcast %ne3A_1515 : i32 to vector<16xi32>
      %ne3A_1517 = arith.cmpi ne, %rem3A_1514, %ne3A_1516 : vector<16xi32>
      %lt3A_1518 = arith.constant 0 : i32
      %lt3A_1519 = vector.broadcast %lt3A_1518 : i32 to vector<16xi32>
      %lt3A_1520 = arith.cmpi slt, %rem3A_1514, %lt3A_1519 : vector<16xi32>
      %lt3A_1521 = arith.constant 0 : i32
      %lt3A_1522 = arith.cmpi slt, %select_n3A_1512, %lt3A_1521 : i32
      %ne3A_1523 = vector.broadcast %lt3A_1522 : i1 to vector<16xi1>
      %ne3A_1524 = vector.broadcast %ne3A_1523 : vector<16xi1> to vector<16xi1>
      %ne3A_1525 = arith.xori %lt3A_1520, %ne3A_1524 : vector<16xi1>
      %and3A_1526 = arith.andi %ne3A_1525, %ne3A_1517 : vector<16xi1>
      %add3A_1527 = vector.broadcast %select_n3A_1512 : i32 to vector<16xi32>
      %add3A_1528 = arith.addi %rem3A_1514, %add3A_1527 : vector<16xi32>
      %select_n3A_1529 = arith.select %and3A_1526, %add3A_1528, %rem3A_1514 : vector<16xi1>, vector<16xi32>
      %lt3A_1530 = arith.constant 63 : i32
      %lt3A_1531 = vector.broadcast %lt3A_1530 : i32 to vector<16xi32>
      %lt3A_1532 = arith.cmpi slt, %select_n3A_1504, %lt3A_1531 : vector<16xi32>
      tpu.vector_store_idx %arg5[%mul3A_8, %min3A_1507, %mul3A_8, %select_n3A_1529, %add3A_1473], %broadcast_in_dim3A_3 masked %lt3A_1532 : memref<1x63x1x8x128xf32, #tpu.memory_space<vmem>>[vector<16xi32>, vector<16xi32>, vector<16xi32>, vector<16xi32>, vector<16xi32>], vector<16xf32>, vector<16xi1>
      %get3A_1533 = arith.index_cast %sub3A_1142 : i32 to index
      %get3A_1534 = arith.constant 96 : index
      %get3A_1535 = tpu.vector_load %arg4[%get3A_1533, %get3A_1534] {strides = array<i32>} : memref<20x128xi32, #tpu.memory_space<vmem>>, vector<16xi32>,
      %add3A_1536 = arith.constant 96 : i32
      %add3A_1537 = vector.broadcast %add3A_1536 : i32 to vector<16xi32>
      %add3A_1538 = arith.addi %iota3A, %add3A_1537 : vector<16xi32>
      %jit3A_1539 = arith.constant 8 : i32
      %div3A_1540 = vector.broadcast %jit3A_1539 : i32 to vector<16xi32>
      %div3A_1541 = arith.divsi %get3A_1535, %div3A_1540 : vector<16xi32>
      %sign3A_1542 = arith.constant 0 : i32
      %sign3A_1543 = vector.broadcast %sign3A_1542 : i32 to vector<16xi32>
      %sign3A_1544 = arith.cmpi sgt, %get3A_1535, %sign3A_1543 : vector<16xi32>
      %sign3A_1545 = arith.extui %sign3A_1544 : vector<16xi1> to vector<16xi32>
      %sign3A_1546 = arith.constant 0 : i32
      %sign3A_1547 = vector.broadcast %sign3A_1546 : i32 to vector<16xi32>
      %sign3A_1548 = arith.cmpi slt, %get3A_1535, %sign3A_1547 : vector<16xi32>
      %sign3A_1549 = arith.extui %sign3A_1548 : vector<16xi1> to vector<16xi32>
      %sign3A_1550 = arith.subi %sign3A_1545, %sign3A_1549 : vector<16xi32>
      %sign3A_1551 = arith.constant 0 : i32
      %sign3A_1552 = arith.cmpi sgt, %jit3A_1539, %sign3A_1551 : i32
      %sign3A_1553 = arith.extui %sign3A_1552 : i1 to i32
      %sign3A_1554 = arith.constant 0 : i32
      %sign3A_1555 = arith.cmpi slt, %jit3A_1539, %sign3A_1554 : i32
      %sign3A_1556 = arith.extui %sign3A_1555 : i1 to i32
      %sign3A_1557 = arith.subi %sign3A_1553, %sign3A_1556 : i32
      %ne3A_1558 = vector.broadcast %sign3A_1557 : i32 to vector<16xi32>
      %ne3A_1559 = arith.cmpi ne, %sign3A_1550, %ne3A_1558 : vector<16xi32>
      %rem3A_1560 = vector.broadcast %jit3A_1539 : i32 to vector<16xi32>
      %rem3A_1561 = arith.remsi %get3A_1535, %rem3A_1560 : vector<16xi32>
      %ne3A_1562 = arith.constant 0 : i32
      %ne3A_1563 = vector.broadcast %ne3A_1562 : i32 to vector<16xi32>
      %ne3A_1564 = arith.cmpi ne, %rem3A_1561, %ne3A_1563 : vector<16xi32>
      %and3A_1565 = arith.andi %ne3A_1559, %ne3A_1564 : vector<16xi1>
      %sub3A_1566 = arith.constant 1 : i32
      %sub3A_1567 = vector.broadcast %sub3A_1566 : i32 to vector<16xi32>
      %sub3A_1568 = arith.subi %div3A_1541, %sub3A_1567 : vector<16xi32>
      %select_n3A_1569 = arith.select %and3A_1565, %sub3A_1568, %div3A_1541 : vector<16xi1>, vector<16xi32>
      %min3A_1570 = arith.constant 62 : i32
      %min3A_1571 = vector.broadcast %min3A_1570 : i32 to vector<16xi32>
      %min3A_1572 = arith.minsi %select_n3A_1569, %min3A_1571 : vector<16xi32>
      %jit3A_1573 = arith.constant 8 : i32
      %eq3A_1574 = arith.constant 0 : i32
      %eq3A_1575 = arith.cmpi eq, %jit3A_1573, %eq3A_1574 : i32
      %jit3A_1576 = arith.constant 1 : i32
      %select_n3A_1577 = arith.select %eq3A_1575, %jit3A_1576, %jit3A_1573 : i32
      %rem3A_1578 = vector.broadcast %select_n3A_1577 : i32 to vector<16xi32>
      %rem3A_1579 = arith.remsi %get3A_1535, %rem3A_1578 : vector<16xi32>
      %ne3A_1580 = arith.constant 0 : i32
      %ne3A_1581 = vector.broadcast %ne3A_1580 : i32 to vector<16xi32>
      %ne3A_1582 = arith.cmpi ne, %rem3A_1579, %ne3A_1581 : vector<16xi32>
      %lt3A_1583 = arith.constant 0 : i32
      %lt3A_1584 = vector.broadcast %lt3A_1583 : i32 to vector<16xi32>
      %lt3A_1585 = arith.cmpi slt, %rem3A_1579, %lt3A_1584 : vector<16xi32>
      %lt3A_1586 = arith.constant 0 : i32
      %lt3A_1587 = arith.cmpi slt, %select_n3A_1577, %lt3A_1586 : i32
      %ne3A_1588 = vector.broadcast %lt3A_1587 : i1 to vector<16xi1>
      %ne3A_1589 = vector.broadcast %ne3A_1588 : vector<16xi1> to vector<16xi1>
      %ne3A_1590 = arith.xori %lt3A_1585, %ne3A_1589 : vector<16xi1>
      %and3A_1591 = arith.andi %ne3A_1590, %ne3A_1582 : vector<16xi1>
      %add3A_1592 = vector.broadcast %select_n3A_1577 : i32 to vector<16xi32>
      %add3A_1593 = arith.addi %rem3A_1579, %add3A_1592 : vector<16xi32>
      %select_n3A_1594 = arith.select %and3A_1591, %add3A_1593, %rem3A_1579 : vector<16xi1>, vector<16xi32>
      %lt3A_1595 = arith.constant 63 : i32
      %lt3A_1596 = vector.broadcast %lt3A_1595 : i32 to vector<16xi32>
      %lt3A_1597 = arith.cmpi slt, %select_n3A_1569, %lt3A_1596 : vector<16xi32>
      tpu.vector_store_idx %arg5[%mul3A_8, %min3A_1572, %mul3A_8, %select_n3A_1594, %add3A_1538], %broadcast_in_dim3A_3 masked %lt3A_1597 : memref<1x63x1x8x128xf32, #tpu.memory_space<vmem>>[vector<16xi32>, vector<16xi32>, vector<16xi32>, vector<16xi32>, vector<16xi32>], vector<16xf32>, vector<16xi1>
      %get3A_1598 = arith.index_cast %sub3A_1142 : i32 to index
      %get3A_1599 = arith.constant 112 : index
      %get3A_1600 = tpu.vector_load %arg4[%get3A_1598, %get3A_1599] {strides = array<i32>} : memref<20x128xi32, #tpu.memory_space<vmem>>, vector<16xi32>,
      %add3A_1601 = arith.constant 112 : i32
      %add3A_1602 = vector.broadcast %add3A_1601 : i32 to vector<16xi32>
      %add3A_1603 = arith.addi %iota3A, %add3A_1602 : vector<16xi32>
      %jit3A_1604 = arith.constant 8 : i32
      %div3A_1605 = vector.broadcast %jit3A_1604 : i32 to vector<16xi32>
      %div3A_1606 = arith.divsi %get3A_1600, %div3A_1605 : vector<16xi32>
      %sign3A_1607 = arith.constant 0 : i32
      %sign3A_1608 = vector.broadcast %sign3A_1607 : i32 to vector<16xi32>
      %sign3A_1609 = arith.cmpi sgt, %get3A_1600, %sign3A_1608 : vector<16xi32>
      %sign3A_1610 = arith.extui %sign3A_1609 : vector<16xi1> to vector<16xi32>
      %sign3A_1611 = arith.constant 0 : i32
      %sign3A_1612 = vector.broadcast %sign3A_1611 : i32 to vector<16xi32>
      %sign3A_1613 = arith.cmpi slt, %get3A_1600, %sign3A_1612 : vector<16xi32>
      %sign3A_1614 = arith.extui %sign3A_1613 : vector<16xi1> to vector<16xi32>
      %sign3A_1615 = arith.subi %sign3A_1610, %sign3A_1614 : vector<16xi32>
      %sign3A_1616 = arith.constant 0 : i32
      %sign3A_1617 = arith.cmpi sgt, %jit3A_1604, %sign3A_1616 : i32
      %sign3A_1618 = arith.extui %sign3A_1617 : i1 to i32
      %sign3A_1619 = arith.constant 0 : i32
      %sign3A_1620 = arith.cmpi slt, %jit3A_1604, %sign3A_1619 : i32
      %sign3A_1621 = arith.extui %sign3A_1620 : i1 to i32
      %sign3A_1622 = arith.subi %sign3A_1618, %sign3A_1621 : i32
      %ne3A_1623 = vector.broadcast %sign3A_1622 : i32 to vector<16xi32>
      %ne3A_1624 = arith.cmpi ne, %sign3A_1615, %ne3A_1623 : vector<16xi32>
      %rem3A_1625 = vector.broadcast %jit3A_1604 : i32 to vector<16xi32>
      %rem3A_1626 = arith.remsi %get3A_1600, %rem3A_1625 : vector<16xi32>
      %ne3A_1627 = arith.constant 0 : i32
      %ne3A_1628 = vector.broadcast %ne3A_1627 : i32 to vector<16xi32>
      %ne3A_1629 = arith.cmpi ne, %rem3A_1626, %ne3A_1628 : vector<16xi32>
      %and3A_1630 = arith.andi %ne3A_1624, %ne3A_1629 : vector<16xi1>
      %sub3A_1631 = arith.constant 1 : i32
      %sub3A_1632 = vector.broadcast %sub3A_1631 : i32 to vector<16xi32>
      %sub3A_1633 = arith.subi %div3A_1606, %sub3A_1632 : vector<16xi32>
      %select_n3A_1634 = arith.select %and3A_1630, %sub3A_1633, %div3A_1606 : vector<16xi1>, vector<16xi32>
      %min3A_1635 = arith.constant 62 : i32
      %min3A_1636 = vector.broadcast %min3A_1635 : i32 to vector<16xi32>
      %min3A_1637 = arith.minsi %select_n3A_1634, %min3A_1636 : vector<16xi32>
      %jit3A_1638 = arith.constant 8 : i32
      %eq3A_1639 = arith.constant 0 : i32
      %eq3A_1640 = arith.cmpi eq, %jit3A_1638, %eq3A_1639 : i32
      %jit3A_1641 = arith.constant 1 : i32
      %select_n3A_1642 = arith.select %eq3A_1640, %jit3A_1641, %jit3A_1638 : i32
      %rem3A_1643 = vector.broadcast %select_n3A_1642 : i32 to vector<16xi32>
      %rem3A_1644 = arith.remsi %get3A_1600, %rem3A_1643 : vector<16xi32>
      %ne3A_1645 = arith.constant 0 : i32
      %ne3A_1646 = vector.broadcast %ne3A_1645 : i32 to vector<16xi32>
      %ne3A_1647 = arith.cmpi ne, %rem3A_1644, %ne3A_1646 : vector<16xi32>
      %lt3A_1648 = arith.constant 0 : i32
      %lt3A_1649 = vector.broadcast %lt3A_1648 : i32 to vector<16xi32>
      %lt3A_1650 = arith.cmpi slt, %rem3A_1644, %lt3A_1649 : vector<16xi32>
      %lt3A_1651 = arith.constant 0 : i32
      %lt3A_1652 = arith.cmpi slt, %select_n3A_1642, %lt3A_1651 : i32
      %ne3A_1653 = vector.broadcast %lt3A_1652 : i1 to vector<16xi1>
      %ne3A_1654 = vector.broadcast %ne3A_1653 : vector<16xi1> to vector<16xi1>
      %ne3A_1655 = arith.xori %lt3A_1650, %ne3A_1654 : vector<16xi1>
      %and3A_1656 = arith.andi %ne3A_1655, %ne3A_1647 : vector<16xi1>
      %add3A_1657 = vector.broadcast %select_n3A_1642 : i32 to vector<16xi32>
      %add3A_1658 = arith.addi %rem3A_1644, %add3A_1657 : vector<16xi32>
      %select_n3A_1659 = arith.select %and3A_1656, %add3A_1658, %rem3A_1644 : vector<16xi1>, vector<16xi32>
      %lt3A_1660 = arith.constant 63 : i32
      %lt3A_1661 = vector.broadcast %lt3A_1660 : i32 to vector<16xi32>
      %lt3A_1662 = arith.cmpi slt, %select_n3A_1634, %lt3A_1661 : vector<16xi32>
      tpu.vector_store_idx %arg5[%mul3A_8, %min3A_1637, %mul3A_8, %select_n3A_1659, %add3A_1603], %broadcast_in_dim3A_3 masked %lt3A_1662 : memref<1x63x1x8x128xf32, #tpu.memory_space<vmem>>[vector<16xi32>, vector<16xi32>, vector<16xi32>, vector<16xi32>, vector<16xi32>], vector<16xf32>, vector<16xi1>
      %get3A_1663 = arith.index_cast %scan3A_1130 : i32 to index
      %get3A_1664 = arith.constant 0 : index
      %get3A_1665 = tpu.vector_load %arg4[%get3A_1663, %get3A_1664] {strides = array<i32>} : memref<20x128xi32, #tpu.memory_space<vmem>>, vector<16xi32>,
      %add3A_1666 = arith.constant 0 : i32
      %add3A_1667 = vector.broadcast %add3A_1666 : i32 to vector<16xi32>
      %add3A_1668 = arith.addi %iota3A, %add3A_1667 : vector<16xi32>
      %jit3A_1669 = arith.constant 8 : i32
      %div3A_1670 = vector.broadcast %jit3A_1669 : i32 to vector<16xi32>
      %div3A_1671 = arith.divsi %get3A_1665, %div3A_1670 : vector<16xi32>
      %sign3A_1672 = arith.constant 0 : i32
      %sign3A_1673 = vector.broadcast %sign3A_1672 : i32 to vector<16xi32>
      %sign3A_1674 = arith.cmpi sgt, %get3A_1665, %sign3A_1673 : vector<16xi32>
      %sign3A_1675 = arith.extui %sign3A_1674 : vector<16xi1> to vector<16xi32>
      %sign3A_1676 = arith.constant 0 : i32
      %sign3A_1677 = vector.broadcast %sign3A_1676 : i32 to vector<16xi32>
      %sign3A_1678 = arith.cmpi slt, %get3A_1665, %sign3A_1677 : vector<16xi32>
      %sign3A_1679 = arith.extui %sign3A_1678 : vector<16xi1> to vector<16xi32>
      %sign3A_1680 = arith.subi %sign3A_1675, %sign3A_1679 : vector<16xi32>
      %sign3A_1681 = arith.constant 0 : i32
      %sign3A_1682 = arith.cmpi sgt, %jit3A_1669, %sign3A_1681 : i32
      %sign3A_1683 = arith.extui %sign3A_1682 : i1 to i32
      %sign3A_1684 = arith.constant 0 : i32
      %sign3A_1685 = arith.cmpi slt, %jit3A_1669, %sign3A_1684 : i32
      %sign3A_1686 = arith.extui %sign3A_1685 : i1 to i32
      %sign3A_1687 = arith.subi %sign3A_1683, %sign3A_1686 : i32
      %ne3A_1688 = vector.broadcast %sign3A_1687 : i32 to vector<16xi32>
      %ne3A_1689 = arith.cmpi ne, %sign3A_1680, %ne3A_1688 : vector<16xi32>
      %rem3A_1690 = vector.broadcast %jit3A_1669 : i32 to vector<16xi32>
      %rem3A_1691 = arith.remsi %get3A_1665, %rem3A_1690 : vector<16xi32>
      %ne3A_1692 = arith.constant 0 : i32
      %ne3A_1693 = vector.broadcast %ne3A_1692 : i32 to vector<16xi32>
      %ne3A_1694 = arith.cmpi ne, %rem3A_1691, %ne3A_1693 : vector<16xi32>
      %and3A_1695 = arith.andi %ne3A_1689, %ne3A_1694 : vector<16xi1>
      %sub3A_1696 = arith.constant 1 : i32
      %sub3A_1697 = vector.broadcast %sub3A_1696 : i32 to vector<16xi32>
      %sub3A_1698 = arith.subi %div3A_1671, %sub3A_1697 : vector<16xi32>
      %select_n3A_1699 = arith.select %and3A_1695, %sub3A_1698, %div3A_1671 : vector<16xi1>, vector<16xi32>
      %min3A_1700 = arith.constant 62 : i32
      %min3A_1701 = vector.broadcast %min3A_1700 : i32 to vector<16xi32>
      %min3A_1702 = arith.minsi %select_n3A_1699, %min3A_1701 : vector<16xi32>
      %jit3A_1703 = arith.constant 8 : i32
      %eq3A_1704 = arith.constant 0 : i32
      %eq3A_1705 = arith.cmpi eq, %jit3A_1703, %eq3A_1704 : i32
      %jit3A_1706 = arith.constant 1 : i32
      %select_n3A_1707 = arith.select %eq3A_1705, %jit3A_1706, %jit3A_1703 : i32
      %rem3A_1708 = vector.broadcast %select_n3A_1707 : i32 to vector<16xi32>
      %rem3A_1709 = arith.remsi %get3A_1665, %rem3A_1708 : vector<16xi32>
      %ne3A_1710 = arith.constant 0 : i32
      %ne3A_1711 = vector.broadcast %ne3A_1710 : i32 to vector<16xi32>
      %ne3A_1712 = arith.cmpi ne, %rem3A_1709, %ne3A_1711 : vector<16xi32>
      %lt3A_1713 = arith.constant 0 : i32
      %lt3A_1714 = vector.broadcast %lt3A_1713 : i32 to vector<16xi32>
      %lt3A_1715 = arith.cmpi slt, %rem3A_1709, %lt3A_1714 : vector<16xi32>
      %lt3A_1716 = arith.constant 0 : i32
      %lt3A_1717 = arith.cmpi slt, %select_n3A_1707, %lt3A_1716 : i32
      %ne3A_1718 = vector.broadcast %lt3A_1717 : i1 to vector<16xi1>
      %ne3A_1719 = vector.broadcast %ne3A_1718 : vector<16xi1> to vector<16xi1>
      %ne3A_1720 = arith.xori %lt3A_1715, %ne3A_1719 : vector<16xi1>
      %and3A_1721 = arith.andi %ne3A_1720, %ne3A_1712 : vector<16xi1>
      %add3A_1722 = vector.broadcast %select_n3A_1707 : i32 to vector<16xi32>
      %add3A_1723 = arith.addi %rem3A_1709, %add3A_1722 : vector<16xi32>
      %select_n3A_1724 = arith.select %and3A_1721, %add3A_1723, %rem3A_1709 : vector<16xi1>, vector<16xi32>
      %lt3A_1725 = arith.constant 63 : i32
      %lt3A_1726 = vector.broadcast %lt3A_1725 : i32 to vector<16xi32>
      %lt3A_1727 = arith.cmpi slt, %select_n3A_1699, %lt3A_1726 : vector<16xi32>
      tpu.vector_store_idx %arg5[%mul3A_8, %min3A_1702, %mul3A_8, %select_n3A_1724, %add3A_1668], %broadcast_in_dim3A_5 masked %lt3A_1727 : memref<1x63x1x8x128xf32, #tpu.memory_space<vmem>>[vector<16xi32>, vector<16xi32>, vector<16xi32>, vector<16xi32>, vector<16xi32>], vector<16xf32>, vector<16xi1>
      %get3A_1728 = arith.index_cast %scan3A_1130 : i32 to index
      %get3A_1729 = arith.constant 16 : index
      %get3A_1730 = tpu.vector_load %arg4[%get3A_1728, %get3A_1729] {strides = array<i32>} : memref<20x128xi32, #tpu.memory_space<vmem>>, vector<16xi32>,
      %add3A_1731 = arith.constant 16 : i32
      %add3A_1732 = vector.broadcast %add3A_1731 : i32 to vector<16xi32>
      %add3A_1733 = arith.addi %iota3A, %add3A_1732 : vector<16xi32>
      %jit3A_1734 = arith.constant 8 : i32
      %div3A_1735 = vector.broadcast %jit3A_1734 : i32 to vector<16xi32>
      %div3A_1736 = arith.divsi %get3A_1730, %div3A_1735 : vector<16xi32>
      %sign3A_1737 = arith.constant 0 : i32
      %sign3A_1738 = vector.broadcast %sign3A_1737 : i32 to vector<16xi32>
      %sign3A_1739 = arith.cmpi sgt, %get3A_1730, %sign3A_1738 : vector<16xi32>
      %sign3A_1740 = arith.extui %sign3A_1739 : vector<16xi1> to vector<16xi32>
      %sign3A_1741 = arith.constant 0 : i32
      %sign3A_1742 = vector.broadcast %sign3A_1741 : i32 to vector<16xi32>
      %sign3A_1743 = arith.cmpi slt, %get3A_1730, %sign3A_1742 : vector<16xi32>
      %sign3A_1744 = arith.extui %sign3A_1743 : vector<16xi1> to vector<16xi32>
      %sign3A_1745 = arith.subi %sign3A_1740, %sign3A_1744 : vector<16xi32>
      %sign3A_1746 = arith.constant 0 : i32
      %sign3A_1747 = arith.cmpi sgt, %jit3A_1734, %sign3A_1746 : i32
      %sign3A_1748 = arith.extui %sign3A_1747 : i1 to i32
      %sign3A_1749 = arith.constant 0 : i32
      %sign3A_1750 = arith.cmpi slt, %jit3A_1734, %sign3A_1749 : i32
      %sign3A_1751 = arith.extui %sign3A_1750 : i1 to i32
      %sign3A_1752 = arith.subi %sign3A_1748, %sign3A_1751 : i32
      %ne3A_1753 = vector.broadcast %sign3A_1752 : i32 to vector<16xi32>
      %ne3A_1754 = arith.cmpi ne, %sign3A_1745, %ne3A_1753 : vector<16xi32>
      %rem3A_1755 = vector.broadcast %jit3A_1734 : i32 to vector<16xi32>
      %rem3A_1756 = arith.remsi %get3A_1730, %rem3A_1755 : vector<16xi32>
      %ne3A_1757 = arith.constant 0 : i32
      %ne3A_1758 = vector.broadcast %ne3A_1757 : i32 to vector<16xi32>
      %ne3A_1759 = arith.cmpi ne, %rem3A_1756, %ne3A_1758 : vector<16xi32>
      %and3A_1760 = arith.andi %ne3A_1754, %ne3A_1759 : vector<16xi1>
      %sub3A_1761 = arith.constant 1 : i32
      %sub3A_1762 = vector.broadcast %sub3A_1761 : i32 to vector<16xi32>
      %sub3A_1763 = arith.subi %div3A_1736, %sub3A_1762 : vector<16xi32>
      %select_n3A_1764 = arith.select %and3A_1760, %sub3A_1763, %div3A_1736 : vector<16xi1>, vector<16xi32>
      %min3A_1765 = arith.constant 62 : i32
      %min3A_1766 = vector.broadcast %min3A_1765 : i32 to vector<16xi32>
      %min3A_1767 = arith.minsi %select_n3A_1764, %min3A_1766 : vector<16xi32>
      %jit3A_1768 = arith.constant 8 : i32
      %eq3A_1769 = arith.constant 0 : i32
      %eq3A_1770 = arith.cmpi eq, %jit3A_1768, %eq3A_1769 : i32
      %jit3A_1771 = arith.constant 1 : i32
      %select_n3A_1772 = arith.select %eq3A_1770, %jit3A_1771, %jit3A_1768 : i32
      %rem3A_1773 = vector.broadcast %select_n3A_1772 : i32 to vector<16xi32>
      %rem3A_1774 = arith.remsi %get3A_1730, %rem3A_1773 : vector<16xi32>
      %ne3A_1775 = arith.constant 0 : i32
      %ne3A_1776 = vector.broadcast %ne3A_1775 : i32 to vector<16xi32>
      %ne3A_1777 = arith.cmpi ne, %rem3A_1774, %ne3A_1776 : vector<16xi32>
      %lt3A_1778 = arith.constant 0 : i32
      %lt3A_1779 = vector.broadcast %lt3A_1778 : i32 to vector<16xi32>
      %lt3A_1780 = arith.cmpi slt, %rem3A_1774, %lt3A_1779 : vector<16xi32>
      %lt3A_1781 = arith.constant 0 : i32
      %lt3A_1782 = arith.cmpi slt, %select_n3A_1772, %lt3A_1781 : i32
      %ne3A_1783 = vector.broadcast %lt3A_1782 : i1 to vector<16xi1>
      %ne3A_1784 = vector.broadcast %ne3A_1783 : vector<16xi1> to vector<16xi1>
      %ne3A_1785 = arith.xori %lt3A_1780, %ne3A_1784 : vector<16xi1>
      %and3A_1786 = arith.andi %ne3A_1785, %ne3A_1777 : vector<16xi1>
      %add3A_1787 = vector.broadcast %select_n3A_1772 : i32 to vector<16xi32>
      %add3A_1788 = arith.addi %rem3A_1774, %add3A_1787 : vector<16xi32>
      %select_n3A_1789 = arith.select %and3A_1786, %add3A_1788, %rem3A_1774 : vector<16xi1>, vector<16xi32>
      %lt3A_1790 = arith.constant 63 : i32
      %lt3A_1791 = vector.broadcast %lt3A_1790 : i32 to vector<16xi32>
      %lt3A_1792 = arith.cmpi slt, %select_n3A_1764, %lt3A_1791 : vector<16xi32>
      tpu.vector_store_idx %arg5[%mul3A_8, %min3A_1767, %mul3A_8, %select_n3A_1789, %add3A_1733], %broadcast_in_dim3A_5 masked %lt3A_1792 : memref<1x63x1x8x128xf32, #tpu.memory_space<vmem>>[vector<16xi32>, vector<16xi32>, vector<16xi32>, vector<16xi32>, vector<16xi32>], vector<16xf32>, vector<16xi1>
      %get3A_1793 = arith.index_cast %scan3A_1130 : i32 to index
      %get3A_1794 = arith.constant 32 : index
      %get3A_1795 = tpu.vector_load %arg4[%get3A_1793, %get3A_1794] {strides = array<i32>} : memref<20x128xi32, #tpu.memory_space<vmem>>, vector<16xi32>,
      %add3A_1796 = arith.constant 32 : i32
      %add3A_1797 = vector.broadcast %add3A_1796 : i32 to vector<16xi32>
      %add3A_1798 = arith.addi %iota3A, %add3A_1797 : vector<16xi32>
      %jit3A_1799 = arith.constant 8 : i32
      %div3A_1800 = vector.broadcast %jit3A_1799 : i32 to vector<16xi32>
      %div3A_1801 = arith.divsi %get3A_1795, %div3A_1800 : vector<16xi32>
      %sign3A_1802 = arith.constant 0 : i32
      %sign3A_1803 = vector.broadcast %sign3A_1802 : i32 to vector<16xi32>
      %sign3A_1804 = arith.cmpi sgt, %get3A_1795, %sign3A_1803 : vector<16xi32>
      %sign3A_1805 = arith.extui %sign3A_1804 : vector<16xi1> to vector<16xi32>
      %sign3A_1806 = arith.constant 0 : i32
      %sign3A_1807 = vector.broadcast %sign3A_1806 : i32 to vector<16xi32>
      %sign3A_1808 = arith.cmpi slt, %get3A_1795, %sign3A_1807 : vector<16xi32>
      %sign3A_1809 = arith.extui %sign3A_1808 : vector<16xi1> to vector<16xi32>
      %sign3A_1810 = arith.subi %sign3A_1805, %sign3A_1809 : vector<16xi32>
      %sign3A_1811 = arith.constant 0 : i32
      %sign3A_1812 = arith.cmpi sgt, %jit3A_1799, %sign3A_1811 : i32
      %sign3A_1813 = arith.extui %sign3A_1812 : i1 to i32
      %sign3A_1814 = arith.constant 0 : i32
      %sign3A_1815 = arith.cmpi slt, %jit3A_1799, %sign3A_1814 : i32
      %sign3A_1816 = arith.extui %sign3A_1815 : i1 to i32
      %sign3A_1817 = arith.subi %sign3A_1813, %sign3A_1816 : i32
      %ne3A_1818 = vector.broadcast %sign3A_1817 : i32 to vector<16xi32>
      %ne3A_1819 = arith.cmpi ne, %sign3A_1810, %ne3A_1818 : vector<16xi32>
      %rem3A_1820 = vector.broadcast %jit3A_1799 : i32 to vector<16xi32>
      %rem3A_1821 = arith.remsi %get3A_1795, %rem3A_1820 : vector<16xi32>
      %ne3A_1822 = arith.constant 0 : i32
      %ne3A_1823 = vector.broadcast %ne3A_1822 : i32 to vector<16xi32>
      %ne3A_1824 = arith.cmpi ne, %rem3A_1821, %ne3A_1823 : vector<16xi32>
      %and3A_1825 = arith.andi %ne3A_1819, %ne3A_1824 : vector<16xi1>
      %sub3A_1826 = arith.constant 1 : i32
      %sub3A_1827 = vector.broadcast %sub3A_1826 : i32 to vector<16xi32>
      %sub3A_1828 = arith.subi %div3A_1801, %sub3A_1827 : vector<16xi32>
      %select_n3A_1829 = arith.select %and3A_1825, %sub3A_1828, %div3A_1801 : vector<16xi1>, vector<16xi32>
      %min3A_1830 = arith.constant 62 : i32
      %min3A_1831 = vector.broadcast %min3A_1830 : i32 to vector<16xi32>
      %min3A_1832 = arith.minsi %select_n3A_1829, %min3A_1831 : vector<16xi32>
      %jit3A_1833 = arith.constant 8 : i32
      %eq3A_1834 = arith.constant 0 : i32
      %eq3A_1835 = arith.cmpi eq, %jit3A_1833, %eq3A_1834 : i32
      %jit3A_1836 = arith.constant 1 : i32
      %select_n3A_1837 = arith.select %eq3A_1835, %jit3A_1836, %jit3A_1833 : i32
      %rem3A_1838 = vector.broadcast %select_n3A_1837 : i32 to vector<16xi32>
      %rem3A_1839 = arith.remsi %get3A_1795, %rem3A_1838 : vector<16xi32>
      %ne3A_1840 = arith.constant 0 : i32
      %ne3A_1841 = vector.broadcast %ne3A_1840 : i32 to vector<16xi32>
      %ne3A_1842 = arith.cmpi ne, %rem3A_1839, %ne3A_1841 : vector<16xi32>
      %lt3A_1843 = arith.constant 0 : i32
      %lt3A_1844 = vector.broadcast %lt3A_1843 : i32 to vector<16xi32>
      %lt3A_1845 = arith.cmpi slt, %rem3A_1839, %lt3A_1844 : vector<16xi32>
      %lt3A_1846 = arith.constant 0 : i32
      %lt3A_1847 = arith.cmpi slt, %select_n3A_1837, %lt3A_1846 : i32
      %ne3A_1848 = vector.broadcast %lt3A_1847 : i1 to vector<16xi1>
      %ne3A_1849 = vector.broadcast %ne3A_1848 : vector<16xi1> to vector<16xi1>
      %ne3A_1850 = arith.xori %lt3A_1845, %ne3A_1849 : vector<16xi1>
      %and3A_1851 = arith.andi %ne3A_1850, %ne3A_1842 : vector<16xi1>
      %add3A_1852 = vector.broadcast %select_n3A_1837 : i32 to vector<16xi32>
      %add3A_1853 = arith.addi %rem3A_1839, %add3A_1852 : vector<16xi32>
      %select_n3A_1854 = arith.select %and3A_1851, %add3A_1853, %rem3A_1839 : vector<16xi1>, vector<16xi32>
      %lt3A_1855 = arith.constant 63 : i32
      %lt3A_1856 = vector.broadcast %lt3A_1855 : i32 to vector<16xi32>
      %lt3A_1857 = arith.cmpi slt, %select_n3A_1829, %lt3A_1856 : vector<16xi32>
      tpu.vector_store_idx %arg5[%mul3A_8, %min3A_1832, %mul3A_8, %select_n3A_1854, %add3A_1798], %broadcast_in_dim3A_5 masked %lt3A_1857 : memref<1x63x1x8x128xf32, #tpu.memory_space<vmem>>[vector<16xi32>, vector<16xi32>, vector<16xi32>, vector<16xi32>, vector<16xi32>], vector<16xf32>, vector<16xi1>
      %get3A_1858 = arith.index_cast %scan3A_1130 : i32 to index
      %get3A_1859 = arith.constant 48 : index
      %get3A_1860 = tpu.vector_load %arg4[%get3A_1858, %get3A_1859] {strides = array<i32>} : memref<20x128xi32, #tpu.memory_space<vmem>>, vector<16xi32>,
      %add3A_1861 = arith.constant 48 : i32
      %add3A_1862 = vector.broadcast %add3A_1861 : i32 to vector<16xi32>
      %add3A_1863 = arith.addi %iota3A, %add3A_1862 : vector<16xi32>
      %jit3A_1864 = arith.constant 8 : i32
      %div3A_1865 = vector.broadcast %jit3A_1864 : i32 to vector<16xi32>
      %div3A_1866 = arith.divsi %get3A_1860, %div3A_1865 : vector<16xi32>
      %sign3A_1867 = arith.constant 0 : i32
      %sign3A_1868 = vector.broadcast %sign3A_1867 : i32 to vector<16xi32>
      %sign3A_1869 = arith.cmpi sgt, %get3A_1860, %sign3A_1868 : vector<16xi32>
      %sign3A_1870 = arith.extui %sign3A_1869 : vector<16xi1> to vector<16xi32>
      %sign3A_1871 = arith.constant 0 : i32
      %sign3A_1872 = vector.broadcast %sign3A_1871 : i32 to vector<16xi32>
      %sign3A_1873 = arith.cmpi slt, %get3A_1860, %sign3A_1872 : vector<16xi32>
      %sign3A_1874 = arith.extui %sign3A_1873 : vector<16xi1> to vector<16xi32>
      %sign3A_1875 = arith.subi %sign3A_1870, %sign3A_1874 : vector<16xi32>
      %sign3A_1876 = arith.constant 0 : i32
      %sign3A_1877 = arith.cmpi sgt, %jit3A_1864, %sign3A_1876 : i32
      %sign3A_1878 = arith.extui %sign3A_1877 : i1 to i32
      %sign3A_1879 = arith.constant 0 : i32
      %sign3A_1880 = arith.cmpi slt, %jit3A_1864, %sign3A_1879 : i32
      %sign3A_1881 = arith.extui %sign3A_1880 : i1 to i32
      %sign3A_1882 = arith.subi %sign3A_1878, %sign3A_1881 : i32
      %ne3A_1883 = vector.broadcast %sign3A_1882 : i32 to vector<16xi32>
      %ne3A_1884 = arith.cmpi ne, %sign3A_1875, %ne3A_1883 : vector<16xi32>
      %rem3A_1885 = vector.broadcast %jit3A_1864 : i32 to vector<16xi32>
      %rem3A_1886 = arith.remsi %get3A_1860, %rem3A_1885 : vector<16xi32>
      %ne3A_1887 = arith.constant 0 : i32
      %ne3A_1888 = vector.broadcast %ne3A_1887 : i32 to vector<16xi32>
      %ne3A_1889 = arith.cmpi ne, %rem3A_1886, %ne3A_1888 : vector<16xi32>
      %and3A_1890 = arith.andi %ne3A_1884, %ne3A_1889 : vector<16xi1>
      %sub3A_1891 = arith.constant 1 : i32
      %sub3A_1892 = vector.broadcast %sub3A_1891 : i32 to vector<16xi32>
      %sub3A_1893 = arith.subi %div3A_1866, %sub3A_1892 : vector<16xi32>
      %select_n3A_1894 = arith.select %and3A_1890, %sub3A_1893, %div3A_1866 : vector<16xi1>, vector<16xi32>
      %min3A_1895 = arith.constant 62 : i32
      %min3A_1896 = vector.broadcast %min3A_1895 : i32 to vector<16xi32>
      %min3A_1897 = arith.minsi %select_n3A_1894, %min3A_1896 : vector<16xi32>
      %jit3A_1898 = arith.constant 8 : i32
      %eq3A_1899 = arith.constant 0 : i32
      %eq3A_1900 = arith.cmpi eq, %jit3A_1898, %eq3A_1899 : i32
      %jit3A_1901 = arith.constant 1 : i32
      %select_n3A_1902 = arith.select %eq3A_1900, %jit3A_1901, %jit3A_1898 : i32
      %rem3A_1903 = vector.broadcast %select_n3A_1902 : i32 to vector<16xi32>
      %rem3A_1904 = arith.remsi %get3A_1860, %rem3A_1903 : vector<16xi32>
      %ne3A_1905 = arith.constant 0 : i32
      %ne3A_1906 = vector.broadcast %ne3A_1905 : i32 to vector<16xi32>
      %ne3A_1907 = arith.cmpi ne, %rem3A_1904, %ne3A_1906 : vector<16xi32>
      %lt3A_1908 = arith.constant 0 : i32
      %lt3A_1909 = vector.broadcast %lt3A_1908 : i32 to vector<16xi32>
      %lt3A_1910 = arith.cmpi slt, %rem3A_1904, %lt3A_1909 : vector<16xi32>
      %lt3A_1911 = arith.constant 0 : i32
      %lt3A_1912 = arith.cmpi slt, %select_n3A_1902, %lt3A_1911 : i32
      %ne3A_1913 = vector.broadcast %lt3A_1912 : i1 to vector<16xi1>
      %ne3A_1914 = vector.broadcast %ne3A_1913 : vector<16xi1> to vector<16xi1>
      %ne3A_1915 = arith.xori %lt3A_1910, %ne3A_1914 : vector<16xi1>
      %and3A_1916 = arith.andi %ne3A_1915, %ne3A_1907 : vector<16xi1>
      %add3A_1917 = vector.broadcast %select_n3A_1902 : i32 to vector<16xi32>
      %add3A_1918 = arith.addi %rem3A_1904, %add3A_1917 : vector<16xi32>
      %select_n3A_1919 = arith.select %and3A_1916, %add3A_1918, %rem3A_1904 : vector<16xi1>, vector<16xi32>
      %lt3A_1920 = arith.constant 63 : i32
      %lt3A_1921 = vector.broadcast %lt3A_1920 : i32 to vector<16xi32>
      %lt3A_1922 = arith.cmpi slt, %select_n3A_1894, %lt3A_1921 : vector<16xi32>
      tpu.vector_store_idx %arg5[%mul3A_8, %min3A_1897, %mul3A_8, %select_n3A_1919, %add3A_1863], %broadcast_in_dim3A_5 masked %lt3A_1922 : memref<1x63x1x8x128xf32, #tpu.memory_space<vmem>>[vector<16xi32>, vector<16xi32>, vector<16xi32>, vector<16xi32>, vector<16xi32>], vector<16xf32>, vector<16xi1>
      %get3A_1923 = arith.index_cast %scan3A_1130 : i32 to index
      %get3A_1924 = arith.constant 64 : index
      %get3A_1925 = tpu.vector_load %arg4[%get3A_1923, %get3A_1924] {strides = array<i32>} : memref<20x128xi32, #tpu.memory_space<vmem>>, vector<16xi32>,
      %add3A_1926 = arith.constant 64 : i32
      %add3A_1927 = vector.broadcast %add3A_1926 : i32 to vector<16xi32>
      %add3A_1928 = arith.addi %iota3A, %add3A_1927 : vector<16xi32>
      %jit3A_1929 = arith.constant 8 : i32
      %div3A_1930 = vector.broadcast %jit3A_1929 : i32 to vector<16xi32>
      %div3A_1931 = arith.divsi %get3A_1925, %div3A_1930 : vector<16xi32>
      %sign3A_1932 = arith.constant 0 : i32
      %sign3A_1933 = vector.broadcast %sign3A_1932 : i32 to vector<16xi32>
      %sign3A_1934 = arith.cmpi sgt, %get3A_1925, %sign3A_1933 : vector<16xi32>
      %sign3A_1935 = arith.extui %sign3A_1934 : vector<16xi1> to vector<16xi32>
      %sign3A_1936 = arith.constant 0 : i32
      %sign3A_1937 = vector.broadcast %sign3A_1936 : i32 to vector<16xi32>
      %sign3A_1938 = arith.cmpi slt, %get3A_1925, %sign3A_1937 : vector<16xi32>
      %sign3A_1939 = arith.extui %sign3A_1938 : vector<16xi1> to vector<16xi32>
      %sign3A_1940 = arith.subi %sign3A_1935, %sign3A_1939 : vector<16xi32>
      %sign3A_1941 = arith.constant 0 : i32
      %sign3A_1942 = arith.cmpi sgt, %jit3A_1929, %sign3A_1941 : i32
      %sign3A_1943 = arith.extui %sign3A_1942 : i1 to i32
      %sign3A_1944 = arith.constant 0 : i32
      %sign3A_1945 = arith.cmpi slt, %jit3A_1929, %sign3A_1944 : i32
      %sign3A_1946 = arith.extui %sign3A_1945 : i1 to i32
      %sign3A_1947 = arith.subi %sign3A_1943, %sign3A_1946 : i32
      %ne3A_1948 = vector.broadcast %sign3A_1947 : i32 to vector<16xi32>
      %ne3A_1949 = arith.cmpi ne, %sign3A_1940, %ne3A_1948 : vector<16xi32>
      %rem3A_1950 = vector.broadcast %jit3A_1929 : i32 to vector<16xi32>
      %rem3A_1951 = arith.remsi %get3A_1925, %rem3A_1950 : vector<16xi32>
      %ne3A_1952 = arith.constant 0 : i32
      %ne3A_1953 = vector.broadcast %ne3A_1952 : i32 to vector<16xi32>
      %ne3A_1954 = arith.cmpi ne, %rem3A_1951, %ne3A_1953 : vector<16xi32>
      %and3A_1955 = arith.andi %ne3A_1949, %ne3A_1954 : vector<16xi1>
      %sub3A_1956 = arith.constant 1 : i32
      %sub3A_1957 = vector.broadcast %sub3A_1956 : i32 to vector<16xi32>
      %sub3A_1958 = arith.subi %div3A_1931, %sub3A_1957 : vector<16xi32>
      %select_n3A_1959 = arith.select %and3A_1955, %sub3A_1958, %div3A_1931 : vector<16xi1>, vector<16xi32>
      %min3A_1960 = arith.constant 62 : i32
      %min3A_1961 = vector.broadcast %min3A_1960 : i32 to vector<16xi32>
      %min3A_1962 = arith.minsi %select_n3A_1959, %min3A_1961 : vector<16xi32>
      %jit3A_1963 = arith.constant 8 : i32
      %eq3A_1964 = arith.constant 0 : i32
      %eq3A_1965 = arith.cmpi eq, %jit3A_1963, %eq3A_1964 : i32
      %jit3A_1966 = arith.constant 1 : i32
      %select_n3A_1967 = arith.select %eq3A_1965, %jit3A_1966, %jit3A_1963 : i32
      %rem3A_1968 = vector.broadcast %select_n3A_1967 : i32 to vector<16xi32>
      %rem3A_1969 = arith.remsi %get3A_1925, %rem3A_1968 : vector<16xi32>
      %ne3A_1970 = arith.constant 0 : i32
      %ne3A_1971 = vector.broadcast %ne3A_1970 : i32 to vector<16xi32>
      %ne3A_1972 = arith.cmpi ne, %rem3A_1969, %ne3A_1971 : vector<16xi32>
      %lt3A_1973 = arith.constant 0 : i32
      %lt3A_1974 = vector.broadcast %lt3A_1973 : i32 to vector<16xi32>
      %lt3A_1975 = arith.cmpi slt, %rem3A_1969, %lt3A_1974 : vector<16xi32>
      %lt3A_1976 = arith.constant 0 : i32
      %lt3A_1977 = arith.cmpi slt, %select_n3A_1967, %lt3A_1976 : i32
      %ne3A_1978 = vector.broadcast %lt3A_1977 : i1 to vector<16xi1>
      %ne3A_1979 = vector.broadcast %ne3A_1978 : vector<16xi1> to vector<16xi1>
      %ne3A_1980 = arith.xori %lt3A_1975, %ne3A_1979 : vector<16xi1>
      %and3A_1981 = arith.andi %ne3A_1980, %ne3A_1972 : vector<16xi1>
      %add3A_1982 = vector.broadcast %select_n3A_1967 : i32 to vector<16xi32>
      %add3A_1983 = arith.addi %rem3A_1969, %add3A_1982 : vector<16xi32>
      %select_n3A_1984 = arith.select %and3A_1981, %add3A_1983, %rem3A_1969 : vector<16xi1>, vector<16xi32>
      %lt3A_1985 = arith.constant 63 : i32
      %lt3A_1986 = vector.broadcast %lt3A_1985 : i32 to vector<16xi32>
      %lt3A_1987 = arith.cmpi slt, %select_n3A_1959, %lt3A_1986 : vector<16xi32>
      tpu.vector_store_idx %arg5[%mul3A_8, %min3A_1962, %mul3A_8, %select_n3A_1984, %add3A_1928], %broadcast_in_dim3A_5 masked %lt3A_1987 : memref<1x63x1x8x128xf32, #tpu.memory_space<vmem>>[vector<16xi32>, vector<16xi32>, vector<16xi32>, vector<16xi32>, vector<16xi32>], vector<16xf32>, vector<16xi1>
      %get3A_1988 = arith.index_cast %scan3A_1130 : i32 to index
      %get3A_1989 = arith.constant 80 : index
      %get3A_1990 = tpu.vector_load %arg4[%get3A_1988, %get3A_1989] {strides = array<i32>} : memref<20x128xi32, #tpu.memory_space<vmem>>, vector<16xi32>,
      %add3A_1991 = arith.constant 80 : i32
      %add3A_1992 = vector.broadcast %add3A_1991 : i32 to vector<16xi32>
      %add3A_1993 = arith.addi %iota3A, %add3A_1992 : vector<16xi32>
      %jit3A_1994 = arith.constant 8 : i32
      %div3A_1995 = vector.broadcast %jit3A_1994 : i32 to vector<16xi32>
      %div3A_1996 = arith.divsi %get3A_1990, %div3A_1995 : vector<16xi32>
      %sign3A_1997 = arith.constant 0 : i32
      %sign3A_1998 = vector.broadcast %sign3A_1997 : i32 to vector<16xi32>
      %sign3A_1999 = arith.cmpi sgt, %get3A_1990, %sign3A_1998 : vector<16xi32>
      %sign3A_2000 = arith.extui %sign3A_1999 : vector<16xi1> to vector<16xi32>
      %sign3A_2001 = arith.constant 0 : i32
      %sign3A_2002 = vector.broadcast %sign3A_2001 : i32 to vector<16xi32>
      %sign3A_2003 = arith.cmpi slt, %get3A_1990, %sign3A_2002 : vector<16xi32>
      %sign3A_2004 = arith.extui %sign3A_2003 : vector<16xi1> to vector<16xi32>
      %sign3A_2005 = arith.subi %sign3A_2000, %sign3A_2004 : vector<16xi32>
      %sign3A_2006 = arith.constant 0 : i32
      %sign3A_2007 = arith.cmpi sgt, %jit3A_1994, %sign3A_2006 : i32
      %sign3A_2008 = arith.extui %sign3A_2007 : i1 to i32
      %sign3A_2009 = arith.constant 0 : i32
      %sign3A_2010 = arith.cmpi slt, %jit3A_1994, %sign3A_2009 : i32
      %sign3A_2011 = arith.extui %sign3A_2010 : i1 to i32
      %sign3A_2012 = arith.subi %sign3A_2008, %sign3A_2011 : i32
      %ne3A_2013 = vector.broadcast %sign3A_2012 : i32 to vector<16xi32>
      %ne3A_2014 = arith.cmpi ne, %sign3A_2005, %ne3A_2013 : vector<16xi32>
      %rem3A_2015 = vector.broadcast %jit3A_1994 : i32 to vector<16xi32>
      %rem3A_2016 = arith.remsi %get3A_1990, %rem3A_2015 : vector<16xi32>
      %ne3A_2017 = arith.constant 0 : i32
      %ne3A_2018 = vector.broadcast %ne3A_2017 : i32 to vector<16xi32>
      %ne3A_2019 = arith.cmpi ne, %rem3A_2016, %ne3A_2018 : vector<16xi32>
      %and3A_2020 = arith.andi %ne3A_2014, %ne3A_2019 : vector<16xi1>
      %sub3A_2021 = arith.constant 1 : i32
      %sub3A_2022 = vector.broadcast %sub3A_2021 : i32 to vector<16xi32>
      %sub3A_2023 = arith.subi %div3A_1996, %sub3A_2022 : vector<16xi32>
      %select_n3A_2024 = arith.select %and3A_2020, %sub3A_2023, %div3A_1996 : vector<16xi1>, vector<16xi32>
      %min3A_2025 = arith.constant 62 : i32
      %min3A_2026 = vector.broadcast %min3A_2025 : i32 to vector<16xi32>
      %min3A_2027 = arith.minsi %select_n3A_2024, %min3A_2026 : vector<16xi32>
      %jit3A_2028 = arith.constant 8 : i32
      %eq3A_2029 = arith.constant 0 : i32
      %eq3A_2030 = arith.cmpi eq, %jit3A_2028, %eq3A_2029 : i32
      %jit3A_2031 = arith.constant 1 : i32
      %select_n3A_2032 = arith.select %eq3A_2030, %jit3A_2031, %jit3A_2028 : i32
      %rem3A_2033 = vector.broadcast %select_n3A_2032 : i32 to vector<16xi32>
      %rem3A_2034 = arith.remsi %get3A_1990, %rem3A_2033 : vector<16xi32>
      %ne3A_2035 = arith.constant 0 : i32
      %ne3A_2036 = vector.broadcast %ne3A_2035 : i32 to vector<16xi32>
      %ne3A_2037 = arith.cmpi ne, %rem3A_2034, %ne3A_2036 : vector<16xi32>
      %lt3A_2038 = arith.constant 0 : i32
      %lt3A_2039 = vector.broadcast %lt3A_2038 : i32 to vector<16xi32>
      %lt3A_2040 = arith.cmpi slt, %rem3A_2034, %lt3A_2039 : vector<16xi32>
      %lt3A_2041 = arith.constant 0 : i32
      %lt3A_2042 = arith.cmpi slt, %select_n3A_2032, %lt3A_2041 : i32
      %ne3A_2043 = vector.broadcast %lt3A_2042 : i1 to vector<16xi1>
      %ne3A_2044 = vector.broadcast %ne3A_2043 : vector<16xi1> to vector<16xi1>
      %ne3A_2045 = arith.xori %lt3A_2040, %ne3A_2044 : vector<16xi1>
      %and3A_2046 = arith.andi %ne3A_2045, %ne3A_2037 : vector<16xi1>
      %add3A_2047 = vector.broadcast %select_n3A_2032 : i32 to vector<16xi32>
      %add3A_2048 = arith.addi %rem3A_2034, %add3A_2047 : vector<16xi32>
      %select_n3A_2049 = arith.select %and3A_2046, %add3A_2048, %rem3A_2034 : vector<16xi1>, vector<16xi32>
      %lt3A_2050 = arith.constant 63 : i32
      %lt3A_2051 = vector.broadcast %lt3A_2050 : i32 to vector<16xi32>
      %lt3A_2052 = arith.cmpi slt, %select_n3A_2024, %lt3A_2051 : vector<16xi32>
      tpu.vector_store_idx %arg5[%mul3A_8, %min3A_2027, %mul3A_8, %select_n3A_2049, %add3A_1993], %broadcast_in_dim3A_5 masked %lt3A_2052 : memref<1x63x1x8x128xf32, #tpu.memory_space<vmem>>[vector<16xi32>, vector<16xi32>, vector<16xi32>, vector<16xi32>, vector<16xi32>], vector<16xf32>, vector<16xi1>
      %get3A_2053 = arith.index_cast %scan3A_1130 : i32 to index
      %get3A_2054 = arith.constant 96 : index
      %get3A_2055 = tpu.vector_load %arg4[%get3A_2053, %get3A_2054] {strides = array<i32>} : memref<20x128xi32, #tpu.memory_space<vmem>>, vector<16xi32>,
      %add3A_2056 = arith.constant 96 : i32
      %add3A_2057 = vector.broadcast %add3A_2056 : i32 to vector<16xi32>
      %add3A_2058 = arith.addi %iota3A, %add3A_2057 : vector<16xi32>
      %jit3A_2059 = arith.constant 8 : i32
      %div3A_2060 = vector.broadcast %jit3A_2059 : i32 to vector<16xi32>
      %div3A_2061 = arith.divsi %get3A_2055, %div3A_2060 : vector<16xi32>
      %sign3A_2062 = arith.constant 0 : i32
      %sign3A_2063 = vector.broadcast %sign3A_2062 : i32 to vector<16xi32>
      %sign3A_2064 = arith.cmpi sgt, %get3A_2055, %sign3A_2063 : vector<16xi32>
      %sign3A_2065 = arith.extui %sign3A_2064 : vector<16xi1> to vector<16xi32>
      %sign3A_2066 = arith.constant 0 : i32
      %sign3A_2067 = vector.broadcast %sign3A_2066 : i32 to vector<16xi32>
      %sign3A_2068 = arith.cmpi slt, %get3A_2055, %sign3A_2067 : vector<16xi32>
      %sign3A_2069 = arith.extui %sign3A_2068 : vector<16xi1> to vector<16xi32>
      %sign3A_2070 = arith.subi %sign3A_2065, %sign3A_2069 : vector<16xi32>
      %sign3A_2071 = arith.constant 0 : i32
      %sign3A_2072 = arith.cmpi sgt, %jit3A_2059, %sign3A_2071 : i32
      %sign3A_2073 = arith.extui %sign3A_2072 : i1 to i32
      %sign3A_2074 = arith.constant 0 : i32
      %sign3A_2075 = arith.cmpi slt, %jit3A_2059, %sign3A_2074 : i32
      %sign3A_2076 = arith.extui %sign3A_2075 : i1 to i32
      %sign3A_2077 = arith.subi %sign3A_2073, %sign3A_2076 : i32
      %ne3A_2078 = vector.broadcast %sign3A_2077 : i32 to vector<16xi32>
      %ne3A_2079 = arith.cmpi ne, %sign3A_2070, %ne3A_2078 : vector<16xi32>
      %rem3A_2080 = vector.broadcast %jit3A_2059 : i32 to vector<16xi32>
      %rem3A_2081 = arith.remsi %get3A_2055, %rem3A_2080 : vector<16xi32>
      %ne3A_2082 = arith.constant 0 : i32
      %ne3A_2083 = vector.broadcast %ne3A_2082 : i32 to vector<16xi32>
      %ne3A_2084 = arith.cmpi ne, %rem3A_2081, %ne3A_2083 : vector<16xi32>
      %and3A_2085 = arith.andi %ne3A_2079, %ne3A_2084 : vector<16xi1>
      %sub3A_2086 = arith.constant 1 : i32
      %sub3A_2087 = vector.broadcast %sub3A_2086 : i32 to vector<16xi32>
      %sub3A_2088 = arith.subi %div3A_2061, %sub3A_2087 : vector<16xi32>
      %select_n3A_2089 = arith.select %and3A_2085, %sub3A_2088, %div3A_2061 : vector<16xi1>, vector<16xi32>
      %min3A_2090 = arith.constant 62 : i32
      %min3A_2091 = vector.broadcast %min3A_2090 : i32 to vector<16xi32>
      %min3A_2092 = arith.minsi %select_n3A_2089, %min3A_2091 : vector<16xi32>
      %jit3A_2093 = arith.constant 8 : i32
      %eq3A_2094 = arith.constant 0 : i32
      %eq3A_2095 = arith.cmpi eq, %jit3A_2093, %eq3A_2094 : i32
      %jit3A_2096 = arith.constant 1 : i32
      %select_n3A_2097 = arith.select %eq3A_2095, %jit3A_2096, %jit3A_2093 : i32
      %rem3A_2098 = vector.broadcast %select_n3A_2097 : i32 to vector<16xi32>
      %rem3A_2099 = arith.remsi %get3A_2055, %rem3A_2098 : vector<16xi32>
      %ne3A_2100 = arith.constant 0 : i32
      %ne3A_2101 = vector.broadcast %ne3A_2100 : i32 to vector<16xi32>
      %ne3A_2102 = arith.cmpi ne, %rem3A_2099, %ne3A_2101 : vector<16xi32>
      %lt3A_2103 = arith.constant 0 : i32
      %lt3A_2104 = vector.broadcast %lt3A_2103 : i32 to vector<16xi32>
      %lt3A_2105 = arith.cmpi slt, %rem3A_2099, %lt3A_2104 : vector<16xi32>
      %lt3A_2106 = arith.constant 0 : i32
      %lt3A_2107 = arith.cmpi slt, %select_n3A_2097, %lt3A_2106 : i32
      %ne3A_2108 = vector.broadcast %lt3A_2107 : i1 to vector<16xi1>
      %ne3A_2109 = vector.broadcast %ne3A_2108 : vector<16xi1> to vector<16xi1>
      %ne3A_2110 = arith.xori %lt3A_2105, %ne3A_2109 : vector<16xi1>
      %and3A_2111 = arith.andi %ne3A_2110, %ne3A_2102 : vector<16xi1>
      %add3A_2112 = vector.broadcast %select_n3A_2097 : i32 to vector<16xi32>
      %add3A_2113 = arith.addi %rem3A_2099, %add3A_2112 : vector<16xi32>
      %select_n3A_2114 = arith.select %and3A_2111, %add3A_2113, %rem3A_2099 : vector<16xi1>, vector<16xi32>
      %lt3A_2115 = arith.constant 63 : i32
      %lt3A_2116 = vector.broadcast %lt3A_2115 : i32 to vector<16xi32>
      %lt3A_2117 = arith.cmpi slt, %select_n3A_2089, %lt3A_2116 : vector<16xi32>
      tpu.vector_store_idx %arg5[%mul3A_8, %min3A_2092, %mul3A_8, %select_n3A_2114, %add3A_2058], %broadcast_in_dim3A_5 masked %lt3A_2117 : memref<1x63x1x8x128xf32, #tpu.memory_space<vmem>>[vector<16xi32>, vector<16xi32>, vector<16xi32>, vector<16xi32>, vector<16xi32>], vector<16xf32>, vector<16xi1>
      %get3A_2118 = arith.index_cast %scan3A_1130 : i32 to index
      %get3A_2119 = arith.constant 112 : index
      %get3A_2120 = tpu.vector_load %arg4[%get3A_2118, %get3A_2119] {strides = array<i32>} : memref<20x128xi32, #tpu.memory_space<vmem>>, vector<16xi32>,
      %add3A_2121 = arith.constant 112 : i32
      %add3A_2122 = vector.broadcast %add3A_2121 : i32 to vector<16xi32>
      %add3A_2123 = arith.addi %iota3A, %add3A_2122 : vector<16xi32>
      %jit3A_2124 = arith.constant 8 : i32
      %div3A_2125 = vector.broadcast %jit3A_2124 : i32 to vector<16xi32>
      %div3A_2126 = arith.divsi %get3A_2120, %div3A_2125 : vector<16xi32>
      %sign3A_2127 = arith.constant 0 : i32
      %sign3A_2128 = vector.broadcast %sign3A_2127 : i32 to vector<16xi32>
      %sign3A_2129 = arith.cmpi sgt, %get3A_2120, %sign3A_2128 : vector<16xi32>
      %sign3A_2130 = arith.extui %sign3A_2129 : vector<16xi1> to vector<16xi32>
      %sign3A_2131 = arith.constant 0 : i32
      %sign3A_2132 = vector.broadcast %sign3A_2131 : i32 to vector<16xi32>
      %sign3A_2133 = arith.cmpi slt, %get3A_2120, %sign3A_2132 : vector<16xi32>
      %sign3A_2134 = arith.extui %sign3A_2133 : vector<16xi1> to vector<16xi32>
      %sign3A_2135 = arith.subi %sign3A_2130, %sign3A_2134 : vector<16xi32>
      %sign3A_2136 = arith.constant 0 : i32
      %sign3A_2137 = arith.cmpi sgt, %jit3A_2124, %sign3A_2136 : i32
      %sign3A_2138 = arith.extui %sign3A_2137 : i1 to i32
      %sign3A_2139 = arith.constant 0 : i32
      %sign3A_2140 = arith.cmpi slt, %jit3A_2124, %sign3A_2139 : i32
      %sign3A_2141 = arith.extui %sign3A_2140 : i1 to i32
      %sign3A_2142 = arith.subi %sign3A_2138, %sign3A_2141 : i32
      %ne3A_2143 = vector.broadcast %sign3A_2142 : i32 to vector<16xi32>
      %ne3A_2144 = arith.cmpi ne, %sign3A_2135, %ne3A_2143 : vector<16xi32>
      %rem3A_2145 = vector.broadcast %jit3A_2124 : i32 to vector<16xi32>
      %rem3A_2146 = arith.remsi %get3A_2120, %rem3A_2145 : vector<16xi32>
      %ne3A_2147 = arith.constant 0 : i32
      %ne3A_2148 = vector.broadcast %ne3A_2147 : i32 to vector<16xi32>
      %ne3A_2149 = arith.cmpi ne, %rem3A_2146, %ne3A_2148 : vector<16xi32>
      %and3A_2150 = arith.andi %ne3A_2144, %ne3A_2149 : vector<16xi1>
      %sub3A_2151 = arith.constant 1 : i32
      %sub3A_2152 = vector.broadcast %sub3A_2151 : i32 to vector<16xi32>
      %sub3A_2153 = arith.subi %div3A_2126, %sub3A_2152 : vector<16xi32>
      %select_n3A_2154 = arith.select %and3A_2150, %sub3A_2153, %div3A_2126 : vector<16xi1>, vector<16xi32>
      %min3A_2155 = arith.constant 62 : i32
      %min3A_2156 = vector.broadcast %min3A_2155 : i32 to vector<16xi32>
      %min3A_2157 = arith.minsi %select_n3A_2154, %min3A_2156 : vector<16xi32>
      %jit3A_2158 = arith.constant 8 : i32
      %eq3A_2159 = arith.constant 0 : i32
      %eq3A_2160 = arith.cmpi eq, %jit3A_2158, %eq3A_2159 : i32
      %jit3A_2161 = arith.constant 1 : i32
      %select_n3A_2162 = arith.select %eq3A_2160, %jit3A_2161, %jit3A_2158 : i32
      %rem3A_2163 = vector.broadcast %select_n3A_2162 : i32 to vector<16xi32>
      %rem3A_2164 = arith.remsi %get3A_2120, %rem3A_2163 : vector<16xi32>
      %ne3A_2165 = arith.constant 0 : i32
      %ne3A_2166 = vector.broadcast %ne3A_2165 : i32 to vector<16xi32>
      %ne3A_2167 = arith.cmpi ne, %rem3A_2164, %ne3A_2166 : vector<16xi32>
      %lt3A_2168 = arith.constant 0 : i32
      %lt3A_2169 = vector.broadcast %lt3A_2168 : i32 to vector<16xi32>
      %lt3A_2170 = arith.cmpi slt, %rem3A_2164, %lt3A_2169 : vector<16xi32>
      %lt3A_2171 = arith.constant 0 : i32
      %lt3A_2172 = arith.cmpi slt, %select_n3A_2162, %lt3A_2171 : i32
      %ne3A_2173 = vector.broadcast %lt3A_2172 : i1 to vector<16xi1>
      %ne3A_2174 = vector.broadcast %ne3A_2173 : vector<16xi1> to vector<16xi1>
      %ne3A_2175 = arith.xori %lt3A_2170, %ne3A_2174 : vector<16xi1>
      %and3A_2176 = arith.andi %ne3A_2175, %ne3A_2167 : vector<16xi1>
      %add3A_2177 = vector.broadcast %select_n3A_2162 : i32 to vector<16xi32>
      %add3A_2178 = arith.addi %rem3A_2164, %add3A_2177 : vector<16xi32>
      %select_n3A_2179 = arith.select %and3A_2176, %add3A_2178, %rem3A_2164 : vector<16xi1>, vector<16xi32>
      %lt3A_2180 = arith.constant 63 : i32
      %lt3A_2181 = vector.broadcast %lt3A_2180 : i32 to vector<16xi32>
      %lt3A_2182 = arith.cmpi slt, %select_n3A_2154, %lt3A_2181 : vector<16xi32>
      tpu.vector_store_idx %arg5[%mul3A_8, %min3A_2157, %mul3A_8, %select_n3A_2179, %add3A_2123], %broadcast_in_dim3A_5 masked %lt3A_2182 : memref<1x63x1x8x128xf32, #tpu.memory_space<vmem>>[vector<16xi32>, vector<16xi32>, vector<16xi32>, vector<16xi32>, vector<16xi32>], vector<16xf32>, vector<16xi1>
      %dma_start3A_2183 = arith.constant 0 : i32
      %dma_start3A_2184 = arith.constant 0 : i32
      %dma_start3A_2185 = arith.constant 0 : i32
      %dma_start3A_2186 = tpu.memref_slice %arg3[%scan3A_1130, %dma_start3A_2183, %add3A, %dma_start3A_2184, %dma_start3A_2185] : memref<20x125x32x8x128xf32, #tpu.memory_space<hbm>> -> memref<1x63x1x8x128xf32, #tpu.memory_space<hbm>>
      %dma_start3A_2187 = arith.constant 0 : i32
      %dma_start3A_2188 = arith.constant 0 : i32
      %dma_start3A_2189 = arith.constant 0 : i32
      %dma_start3A_2190 = tpu.memref_slice %arg3[%scan3A_1130, %dma_start3A_2187, %add3A, %dma_start3A_2188, %dma_start3A_2189] : memref<20x125x32x8x128xf32, #tpu.memory_space<hbm>> -> memref<1x63x1x8x128xf32, #tpu.memory_space<hbm>>
      tpu.enqueue_dma source(%arg5 : memref<1x63x1x8x128xf32, #tpu.memory_space<vmem>>) target(%dma_start3A_2190 : memref<1x63x1x8x128xf32, #tpu.memory_space<hbm>>) target_semaphore(%arg7 : memref<!tpu.dma_semaphore, #tpu.memory_space<semaphore_mem>>)
      %dma_wait3A_2191 = arith.constant 0 : i32
      %dma_wait3A_2192 = arith.constant 63 : i32
      %dma_wait3A_2193 = arith.constant 0 : i32
      %dma_wait3A_2194 = arith.constant 0 : i32
      %dma_wait3A_2195 = tpu.memref_slice %arg3[%dma_wait3A_2191, %dma_wait3A_2192, %add3A, %dma_wait3A_2193, %dma_wait3A_2194] : memref<20x125x32x8x128xf32, #tpu.memory_space<hbm>> -> memref<1x62x1x8x128xf32, #tpu.memory_space<hbm>>
      %dma_wait3A_2196 = arith.constant 0 : i32
      %dma_wait3A_2197 = arith.constant 63 : i32
      %dma_wait3A_2198 = arith.constant 0 : i32
      %dma_wait3A_2199 = arith.constant 0 : i32
      %dma_wait3A_2200 = tpu.memref_slice %arg3[%dma_wait3A_2196, %dma_wait3A_2197, %add3A, %dma_wait3A_2198, %dma_wait3A_2199] : memref<20x125x32x8x128xf32, #tpu.memory_space<hbm>> -> memref<1x62x1x8x128xf32, #tpu.memory_space<hbm>>
      tpu.wait_dma2 semaphore(%arg8 : memref<!tpu.dma_semaphore, #tpu.memory_space<semaphore_mem>>) src(%arg6 : memref<1x62x1x8x128xf32, #tpu.memory_space<vmem>>) dst(%dma_wait3A_2200 : memref<1x62x1x8x128xf32, #tpu.memory_space<hbm>>)
      %sub3A_2201 = arith.constant 1 : i32
      %sub3A_2202 = arith.subi %scan3A_1130, %sub3A_2201 : i32
      %get3A_2203 = arith.index_cast %sub3A_2202 : i32 to index
      %get3A_2204 = arith.constant 0 : index
      %get3A_2205 = tpu.vector_load %arg4[%get3A_2203, %get3A_2204] {strides = array<i32>} : memref<20x128xi32, #tpu.memory_space<vmem>>, vector<16xi32>,
      %add3A_2206 = arith.constant 0 : i32
      %add3A_2207 = vector.broadcast %add3A_2206 : i32 to vector<16xi32>
      %add3A_2208 = arith.addi %iota3A, %add3A_2207 : vector<16xi32>
      %jit3A_2209 = arith.constant 8 : i32
      %div3A_2210 = vector.broadcast %jit3A_2209 : i32 to vector<16xi32>
      %div3A_2211 = arith.divsi %get3A_2205, %div3A_2210 : vector<16xi32>
      %sign3A_2212 = arith.constant 0 : i32
      %sign3A_2213 = vector.broadcast %sign3A_2212 : i32 to vector<16xi32>
      %sign3A_2214 = arith.cmpi sgt, %get3A_2205, %sign3A_2213 : vector<16xi32>
      %sign3A_2215 = arith.extui %sign3A_2214 : vector<16xi1> to vector<16xi32>
      %sign3A_2216 = arith.constant 0 : i32
      %sign3A_2217 = vector.broadcast %sign3A_2216 : i32 to vector<16xi32>
      %sign3A_2218 = arith.cmpi slt, %get3A_2205, %sign3A_2217 : vector<16xi32>
      %sign3A_2219 = arith.extui %sign3A_2218 : vector<16xi1> to vector<16xi32>
      %sign3A_2220 = arith.subi %sign3A_2215, %sign3A_2219 : vector<16xi32>
      %sign3A_2221 = arith.constant 0 : i32
      %sign3A_2222 = arith.cmpi sgt, %jit3A_2209, %sign3A_2221 : i32
      %sign3A_2223 = arith.extui %sign3A_2222 : i1 to i32
      %sign3A_2224 = arith.constant 0 : i32
      %sign3A_2225 = arith.cmpi slt, %jit3A_2209, %sign3A_2224 : i32
      %sign3A_2226 = arith.extui %sign3A_2225 : i1 to i32
      %sign3A_2227 = arith.subi %sign3A_2223, %sign3A_2226 : i32
      %ne3A_2228 = vector.broadcast %sign3A_2227 : i32 to vector<16xi32>
      %ne3A_2229 = arith.cmpi ne, %sign3A_2220, %ne3A_2228 : vector<16xi32>
      %rem3A_2230 = vector.broadcast %jit3A_2209 : i32 to vector<16xi32>
      %rem3A_2231 = arith.remsi %get3A_2205, %rem3A_2230 : vector<16xi32>
      %ne3A_2232 = arith.constant 0 : i32
      %ne3A_2233 = vector.broadcast %ne3A_2232 : i32 to vector<16xi32>
      %ne3A_2234 = arith.cmpi ne, %rem3A_2231, %ne3A_2233 : vector<16xi32>
      %and3A_2235 = arith.andi %ne3A_2229, %ne3A_2234 : vector<16xi1>
      %sub3A_2236 = arith.constant 1 : i32
      %sub3A_2237 = vector.broadcast %sub3A_2236 : i32 to vector<16xi32>
      %sub3A_2238 = arith.subi %div3A_2211, %sub3A_2237 : vector<16xi32>
      %select_n3A_2239 = arith.select %and3A_2235, %sub3A_2238, %div3A_2211 : vector<16xi1>, vector<16xi32>
      %sub3A_2240 = arith.constant 63 : i32
      %sub3A_2241 = vector.broadcast %sub3A_2240 : i32 to vector<16xi32>
      %sub3A_2242 = arith.subi %select_n3A_2239, %sub3A_2241 : vector<16xi32>
      %max3A_2243 = arith.constant 0 : i32
      %max3A_2244 = vector.broadcast %max3A_2243 : i32 to vector<16xi32>
      %max3A_2245 = arith.maxsi %sub3A_2242, %max3A_2244 : vector<16xi32>
      %jit3A_2246 = arith.constant 8 : i32
      %eq3A_2247 = arith.constant 0 : i32
      %eq3A_2248 = arith.cmpi eq, %jit3A_2246, %eq3A_2247 : i32
      %jit3A_2249 = arith.constant 1 : i32
      %select_n3A_2250 = arith.select %eq3A_2248, %jit3A_2249, %jit3A_2246 : i32
      %rem3A_2251 = vector.broadcast %select_n3A_2250 : i32 to vector<16xi32>
      %rem3A_2252 = arith.remsi %get3A_2205, %rem3A_2251 : vector<16xi32>
      %ne3A_2253 = arith.constant 0 : i32
      %ne3A_2254 = vector.broadcast %ne3A_2253 : i32 to vector<16xi32>
      %ne3A_2255 = arith.cmpi ne, %rem3A_2252, %ne3A_2254 : vector<16xi32>
      %lt3A_2256 = arith.constant 0 : i32
      %lt3A_2257 = vector.broadcast %lt3A_2256 : i32 to vector<16xi32>
      %lt3A_2258 = arith.cmpi slt, %rem3A_2252, %lt3A_2257 : vector<16xi32>
      %lt3A_2259 = arith.constant 0 : i32
      %lt3A_2260 = arith.cmpi slt, %select_n3A_2250, %lt3A_2259 : i32
      %ne3A_2261 = vector.broadcast %lt3A_2260 : i1 to vector<16xi1>
      %ne3A_2262 = vector.broadcast %ne3A_2261 : vector<16xi1> to vector<16xi1>
      %ne3A_2263 = arith.xori %lt3A_2258, %ne3A_2262 : vector<16xi1>
      %and3A_2264 = arith.andi %ne3A_2263, %ne3A_2255 : vector<16xi1>
      %add3A_2265 = vector.broadcast %select_n3A_2250 : i32 to vector<16xi32>
      %add3A_2266 = arith.addi %rem3A_2252, %add3A_2265 : vector<16xi32>
      %select_n3A_2267 = arith.select %and3A_2264, %add3A_2266, %rem3A_2252 : vector<16xi1>, vector<16xi32>
      %ge3A_2268 = arith.constant 63 : i32
      %ge3A_2269 = vector.broadcast %ge3A_2268 : i32 to vector<16xi32>
      %ge3A_2270 = arith.cmpi sge, %select_n3A_2239, %ge3A_2269 : vector<16xi32>
      tpu.vector_store_idx %arg6[%mul3A_8, %max3A_2245, %mul3A_8, %select_n3A_2267, %add3A_2208], %broadcast_in_dim3A_3 masked %ge3A_2270 : memref<1x62x1x8x128xf32, #tpu.memory_space<vmem>>[vector<16xi32>, vector<16xi32>, vector<16xi32>, vector<16xi32>, vector<16xi32>], vector<16xf32>, vector<16xi1>
      %get3A_2271 = arith.index_cast %sub3A_2202 : i32 to index
      %get3A_2272 = arith.constant 16 : index
      %get3A_2273 = tpu.vector_load %arg4[%get3A_2271, %get3A_2272] {strides = array<i32>} : memref<20x128xi32, #tpu.memory_space<vmem>>, vector<16xi32>,
      %add3A_2274 = arith.constant 16 : i32
      %add3A_2275 = vector.broadcast %add3A_2274 : i32 to vector<16xi32>
      %add3A_2276 = arith.addi %iota3A, %add3A_2275 : vector<16xi32>
      %jit3A_2277 = arith.constant 8 : i32
      %div3A_2278 = vector.broadcast %jit3A_2277 : i32 to vector<16xi32>
      %div3A_2279 = arith.divsi %get3A_2273, %div3A_2278 : vector<16xi32>
      %sign3A_2280 = arith.constant 0 : i32
      %sign3A_2281 = vector.broadcast %sign3A_2280 : i32 to vector<16xi32>
      %sign3A_2282 = arith.cmpi sgt, %get3A_2273, %sign3A_2281 : vector<16xi32>
      %sign3A_2283 = arith.extui %sign3A_2282 : vector<16xi1> to vector<16xi32>
      %sign3A_2284 = arith.constant 0 : i32
      %sign3A_2285 = vector.broadcast %sign3A_2284 : i32 to vector<16xi32>
      %sign3A_2286 = arith.cmpi slt, %get3A_2273, %sign3A_2285 : vector<16xi32>
      %sign3A_2287 = arith.extui %sign3A_2286 : vector<16xi1> to vector<16xi32>
      %sign3A_2288 = arith.subi %sign3A_2283, %sign3A_2287 : vector<16xi32>
      %sign3A_2289 = arith.constant 0 : i32
      %sign3A_2290 = arith.cmpi sgt, %jit3A_2277, %sign3A_2289 : i32
      %sign3A_2291 = arith.extui %sign3A_2290 : i1 to i32
      %sign3A_2292 = arith.constant 0 : i32
      %sign3A_2293 = arith.cmpi slt, %jit3A_2277, %sign3A_2292 : i32
      %sign3A_2294 = arith.extui %sign3A_2293 : i1 to i32
      %sign3A_2295 = arith.subi %sign3A_2291, %sign3A_2294 : i32
      %ne3A_2296 = vector.broadcast %sign3A_2295 : i32 to vector<16xi32>
      %ne3A_2297 = arith.cmpi ne, %sign3A_2288, %ne3A_2296 : vector<16xi32>
      %rem3A_2298 = vector.broadcast %jit3A_2277 : i32 to vector<16xi32>
      %rem3A_2299 = arith.remsi %get3A_2273, %rem3A_2298 : vector<16xi32>
      %ne3A_2300 = arith.constant 0 : i32
      %ne3A_2301 = vector.broadcast %ne3A_2300 : i32 to vector<16xi32>
      %ne3A_2302 = arith.cmpi ne, %rem3A_2299, %ne3A_2301 : vector<16xi32>
      %and3A_2303 = arith.andi %ne3A_2297, %ne3A_2302 : vector<16xi1>
      %sub3A_2304 = arith.constant 1 : i32
      %sub3A_2305 = vector.broadcast %sub3A_2304 : i32 to vector<16xi32>
      %sub3A_2306 = arith.subi %div3A_2279, %sub3A_2305 : vector<16xi32>
      %select_n3A_2307 = arith.select %and3A_2303, %sub3A_2306, %div3A_2279 : vector<16xi1>, vector<16xi32>
      %sub3A_2308 = arith.constant 63 : i32
      %sub3A_2309 = vector.broadcast %sub3A_2308 : i32 to vector<16xi32>
      %sub3A_2310 = arith.subi %select_n3A_2307, %sub3A_2309 : vector<16xi32>
      %max3A_2311 = arith.constant 0 : i32
      %max3A_2312 = vector.broadcast %max3A_2311 : i32 to vector<16xi32>
      %max3A_2313 = arith.maxsi %sub3A_2310, %max3A_2312 : vector<16xi32>
      %jit3A_2314 = arith.constant 8 : i32
      %eq3A_2315 = arith.constant 0 : i32
      %eq3A_2316 = arith.cmpi eq, %jit3A_2314, %eq3A_2315 : i32
      %jit3A_2317 = arith.constant 1 : i32
      %select_n3A_2318 = arith.select %eq3A_2316, %jit3A_2317, %jit3A_2314 : i32
      %rem3A_2319 = vector.broadcast %select_n3A_2318 : i32 to vector<16xi32>
      %rem3A_2320 = arith.remsi %get3A_2273, %rem3A_2319 : vector<16xi32>
      %ne3A_2321 = arith.constant 0 : i32
      %ne3A_2322 = vector.broadcast %ne3A_2321 : i32 to vector<16xi32>
      %ne3A_2323 = arith.cmpi ne, %rem3A_2320, %ne3A_2322 : vector<16xi32>
      %lt3A_2324 = arith.constant 0 : i32
      %lt3A_2325 = vector.broadcast %lt3A_2324 : i32 to vector<16xi32>
      %lt3A_2326 = arith.cmpi slt, %rem3A_2320, %lt3A_2325 : vector<16xi32>
      %lt3A_2327 = arith.constant 0 : i32
      %lt3A_2328 = arith.cmpi slt, %select_n3A_2318, %lt3A_2327 : i32
      %ne3A_2329 = vector.broadcast %lt3A_2328 : i1 to vector<16xi1>
      %ne3A_2330 = vector.broadcast %ne3A_2329 : vector<16xi1> to vector<16xi1>
      %ne3A_2331 = arith.xori %lt3A_2326, %ne3A_2330 : vector<16xi1>
      %and3A_2332 = arith.andi %ne3A_2331, %ne3A_2323 : vector<16xi1>
      %add3A_2333 = vector.broadcast %select_n3A_2318 : i32 to vector<16xi32>
      %add3A_2334 = arith.addi %rem3A_2320, %add3A_2333 : vector<16xi32>
      %select_n3A_2335 = arith.select %and3A_2332, %add3A_2334, %rem3A_2320 : vector<16xi1>, vector<16xi32>
      %ge3A_2336 = arith.constant 63 : i32
      %ge3A_2337 = vector.broadcast %ge3A_2336 : i32 to vector<16xi32>
      %ge3A_2338 = arith.cmpi sge, %select_n3A_2307, %ge3A_2337 : vector<16xi32>
      tpu.vector_store_idx %arg6[%mul3A_8, %max3A_2313, %mul3A_8, %select_n3A_2335, %add3A_2276], %broadcast_in_dim3A_3 masked %ge3A_2338 : memref<1x62x1x8x128xf32, #tpu.memory_space<vmem>>[vector<16xi32>, vector<16xi32>, vector<16xi32>, vector<16xi32>, vector<16xi32>], vector<16xf32>, vector<16xi1>
      %get3A_2339 = arith.index_cast %sub3A_2202 : i32 to index
      %get3A_2340 = arith.constant 32 : index
      %get3A_2341 = tpu.vector_load %arg4[%get3A_2339, %get3A_2340] {strides = array<i32>} : memref<20x128xi32, #tpu.memory_space<vmem>>, vector<16xi32>,
      %add3A_2342 = arith.constant 32 : i32
      %add3A_2343 = vector.broadcast %add3A_2342 : i32 to vector<16xi32>
      %add3A_2344 = arith.addi %iota3A, %add3A_2343 : vector<16xi32>
      %jit3A_2345 = arith.constant 8 : i32
      %div3A_2346 = vector.broadcast %jit3A_2345 : i32 to vector<16xi32>
      %div3A_2347 = arith.divsi %get3A_2341, %div3A_2346 : vector<16xi32>
      %sign3A_2348 = arith.constant 0 : i32
      %sign3A_2349 = vector.broadcast %sign3A_2348 : i32 to vector<16xi32>
      %sign3A_2350 = arith.cmpi sgt, %get3A_2341, %sign3A_2349 : vector<16xi32>
      %sign3A_2351 = arith.extui %sign3A_2350 : vector<16xi1> to vector<16xi32>
      %sign3A_2352 = arith.constant 0 : i32
      %sign3A_2353 = vector.broadcast %sign3A_2352 : i32 to vector<16xi32>
      %sign3A_2354 = arith.cmpi slt, %get3A_2341, %sign3A_2353 : vector<16xi32>
      %sign3A_2355 = arith.extui %sign3A_2354 : vector<16xi1> to vector<16xi32>
      %sign3A_2356 = arith.subi %sign3A_2351, %sign3A_2355 : vector<16xi32>
      %sign3A_2357 = arith.constant 0 : i32
      %sign3A_2358 = arith.cmpi sgt, %jit3A_2345, %sign3A_2357 : i32
      %sign3A_2359 = arith.extui %sign3A_2358 : i1 to i32
      %sign3A_2360 = arith.constant 0 : i32
      %sign3A_2361 = arith.cmpi slt, %jit3A_2345, %sign3A_2360 : i32
      %sign3A_2362 = arith.extui %sign3A_2361 : i1 to i32
      %sign3A_2363 = arith.subi %sign3A_2359, %sign3A_2362 : i32
      %ne3A_2364 = vector.broadcast %sign3A_2363 : i32 to vector<16xi32>
      %ne3A_2365 = arith.cmpi ne, %sign3A_2356, %ne3A_2364 : vector<16xi32>
      %rem3A_2366 = vector.broadcast %jit3A_2345 : i32 to vector<16xi32>
      %rem3A_2367 = arith.remsi %get3A_2341, %rem3A_2366 : vector<16xi32>
      %ne3A_2368 = arith.constant 0 : i32
      %ne3A_2369 = vector.broadcast %ne3A_2368 : i32 to vector<16xi32>
      %ne3A_2370 = arith.cmpi ne, %rem3A_2367, %ne3A_2369 : vector<16xi32>
      %and3A_2371 = arith.andi %ne3A_2365, %ne3A_2370 : vector<16xi1>
      %sub3A_2372 = arith.constant 1 : i32
      %sub3A_2373 = vector.broadcast %sub3A_2372 : i32 to vector<16xi32>
      %sub3A_2374 = arith.subi %div3A_2347, %sub3A_2373 : vector<16xi32>
      %select_n3A_2375 = arith.select %and3A_2371, %sub3A_2374, %div3A_2347 : vector<16xi1>, vector<16xi32>
      %sub3A_2376 = arith.constant 63 : i32
      %sub3A_2377 = vector.broadcast %sub3A_2376 : i32 to vector<16xi32>
      %sub3A_2378 = arith.subi %select_n3A_2375, %sub3A_2377 : vector<16xi32>
      %max3A_2379 = arith.constant 0 : i32
      %max3A_2380 = vector.broadcast %max3A_2379 : i32 to vector<16xi32>
      %max3A_2381 = arith.maxsi %sub3A_2378, %max3A_2380 : vector<16xi32>
      %jit3A_2382 = arith.constant 8 : i32
      %eq3A_2383 = arith.constant 0 : i32
      %eq3A_2384 = arith.cmpi eq, %jit3A_2382, %eq3A_2383 : i32
      %jit3A_2385 = arith.constant 1 : i32
      %select_n3A_2386 = arith.select %eq3A_2384, %jit3A_2385, %jit3A_2382 : i32
      %rem3A_2387 = vector.broadcast %select_n3A_2386 : i32 to vector<16xi32>
      %rem3A_2388 = arith.remsi %get3A_2341, %rem3A_2387 : vector<16xi32>
      %ne3A_2389 = arith.constant 0 : i32
      %ne3A_2390 = vector.broadcast %ne3A_2389 : i32 to vector<16xi32>
      %ne3A_2391 = arith.cmpi ne, %rem3A_2388, %ne3A_2390 : vector<16xi32>
      %lt3A_2392 = arith.constant 0 : i32
      %lt3A_2393 = vector.broadcast %lt3A_2392 : i32 to vector<16xi32>
      %lt3A_2394 = arith.cmpi slt, %rem3A_2388, %lt3A_2393 : vector<16xi32>
      %lt3A_2395 = arith.constant 0 : i32
      %lt3A_2396 = arith.cmpi slt, %select_n3A_2386, %lt3A_2395 : i32
      %ne3A_2397 = vector.broadcast %lt3A_2396 : i1 to vector<16xi1>
      %ne3A_2398 = vector.broadcast %ne3A_2397 : vector<16xi1> to vector<16xi1>
      %ne3A_2399 = arith.xori %lt3A_2394, %ne3A_2398 : vector<16xi1>
      %and3A_2400 = arith.andi %ne3A_2399, %ne3A_2391 : vector<16xi1>
      %add3A_2401 = vector.broadcast %select_n3A_2386 : i32 to vector<16xi32>
      %add3A_2402 = arith.addi %rem3A_2388, %add3A_2401 : vector<16xi32>
      %select_n3A_2403 = arith.select %and3A_2400, %add3A_2402, %rem3A_2388 : vector<16xi1>, vector<16xi32>
      %ge3A_2404 = arith.constant 63 : i32
      %ge3A_2405 = vector.broadcast %ge3A_2404 : i32 to vector<16xi32>
      %ge3A_2406 = arith.cmpi sge, %select_n3A_2375, %ge3A_2405 : vector<16xi32>
      tpu.vector_store_idx %arg6[%mul3A_8, %max3A_2381, %mul3A_8, %select_n3A_2403, %add3A_2344], %broadcast_in_dim3A_3 masked %ge3A_2406 : memref<1x62x1x8x128xf32, #tpu.memory_space<vmem>>[vector<16xi32>, vector<16xi32>, vector<16xi32>, vector<16xi32>, vector<16xi32>], vector<16xf32>, vector<16xi1>
      %get3A_2407 = arith.index_cast %sub3A_2202 : i32 to index
      %get3A_2408 = arith.constant 48 : index
      %get3A_2409 = tpu.vector_load %arg4[%get3A_2407, %get3A_2408] {strides = array<i32>} : memref<20x128xi32, #tpu.memory_space<vmem>>, vector<16xi32>,
      %add3A_2410 = arith.constant 48 : i32
      %add3A_2411 = vector.broadcast %add3A_2410 : i32 to vector<16xi32>
      %add3A_2412 = arith.addi %iota3A, %add3A_2411 : vector<16xi32>
      %jit3A_2413 = arith.constant 8 : i32
      %div3A_2414 = vector.broadcast %jit3A_2413 : i32 to vector<16xi32>
      %div3A_2415 = arith.divsi %get3A_2409, %div3A_2414 : vector<16xi32>
      %sign3A_2416 = arith.constant 0 : i32
      %sign3A_2417 = vector.broadcast %sign3A_2416 : i32 to vector<16xi32>
      %sign3A_2418 = arith.cmpi sgt, %get3A_2409, %sign3A_2417 : vector<16xi32>
      %sign3A_2419 = arith.extui %sign3A_2418 : vector<16xi1> to vector<16xi32>
      %sign3A_2420 = arith.constant 0 : i32
      %sign3A_2421 = vector.broadcast %sign3A_2420 : i32 to vector<16xi32>
      %sign3A_2422 = arith.cmpi slt, %get3A_2409, %sign3A_2421 : vector<16xi32>
      %sign3A_2423 = arith.extui %sign3A_2422 : vector<16xi1> to vector<16xi32>
      %sign3A_2424 = arith.subi %sign3A_2419, %sign3A_2423 : vector<16xi32>
      %sign3A_2425 = arith.constant 0 : i32
      %sign3A_2426 = arith.cmpi sgt, %jit3A_2413, %sign3A_2425 : i32
      %sign3A_2427 = arith.extui %sign3A_2426 : i1 to i32
      %sign3A_2428 = arith.constant 0 : i32
      %sign3A_2429 = arith.cmpi slt, %jit3A_2413, %sign3A_2428 : i32
      %sign3A_2430 = arith.extui %sign3A_2429 : i1 to i32
      %sign3A_2431 = arith.subi %sign3A_2427, %sign3A_2430 : i32
      %ne3A_2432 = vector.broadcast %sign3A_2431 : i32 to vector<16xi32>
      %ne3A_2433 = arith.cmpi ne, %sign3A_2424, %ne3A_2432 : vector<16xi32>
      %rem3A_2434 = vector.broadcast %jit3A_2413 : i32 to vector<16xi32>
      %rem3A_2435 = arith.remsi %get3A_2409, %rem3A_2434 : vector<16xi32>
      %ne3A_2436 = arith.constant 0 : i32
      %ne3A_2437 = vector.broadcast %ne3A_2436 : i32 to vector<16xi32>
      %ne3A_2438 = arith.cmpi ne, %rem3A_2435, %ne3A_2437 : vector<16xi32>
      %and3A_2439 = arith.andi %ne3A_2433, %ne3A_2438 : vector<16xi1>
      %sub3A_2440 = arith.constant 1 : i32
      %sub3A_2441 = vector.broadcast %sub3A_2440 : i32 to vector<16xi32>
      %sub3A_2442 = arith.subi %div3A_2415, %sub3A_2441 : vector<16xi32>
      %select_n3A_2443 = arith.select %and3A_2439, %sub3A_2442, %div3A_2415 : vector<16xi1>, vector<16xi32>
      %sub3A_2444 = arith.constant 63 : i32
      %sub3A_2445 = vector.broadcast %sub3A_2444 : i32 to vector<16xi32>
      %sub3A_2446 = arith.subi %select_n3A_2443, %sub3A_2445 : vector<16xi32>
      %max3A_2447 = arith.constant 0 : i32
      %max3A_2448 = vector.broadcast %max3A_2447 : i32 to vector<16xi32>
      %max3A_2449 = arith.maxsi %sub3A_2446, %max3A_2448 : vector<16xi32>
      %jit3A_2450 = arith.constant 8 : i32
      %eq3A_2451 = arith.constant 0 : i32
      %eq3A_2452 = arith.cmpi eq, %jit3A_2450, %eq3A_2451 : i32
      %jit3A_2453 = arith.constant 1 : i32
      %select_n3A_2454 = arith.select %eq3A_2452, %jit3A_2453, %jit3A_2450 : i32
      %rem3A_2455 = vector.broadcast %select_n3A_2454 : i32 to vector<16xi32>
      %rem3A_2456 = arith.remsi %get3A_2409, %rem3A_2455 : vector<16xi32>
      %ne3A_2457 = arith.constant 0 : i32
      %ne3A_2458 = vector.broadcast %ne3A_2457 : i32 to vector<16xi32>
      %ne3A_2459 = arith.cmpi ne, %rem3A_2456, %ne3A_2458 : vector<16xi32>
      %lt3A_2460 = arith.constant 0 : i32
      %lt3A_2461 = vector.broadcast %lt3A_2460 : i32 to vector<16xi32>
      %lt3A_2462 = arith.cmpi slt, %rem3A_2456, %lt3A_2461 : vector<16xi32>
      %lt3A_2463 = arith.constant 0 : i32
      %lt3A_2464 = arith.cmpi slt, %select_n3A_2454, %lt3A_2463 : i32
      %ne3A_2465 = vector.broadcast %lt3A_2464 : i1 to vector<16xi1>
      %ne3A_2466 = vector.broadcast %ne3A_2465 : vector<16xi1> to vector<16xi1>
      %ne3A_2467 = arith.xori %lt3A_2462, %ne3A_2466 : vector<16xi1>
      %and3A_2468 = arith.andi %ne3A_2467, %ne3A_2459 : vector<16xi1>
      %add3A_2469 = vector.broadcast %select_n3A_2454 : i32 to vector<16xi32>
      %add3A_2470 = arith.addi %rem3A_2456, %add3A_2469 : vector<16xi32>
      %select_n3A_2471 = arith.select %and3A_2468, %add3A_2470, %rem3A_2456 : vector<16xi1>, vector<16xi32>
      %ge3A_2472 = arith.constant 63 : i32
      %ge3A_2473 = vector.broadcast %ge3A_2472 : i32 to vector<16xi32>
      %ge3A_2474 = arith.cmpi sge, %select_n3A_2443, %ge3A_2473 : vector<16xi32>
      tpu.vector_store_idx %arg6[%mul3A_8, %max3A_2449, %mul3A_8, %select_n3A_2471, %add3A_2412], %broadcast_in_dim3A_3 masked %ge3A_2474 : memref<1x62x1x8x128xf32, #tpu.memory_space<vmem>>[vector<16xi32>, vector<16xi32>, vector<16xi32>, vector<16xi32>, vector<16xi32>], vector<16xf32>, vector<16xi1>
      %get3A_2475 = arith.index_cast %sub3A_2202 : i32 to index
      %get3A_2476 = arith.constant 64 : index
      %get3A_2477 = tpu.vector_load %arg4[%get3A_2475, %get3A_2476] {strides = array<i32>} : memref<20x128xi32, #tpu.memory_space<vmem>>, vector<16xi32>,
      %add3A_2478 = arith.constant 64 : i32
      %add3A_2479 = vector.broadcast %add3A_2478 : i32 to vector<16xi32>
      %add3A_2480 = arith.addi %iota3A, %add3A_2479 : vector<16xi32>
      %jit3A_2481 = arith.constant 8 : i32
      %div3A_2482 = vector.broadcast %jit3A_2481 : i32 to vector<16xi32>
      %div3A_2483 = arith.divsi %get3A_2477, %div3A_2482 : vector<16xi32>
      %sign3A_2484 = arith.constant 0 : i32
      %sign3A_2485 = vector.broadcast %sign3A_2484 : i32 to vector<16xi32>
      %sign3A_2486 = arith.cmpi sgt, %get3A_2477, %sign3A_2485 : vector<16xi32>
      %sign3A_2487 = arith.extui %sign3A_2486 : vector<16xi1> to vector<16xi32>
      %sign3A_2488 = arith.constant 0 : i32
      %sign3A_2489 = vector.broadcast %sign3A_2488 : i32 to vector<16xi32>
      %sign3A_2490 = arith.cmpi slt, %get3A_2477, %sign3A_2489 : vector<16xi32>
      %sign3A_2491 = arith.extui %sign3A_2490 : vector<16xi1> to vector<16xi32>
      %sign3A_2492 = arith.subi %sign3A_2487, %sign3A_2491 : vector<16xi32>
      %sign3A_2493 = arith.constant 0 : i32
      %sign3A_2494 = arith.cmpi sgt, %jit3A_2481, %sign3A_2493 : i32
      %sign3A_2495 = arith.extui %sign3A_2494 : i1 to i32
      %sign3A_2496 = arith.constant 0 : i32
      %sign3A_2497 = arith.cmpi slt, %jit3A_2481, %sign3A_2496 : i32
      %sign3A_2498 = arith.extui %sign3A_2497 : i1 to i32
      %sign3A_2499 = arith.subi %sign3A_2495, %sign3A_2498 : i32
      %ne3A_2500 = vector.broadcast %sign3A_2499 : i32 to vector<16xi32>
      %ne3A_2501 = arith.cmpi ne, %sign3A_2492, %ne3A_2500 : vector<16xi32>
      %rem3A_2502 = vector.broadcast %jit3A_2481 : i32 to vector<16xi32>
      %rem3A_2503 = arith.remsi %get3A_2477, %rem3A_2502 : vector<16xi32>
      %ne3A_2504 = arith.constant 0 : i32
      %ne3A_2505 = vector.broadcast %ne3A_2504 : i32 to vector<16xi32>
      %ne3A_2506 = arith.cmpi ne, %rem3A_2503, %ne3A_2505 : vector<16xi32>
      %and3A_2507 = arith.andi %ne3A_2501, %ne3A_2506 : vector<16xi1>
      %sub3A_2508 = arith.constant 1 : i32
      %sub3A_2509 = vector.broadcast %sub3A_2508 : i32 to vector<16xi32>
      %sub3A_2510 = arith.subi %div3A_2483, %sub3A_2509 : vector<16xi32>
      %select_n3A_2511 = arith.select %and3A_2507, %sub3A_2510, %div3A_2483 : vector<16xi1>, vector<16xi32>
      %sub3A_2512 = arith.constant 63 : i32
      %sub3A_2513 = vector.broadcast %sub3A_2512 : i32 to vector<16xi32>
      %sub3A_2514 = arith.subi %select_n3A_2511, %sub3A_2513 : vector<16xi32>
      %max3A_2515 = arith.constant 0 : i32
      %max3A_2516 = vector.broadcast %max3A_2515 : i32 to vector<16xi32>
      %max3A_2517 = arith.maxsi %sub3A_2514, %max3A_2516 : vector<16xi32>
      %jit3A_2518 = arith.constant 8 : i32
      %eq3A_2519 = arith.constant 0 : i32
      %eq3A_2520 = arith.cmpi eq, %jit3A_2518, %eq3A_2519 : i32
      %jit3A_2521 = arith.constant 1 : i32
      %select_n3A_2522 = arith.select %eq3A_2520, %jit3A_2521, %jit3A_2518 : i32
      %rem3A_2523 = vector.broadcast %select_n3A_2522 : i32 to vector<16xi32>
      %rem3A_2524 = arith.remsi %get3A_2477, %rem3A_2523 : vector<16xi32>
      %ne3A_2525 = arith.constant 0 : i32
      %ne3A_2526 = vector.broadcast %ne3A_2525 : i32 to vector<16xi32>
      %ne3A_2527 = arith.cmpi ne, %rem3A_2524, %ne3A_2526 : vector<16xi32>
      %lt3A_2528 = arith.constant 0 : i32
      %lt3A_2529 = vector.broadcast %lt3A_2528 : i32 to vector<16xi32>
      %lt3A_2530 = arith.cmpi slt, %rem3A_2524, %lt3A_2529 : vector<16xi32>
      %lt3A_2531 = arith.constant 0 : i32
      %lt3A_2532 = arith.cmpi slt, %select_n3A_2522, %lt3A_2531 : i32
      %ne3A_2533 = vector.broadcast %lt3A_2532 : i1 to vector<16xi1>
      %ne3A_2534 = vector.broadcast %ne3A_2533 : vector<16xi1> to vector<16xi1>
      %ne3A_2535 = arith.xori %lt3A_2530, %ne3A_2534 : vector<16xi1>
      %and3A_2536 = arith.andi %ne3A_2535, %ne3A_2527 : vector<16xi1>
      %add3A_2537 = vector.broadcast %select_n3A_2522 : i32 to vector<16xi32>
      %add3A_2538 = arith.addi %rem3A_2524, %add3A_2537 : vector<16xi32>
      %select_n3A_2539 = arith.select %and3A_2536, %add3A_2538, %rem3A_2524 : vector<16xi1>, vector<16xi32>
      %ge3A_2540 = arith.constant 63 : i32
      %ge3A_2541 = vector.broadcast %ge3A_2540 : i32 to vector<16xi32>
      %ge3A_2542 = arith.cmpi sge, %select_n3A_2511, %ge3A_2541 : vector<16xi32>
      tpu.vector_store_idx %arg6[%mul3A_8, %max3A_2517, %mul3A_8, %select_n3A_2539, %add3A_2480], %broadcast_in_dim3A_3 masked %ge3A_2542 : memref<1x62x1x8x128xf32, #tpu.memory_space<vmem>>[vector<16xi32>, vector<16xi32>, vector<16xi32>, vector<16xi32>, vector<16xi32>], vector<16xf32>, vector<16xi1>
      %get3A_2543 = arith.index_cast %sub3A_2202 : i32 to index
      %get3A_2544 = arith.constant 80 : index
      %get3A_2545 = tpu.vector_load %arg4[%get3A_2543, %get3A_2544] {strides = array<i32>} : memref<20x128xi32, #tpu.memory_space<vmem>>, vector<16xi32>,
      %add3A_2546 = arith.constant 80 : i32
      %add3A_2547 = vector.broadcast %add3A_2546 : i32 to vector<16xi32>
      %add3A_2548 = arith.addi %iota3A, %add3A_2547 : vector<16xi32>
      %jit3A_2549 = arith.constant 8 : i32
      %div3A_2550 = vector.broadcast %jit3A_2549 : i32 to vector<16xi32>
      %div3A_2551 = arith.divsi %get3A_2545, %div3A_2550 : vector<16xi32>
      %sign3A_2552 = arith.constant 0 : i32
      %sign3A_2553 = vector.broadcast %sign3A_2552 : i32 to vector<16xi32>
      %sign3A_2554 = arith.cmpi sgt, %get3A_2545, %sign3A_2553 : vector<16xi32>
      %sign3A_2555 = arith.extui %sign3A_2554 : vector<16xi1> to vector<16xi32>
      %sign3A_2556 = arith.constant 0 : i32
      %sign3A_2557 = vector.broadcast %sign3A_2556 : i32 to vector<16xi32>
      %sign3A_2558 = arith.cmpi slt, %get3A_2545, %sign3A_2557 : vector<16xi32>
      %sign3A_2559 = arith.extui %sign3A_2558 : vector<16xi1> to vector<16xi32>
      %sign3A_2560 = arith.subi %sign3A_2555, %sign3A_2559 : vector<16xi32>
      %sign3A_2561 = arith.constant 0 : i32
      %sign3A_2562 = arith.cmpi sgt, %jit3A_2549, %sign3A_2561 : i32
      %sign3A_2563 = arith.extui %sign3A_2562 : i1 to i32
      %sign3A_2564 = arith.constant 0 : i32
      %sign3A_2565 = arith.cmpi slt, %jit3A_2549, %sign3A_2564 : i32
      %sign3A_2566 = arith.extui %sign3A_2565 : i1 to i32
      %sign3A_2567 = arith.subi %sign3A_2563, %sign3A_2566 : i32
      %ne3A_2568 = vector.broadcast %sign3A_2567 : i32 to vector<16xi32>
      %ne3A_2569 = arith.cmpi ne, %sign3A_2560, %ne3A_2568 : vector<16xi32>
      %rem3A_2570 = vector.broadcast %jit3A_2549 : i32 to vector<16xi32>
      %rem3A_2571 = arith.remsi %get3A_2545, %rem3A_2570 : vector<16xi32>
      %ne3A_2572 = arith.constant 0 : i32
      %ne3A_2573 = vector.broadcast %ne3A_2572 : i32 to vector<16xi32>
      %ne3A_2574 = arith.cmpi ne, %rem3A_2571, %ne3A_2573 : vector<16xi32>
      %and3A_2575 = arith.andi %ne3A_2569, %ne3A_2574 : vector<16xi1>
      %sub3A_2576 = arith.constant 1 : i32
      %sub3A_2577 = vector.broadcast %sub3A_2576 : i32 to vector<16xi32>
      %sub3A_2578 = arith.subi %div3A_2551, %sub3A_2577 : vector<16xi32>
      %select_n3A_2579 = arith.select %and3A_2575, %sub3A_2578, %div3A_2551 : vector<16xi1>, vector<16xi32>
      %sub3A_2580 = arith.constant 63 : i32
      %sub3A_2581 = vector.broadcast %sub3A_2580 : i32 to vector<16xi32>
      %sub3A_2582 = arith.subi %select_n3A_2579, %sub3A_2581 : vector<16xi32>
      %max3A_2583 = arith.constant 0 : i32
      %max3A_2584 = vector.broadcast %max3A_2583 : i32 to vector<16xi32>
      %max3A_2585 = arith.maxsi %sub3A_2582, %max3A_2584 : vector<16xi32>
      %jit3A_2586 = arith.constant 8 : i32
      %eq3A_2587 = arith.constant 0 : i32
      %eq3A_2588 = arith.cmpi eq, %jit3A_2586, %eq3A_2587 : i32
      %jit3A_2589 = arith.constant 1 : i32
      %select_n3A_2590 = arith.select %eq3A_2588, %jit3A_2589, %jit3A_2586 : i32
      %rem3A_2591 = vector.broadcast %select_n3A_2590 : i32 to vector<16xi32>
      %rem3A_2592 = arith.remsi %get3A_2545, %rem3A_2591 : vector<16xi32>
      %ne3A_2593 = arith.constant 0 : i32
      %ne3A_2594 = vector.broadcast %ne3A_2593 : i32 to vector<16xi32>
      %ne3A_2595 = arith.cmpi ne, %rem3A_2592, %ne3A_2594 : vector<16xi32>
      %lt3A_2596 = arith.constant 0 : i32
      %lt3A_2597 = vector.broadcast %lt3A_2596 : i32 to vector<16xi32>
      %lt3A_2598 = arith.cmpi slt, %rem3A_2592, %lt3A_2597 : vector<16xi32>
      %lt3A_2599 = arith.constant 0 : i32
      %lt3A_2600 = arith.cmpi slt, %select_n3A_2590, %lt3A_2599 : i32
      %ne3A_2601 = vector.broadcast %lt3A_2600 : i1 to vector<16xi1>
      %ne3A_2602 = vector.broadcast %ne3A_2601 : vector<16xi1> to vector<16xi1>
      %ne3A_2603 = arith.xori %lt3A_2598, %ne3A_2602 : vector<16xi1>
      %and3A_2604 = arith.andi %ne3A_2603, %ne3A_2595 : vector<16xi1>
      %add3A_2605 = vector.broadcast %select_n3A_2590 : i32 to vector<16xi32>
      %add3A_2606 = arith.addi %rem3A_2592, %add3A_2605 : vector<16xi32>
      %select_n3A_2607 = arith.select %and3A_2604, %add3A_2606, %rem3A_2592 : vector<16xi1>, vector<16xi32>
      %ge3A_2608 = arith.constant 63 : i32
      %ge3A_2609 = vector.broadcast %ge3A_2608 : i32 to vector<16xi32>
      %ge3A_2610 = arith.cmpi sge, %select_n3A_2579, %ge3A_2609 : vector<16xi32>
      tpu.vector_store_idx %arg6[%mul3A_8, %max3A_2585, %mul3A_8, %select_n3A_2607, %add3A_2548], %broadcast_in_dim3A_3 masked %ge3A_2610 : memref<1x62x1x8x128xf32, #tpu.memory_space<vmem>>[vector<16xi32>, vector<16xi32>, vector<16xi32>, vector<16xi32>, vector<16xi32>], vector<16xf32>, vector<16xi1>
      %get3A_2611 = arith.index_cast %sub3A_2202 : i32 to index
      %get3A_2612 = arith.constant 96 : index
      %get3A_2613 = tpu.vector_load %arg4[%get3A_2611, %get3A_2612] {strides = array<i32>} : memref<20x128xi32, #tpu.memory_space<vmem>>, vector<16xi32>,
      %add3A_2614 = arith.constant 96 : i32
      %add3A_2615 = vector.broadcast %add3A_2614 : i32 to vector<16xi32>
      %add3A_2616 = arith.addi %iota3A, %add3A_2615 : vector<16xi32>
      %jit3A_2617 = arith.constant 8 : i32
      %div3A_2618 = vector.broadcast %jit3A_2617 : i32 to vector<16xi32>
      %div3A_2619 = arith.divsi %get3A_2613, %div3A_2618 : vector<16xi32>
      %sign3A_2620 = arith.constant 0 : i32
      %sign3A_2621 = vector.broadcast %sign3A_2620 : i32 to vector<16xi32>
      %sign3A_2622 = arith.cmpi sgt, %get3A_2613, %sign3A_2621 : vector<16xi32>
      %sign3A_2623 = arith.extui %sign3A_2622 : vector<16xi1> to vector<16xi32>
      %sign3A_2624 = arith.constant 0 : i32
      %sign3A_2625 = vector.broadcast %sign3A_2624 : i32 to vector<16xi32>
      %sign3A_2626 = arith.cmpi slt, %get3A_2613, %sign3A_2625 : vector<16xi32>
      %sign3A_2627 = arith.extui %sign3A_2626 : vector<16xi1> to vector<16xi32>
      %sign3A_2628 = arith.subi %sign3A_2623, %sign3A_2627 : vector<16xi32>
      %sign3A_2629 = arith.constant 0 : i32
      %sign3A_2630 = arith.cmpi sgt, %jit3A_2617, %sign3A_2629 : i32
      %sign3A_2631 = arith.extui %sign3A_2630 : i1 to i32
      %sign3A_2632 = arith.constant 0 : i32
      %sign3A_2633 = arith.cmpi slt, %jit3A_2617, %sign3A_2632 : i32
      %sign3A_2634 = arith.extui %sign3A_2633 : i1 to i32
      %sign3A_2635 = arith.subi %sign3A_2631, %sign3A_2634 : i32
      %ne3A_2636 = vector.broadcast %sign3A_2635 : i32 to vector<16xi32>
      %ne3A_2637 = arith.cmpi ne, %sign3A_2628, %ne3A_2636 : vector<16xi32>
      %rem3A_2638 = vector.broadcast %jit3A_2617 : i32 to vector<16xi32>
      %rem3A_2639 = arith.remsi %get3A_2613, %rem3A_2638 : vector<16xi32>
      %ne3A_2640 = arith.constant 0 : i32
      %ne3A_2641 = vector.broadcast %ne3A_2640 : i32 to vector<16xi32>
      %ne3A_2642 = arith.cmpi ne, %rem3A_2639, %ne3A_2641 : vector<16xi32>
      %and3A_2643 = arith.andi %ne3A_2637, %ne3A_2642 : vector<16xi1>
      %sub3A_2644 = arith.constant 1 : i32
      %sub3A_2645 = vector.broadcast %sub3A_2644 : i32 to vector<16xi32>
      %sub3A_2646 = arith.subi %div3A_2619, %sub3A_2645 : vector<16xi32>
      %select_n3A_2647 = arith.select %and3A_2643, %sub3A_2646, %div3A_2619 : vector<16xi1>, vector<16xi32>
      %sub3A_2648 = arith.constant 63 : i32
      %sub3A_2649 = vector.broadcast %sub3A_2648 : i32 to vector<16xi32>
      %sub3A_2650 = arith.subi %select_n3A_2647, %sub3A_2649 : vector<16xi32>
      %max3A_2651 = arith.constant 0 : i32
      %max3A_2652 = vector.broadcast %max3A_2651 : i32 to vector<16xi32>
      %max3A_2653 = arith.maxsi %sub3A_2650, %max3A_2652 : vector<16xi32>
      %jit3A_2654 = arith.constant 8 : i32
      %eq3A_2655 = arith.constant 0 : i32
      %eq3A_2656 = arith.cmpi eq, %jit3A_2654, %eq3A_2655 : i32
      %jit3A_2657 = arith.constant 1 : i32
      %select_n3A_2658 = arith.select %eq3A_2656, %jit3A_2657, %jit3A_2654 : i32
      %rem3A_2659 = vector.broadcast %select_n3A_2658 : i32 to vector<16xi32>
      %rem3A_2660 = arith.remsi %get3A_2613, %rem3A_2659 : vector<16xi32>
      %ne3A_2661 = arith.constant 0 : i32
      %ne3A_2662 = vector.broadcast %ne3A_2661 : i32 to vector<16xi32>
      %ne3A_2663 = arith.cmpi ne, %rem3A_2660, %ne3A_2662 : vector<16xi32>
      %lt3A_2664 = arith.constant 0 : i32
      %lt3A_2665 = vector.broadcast %lt3A_2664 : i32 to vector<16xi32>
      %lt3A_2666 = arith.cmpi slt, %rem3A_2660, %lt3A_2665 : vector<16xi32>
      %lt3A_2667 = arith.constant 0 : i32
      %lt3A_2668 = arith.cmpi slt, %select_n3A_2658, %lt3A_2667 : i32
      %ne3A_2669 = vector.broadcast %lt3A_2668 : i1 to vector<16xi1>
      %ne3A_2670 = vector.broadcast %ne3A_2669 : vector<16xi1> to vector<16xi1>
      %ne3A_2671 = arith.xori %lt3A_2666, %ne3A_2670 : vector<16xi1>
      %and3A_2672 = arith.andi %ne3A_2671, %ne3A_2663 : vector<16xi1>
      %add3A_2673 = vector.broadcast %select_n3A_2658 : i32 to vector<16xi32>
      %add3A_2674 = arith.addi %rem3A_2660, %add3A_2673 : vector<16xi32>
      %select_n3A_2675 = arith.select %and3A_2672, %add3A_2674, %rem3A_2660 : vector<16xi1>, vector<16xi32>
      %ge3A_2676 = arith.constant 63 : i32
      %ge3A_2677 = vector.broadcast %ge3A_2676 : i32 to vector<16xi32>
      %ge3A_2678 = arith.cmpi sge, %select_n3A_2647, %ge3A_2677 : vector<16xi32>
      tpu.vector_store_idx %arg6[%mul3A_8, %max3A_2653, %mul3A_8, %select_n3A_2675, %add3A_2616], %broadcast_in_dim3A_3 masked %ge3A_2678 : memref<1x62x1x8x128xf32, #tpu.memory_space<vmem>>[vector<16xi32>, vector<16xi32>, vector<16xi32>, vector<16xi32>, vector<16xi32>], vector<16xf32>, vector<16xi1>
      %get3A_2679 = arith.index_cast %sub3A_2202 : i32 to index
      %get3A_2680 = arith.constant 112 : index
      %get3A_2681 = tpu.vector_load %arg4[%get3A_2679, %get3A_2680] {strides = array<i32>} : memref<20x128xi32, #tpu.memory_space<vmem>>, vector<16xi32>,
      %add3A_2682 = arith.constant 112 : i32
      %add3A_2683 = vector.broadcast %add3A_2682 : i32 to vector<16xi32>
      %add3A_2684 = arith.addi %iota3A, %add3A_2683 : vector<16xi32>
      %jit3A_2685 = arith.constant 8 : i32
      %div3A_2686 = vector.broadcast %jit3A_2685 : i32 to vector<16xi32>
      %div3A_2687 = arith.divsi %get3A_2681, %div3A_2686 : vector<16xi32>
      %sign3A_2688 = arith.constant 0 : i32
      %sign3A_2689 = vector.broadcast %sign3A_2688 : i32 to vector<16xi32>
      %sign3A_2690 = arith.cmpi sgt, %get3A_2681, %sign3A_2689 : vector<16xi32>
      %sign3A_2691 = arith.extui %sign3A_2690 : vector<16xi1> to vector<16xi32>
      %sign3A_2692 = arith.constant 0 : i32
      %sign3A_2693 = vector.broadcast %sign3A_2692 : i32 to vector<16xi32>
      %sign3A_2694 = arith.cmpi slt, %get3A_2681, %sign3A_2693 : vector<16xi32>
      %sign3A_2695 = arith.extui %sign3A_2694 : vector<16xi1> to vector<16xi32>
      %sign3A_2696 = arith.subi %sign3A_2691, %sign3A_2695 : vector<16xi32>
      %sign3A_2697 = arith.constant 0 : i32
      %sign3A_2698 = arith.cmpi sgt, %jit3A_2685, %sign3A_2697 : i32
      %sign3A_2699 = arith.extui %sign3A_2698 : i1 to i32
      %sign3A_2700 = arith.constant 0 : i32
      %sign3A_2701 = arith.cmpi slt, %jit3A_2685, %sign3A_2700 : i32
      %sign3A_2702 = arith.extui %sign3A_2701 : i1 to i32
      %sign3A_2703 = arith.subi %sign3A_2699, %sign3A_2702 : i32
      %ne3A_2704 = vector.broadcast %sign3A_2703 : i32 to vector<16xi32>
      %ne3A_2705 = arith.cmpi ne, %sign3A_2696, %ne3A_2704 : vector<16xi32>
      %rem3A_2706 = vector.broadcast %jit3A_2685 : i32 to vector<16xi32>
      %rem3A_2707 = arith.remsi %get3A_2681, %rem3A_2706 : vector<16xi32>
      %ne3A_2708 = arith.constant 0 : i32
      %ne3A_2709 = vector.broadcast %ne3A_2708 : i32 to vector<16xi32>
      %ne3A_2710 = arith.cmpi ne, %rem3A_2707, %ne3A_2709 : vector<16xi32>
      %and3A_2711 = arith.andi %ne3A_2705, %ne3A_2710 : vector<16xi1>
      %sub3A_2712 = arith.constant 1 : i32
      %sub3A_2713 = vector.broadcast %sub3A_2712 : i32 to vector<16xi32>
      %sub3A_2714 = arith.subi %div3A_2687, %sub3A_2713 : vector<16xi32>
      %select_n3A_2715 = arith.select %and3A_2711, %sub3A_2714, %div3A_2687 : vector<16xi1>, vector<16xi32>
      %sub3A_2716 = arith.constant 63 : i32
      %sub3A_2717 = vector.broadcast %sub3A_2716 : i32 to vector<16xi32>
      %sub3A_2718 = arith.subi %select_n3A_2715, %sub3A_2717 : vector<16xi32>
      %max3A_2719 = arith.constant 0 : i32
      %max3A_2720 = vector.broadcast %max3A_2719 : i32 to vector<16xi32>
      %max3A_2721 = arith.maxsi %sub3A_2718, %max3A_2720 : vector<16xi32>
      %jit3A_2722 = arith.constant 8 : i32
      %eq3A_2723 = arith.constant 0 : i32
      %eq3A_2724 = arith.cmpi eq, %jit3A_2722, %eq3A_2723 : i32
      %jit3A_2725 = arith.constant 1 : i32
      %select_n3A_2726 = arith.select %eq3A_2724, %jit3A_2725, %jit3A_2722 : i32
      %rem3A_2727 = vector.broadcast %select_n3A_2726 : i32 to vector<16xi32>
      %rem3A_2728 = arith.remsi %get3A_2681, %rem3A_2727 : vector<16xi32>
      %ne3A_2729 = arith.constant 0 : i32
      %ne3A_2730 = vector.broadcast %ne3A_2729 : i32 to vector<16xi32>
      %ne3A_2731 = arith.cmpi ne, %rem3A_2728, %ne3A_2730 : vector<16xi32>
      %lt3A_2732 = arith.constant 0 : i32
      %lt3A_2733 = vector.broadcast %lt3A_2732 : i32 to vector<16xi32>
      %lt3A_2734 = arith.cmpi slt, %rem3A_2728, %lt3A_2733 : vector<16xi32>
      %lt3A_2735 = arith.constant 0 : i32
      %lt3A_2736 = arith.cmpi slt, %select_n3A_2726, %lt3A_2735 : i32
      %ne3A_2737 = vector.broadcast %lt3A_2736 : i1 to vector<16xi1>
      %ne3A_2738 = vector.broadcast %ne3A_2737 : vector<16xi1> to vector<16xi1>
      %ne3A_2739 = arith.xori %lt3A_2734, %ne3A_2738 : vector<16xi1>
      %and3A_2740 = arith.andi %ne3A_2739, %ne3A_2731 : vector<16xi1>
      %add3A_2741 = vector.broadcast %select_n3A_2726 : i32 to vector<16xi32>
      %add3A_2742 = arith.addi %rem3A_2728, %add3A_2741 : vector<16xi32>
      %select_n3A_2743 = arith.select %and3A_2740, %add3A_2742, %rem3A_2728 : vector<16xi1>, vector<16xi32>
      %ge3A_2744 = arith.constant 63 : i32
      %ge3A_2745 = vector.broadcast %ge3A_2744 : i32 to vector<16xi32>
      %ge3A_2746 = arith.cmpi sge, %select_n3A_2715, %ge3A_2745 : vector<16xi32>
      tpu.vector_store_idx %arg6[%mul3A_8, %max3A_2721, %mul3A_8, %select_n3A_2743, %add3A_2684], %broadcast_in_dim3A_3 masked %ge3A_2746 : memref<1x62x1x8x128xf32, #tpu.memory_space<vmem>>[vector<16xi32>, vector<16xi32>, vector<16xi32>, vector<16xi32>, vector<16xi32>], vector<16xf32>, vector<16xi1>
      %get3A_2747 = arith.index_cast %scan3A_1130 : i32 to index
      %get3A_2748 = arith.constant 0 : index
      %get3A_2749 = tpu.vector_load %arg4[%get3A_2747, %get3A_2748] {strides = array<i32>} : memref<20x128xi32, #tpu.memory_space<vmem>>, vector<16xi32>,
      %add3A_2750 = arith.constant 0 : i32
      %add3A_2751 = vector.broadcast %add3A_2750 : i32 to vector<16xi32>
      %add3A_2752 = arith.addi %iota3A, %add3A_2751 : vector<16xi32>
      %jit3A_2753 = arith.constant 8 : i32
      %div3A_2754 = vector.broadcast %jit3A_2753 : i32 to vector<16xi32>
      %div3A_2755 = arith.divsi %get3A_2749, %div3A_2754 : vector<16xi32>
      %sign3A_2756 = arith.constant 0 : i32
      %sign3A_2757 = vector.broadcast %sign3A_2756 : i32 to vector<16xi32>
      %sign3A_2758 = arith.cmpi sgt, %get3A_2749, %sign3A_2757 : vector<16xi32>
      %sign3A_2759 = arith.extui %sign3A_2758 : vector<16xi1> to vector<16xi32>
      %sign3A_2760 = arith.constant 0 : i32
      %sign3A_2761 = vector.broadcast %sign3A_2760 : i32 to vector<16xi32>
      %sign3A_2762 = arith.cmpi slt, %get3A_2749, %sign3A_2761 : vector<16xi32>
      %sign3A_2763 = arith.extui %sign3A_2762 : vector<16xi1> to vector<16xi32>
      %sign3A_2764 = arith.subi %sign3A_2759, %sign3A_2763 : vector<16xi32>
      %sign3A_2765 = arith.constant 0 : i32
      %sign3A_2766 = arith.cmpi sgt, %jit3A_2753, %sign3A_2765 : i32
      %sign3A_2767 = arith.extui %sign3A_2766 : i1 to i32
      %sign3A_2768 = arith.constant 0 : i32
      %sign3A_2769 = arith.cmpi slt, %jit3A_2753, %sign3A_2768 : i32
      %sign3A_2770 = arith.extui %sign3A_2769 : i1 to i32
      %sign3A_2771 = arith.subi %sign3A_2767, %sign3A_2770 : i32
      %ne3A_2772 = vector.broadcast %sign3A_2771 : i32 to vector<16xi32>
      %ne3A_2773 = arith.cmpi ne, %sign3A_2764, %ne3A_2772 : vector<16xi32>
      %rem3A_2774 = vector.broadcast %jit3A_2753 : i32 to vector<16xi32>
      %rem3A_2775 = arith.remsi %get3A_2749, %rem3A_2774 : vector<16xi32>
      %ne3A_2776 = arith.constant 0 : i32
      %ne3A_2777 = vector.broadcast %ne3A_2776 : i32 to vector<16xi32>
      %ne3A_2778 = arith.cmpi ne, %rem3A_2775, %ne3A_2777 : vector<16xi32>
      %and3A_2779 = arith.andi %ne3A_2773, %ne3A_2778 : vector<16xi1>
      %sub3A_2780 = arith.constant 1 : i32
      %sub3A_2781 = vector.broadcast %sub3A_2780 : i32 to vector<16xi32>
      %sub3A_2782 = arith.subi %div3A_2755, %sub3A_2781 : vector<16xi32>
      %select_n3A_2783 = arith.select %and3A_2779, %sub3A_2782, %div3A_2755 : vector<16xi1>, vector<16xi32>
      %sub3A_2784 = arith.constant 63 : i32
      %sub3A_2785 = vector.broadcast %sub3A_2784 : i32 to vector<16xi32>
      %sub3A_2786 = arith.subi %select_n3A_2783, %sub3A_2785 : vector<16xi32>
      %max3A_2787 = arith.constant 0 : i32
      %max3A_2788 = vector.broadcast %max3A_2787 : i32 to vector<16xi32>
      %max3A_2789 = arith.maxsi %sub3A_2786, %max3A_2788 : vector<16xi32>
      %jit3A_2790 = arith.constant 8 : i32
      %eq3A_2791 = arith.constant 0 : i32
      %eq3A_2792 = arith.cmpi eq, %jit3A_2790, %eq3A_2791 : i32
      %jit3A_2793 = arith.constant 1 : i32
      %select_n3A_2794 = arith.select %eq3A_2792, %jit3A_2793, %jit3A_2790 : i32
      %rem3A_2795 = vector.broadcast %select_n3A_2794 : i32 to vector<16xi32>
      %rem3A_2796 = arith.remsi %get3A_2749, %rem3A_2795 : vector<16xi32>
      %ne3A_2797 = arith.constant 0 : i32
      %ne3A_2798 = vector.broadcast %ne3A_2797 : i32 to vector<16xi32>
      %ne3A_2799 = arith.cmpi ne, %rem3A_2796, %ne3A_2798 : vector<16xi32>
      %lt3A_2800 = arith.constant 0 : i32
      %lt3A_2801 = vector.broadcast %lt3A_2800 : i32 to vector<16xi32>
      %lt3A_2802 = arith.cmpi slt, %rem3A_2796, %lt3A_2801 : vector<16xi32>
      %lt3A_2803 = arith.constant 0 : i32
      %lt3A_2804 = arith.cmpi slt, %select_n3A_2794, %lt3A_2803 : i32
      %ne3A_2805 = vector.broadcast %lt3A_2804 : i1 to vector<16xi1>
      %ne3A_2806 = vector.broadcast %ne3A_2805 : vector<16xi1> to vector<16xi1>
      %ne3A_2807 = arith.xori %lt3A_2802, %ne3A_2806 : vector<16xi1>
      %and3A_2808 = arith.andi %ne3A_2807, %ne3A_2799 : vector<16xi1>
      %add3A_2809 = vector.broadcast %select_n3A_2794 : i32 to vector<16xi32>
      %add3A_2810 = arith.addi %rem3A_2796, %add3A_2809 : vector<16xi32>
      %select_n3A_2811 = arith.select %and3A_2808, %add3A_2810, %rem3A_2796 : vector<16xi1>, vector<16xi32>
      %ge3A_2812 = arith.constant 63 : i32
      %ge3A_2813 = vector.broadcast %ge3A_2812 : i32 to vector<16xi32>
      %ge3A_2814 = arith.cmpi sge, %select_n3A_2783, %ge3A_2813 : vector<16xi32>
      tpu.vector_store_idx %arg6[%mul3A_8, %max3A_2789, %mul3A_8, %select_n3A_2811, %add3A_2752], %broadcast_in_dim3A_5 masked %ge3A_2814 : memref<1x62x1x8x128xf32, #tpu.memory_space<vmem>>[vector<16xi32>, vector<16xi32>, vector<16xi32>, vector<16xi32>, vector<16xi32>], vector<16xf32>, vector<16xi1>
      %get3A_2815 = arith.index_cast %scan3A_1130 : i32 to index
      %get3A_2816 = arith.constant 16 : index
      %get3A_2817 = tpu.vector_load %arg4[%get3A_2815, %get3A_2816] {strides = array<i32>} : memref<20x128xi32, #tpu.memory_space<vmem>>, vector<16xi32>,
      %add3A_2818 = arith.constant 16 : i32
      %add3A_2819 = vector.broadcast %add3A_2818 : i32 to vector<16xi32>
      %add3A_2820 = arith.addi %iota3A, %add3A_2819 : vector<16xi32>
      %jit3A_2821 = arith.constant 8 : i32
      %div3A_2822 = vector.broadcast %jit3A_2821 : i32 to vector<16xi32>
      %div3A_2823 = arith.divsi %get3A_2817, %div3A_2822 : vector<16xi32>
      %sign3A_2824 = arith.constant 0 : i32
      %sign3A_2825 = vector.broadcast %sign3A_2824 : i32 to vector<16xi32>
      %sign3A_2826 = arith.cmpi sgt, %get3A_2817, %sign3A_2825 : vector<16xi32>
      %sign3A_2827 = arith.extui %sign3A_2826 : vector<16xi1> to vector<16xi32>
      %sign3A_2828 = arith.constant 0 : i32
      %sign3A_2829 = vector.broadcast %sign3A_2828 : i32 to vector<16xi32>
      %sign3A_2830 = arith.cmpi slt, %get3A_2817, %sign3A_2829 : vector<16xi32>
      %sign3A_2831 = arith.extui %sign3A_2830 : vector<16xi1> to vector<16xi32>
      %sign3A_2832 = arith.subi %sign3A_2827, %sign3A_2831 : vector<16xi32>
      %sign3A_2833 = arith.constant 0 : i32
      %sign3A_2834 = arith.cmpi sgt, %jit3A_2821, %sign3A_2833 : i32
      %sign3A_2835 = arith.extui %sign3A_2834 : i1 to i32
      %sign3A_2836 = arith.constant 0 : i32
      %sign3A_2837 = arith.cmpi slt, %jit3A_2821, %sign3A_2836 : i32
      %sign3A_2838 = arith.extui %sign3A_2837 : i1 to i32
      %sign3A_2839 = arith.subi %sign3A_2835, %sign3A_2838 : i32
      %ne3A_2840 = vector.broadcast %sign3A_2839 : i32 to vector<16xi32>
      %ne3A_2841 = arith.cmpi ne, %sign3A_2832, %ne3A_2840 : vector<16xi32>
      %rem3A_2842 = vector.broadcast %jit3A_2821 : i32 to vector<16xi32>
      %rem3A_2843 = arith.remsi %get3A_2817, %rem3A_2842 : vector<16xi32>
      %ne3A_2844 = arith.constant 0 : i32
      %ne3A_2845 = vector.broadcast %ne3A_2844 : i32 to vector<16xi32>
      %ne3A_2846 = arith.cmpi ne, %rem3A_2843, %ne3A_2845 : vector<16xi32>
      %and3A_2847 = arith.andi %ne3A_2841, %ne3A_2846 : vector<16xi1>
      %sub3A_2848 = arith.constant 1 : i32
      %sub3A_2849 = vector.broadcast %sub3A_2848 : i32 to vector<16xi32>
      %sub3A_2850 = arith.subi %div3A_2823, %sub3A_2849 : vector<16xi32>
      %select_n3A_2851 = arith.select %and3A_2847, %sub3A_2850, %div3A_2823 : vector<16xi1>, vector<16xi32>
      %sub3A_2852 = arith.constant 63 : i32
      %sub3A_2853 = vector.broadcast %sub3A_2852 : i32 to vector<16xi32>
      %sub3A_2854 = arith.subi %select_n3A_2851, %sub3A_2853 : vector<16xi32>
      %max3A_2855 = arith.constant 0 : i32
      %max3A_2856 = vector.broadcast %max3A_2855 : i32 to vector<16xi32>
      %max3A_2857 = arith.maxsi %sub3A_2854, %max3A_2856 : vector<16xi32>
      %jit3A_2858 = arith.constant 8 : i32
      %eq3A_2859 = arith.constant 0 : i32
      %eq3A_2860 = arith.cmpi eq, %jit3A_2858, %eq3A_2859 : i32
      %jit3A_2861 = arith.constant 1 : i32
      %select_n3A_2862 = arith.select %eq3A_2860, %jit3A_2861, %jit3A_2858 : i32
      %rem3A_2863 = vector.broadcast %select_n3A_2862 : i32 to vector<16xi32>
      %rem3A_2864 = arith.remsi %get3A_2817, %rem3A_2863 : vector<16xi32>
      %ne3A_2865 = arith.constant 0 : i32
      %ne3A_2866 = vector.broadcast %ne3A_2865 : i32 to vector<16xi32>
      %ne3A_2867 = arith.cmpi ne, %rem3A_2864, %ne3A_2866 : vector<16xi32>
      %lt3A_2868 = arith.constant 0 : i32
      %lt3A_2869 = vector.broadcast %lt3A_2868 : i32 to vector<16xi32>
      %lt3A_2870 = arith.cmpi slt, %rem3A_2864, %lt3A_2869 : vector<16xi32>
      %lt3A_2871 = arith.constant 0 : i32
      %lt3A_2872 = arith.cmpi slt, %select_n3A_2862, %lt3A_2871 : i32
      %ne3A_2873 = vector.broadcast %lt3A_2872 : i1 to vector<16xi1>
      %ne3A_2874 = vector.broadcast %ne3A_2873 : vector<16xi1> to vector<16xi1>
      %ne3A_2875 = arith.xori %lt3A_2870, %ne3A_2874 : vector<16xi1>
      %and3A_2876 = arith.andi %ne3A_2875, %ne3A_2867 : vector<16xi1>
      %add3A_2877 = vector.broadcast %select_n3A_2862 : i32 to vector<16xi32>
      %add3A_2878 = arith.addi %rem3A_2864, %add3A_2877 : vector<16xi32>
      %select_n3A_2879 = arith.select %and3A_2876, %add3A_2878, %rem3A_2864 : vector<16xi1>, vector<16xi32>
      %ge3A_2880 = arith.constant 63 : i32
      %ge3A_2881 = vector.broadcast %ge3A_2880 : i32 to vector<16xi32>
      %ge3A_2882 = arith.cmpi sge, %select_n3A_2851, %ge3A_2881 : vector<16xi32>
      tpu.vector_store_idx %arg6[%mul3A_8, %max3A_2857, %mul3A_8, %select_n3A_2879, %add3A_2820], %broadcast_in_dim3A_5 masked %ge3A_2882 : memref<1x62x1x8x128xf32, #tpu.memory_space<vmem>>[vector<16xi32>, vector<16xi32>, vector<16xi32>, vector<16xi32>, vector<16xi32>], vector<16xf32>, vector<16xi1>
      %get3A_2883 = arith.index_cast %scan3A_1130 : i32 to index
      %get3A_2884 = arith.constant 32 : index
      %get3A_2885 = tpu.vector_load %arg4[%get3A_2883, %get3A_2884] {strides = array<i32>} : memref<20x128xi32, #tpu.memory_space<vmem>>, vector<16xi32>,
      %add3A_2886 = arith.constant 32 : i32
      %add3A_2887 = vector.broadcast %add3A_2886 : i32 to vector<16xi32>
      %add3A_2888 = arith.addi %iota3A, %add3A_2887 : vector<16xi32>
      %jit3A_2889 = arith.constant 8 : i32
      %div3A_2890 = vector.broadcast %jit3A_2889 : i32 to vector<16xi32>
      %div3A_2891 = arith.divsi %get3A_2885, %div3A_2890 : vector<16xi32>
      %sign3A_2892 = arith.constant 0 : i32
      %sign3A_2893 = vector.broadcast %sign3A_2892 : i32 to vector<16xi32>
      %sign3A_2894 = arith.cmpi sgt, %get3A_2885, %sign3A_2893 : vector<16xi32>
      %sign3A_2895 = arith.extui %sign3A_2894 : vector<16xi1> to vector<16xi32>
      %sign3A_2896 = arith.constant 0 : i32
      %sign3A_2897 = vector.broadcast %sign3A_2896 : i32 to vector<16xi32>
      %sign3A_2898 = arith.cmpi slt, %get3A_2885, %sign3A_2897 : vector<16xi32>
      %sign3A_2899 = arith.extui %sign3A_2898 : vector<16xi1> to vector<16xi32>
      %sign3A_2900 = arith.subi %sign3A_2895, %sign3A_2899 : vector<16xi32>
      %sign3A_2901 = arith.constant 0 : i32
      %sign3A_2902 = arith.cmpi sgt, %jit3A_2889, %sign3A_2901 : i32
      %sign3A_2903 = arith.extui %sign3A_2902 : i1 to i32
      %sign3A_2904 = arith.constant 0 : i32
      %sign3A_2905 = arith.cmpi slt, %jit3A_2889, %sign3A_2904 : i32
      %sign3A_2906 = arith.extui %sign3A_2905 : i1 to i32
      %sign3A_2907 = arith.subi %sign3A_2903, %sign3A_2906 : i32
      %ne3A_2908 = vector.broadcast %sign3A_2907 : i32 to vector<16xi32>
      %ne3A_2909 = arith.cmpi ne, %sign3A_2900, %ne3A_2908 : vector<16xi32>
      %rem3A_2910 = vector.broadcast %jit3A_2889 : i32 to vector<16xi32>
      %rem3A_2911 = arith.remsi %get3A_2885, %rem3A_2910 : vector<16xi32>
      %ne3A_2912 = arith.constant 0 : i32
      %ne3A_2913 = vector.broadcast %ne3A_2912 : i32 to vector<16xi32>
      %ne3A_2914 = arith.cmpi ne, %rem3A_2911, %ne3A_2913 : vector<16xi32>
      %and3A_2915 = arith.andi %ne3A_2909, %ne3A_2914 : vector<16xi1>
      %sub3A_2916 = arith.constant 1 : i32
      %sub3A_2917 = vector.broadcast %sub3A_2916 : i32 to vector<16xi32>
      %sub3A_2918 = arith.subi %div3A_2891, %sub3A_2917 : vector<16xi32>
      %select_n3A_2919 = arith.select %and3A_2915, %sub3A_2918, %div3A_2891 : vector<16xi1>, vector<16xi32>
      %sub3A_2920 = arith.constant 63 : i32
      %sub3A_2921 = vector.broadcast %sub3A_2920 : i32 to vector<16xi32>
      %sub3A_2922 = arith.subi %select_n3A_2919, %sub3A_2921 : vector<16xi32>
      %max3A_2923 = arith.constant 0 : i32
      %max3A_2924 = vector.broadcast %max3A_2923 : i32 to vector<16xi32>
      %max3A_2925 = arith.maxsi %sub3A_2922, %max3A_2924 : vector<16xi32>
      %jit3A_2926 = arith.constant 8 : i32
      %eq3A_2927 = arith.constant 0 : i32
      %eq3A_2928 = arith.cmpi eq, %jit3A_2926, %eq3A_2927 : i32
      %jit3A_2929 = arith.constant 1 : i32
      %select_n3A_2930 = arith.select %eq3A_2928, %jit3A_2929, %jit3A_2926 : i32
      %rem3A_2931 = vector.broadcast %select_n3A_2930 : i32 to vector<16xi32>
      %rem3A_2932 = arith.remsi %get3A_2885, %rem3A_2931 : vector<16xi32>
      %ne3A_2933 = arith.constant 0 : i32
      %ne3A_2934 = vector.broadcast %ne3A_2933 : i32 to vector<16xi32>
      %ne3A_2935 = arith.cmpi ne, %rem3A_2932, %ne3A_2934 : vector<16xi32>
      %lt3A_2936 = arith.constant 0 : i32
      %lt3A_2937 = vector.broadcast %lt3A_2936 : i32 to vector<16xi32>
      %lt3A_2938 = arith.cmpi slt, %rem3A_2932, %lt3A_2937 : vector<16xi32>
      %lt3A_2939 = arith.constant 0 : i32
      %lt3A_2940 = arith.cmpi slt, %select_n3A_2930, %lt3A_2939 : i32
      %ne3A_2941 = vector.broadcast %lt3A_2940 : i1 to vector<16xi1>
      %ne3A_2942 = vector.broadcast %ne3A_2941 : vector<16xi1> to vector<16xi1>
      %ne3A_2943 = arith.xori %lt3A_2938, %ne3A_2942 : vector<16xi1>
      %and3A_2944 = arith.andi %ne3A_2943, %ne3A_2935 : vector<16xi1>
      %add3A_2945 = vector.broadcast %select_n3A_2930 : i32 to vector<16xi32>
      %add3A_2946 = arith.addi %rem3A_2932, %add3A_2945 : vector<16xi32>
      %select_n3A_2947 = arith.select %and3A_2944, %add3A_2946, %rem3A_2932 : vector<16xi1>, vector<16xi32>
      %ge3A_2948 = arith.constant 63 : i32
      %ge3A_2949 = vector.broadcast %ge3A_2948 : i32 to vector<16xi32>
      %ge3A_2950 = arith.cmpi sge, %select_n3A_2919, %ge3A_2949 : vector<16xi32>
      tpu.vector_store_idx %arg6[%mul3A_8, %max3A_2925, %mul3A_8, %select_n3A_2947, %add3A_2888], %broadcast_in_dim3A_5 masked %ge3A_2950 : memref<1x62x1x8x128xf32, #tpu.memory_space<vmem>>[vector<16xi32>, vector<16xi32>, vector<16xi32>, vector<16xi32>, vector<16xi32>], vector<16xf32>, vector<16xi1>
      %get3A_2951 = arith.index_cast %scan3A_1130 : i32 to index
      %get3A_2952 = arith.constant 48 : index
      %get3A_2953 = tpu.vector_load %arg4[%get3A_2951, %get3A_2952] {strides = array<i32>} : memref<20x128xi32, #tpu.memory_space<vmem>>, vector<16xi32>,
      %add3A_2954 = arith.constant 48 : i32
      %add3A_2955 = vector.broadcast %add3A_2954 : i32 to vector<16xi32>
      %add3A_2956 = arith.addi %iota3A, %add3A_2955 : vector<16xi32>
      %jit3A_2957 = arith.constant 8 : i32
      %div3A_2958 = vector.broadcast %jit3A_2957 : i32 to vector<16xi32>
      %div3A_2959 = arith.divsi %get3A_2953, %div3A_2958 : vector<16xi32>
      %sign3A_2960 = arith.constant 0 : i32
      %sign3A_2961 = vector.broadcast %sign3A_2960 : i32 to vector<16xi32>
      %sign3A_2962 = arith.cmpi sgt, %get3A_2953, %sign3A_2961 : vector<16xi32>
      %sign3A_2963 = arith.extui %sign3A_2962 : vector<16xi1> to vector<16xi32>
      %sign3A_2964 = arith.constant 0 : i32
      %sign3A_2965 = vector.broadcast %sign3A_2964 : i32 to vector<16xi32>
      %sign3A_2966 = arith.cmpi slt, %get3A_2953, %sign3A_2965 : vector<16xi32>
      %sign3A_2967 = arith.extui %sign3A_2966 : vector<16xi1> to vector<16xi32>
      %sign3A_2968 = arith.subi %sign3A_2963, %sign3A_2967 : vector<16xi32>
      %sign3A_2969 = arith.constant 0 : i32
      %sign3A_2970 = arith.cmpi sgt, %jit3A_2957, %sign3A_2969 : i32
      %sign3A_2971 = arith.extui %sign3A_2970 : i1 to i32
      %sign3A_2972 = arith.constant 0 : i32
      %sign3A_2973 = arith.cmpi slt, %jit3A_2957, %sign3A_2972 : i32
      %sign3A_2974 = arith.extui %sign3A_2973 : i1 to i32
      %sign3A_2975 = arith.subi %sign3A_2971, %sign3A_2974 : i32
      %ne3A_2976 = vector.broadcast %sign3A_2975 : i32 to vector<16xi32>
      %ne3A_2977 = arith.cmpi ne, %sign3A_2968, %ne3A_2976 : vector<16xi32>
      %rem3A_2978 = vector.broadcast %jit3A_2957 : i32 to vector<16xi32>
      %rem3A_2979 = arith.remsi %get3A_2953, %rem3A_2978 : vector<16xi32>
      %ne3A_2980 = arith.constant 0 : i32
      %ne3A_2981 = vector.broadcast %ne3A_2980 : i32 to vector<16xi32>
      %ne3A_2982 = arith.cmpi ne, %rem3A_2979, %ne3A_2981 : vector<16xi32>
      %and3A_2983 = arith.andi %ne3A_2977, %ne3A_2982 : vector<16xi1>
      %sub3A_2984 = arith.constant 1 : i32
      %sub3A_2985 = vector.broadcast %sub3A_2984 : i32 to vector<16xi32>
      %sub3A_2986 = arith.subi %div3A_2959, %sub3A_2985 : vector<16xi32>
      %select_n3A_2987 = arith.select %and3A_2983, %sub3A_2986, %div3A_2959 : vector<16xi1>, vector<16xi32>
      %sub3A_2988 = arith.constant 63 : i32
      %sub3A_2989 = vector.broadcast %sub3A_2988 : i32 to vector<16xi32>
      %sub3A_2990 = arith.subi %select_n3A_2987, %sub3A_2989 : vector<16xi32>
      %max3A_2991 = arith.constant 0 : i32
      %max3A_2992 = vector.broadcast %max3A_2991 : i32 to vector<16xi32>
      %max3A_2993 = arith.maxsi %sub3A_2990, %max3A_2992 : vector<16xi32>
      %jit3A_2994 = arith.constant 8 : i32
      %eq3A_2995 = arith.constant 0 : i32
      %eq3A_2996 = arith.cmpi eq, %jit3A_2994, %eq3A_2995 : i32
      %jit3A_2997 = arith.constant 1 : i32
      %select_n3A_2998 = arith.select %eq3A_2996, %jit3A_2997, %jit3A_2994 : i32
      %rem3A_2999 = vector.broadcast %select_n3A_2998 : i32 to vector<16xi32>
      %rem3A_3000 = arith.remsi %get3A_2953, %rem3A_2999 : vector<16xi32>
      %ne3A_3001 = arith.constant 0 : i32
      %ne3A_3002 = vector.broadcast %ne3A_3001 : i32 to vector<16xi32>
      %ne3A_3003 = arith.cmpi ne, %rem3A_3000, %ne3A_3002 : vector<16xi32>
      %lt3A_3004 = arith.constant 0 : i32
      %lt3A_3005 = vector.broadcast %lt3A_3004 : i32 to vector<16xi32>
      %lt3A_3006 = arith.cmpi slt, %rem3A_3000, %lt3A_3005 : vector<16xi32>
      %lt3A_3007 = arith.constant 0 : i32
      %lt3A_3008 = arith.cmpi slt, %select_n3A_2998, %lt3A_3007 : i32
      %ne3A_3009 = vector.broadcast %lt3A_3008 : i1 to vector<16xi1>
      %ne3A_3010 = vector.broadcast %ne3A_3009 : vector<16xi1> to vector<16xi1>
      %ne3A_3011 = arith.xori %lt3A_3006, %ne3A_3010 : vector<16xi1>
      %and3A_3012 = arith.andi %ne3A_3011, %ne3A_3003 : vector<16xi1>
      %add3A_3013 = vector.broadcast %select_n3A_2998 : i32 to vector<16xi32>
      %add3A_3014 = arith.addi %rem3A_3000, %add3A_3013 : vector<16xi32>
      %select_n3A_3015 = arith.select %and3A_3012, %add3A_3014, %rem3A_3000 : vector<16xi1>, vector<16xi32>
      %ge3A_3016 = arith.constant 63 : i32
      %ge3A_3017 = vector.broadcast %ge3A_3016 : i32 to vector<16xi32>
      %ge3A_3018 = arith.cmpi sge, %select_n3A_2987, %ge3A_3017 : vector<16xi32>
      tpu.vector_store_idx %arg6[%mul3A_8, %max3A_2993, %mul3A_8, %select_n3A_3015, %add3A_2956], %broadcast_in_dim3A_5 masked %ge3A_3018 : memref<1x62x1x8x128xf32, #tpu.memory_space<vmem>>[vector<16xi32>, vector<16xi32>, vector<16xi32>, vector<16xi32>, vector<16xi32>], vector<16xf32>, vector<16xi1>
      %get3A_3019 = arith.index_cast %scan3A_1130 : i32 to index
      %get3A_3020 = arith.constant 64 : index
      %get3A_3021 = tpu.vector_load %arg4[%get3A_3019, %get3A_3020] {strides = array<i32>} : memref<20x128xi32, #tpu.memory_space<vmem>>, vector<16xi32>,
      %add3A_3022 = arith.constant 64 : i32
      %add3A_3023 = vector.broadcast %add3A_3022 : i32 to vector<16xi32>
      %add3A_3024 = arith.addi %iota3A, %add3A_3023 : vector<16xi32>
      %jit3A_3025 = arith.constant 8 : i32
      %div3A_3026 = vector.broadcast %jit3A_3025 : i32 to vector<16xi32>
      %div3A_3027 = arith.divsi %get3A_3021, %div3A_3026 : vector<16xi32>
      %sign3A_3028 = arith.constant 0 : i32
      %sign3A_3029 = vector.broadcast %sign3A_3028 : i32 to vector<16xi32>
      %sign3A_3030 = arith.cmpi sgt, %get3A_3021, %sign3A_3029 : vector<16xi32>
      %sign3A_3031 = arith.extui %sign3A_3030 : vector<16xi1> to vector<16xi32>
      %sign3A_3032 = arith.constant 0 : i32
      %sign3A_3033 = vector.broadcast %sign3A_3032 : i32 to vector<16xi32>
      %sign3A_3034 = arith.cmpi slt, %get3A_3021, %sign3A_3033 : vector<16xi32>
      %sign3A_3035 = arith.extui %sign3A_3034 : vector<16xi1> to vector<16xi32>
      %sign3A_3036 = arith.subi %sign3A_3031, %sign3A_3035 : vector<16xi32>
      %sign3A_3037 = arith.constant 0 : i32
      %sign3A_3038 = arith.cmpi sgt, %jit3A_3025, %sign3A_3037 : i32
      %sign3A_3039 = arith.extui %sign3A_3038 : i1 to i32
      %sign3A_3040 = arith.constant 0 : i32
      %sign3A_3041 = arith.cmpi slt, %jit3A_3025, %sign3A_3040 : i32
      %sign3A_3042 = arith.extui %sign3A_3041 : i1 to i32
      %sign3A_3043 = arith.subi %sign3A_3039, %sign3A_3042 : i32
      %ne3A_3044 = vector.broadcast %sign3A_3043 : i32 to vector<16xi32>
      %ne3A_3045 = arith.cmpi ne, %sign3A_3036, %ne3A_3044 : vector<16xi32>
      %rem3A_3046 = vector.broadcast %jit3A_3025 : i32 to vector<16xi32>
      %rem3A_3047 = arith.remsi %get3A_3021, %rem3A_3046 : vector<16xi32>
      %ne3A_3048 = arith.constant 0 : i32
      %ne3A_3049 = vector.broadcast %ne3A_3048 : i32 to vector<16xi32>
      %ne3A_3050 = arith.cmpi ne, %rem3A_3047, %ne3A_3049 : vector<16xi32>
      %and3A_3051 = arith.andi %ne3A_3045, %ne3A_3050 : vector<16xi1>
      %sub3A_3052 = arith.constant 1 : i32
      %sub3A_3053 = vector.broadcast %sub3A_3052 : i32 to vector<16xi32>
      %sub3A_3054 = arith.subi %div3A_3027, %sub3A_3053 : vector<16xi32>
      %select_n3A_3055 = arith.select %and3A_3051, %sub3A_3054, %div3A_3027 : vector<16xi1>, vector<16xi32>
      %sub3A_3056 = arith.constant 63 : i32
      %sub3A_3057 = vector.broadcast %sub3A_3056 : i32 to vector<16xi32>
      %sub3A_3058 = arith.subi %select_n3A_3055, %sub3A_3057 : vector<16xi32>
      %max3A_3059 = arith.constant 0 : i32
      %max3A_3060 = vector.broadcast %max3A_3059 : i32 to vector<16xi32>
      %max3A_3061 = arith.maxsi %sub3A_3058, %max3A_3060 : vector<16xi32>
      %jit3A_3062 = arith.constant 8 : i32
      %eq3A_3063 = arith.constant 0 : i32
      %eq3A_3064 = arith.cmpi eq, %jit3A_3062, %eq3A_3063 : i32
      %jit3A_3065 = arith.constant 1 : i32
      %select_n3A_3066 = arith.select %eq3A_3064, %jit3A_3065, %jit3A_3062 : i32
      %rem3A_3067 = vector.broadcast %select_n3A_3066 : i32 to vector<16xi32>
      %rem3A_3068 = arith.remsi %get3A_3021, %rem3A_3067 : vector<16xi32>
      %ne3A_3069 = arith.constant 0 : i32
      %ne3A_3070 = vector.broadcast %ne3A_3069 : i32 to vector<16xi32>
      %ne3A_3071 = arith.cmpi ne, %rem3A_3068, %ne3A_3070 : vector<16xi32>
      %lt3A_3072 = arith.constant 0 : i32
      %lt3A_3073 = vector.broadcast %lt3A_3072 : i32 to vector<16xi32>
      %lt3A_3074 = arith.cmpi slt, %rem3A_3068, %lt3A_3073 : vector<16xi32>
      %lt3A_3075 = arith.constant 0 : i32
      %lt3A_3076 = arith.cmpi slt, %select_n3A_3066, %lt3A_3075 : i32
      %ne3A_3077 = vector.broadcast %lt3A_3076 : i1 to vector<16xi1>
      %ne3A_3078 = vector.broadcast %ne3A_3077 : vector<16xi1> to vector<16xi1>
      %ne3A_3079 = arith.xori %lt3A_3074, %ne3A_3078 : vector<16xi1>
      %and3A_3080 = arith.andi %ne3A_3079, %ne3A_3071 : vector<16xi1>
      %add3A_3081 = vector.broadcast %select_n3A_3066 : i32 to vector<16xi32>
      %add3A_3082 = arith.addi %rem3A_3068, %add3A_3081 : vector<16xi32>
      %select_n3A_3083 = arith.select %and3A_3080, %add3A_3082, %rem3A_3068 : vector<16xi1>, vector<16xi32>
      %ge3A_3084 = arith.constant 63 : i32
      %ge3A_3085 = vector.broadcast %ge3A_3084 : i32 to vector<16xi32>
      %ge3A_3086 = arith.cmpi sge, %select_n3A_3055, %ge3A_3085 : vector<16xi32>
      tpu.vector_store_idx %arg6[%mul3A_8, %max3A_3061, %mul3A_8, %select_n3A_3083, %add3A_3024], %broadcast_in_dim3A_5 masked %ge3A_3086 : memref<1x62x1x8x128xf32, #tpu.memory_space<vmem>>[vector<16xi32>, vector<16xi32>, vector<16xi32>, vector<16xi32>, vector<16xi32>], vector<16xf32>, vector<16xi1>
      %get3A_3087 = arith.index_cast %scan3A_1130 : i32 to index
      %get3A_3088 = arith.constant 80 : index
      %get3A_3089 = tpu.vector_load %arg4[%get3A_3087, %get3A_3088] {strides = array<i32>} : memref<20x128xi32, #tpu.memory_space<vmem>>, vector<16xi32>,
      %add3A_3090 = arith.constant 80 : i32
      %add3A_3091 = vector.broadcast %add3A_3090 : i32 to vector<16xi32>
      %add3A_3092 = arith.addi %iota3A, %add3A_3091 : vector<16xi32>
      %jit3A_3093 = arith.constant 8 : i32
      %div3A_3094 = vector.broadcast %jit3A_3093 : i32 to vector<16xi32>
      %div3A_3095 = arith.divsi %get3A_3089, %div3A_3094 : vector<16xi32>
      %sign3A_3096 = arith.constant 0 : i32
      %sign3A_3097 = vector.broadcast %sign3A_3096 : i32 to vector<16xi32>
      %sign3A_3098 = arith.cmpi sgt, %get3A_3089, %sign3A_3097 : vector<16xi32>
      %sign3A_3099 = arith.extui %sign3A_3098 : vector<16xi1> to vector<16xi32>
      %sign3A_3100 = arith.constant 0 : i32
      %sign3A_3101 = vector.broadcast %sign3A_3100 : i32 to vector<16xi32>
      %sign3A_3102 = arith.cmpi slt, %get3A_3089, %sign3A_3101 : vector<16xi32>
      %sign3A_3103 = arith.extui %sign3A_3102 : vector<16xi1> to vector<16xi32>
      %sign3A_3104 = arith.subi %sign3A_3099, %sign3A_3103 : vector<16xi32>
      %sign3A_3105 = arith.constant 0 : i32
      %sign3A_3106 = arith.cmpi sgt, %jit3A_3093, %sign3A_3105 : i32
      %sign3A_3107 = arith.extui %sign3A_3106 : i1 to i32
      %sign3A_3108 = arith.constant 0 : i32
      %sign3A_3109 = arith.cmpi slt, %jit3A_3093, %sign3A_3108 : i32
      %sign3A_3110 = arith.extui %sign3A_3109 : i1 to i32
      %sign3A_3111 = arith.subi %sign3A_3107, %sign3A_3110 : i32
      %ne3A_3112 = vector.broadcast %sign3A_3111 : i32 to vector<16xi32>
      %ne3A_3113 = arith.cmpi ne, %sign3A_3104, %ne3A_3112 : vector<16xi32>
      %rem3A_3114 = vector.broadcast %jit3A_3093 : i32 to vector<16xi32>
      %rem3A_3115 = arith.remsi %get3A_3089, %rem3A_3114 : vector<16xi32>
      %ne3A_3116 = arith.constant 0 : i32
      %ne3A_3117 = vector.broadcast %ne3A_3116 : i32 to vector<16xi32>
      %ne3A_3118 = arith.cmpi ne, %rem3A_3115, %ne3A_3117 : vector<16xi32>
      %and3A_3119 = arith.andi %ne3A_3113, %ne3A_3118 : vector<16xi1>
      %sub3A_3120 = arith.constant 1 : i32
      %sub3A_3121 = vector.broadcast %sub3A_3120 : i32 to vector<16xi32>
      %sub3A_3122 = arith.subi %div3A_3095, %sub3A_3121 : vector<16xi32>
      %select_n3A_3123 = arith.select %and3A_3119, %sub3A_3122, %div3A_3095 : vector<16xi1>, vector<16xi32>
      %sub3A_3124 = arith.constant 63 : i32
      %sub3A_3125 = vector.broadcast %sub3A_3124 : i32 to vector<16xi32>
      %sub3A_3126 = arith.subi %select_n3A_3123, %sub3A_3125 : vector<16xi32>
      %max3A_3127 = arith.constant 0 : i32
      %max3A_3128 = vector.broadcast %max3A_3127 : i32 to vector<16xi32>
      %max3A_3129 = arith.maxsi %sub3A_3126, %max3A_3128 : vector<16xi32>
      %jit3A_3130 = arith.constant 8 : i32
      %eq3A_3131 = arith.constant 0 : i32
      %eq3A_3132 = arith.cmpi eq, %jit3A_3130, %eq3A_3131 : i32
      %jit3A_3133 = arith.constant 1 : i32
      %select_n3A_3134 = arith.select %eq3A_3132, %jit3A_3133, %jit3A_3130 : i32
      %rem3A_3135 = vector.broadcast %select_n3A_3134 : i32 to vector<16xi32>
      %rem3A_3136 = arith.remsi %get3A_3089, %rem3A_3135 : vector<16xi32>
      %ne3A_3137 = arith.constant 0 : i32
      %ne3A_3138 = vector.broadcast %ne3A_3137 : i32 to vector<16xi32>
      %ne3A_3139 = arith.cmpi ne, %rem3A_3136, %ne3A_3138 : vector<16xi32>
      %lt3A_3140 = arith.constant 0 : i32
      %lt3A_3141 = vector.broadcast %lt3A_3140 : i32 to vector<16xi32>
      %lt3A_3142 = arith.cmpi slt, %rem3A_3136, %lt3A_3141 : vector<16xi32>
      %lt3A_3143 = arith.constant 0 : i32
      %lt3A_3144 = arith.cmpi slt, %select_n3A_3134, %lt3A_3143 : i32
      %ne3A_3145 = vector.broadcast %lt3A_3144 : i1 to vector<16xi1>
      %ne3A_3146 = vector.broadcast %ne3A_3145 : vector<16xi1> to vector<16xi1>
      %ne3A_3147 = arith.xori %lt3A_3142, %ne3A_3146 : vector<16xi1>
      %and3A_3148 = arith.andi %ne3A_3147, %ne3A_3139 : vector<16xi1>
      %add3A_3149 = vector.broadcast %select_n3A_3134 : i32 to vector<16xi32>
      %add3A_3150 = arith.addi %rem3A_3136, %add3A_3149 : vector<16xi32>
      %select_n3A_3151 = arith.select %and3A_3148, %add3A_3150, %rem3A_3136 : vector<16xi1>, vector<16xi32>
      %ge3A_3152 = arith.constant 63 : i32
      %ge3A_3153 = vector.broadcast %ge3A_3152 : i32 to vector<16xi32>
      %ge3A_3154 = arith.cmpi sge, %select_n3A_3123, %ge3A_3153 : vector<16xi32>
      tpu.vector_store_idx %arg6[%mul3A_8, %max3A_3129, %mul3A_8, %select_n3A_3151, %add3A_3092], %broadcast_in_dim3A_5 masked %ge3A_3154 : memref<1x62x1x8x128xf32, #tpu.memory_space<vmem>>[vector<16xi32>, vector<16xi32>, vector<16xi32>, vector<16xi32>, vector<16xi32>], vector<16xf32>, vector<16xi1>
      %get3A_3155 = arith.index_cast %scan3A_1130 : i32 to index
      %get3A_3156 = arith.constant 96 : index
      %get3A_3157 = tpu.vector_load %arg4[%get3A_3155, %get3A_3156] {strides = array<i32>} : memref<20x128xi32, #tpu.memory_space<vmem>>, vector<16xi32>,
      %add3A_3158 = arith.constant 96 : i32
      %add3A_3159 = vector.broadcast %add3A_3158 : i32 to vector<16xi32>
      %add3A_3160 = arith.addi %iota3A, %add3A_3159 : vector<16xi32>
      %jit3A_3161 = arith.constant 8 : i32
      %div3A_3162 = vector.broadcast %jit3A_3161 : i32 to vector<16xi32>
      %div3A_3163 = arith.divsi %get3A_3157, %div3A_3162 : vector<16xi32>
      %sign3A_3164 = arith.constant 0 : i32
      %sign3A_3165 = vector.broadcast %sign3A_3164 : i32 to vector<16xi32>
      %sign3A_3166 = arith.cmpi sgt, %get3A_3157, %sign3A_3165 : vector<16xi32>
      %sign3A_3167 = arith.extui %sign3A_3166 : vector<16xi1> to vector<16xi32>
      %sign3A_3168 = arith.constant 0 : i32
      %sign3A_3169 = vector.broadcast %sign3A_3168 : i32 to vector<16xi32>
      %sign3A_3170 = arith.cmpi slt, %get3A_3157, %sign3A_3169 : vector<16xi32>
      %sign3A_3171 = arith.extui %sign3A_3170 : vector<16xi1> to vector<16xi32>
      %sign3A_3172 = arith.subi %sign3A_3167, %sign3A_3171 : vector<16xi32>
      %sign3A_3173 = arith.constant 0 : i32
      %sign3A_3174 = arith.cmpi sgt, %jit3A_3161, %sign3A_3173 : i32
      %sign3A_3175 = arith.extui %sign3A_3174 : i1 to i32
      %sign3A_3176 = arith.constant 0 : i32
      %sign3A_3177 = arith.cmpi slt, %jit3A_3161, %sign3A_3176 : i32
      %sign3A_3178 = arith.extui %sign3A_3177 : i1 to i32
      %sign3A_3179 = arith.subi %sign3A_3175, %sign3A_3178 : i32
      %ne3A_3180 = vector.broadcast %sign3A_3179 : i32 to vector<16xi32>
      %ne3A_3181 = arith.cmpi ne, %sign3A_3172, %ne3A_3180 : vector<16xi32>
      %rem3A_3182 = vector.broadcast %jit3A_3161 : i32 to vector<16xi32>
      %rem3A_3183 = arith.remsi %get3A_3157, %rem3A_3182 : vector<16xi32>
      %ne3A_3184 = arith.constant 0 : i32
      %ne3A_3185 = vector.broadcast %ne3A_3184 : i32 to vector<16xi32>
      %ne3A_3186 = arith.cmpi ne, %rem3A_3183, %ne3A_3185 : vector<16xi32>
      %and3A_3187 = arith.andi %ne3A_3181, %ne3A_3186 : vector<16xi1>
      %sub3A_3188 = arith.constant 1 : i32
      %sub3A_3189 = vector.broadcast %sub3A_3188 : i32 to vector<16xi32>
      %sub3A_3190 = arith.subi %div3A_3163, %sub3A_3189 : vector<16xi32>
      %select_n3A_3191 = arith.select %and3A_3187, %sub3A_3190, %div3A_3163 : vector<16xi1>, vector<16xi32>
      %sub3A_3192 = arith.constant 63 : i32
      %sub3A_3193 = vector.broadcast %sub3A_3192 : i32 to vector<16xi32>
      %sub3A_3194 = arith.subi %select_n3A_3191, %sub3A_3193 : vector<16xi32>
      %max3A_3195 = arith.constant 0 : i32
      %max3A_3196 = vector.broadcast %max3A_3195 : i32 to vector<16xi32>
      %max3A_3197 = arith.maxsi %sub3A_3194, %max3A_3196 : vector<16xi32>
      %jit3A_3198 = arith.constant 8 : i32
      %eq3A_3199 = arith.constant 0 : i32
      %eq3A_3200 = arith.cmpi eq, %jit3A_3198, %eq3A_3199 : i32
      %jit3A_3201 = arith.constant 1 : i32
      %select_n3A_3202 = arith.select %eq3A_3200, %jit3A_3201, %jit3A_3198 : i32
      %rem3A_3203 = vector.broadcast %select_n3A_3202 : i32 to vector<16xi32>
      %rem3A_3204 = arith.remsi %get3A_3157, %rem3A_3203 : vector<16xi32>
      %ne3A_3205 = arith.constant 0 : i32
      %ne3A_3206 = vector.broadcast %ne3A_3205 : i32 to vector<16xi32>
      %ne3A_3207 = arith.cmpi ne, %rem3A_3204, %ne3A_3206 : vector<16xi32>
      %lt3A_3208 = arith.constant 0 : i32
      %lt3A_3209 = vector.broadcast %lt3A_3208 : i32 to vector<16xi32>
      %lt3A_3210 = arith.cmpi slt, %rem3A_3204, %lt3A_3209 : vector<16xi32>
      %lt3A_3211 = arith.constant 0 : i32
      %lt3A_3212 = arith.cmpi slt, %select_n3A_3202, %lt3A_3211 : i32
      %ne3A_3213 = vector.broadcast %lt3A_3212 : i1 to vector<16xi1>
      %ne3A_3214 = vector.broadcast %ne3A_3213 : vector<16xi1> to vector<16xi1>
      %ne3A_3215 = arith.xori %lt3A_3210, %ne3A_3214 : vector<16xi1>
      %and3A_3216 = arith.andi %ne3A_3215, %ne3A_3207 : vector<16xi1>
      %add3A_3217 = vector.broadcast %select_n3A_3202 : i32 to vector<16xi32>
      %add3A_3218 = arith.addi %rem3A_3204, %add3A_3217 : vector<16xi32>
      %select_n3A_3219 = arith.select %and3A_3216, %add3A_3218, %rem3A_3204 : vector<16xi1>, vector<16xi32>
      %ge3A_3220 = arith.constant 63 : i32
      %ge3A_3221 = vector.broadcast %ge3A_3220 : i32 to vector<16xi32>
      %ge3A_3222 = arith.cmpi sge, %select_n3A_3191, %ge3A_3221 : vector<16xi32>
      tpu.vector_store_idx %arg6[%mul3A_8, %max3A_3197, %mul3A_8, %select_n3A_3219, %add3A_3160], %broadcast_in_dim3A_5 masked %ge3A_3222 : memref<1x62x1x8x128xf32, #tpu.memory_space<vmem>>[vector<16xi32>, vector<16xi32>, vector<16xi32>, vector<16xi32>, vector<16xi32>], vector<16xf32>, vector<16xi1>
      %get3A_3223 = arith.index_cast %scan3A_1130 : i32 to index
      %get3A_3224 = arith.constant 112 : index
      %get3A_3225 = tpu.vector_load %arg4[%get3A_3223, %get3A_3224] {strides = array<i32>} : memref<20x128xi32, #tpu.memory_space<vmem>>, vector<16xi32>,
      %add3A_3226 = arith.constant 112 : i32
      %add3A_3227 = vector.broadcast %add3A_3226 : i32 to vector<16xi32>
      %add3A_3228 = arith.addi %iota3A, %add3A_3227 : vector<16xi32>
      %jit3A_3229 = arith.constant 8 : i32
      %div3A_3230 = vector.broadcast %jit3A_3229 : i32 to vector<16xi32>
      %div3A_3231 = arith.divsi %get3A_3225, %div3A_3230 : vector<16xi32>
      %sign3A_3232 = arith.constant 0 : i32
      %sign3A_3233 = vector.broadcast %sign3A_3232 : i32 to vector<16xi32>
      %sign3A_3234 = arith.cmpi sgt, %get3A_3225, %sign3A_3233 : vector<16xi32>
      %sign3A_3235 = arith.extui %sign3A_3234 : vector<16xi1> to vector<16xi32>
      %sign3A_3236 = arith.constant 0 : i32
      %sign3A_3237 = vector.broadcast %sign3A_3236 : i32 to vector<16xi32>
      %sign3A_3238 = arith.cmpi slt, %get3A_3225, %sign3A_3237 : vector<16xi32>
      %sign3A_3239 = arith.extui %sign3A_3238 : vector<16xi1> to vector<16xi32>
      %sign3A_3240 = arith.subi %sign3A_3235, %sign3A_3239 : vector<16xi32>
      %sign3A_3241 = arith.constant 0 : i32
      %sign3A_3242 = arith.cmpi sgt, %jit3A_3229, %sign3A_3241 : i32
      %sign3A_3243 = arith.extui %sign3A_3242 : i1 to i32
      %sign3A_3244 = arith.constant 0 : i32
      %sign3A_3245 = arith.cmpi slt, %jit3A_3229, %sign3A_3244 : i32
      %sign3A_3246 = arith.extui %sign3A_3245 : i1 to i32
      %sign3A_3247 = arith.subi %sign3A_3243, %sign3A_3246 : i32
      %ne3A_3248 = vector.broadcast %sign3A_3247 : i32 to vector<16xi32>
      %ne3A_3249 = arith.cmpi ne, %sign3A_3240, %ne3A_3248 : vector<16xi32>
      %rem3A_3250 = vector.broadcast %jit3A_3229 : i32 to vector<16xi32>
      %rem3A_3251 = arith.remsi %get3A_3225, %rem3A_3250 : vector<16xi32>
      %ne3A_3252 = arith.constant 0 : i32
      %ne3A_3253 = vector.broadcast %ne3A_3252 : i32 to vector<16xi32>
      %ne3A_3254 = arith.cmpi ne, %rem3A_3251, %ne3A_3253 : vector<16xi32>
      %and3A_3255 = arith.andi %ne3A_3249, %ne3A_3254 : vector<16xi1>
      %sub3A_3256 = arith.constant 1 : i32
      %sub3A_3257 = vector.broadcast %sub3A_3256 : i32 to vector<16xi32>
      %sub3A_3258 = arith.subi %div3A_3231, %sub3A_3257 : vector<16xi32>
      %select_n3A_3259 = arith.select %and3A_3255, %sub3A_3258, %div3A_3231 : vector<16xi1>, vector<16xi32>
      %sub3A_3260 = arith.constant 63 : i32
      %sub3A_3261 = vector.broadcast %sub3A_3260 : i32 to vector<16xi32>
      %sub3A_3262 = arith.subi %select_n3A_3259, %sub3A_3261 : vector<16xi32>
      %max3A_3263 = arith.constant 0 : i32
      %max3A_3264 = vector.broadcast %max3A_3263 : i32 to vector<16xi32>
      %max3A_3265 = arith.maxsi %sub3A_3262, %max3A_3264 : vector<16xi32>
      %jit3A_3266 = arith.constant 8 : i32
      %eq3A_3267 = arith.constant 0 : i32
      %eq3A_3268 = arith.cmpi eq, %jit3A_3266, %eq3A_3267 : i32
      %jit3A_3269 = arith.constant 1 : i32
      %select_n3A_3270 = arith.select %eq3A_3268, %jit3A_3269, %jit3A_3266 : i32
      %rem3A_3271 = vector.broadcast %select_n3A_3270 : i32 to vector<16xi32>
      %rem3A_3272 = arith.remsi %get3A_3225, %rem3A_3271 : vector<16xi32>
      %ne3A_3273 = arith.constant 0 : i32
      %ne3A_3274 = vector.broadcast %ne3A_3273 : i32 to vector<16xi32>
      %ne3A_3275 = arith.cmpi ne, %rem3A_3272, %ne3A_3274 : vector<16xi32>
      %lt3A_3276 = arith.constant 0 : i32
      %lt3A_3277 = vector.broadcast %lt3A_3276 : i32 to vector<16xi32>
      %lt3A_3278 = arith.cmpi slt, %rem3A_3272, %lt3A_3277 : vector<16xi32>
      %lt3A_3279 = arith.constant 0 : i32
      %lt3A_3280 = arith.cmpi slt, %select_n3A_3270, %lt3A_3279 : i32
      %ne3A_3281 = vector.broadcast %lt3A_3280 : i1 to vector<16xi1>
      %ne3A_3282 = vector.broadcast %ne3A_3281 : vector<16xi1> to vector<16xi1>
      %ne3A_3283 = arith.xori %lt3A_3278, %ne3A_3282 : vector<16xi1>
      %and3A_3284 = arith.andi %ne3A_3283, %ne3A_3275 : vector<16xi1>
      %add3A_3285 = vector.broadcast %select_n3A_3270 : i32 to vector<16xi32>
      %add3A_3286 = arith.addi %rem3A_3272, %add3A_3285 : vector<16xi32>
      %select_n3A_3287 = arith.select %and3A_3284, %add3A_3286, %rem3A_3272 : vector<16xi1>, vector<16xi32>
      %ge3A_3288 = arith.constant 63 : i32
      %ge3A_3289 = vector.broadcast %ge3A_3288 : i32 to vector<16xi32>
      %ge3A_3290 = arith.cmpi sge, %select_n3A_3259, %ge3A_3289 : vector<16xi32>
      tpu.vector_store_idx %arg6[%mul3A_8, %max3A_3265, %mul3A_8, %select_n3A_3287, %add3A_3228], %broadcast_in_dim3A_5 masked %ge3A_3290 : memref<1x62x1x8x128xf32, #tpu.memory_space<vmem>>[vector<16xi32>, vector<16xi32>, vector<16xi32>, vector<16xi32>, vector<16xi32>], vector<16xf32>, vector<16xi1>
      %dma_start3A_3291 = arith.constant 63 : i32
      %dma_start3A_3292 = arith.constant 0 : i32
      %dma_start3A_3293 = arith.constant 0 : i32
      %dma_start3A_3294 = tpu.memref_slice %arg3[%scan3A_1130, %dma_start3A_3291, %add3A, %dma_start3A_3292, %dma_start3A_3293] : memref<20x125x32x8x128xf32, #tpu.memory_space<hbm>> -> memref<1x62x1x8x128xf32, #tpu.memory_space<hbm>>
      %dma_start3A_3295 = arith.constant 63 : i32
      %dma_start3A_3296 = arith.constant 0 : i32
      %dma_start3A_3297 = arith.constant 0 : i32
      %dma_start3A_3298 = tpu.memref_slice %arg3[%scan3A_1130, %dma_start3A_3295, %add3A, %dma_start3A_3296, %dma_start3A_3297] : memref<20x125x32x8x128xf32, #tpu.memory_space<hbm>> -> memref<1x62x1x8x128xf32, #tpu.memory_space<hbm>>
      tpu.enqueue_dma source(%arg6 : memref<1x62x1x8x128xf32, #tpu.memory_space<vmem>>) target(%dma_start3A_3298 : memref<1x62x1x8x128xf32, #tpu.memory_space<hbm>>) target_semaphore(%arg8 : memref<!tpu.dma_semaphore, #tpu.memory_space<semaphore_mem>>)
    }
    %scan3A_1110 = arith.constant 19 : i32
    %dma_wait3A = arith.constant 0 : i32
    %dma_wait3A_1111 = arith.constant 0 : i32
    %dma_wait3A_1112 = arith.constant 0 : i32
    %dma_wait3A_1113 = arith.constant 0 : i32
    %dma_wait3A_1114 = tpu.memref_slice %arg3[%dma_wait3A, %dma_wait3A_1111, %add3A, %dma_wait3A_1112, %dma_wait3A_1113] : memref<20x125x32x8x128xf32, #tpu.memory_space<hbm>> -> memref<1x63x1x8x128xf32, #tpu.memory_space<hbm>>
    %dma_wait3A_1115 = arith.constant 0 : i32
    %dma_wait3A_1116 = arith.constant 0 : i32
    %dma_wait3A_1117 = arith.constant 0 : i32
    %dma_wait3A_1118 = arith.constant 0 : i32
    %dma_wait3A_1119 = tpu.memref_slice %arg3[%dma_wait3A_1115, %dma_wait3A_1116, %add3A, %dma_wait3A_1117, %dma_wait3A_1118] : memref<20x125x32x8x128xf32, #tpu.memory_space<hbm>> -> memref<1x63x1x8x128xf32, #tpu.memory_space<hbm>>
    tpu.wait_dma2 semaphore(%arg7 : memref<!tpu.dma_semaphore, #tpu.memory_space<semaphore_mem>>) src(%arg5 : memref<1x63x1x8x128xf32, #tpu.memory_space<vmem>>) dst(%dma_wait3A_1119 : memref<1x63x1x8x128xf32, #tpu.memory_space<hbm>>)
    %dma_wait3A_1120 = arith.constant 0 : i32
    %dma_wait3A_1121 = arith.constant 63 : i32
    %dma_wait3A_1122 = arith.constant 0 : i32
    %dma_wait3A_1123 = arith.constant 0 : i32
    %dma_wait3A_1124 = tpu.memref_slice %arg3[%dma_wait3A_1120, %dma_wait3A_1121, %add3A, %dma_wait3A_1122, %dma_wait3A_1123] : memref<20x125x32x8x128xf32, #tpu.memory_space<hbm>> -> memref<1x62x1x8x128xf32, #tpu.memory_space<hbm>>
    %dma_wait3A_1125 = arith.constant 0 : i32
    %dma_wait3A_1126 = arith.constant 63 : i32
    %dma_wait3A_1127 = arith.constant 0 : i32
    %dma_wait3A_1128 = arith.constant 0 : i32
    %dma_wait3A_1129 = tpu.memref_slice %arg3[%dma_wait3A_1125, %dma_wait3A_1126, %add3A, %dma_wait3A_1127, %dma_wait3A_1128] : memref<20x125x32x8x128xf32, #tpu.memory_space<hbm>> -> memref<1x62x1x8x128xf32, #tpu.memory_space<hbm>>
    tpu.wait_dma2 semaphore(%arg8 : memref<!tpu.dma_semaphore, #tpu.memory_space<semaphore_mem>>) src(%arg6 : memref<1x62x1x8x128xf32, #tpu.memory_space<vmem>>) dst(%dma_wait3A_1129 : memref<1x62x1x8x128xf32, #tpu.memory_space<hbm>>)
    return
  }
}

</mosaic_0001>

<sc_bundles>
// kernel: kernel.3.cloned.1.call-start
scs
__scs_entry_jumppad:
0x0: {  	(pc) =	sbr.rel $0x88, $3  }
0x1: {  	(tag) =	ssettag $0x0;
	lr =	simm.s32 $0x1  }
0x2: {  	[smem:$0x3FA0] =	sst lr;
	_ =	strace $0xD0000000  }
0x3: {  	_ = 	snop  }
0x4: {  	_ = 	snop  }
0x5: {  	_ = 	snop  }
0x6: {  	_ = 	snop  }
0x7: {  	_ = 	snop  }
__scs_overlays_trampoline_lowered:
0x8: {  	[smem:$0x3FAF] =	sst s0  }
0x9: {  	[smem:$0x3FB0] =	sst s1  }
0xa: {  	[smem:$0x3FB1] =	sst s2  }
0xb: {  	[smem:$0x3FB2] =	sst s3  }
0xc: {  	[smem:$0x3FB3] =	sst s4  }
0xd: {  	[smem:$0x3FB4] =	sst s5  }
0xe: {  	[smem:$0x3FB5] =	sst s6  }
0xf: {  	[smem:$0x3FB6] =	sst s7  }
0x10: {  	[smem:$0x3FB7] =	sst s8  }
0x11: {  	[smem:$0x3FB8] =	sst s9;
	s0 =	simm.s32 @!p0 $0x0  }
0x12: {  	s1 =	sld [smem:$0x3F9E];
	s0 =	simm.s32 @p0 $0x1  }
0x13: {  	[smem:$0x3FB9] =	sst s0;
	s0 =	simm.s32 @!p1 $0x0  }
0x14: {  	s2 =	sld [smem:$0x3F9D];
	s0 =	simm.s32 @p1 $0x1  }
0x15: {  	[smem:$0x3FBA] =	sst s0;
	s0 =	simm.s32 @!p2 $0x0  }
0x16: {  	s3 =	sld [smem:$0x3FDB];
	s0 =	simm.s32 @p2 $0x1  }
0x17: {  	s4 =	simm.s32 $0x1BF5;
	[smem:$0x3FBC] =	sst s0  }
0x18: {  	s0 =	sld [smem:$0x3F9F];
	_ =	swait.ge [sflag:s4], $0x0  }
0x19: {  	s7 =	sld [smem:$0x3FA0]  }
0x1a: {  	s8 =	sadd.s32 $0xFFFFE003, lr  }
0x1b: {  	s9 =	sadd.s32 $0xFFFFFEF7, lr;
	s5 =	simm.s32 $0xFFFFFFFF;
	p2 =	slt.u32 s8, $0xFFFFF086  }
0x1c: {  	p1 =	slt.u32 s9, $0xF7A;
	s5 =	simm.s32 @!p2 $0x0  }
0x1d: {  	s5 =	simm.s32 @p1 $0x1;
	p0 =	seq.s32 s7, s2  }
0x1e: {  	s7 =	smul.u32 @!p0 $0xF7A, s2;
	p2 =	seq.s32 @!p0 s5, $0x0  }
0x1f: {  	s9 =	smul.u32 $0xF7A, s1;
	s8 =	simm.s32 @!p0 $0x1BF5;
	p2 =	por !p2, p0  }
0x20: {  	[sflag:s8] =	ssyncset.s32 @!p0 $0xFFFFF086;
	s6 =	sadd.s32 @!p0 s3, s7;
	s7 =	simm.s32 @!p0 $0x108  }
0x21: {  	s3 =	sadd.s32 s3, s9;
	s6 =	sadd.s32 @!p0 $0x88, s6;
	s7 =	simm.s32 @p2 $0x1082  }
0x22: {  	[simem:s7], [sflag:s8] =	dma.local @!p0 [hbm:s6], $0xF7A  }
0x23: {  	s9 =	sor.u32 $0xD0000000, s2;
	s6 =	simm.s32 $0x108;
	_ =	swait.ge @!p0 [sflag:s8], $0x0  }
0x24: {  	s3 =	sadd.s32 $0x88, s3;
	s6 =	simm.s32 @!p1 $0x1082;
	[sflag:s4] =	ssyncset.s32 $0xFFFFF086  }
0x25: {  	[simem:s6], [sflag:s4] =	dma.local [hbm:s3], $0xF7A  }
0x26: {  	[smem:$0x3FA0] =	sst s1;
	(tag) =	ssettag s2;
	_ =	strace s9  }
0x27: {  	s1 =	sld [smem:$0x3FB0]  }
0x28: {  	s2 =	sld [smem:$0x3FB1]  }
0x29: {  	s4 =	sld [smem:$0x3FB3]  }
0x2a: {  	p0 =	seq.s32 s5, $0x0;
	s5 =	sld [smem:$0x3FB4]  }
0x2b: {  	s6 =	sld [smem:$0x3FB5]  }
0x2c: {  	s7 =	sld [smem:$0x3FB6]  }
0x2d: {  	s3 =	simm.s32 $0x108;
	s8 =	sld [smem:$0x3FB7]  }
0x2e: {  	s3 =	simm.s32 @!p0 $0x1082;
	s9 =	sld [smem:$0x3FB8]  }
0x2f: {  	lr =	sadd.s32 s0, s3;
	s0 =	sld [smem:$0x3FAF]  }
0x30: {  	s3 =	sld [smem:$0x3FB2]  }
0x31: {  	[smem:$0x3FBB] =	sst s10  }
0x32: {  	s10 =	sld [smem:$0x3FB9];
	_ =	sdelay $0x3  }
0x33: {  	p0 =	seq.s32 s10, $0x1;
	s10 =	sld [smem:$0x3FBB];
	_ =	sdelay $0x3  }
0x34: {  	[smem:$0x3FBB] =	sst s10  }
0x35: {  	s10 =	sld [smem:$0x3FBA];
	_ =	sdelay $0x3  }
0x36: {  	p1 =	seq.s32 s10, $0x1;
	s10 =	sld [smem:$0x3FBB];
	_ =	sdelay $0x3  }
0x37: {  	[smem:$0x3FBB] =	sst s10  }
0x38: {  	s10 =	sld [smem:$0x3FBC]  }
0x39: {  	_ = 	snop;
	(pc) =	sbr.ind lr, $3  }
0x3a: {  	_ = 	snop  }
0x3b: {  	_ = 	snop  }
0x3c: {  	p2 =	seq.s32 s10, $0x1;
	s10 =	sld [smem:$0x3FBB]  }
0x3d: {  	_ =	shalt  }
0x3e: {  	_ =	shalt  }
0x3f: {  	_ =	shalt  }
0x40: {  	_ =	shalt  }
0x41: {  	_ =	shalt  }
0x42: {  	_ =	shalt  }
0x43: {  	_ =	shalt  }
0x44: {  	_ =	shalt  }
0x45: {  	_ =	shalt  }
0x46: {  	_ =	shalt  }
0x47: {  	_ =	shalt  }
0x48: {  	_ =	shalt  }
0x49: {  	_ =	shalt  }
0x4a: {  	_ =	shalt  }
0x4b: {  	_ =	shalt  }
0x4c: {  	_ =	shalt  }
0x4d: {  	_ =	shalt  }
0x4e: {  	_ =	shalt  }
0x4f: {  	_ =	shalt  }
0x50: {  	_ =	shalt  }
0x51: {  	_ =	shalt  }
0x52: {  	_ =	shalt  }
0x53: {  	_ =	shalt  }
0x54: {  	_ =	shalt  }
0x55: {  	_ =	shalt  }
0x56: {  	_ =	shalt  }
0x57: {  	_ =	shalt  }
0x58: {  	_ =	shalt  }
0x59: {  	_ =	shalt  }
0x5a: {  	_ =	shalt  }
0x5b: {  	_ =	shalt  }
0x5c: {  	_ =	shalt  }
0x5d: {  	_ =	shalt  }
0x5e: {  	_ =	shalt  }
0x5f: {  	_ =	shalt  }
0x60: {  	_ =	shalt  }
0x61: {  	_ =	shalt  }
0x62: {  	_ =	shalt  }
0x63: {  	_ =	shalt  }
0x64: {  	_ =	shalt  }
0x65: {  	_ =	shalt  }
0x66: {  	_ =	shalt  }
0x67: {  	_ =	shalt  }
0x68: {  	_ =	shalt  }
0x69: {  	_ =	shalt  }
0x6a: {  	_ =	shalt  }
0x6b: {  	_ =	shalt  }
0x6c: {  	_ =	shalt  }
0x6d: {  	_ =	shalt  }
0x6e: {  	_ =	shalt  }
0x6f: {  	_ =	shalt  }
0x70: {  	_ =	shalt  }
0x71: {  	_ =	shalt  }
0x72: {  	_ =	shalt  }
0x73: {  	_ =	shalt  }
0x74: {  	_ =	shalt  }
0x75: {  	_ =	shalt  }
0x76: {  	_ =	shalt  }
0x77: {  	_ =	shalt  }
0x78: {  	_ =	shalt  }
0x79: {  	_ =	shalt  }
0x7a: {  	_ =	shalt  }
0x7b: {  	_ =	shalt  }
0x7c: {  	_ =	shalt  }
0x7d: {  	_ =	shalt  }
0x7e: {  	_ =	shalt  }
0x7f: {  	_ =	shalt  }
0x80: {  	_ =	shalt  }
0x81: {  	_ =	shalt  }
0x82: {  	_ =	shalt  }
0x83: {  	_ =	shalt  }
0x84: {  	_ =	shalt  }
0x85: {  	_ =	shalt  }
0x86: {  	_ =	shalt  }
0x87: {  	_ =	shalt  }
.Lfunc_end0:
.L_simem_size_0:
called_computation_lowered:
.L_overlay_start_0:
0x88: {  	s2 =	sld [smem:$0x3FD9]  }
0x89: {  	s3 =	sld [smem:$0x3FFE];
	_ =	sdelay $0x1  }
0x8a: {  	s1 =	srdreg.scid  }
0x8b: {  	s0 =	sand.u32 $0x1, s1  }
0x8c: {  	s18 =	sshll.u32 s0, $0xA;
	s2 =	sadd.s32 s3, s2  }
0x8d: {  	s2 =	sadd.s32 s2, s18  }
0x8e: {  	[smem:$0x3FC7] =	sst s2  }
0x8f: {  	_ = 	snop  }
0x90: {  	s2 =	sld [smem:$0x3FC9]  }
0x91: {  	s19 =	sld [smem:$0x3FD0];
	(tm) =	ssettm $0x1  }
0x92: {  	s4 =	sld [smem:$0x3FFB];
	_ =	sdelay $0x3  }
0x93: {  	_ =	strace s4  }
0x94: {  	s4 =	sld [smem:$0x3FFC];
	_ =	sdelay $0x3  }
0x95: {  	_ =	strace s4  }
0x96: {  	s4 =	sld [smem:$0x3FFD];
	_ =	sdelay $0x3  }
0x97: {  	_ =	strace s4  }
0x98: {  	_ =	strace $0x8FFFFFFF  }
0x99: {  	s20 =	sld [smem:$0x3FDB];
	_ =	sdelay $0x1  }
0x9a: {  	s5 =	simm.s32 $_scs_section_size  }
0x9b: {  	s6 =	simm.s32 $_size__tile_overlayer_lowered;
	s7 =	simm.s32 $_tile_overlayer_lowered  }
0x9c: {  	s23 =	simm.s32 $0x1BFF;
	s22 =	sshll.u32 s7, $0x1;
	s4 =	sadd.s32 s5, s20  }
0x9d: {  	s8 =	simm.s32 $0x0;
	s21 =	sshll.u32 s6, $0x1;
	s6 =	sadd.s32 s22, s4  }
0x9e: {  	[timem:s8], [sflag:s23] =	dma.local [hbm:s6], s21  }
0x9f: {  	_ =	swait.ge [sflag:s23], s21  }
0xa0: {  	s5 =	ssub.s32 $0x0, s21;
	[sflag:s23] =	ssyncset.done $0x0  }
0xa1: {  	[sflag:s23] =	ssyncadd.s32 s5;
	_ =	sdelay $0x1  }
0xa2: {  	s24 =	simm.s32 $0x1B8B  }
0xa3: {  	_ =	swait.ge [sflag:s24], $0x1  }
0xa4: {  	[sflag:s24] =	ssyncset.done $0x0  }
0xa5: {  	s25 =	simm.s32 $0x1B8E;
	[sflag:s24] =	ssyncadd.s32 $0xFFFFFFFF  }
0xa6: {  	s26 =	simm.s32 $execute0_lowered;
	[smem:$0x3FD2] =	sst s25  }
0xa7: {  	s5 =	sshll.u32 s26, $0x1;
	_ =	strace $0x80000046;
	[dreg:$0x1] =	wrdreg $0xFFFFFFFF  }
0xa8: {  	s28 =	simm.s32 $_size_execute0_lowered;
	s4 =	sadd.s32 s4, s5;
	[dreg:$0x0] =	wrdreg $0x0  }
0xa9: {  	s5 =	sshll.u32 s28, $0x1;
	[dreg:$0x2] =	wrdreg s4  }
0xaa: {  	[dreg:$0x3] =	wrdreg s5  }
0xab: {  	[dreg:$0x4] =	wrdreg $0xC0  }
0xac: {  	_ =	task [dreg:s8], $0x5FFFF  }
0xad: {  	[dreg:$0x1] =	wrdreg $0xFFFFFFFF  }
0xae: {  	[dreg:$0x0] =	wrdreg $0x60  }
0xaf: {  	[dreg:$0x2] =	wrdreg s2  }
0xb0: {  	[dreg:$0x3] =	wrdreg s19  }
0xb1: {  	[dreg:$0x4] =	wrdreg $0x9  }
0xb2: {  	_ =	task.clear_ibuf [dreg:s8], $0x5FFFF;
	_ =	strace $0x90000046  }
0xb3: {  	s29 =	simm.s32 $0x9;
	_ =	strace $0x80000048  }
0xb4: {  	_ =	swait.ge [sflag:s29], $0x1  }
0xb5: {  	[sflag:s29] =	ssyncadd.s32 $0xFFFFFFFF  }
0xb6: {  	_ =	strace $0x90000048  }
0xb7: {  	_ =	sfence  }
0xb8: {  	s30 =	sld [smem:$0x0];
	_ =	sdelay $0x2  }
0xb9: {  	s31 =	sshll.u32 s1, $0xD;
	s1 =	sshrl.u32 s1, $0x2  }
0xba: {  	s3 =	sand.u32 $0x4000, s31;
	s1 =	sadd.s32 s1, s30  }
0xbb: {  	s0 =	sor.u32 s3, s0;
	s1 =	sshll.u32 s1, $0x11  }
0xbc: {  	s0 =	sor.u32 s1, s0  }
0xbd: {  	s0 =	sadd.s32 $0x8F2B, s0  }
0xbe: {  	[sflag:s0] =	ssyncadd.remote.s32 $0x1  }
0xbf: {  	_ =	sfence.sel $0xFFFF  }
0xc0: {  	[dreg:$0x0] =	wrdreg $0xFFFFFFFF;
	(pc) =	sbr.abs _section_cstart, $3  }
0xc1: {  	[dreg:$0x1] =	wrdreg $0xFFFFFFFF  }
0xc2: {  	_ =	task.clear_ibuf [dreg:s8], $0x2FFFF;
	_ =	strace $0x9FFFFFFF  }
0xc3: {  	(tm) =	ssettm $0x7FFFFFFF  }
tec
execute0_lowered:
.L_overlay_start_1:
0x0: {  	(tag) =	ssettag $0x1  }
0x1: {  	s4 =	rddreg [dreg:$0x0]  }
0x2: {  	s1 =	rddreg [dreg:$0x1];
	s2 =	srdreg.scid  }
0x3: {  	s0 =	rddreg [dreg:$0x2];
	s3 =	simm.s32 $0x0;
	s12 =	simm.s32 $0x8000  }
0x4: {  	s13 =	simm.s32 $0x800;
	s14 =	simm.s32 $0x3;
	s15 =	simm.s32 $0xC00  }
0x5: {  	s16 =	simm.s32 $0x10800;
	s17 =	simm.s32 $0x1;
	s18 =	simm.s32 $0x2  }
0x6: {  	s19 =	simm.s32 $0x0;
	s5 =	sand.u32 $0x1, s2;
	[smem:$0x7FF] =	sst s3  }
0x7: {  	v0 =	vimm.f32 $0.0e+00;
	v1 =	vimm.s32 $0x0;
	s2 =	stileid.u32;
	s6 =	ssub.s32 $0x2, s5;
	_ =	strace $0x80000047  }
0x8: {  	v2 =	vlaneseq.u32;
	v3 =	vimm.f32 $1.000000000e+00;
	v4 =	vimm.s32 $0xFFFFFFF8;
	s8 =	sshll.u32 s2, $0x8;
	s9 =	sshll.u32 s5, $0x7;
	s10 =	sshll.u32 s2, $0xB  }
0x9: {  	v5 =	vor.u32 $0x10, v2;
	v6 =	vor.u32 $0x20, v2;
	v7 =	vor.u32 $0x30, v2;
	s5 =	sshll.u32 s5, $0xA;
	s7 =	sshrl.u32 s6, $0x1;
	s28 =	sor.u32 s9, s8  }
0xa: {  	v8 =	vor.u32 $0x40, v2;
	v9 =	vor.u32 $0x50, v2;
	v10 =	vor.u32 $0x60, v2;
	s29 =	sor.u32 s5, s10;
	s11 =	ssub.s32 s6, s7;
	s4 =	sadd.s32 s4, s28  }
0xb: {  	v11 =	vor.u32 $0x70, v2;
	v12 =	vor.u32 $0xFFFF0400, v2;
	v13 =	vor.u32 $0xFFFF0410, v2;
	s5 =	sadd.s32 s1, s28;
	s30 =	sor.u32 $0x5E0000, s29;
	s9 =	sor.u32 $0x3E8000, s29  }
0xc: {  	v14 =	vor.u32 $0xFFFF0420, v2;
	v15 =	vor.u32 $0xFFFF0430, v2;
	v16 =	vor.u32 $0xFFFF0440, v2;
	s6 =	sadd.s32 $0x2000, s4;
	s7 =	sadd.s32 $0x3F000, s5;
	s31 =	sshrl.u32 s30, $0x3  }
0xd: {  	v17 =	vor.u32 $0xFFFF0450, v2;
	v18 =	vor.u32 $0xFFFF0460, v2;
	v19 =	vor.u32 $0xFFFF0470, v2;
	s8 =	smax.u32 s11, $0x1;
	s11 =	simm.s32 $0x400;
	s10 =	sadd.s32 s31, s1  }
.LBB2_1:
0xe: {  	[tilespmem:s3], [sflag:$0x3] =	stream.strided.gather [hbm4b:s4+s11], $0x800, s12, s11, $0x38;
	v63 =	vld [tilespmem:$0x0]  }
0xf: {  	_ = 	snop  }
0x10: {  	[tilespmem:s13], [sflag:$0x3] =	stream.linear.gather [hbm4b:s6+s3], $0x200, $0x38;
	v63 =	vld [tilespmem:$0x0]  }
0x11: {  	_ =	swait.ge [sflag:s14], $0xA00  }
0x12: {  	[sflag:s14] =	ssyncset.done $0x0  }
0x13: {  	s20 =	simm.s32 $0x0;
	s21 =	simm.s32 $0x200;
	[sflag:s14] =	ssyncadd.s32 $0xFFFFF600  }
.LBB2_2:
0x14: {  	p0 =	sne.s32 s21, $0x3EE00;
	[tilespmem:s20+$0xC70] =	vst v0  }
0x15: {  	[tilespmem:s20+$0xC00] =	vst v0  }
0x16: {  	[tilespmem:s20+$0xC10] =	vst v0  }
.Ltmp0:
0x17: {  	[tilespmem:s20+$0xC20] =	vst v0;
	(pc) =	sbr.rel @p0 .LBB2_2-.Ltmp0, $4  }
0x18: {  	[tilespmem:s20+$0xC30] =	vst v0  }
0x19: {  	[tilespmem:s20+$0xC40] =	vst v0  }
0x1a: {  	[tilespmem:s20+$0xC50] =	vst v0  }
0x1b: {  	[tilespmem:s20+$0xC60] =	vst v0;
	s20 =	sshra.s32 s21, $0x2;
	s21 =	sadd.s32 $0x200, s21  }
0x1c: {  	[tilespmem:s20+$0xC70] =	vst v0  }
0x1d: {  	[tilespmem:s20+$0xC00] =	vst v0  }
0x1e: {  	[tilespmem:s20+$0xC10] =	vst v0  }
0x1f: {  	[tilespmem:s20+$0xC20] =	vst v0  }
0x20: {  	[tilespmem:s20+$0xC30] =	vst v0  }
0x21: {  	[tilespmem:s20+$0xC40] =	vst v0  }
0x22: {  	[tilespmem:s20+$0xC50] =	vst v0  }
0x23: {  	[tilespmem:s20+$0xC60] =	vst v0  }
0x24: {  	v20 =	vld [tilespmem:$0x0];
	_ =	sdelay $0x4  }
0x25: {  	v21 =	vshra.s32 v20, $0x1F  }
0x26: {  	v21 =	vshrl.u32 v21, $0x1D  }
0x27: {  	v21 =	vadd.s32 v21, v20  }
0x28: {  	v21 =	vshra.s32 v21, $0x3  }
0x29: {  	v22 =	vshll.u32 v21, $0x3  }
0x2a: {  	vm0 =	vlt.s32 v20, $0x1;
	vm1 =	vne.s32 v20, v22  }
0x2b: {  	vm0 =	vmand vm0, vm1  }
0x2c: {  	v23 =	vsel vm0, $0xFFFFFFFF, v1  }
0x2d: {  	v21 =	vadd.s32 v23, v21  }
0x2e: {  	v20 =	vsub.s32 v20, v22;
	vm10 =	vlt.s32 v21, $0x3E  }
0x2f: {  	v20 =	vshll.u32 v20, $0x7;
	v41 =	vnsel vm10, $0x3E, v21  }
0x30: {  	v20 =	vand.u32 $0x380, v20;
	v22 =	vshll.u32 v41, $0xA  }
0x31: {  	vm11 =	vlt.s32 v21, $0x3F;
	v20 =	vor.u32 v20, v22  }
0x32: {  	v20 =	vor.u32 v2, v20;
	_ =	sdelay $0x4  }
0x33: {  	[tilespmem:v20+s15+$0x0] =	vst.idx.msk vm11, v3  }
0x34: {  	v20 =	vld [tilespmem:$0x10];
	_ =	sdelay $0x4  }
0x35: {  	v42 =	vshra.s32 v20, $0x1F  }
0x36: {  	v21 =	vshrl.u32 v42, $0x1D  }
0x37: {  	v21 =	vadd.s32 v21, v20  }
0x38: {  	v43 =	vand.u32 $0xFFFFFFF8, v21  }
0x39: {  	vm12 =	vlt.s32 v20, $0x1;
	vm13 =	vne.s32 v20, v43  }
0x3a: {  	vm0 =	vmand vm12, vm13  }
0x3b: {  	v21 =	vshra.s32 v21, $0x3;
	v44 =	vsel vm0, $0xFFFFFFFF, v1  }
0x3c: {  	v21 =	vadd.s32 v44, v21  }
0x3d: {  	v20 =	vsub.s32 v20, v4;
	vm14 =	vlt.s32 v21, $0x3E  }
0x3e: {  	v20 =	vshll.u32 v20, $0x7;
	v22 =	vnsel vm14, $0x3E, v21  }
0x3f: {  	v20 =	vand.u32 $0x380, v20;
	v22 =	vshll.u32 v22, $0xA  }
0x40: {  	vm15 =	vlt.s32 v21, $0x3F;
	v20 =	vor.u32 v20, v22  }
0x41: {  	v20 =	vor.u32 v5, v20;
	_ =	sdelay $0x4  }
0x42: {  	[tilespmem:v20+s15+$0x0] =	vst.idx.msk vm15, v3  }
0x43: {  	v20 =	vld [tilespmem:$0x20];
	_ =	sdelay $0x4  }
0x44: {  	v45 =	vshra.s32 v20, $0x1F  }
0x45: {  	v21 =	vshrl.u32 v45, $0x1D  }
0x46: {  	v21 =	vadd.s32 v21, v20  }
0x47: {  	v46 =	vand.u32 $0xFFFFFFF8, v21  }
0x48: {  	vm4 =	vlt.s32 v20, $0x1;
	vm5 =	vne.s32 v20, v46  }
0x49: {  	vm0 =	vmand vm4, vm5  }
0x4a: {  	v21 =	vshra.s32 v21, $0x3;
	v47 =	vsel vm0, $0xFFFFFFFF, v1  }
0x4b: {  	v21 =	vadd.s32 v47, v21  }
0x4c: {  	v20 =	vsub.s32 v20, v4;
	vm6 =	vlt.s32 v21, $0x3E  }
0x4d: {  	v20 =	vshll.u32 v20, $0x7;
	v22 =	vnsel vm6, $0x3E, v21  }
0x4e: {  	v20 =	vand.u32 $0x380, v20;
	v22 =	vshll.u32 v22, $0xA  }
0x4f: {  	vm7 =	vlt.s32 v21, $0x3F;
	v20 =	vor.u32 v20, v22  }
0x50: {  	v20 =	vor.u32 v6, v20;
	_ =	sdelay $0x4  }
0x51: {  	[tilespmem:v20+s15+$0x0] =	vst.idx.msk vm7, v3  }
0x52: {  	v20 =	vld [tilespmem:$0x30];
	_ =	sdelay $0x4  }
0x53: {  	v48 =	vshra.s32 v20, $0x1F  }
0x54: {  	v21 =	vshrl.u32 v48, $0x1D  }
0x55: {  	v21 =	vadd.s32 v21, v20  }
0x56: {  	v49 =	vand.u32 $0xFFFFFFF8, v21  }
0x57: {  	vm8 =	vlt.s32 v20, $0x1;
	vm9 =	vne.s32 v20, v49  }
0x58: {  	vm0 =	vmand vm8, vm9  }
0x59: {  	v21 =	vshra.s32 v21, $0x3;
	v50 =	vsel vm0, $0xFFFFFFFF, v1  }
0x5a: {  	v21 =	vadd.s32 v50, v21  }
0x5b: {  	v20 =	vsub.s32 v20, v4;
	vm10 =	vlt.s32 v21, $0x3E  }
0x5c: {  	v20 =	vshll.u32 v20, $0x7;
	v22 =	vnsel vm10, $0x3E, v21  }
0x5d: {  	v20 =	vand.u32 $0x380, v20;
	v22 =	vshll.u32 v22, $0xA  }
0x5e: {  	vm11 =	vlt.s32 v21, $0x3F;
	v20 =	vor.u32 v20, v22  }
0x5f: {  	v20 =	vor.u32 v7, v20;
	_ =	sdelay $0x4  }
0x60: {  	[tilespmem:v20+s15+$0x0] =	vst.idx.msk vm11, v3  }
0x61: {  	v20 =	vld [tilespmem:$0x40];
	_ =	sdelay $0x4  }
0x62: {  	v51 =	vshra.s32 v20, $0x1F  }
0x63: {  	v21 =	vshrl.u32 v51, $0x1D  }
0x64: {  	v21 =	vadd.s32 v21, v20  }
0x65: {  	v52 =	vand.u32 $0xFFFFFFF8, v21  }
0x66: {  	vm12 =	vlt.s32 v20, $0x1;
	vm13 =	vne.s32 v20, v52  }
0x67: {  	vm0 =	vmand vm12, vm13  }
0x68: {  	v21 =	vshra.s32 v21, $0x3;
	v53 =	vsel vm0, $0xFFFFFFFF, v1  }
0x69: {  	v21 =	vadd.s32 v53, v21  }
0x6a: {  	v20 =	vsub.s32 v20, v4;
	vm14 =	vlt.s32 v21, $0x3E  }
0x6b: {  	v20 =	vshll.u32 v20, $0x7;
	v22 =	vnsel vm14, $0x3E, v21  }
0x6c: {  	v20 =	vand.u32 $0x380, v20;
	v22 =	vshll.u32 v22, $0xA  }
0x6d: {  	vm15 =	vlt.s32 v21, $0x3F;
	v20 =	vor.u32 v20, v22  }
0x6e: {  	v20 =	vor.u32 v8, v20;
	_ =	sdelay $0x4  }
0x6f: {  	[tilespmem:v20+s15+$0x0] =	vst.idx.msk vm15, v3  }
0x70: {  	v20 =	vld [tilespmem:$0x50];
	_ =	sdelay $0x4  }
0x71: {  	v54 =	vshra.s32 v20, $0x1F  }
0x72: {  	v21 =	vshrl.u32 v54, $0x1D  }
0x73: {  	v21 =	vadd.s32 v21, v20  }
0x74: {  	v55 =	vand.u32 $0xFFFFFFF8, v21  }
0x75: {  	vm4 =	vlt.s32 v20, $0x1;
	vm5 =	vne.s32 v20, v55  }
0x76: {  	vm0 =	vmand vm4, vm5  }
0x77: {  	v21 =	vshra.s32 v21, $0x3;
	v56 =	vsel vm0, $0xFFFFFFFF, v1  }
0x78: {  	v21 =	vadd.s32 v56, v21  }
0x79: {  	v20 =	vsub.s32 v20, v4;
	vm6 =	vlt.s32 v21, $0x3E  }
0x7a: {  	v20 =	vshll.u32 v20, $0x7;
	v22 =	vnsel vm6, $0x3E, v21  }
0x7b: {  	v20 =	vand.u32 $0x380, v20;
	v22 =	vshll.u32 v22, $0xA  }
0x7c: {  	vm7 =	vlt.s32 v21, $0x3F;
	v20 =	vor.u32 v20, v22  }
0x7d: {  	v20 =	vor.u32 v9, v20;
	_ =	sdelay $0x4  }
0x7e: {  	[tilespmem:v20+s15+$0x0] =	vst.idx.msk vm7, v3  }
0x7f: {  	v20 =	vld [tilespmem:$0x60];
	_ =	sdelay $0x4  }
0x80: {  	v57 =	vshra.s32 v20, $0x1F  }
0x81: {  	v21 =	vshrl.u32 v57, $0x1D  }
0x82: {  	v21 =	vadd.s32 v21, v20  }
0x83: {  	v58 =	vand.u32 $0xFFFFFFF8, v21  }
0x84: {  	vm8 =	vlt.s32 v20, $0x1;
	vm9 =	vne.s32 v20, v58  }
0x85: {  	vm0 =	vmand vm8, vm9  }
0x86: {  	v21 =	vshra.s32 v21, $0x3;
	v59 =	vsel vm0, $0xFFFFFFFF, v1  }
0x87: {  	v21 =	vadd.s32 v59, v21  }
0x88: {  	v20 =	vsub.s32 v20, v4;
	vm10 =	vlt.s32 v21, $0x3E  }
0x89: {  	v20 =	vshll.u32 v20, $0x7;
	v22 =	vnsel vm10, $0x3E, v21  }
0x8a: {  	v20 =	vand.u32 $0x380, v20;
	v22 =	vshll.u32 v22, $0xA  }
0x8b: {  	vm11 =	vlt.s32 v21, $0x3F;
	v20 =	vor.u32 v20, v22  }
0x8c: {  	v20 =	vor.u32 v10, v20;
	_ =	sdelay $0x4  }
0x8d: {  	[tilespmem:v20+s15+$0x0] =	vst.idx.msk vm11, v3  }
0x8e: {  	v20 =	vld [tilespmem:$0x70];
	_ =	sdelay $0x4  }
0x8f: {  	v60 =	vshra.s32 v20, $0x1F  }
0x90: {  	v21 =	vshrl.u32 v60, $0x1D  }
0x91: {  	v21 =	vadd.s32 v21, v20  }
0x92: {  	v61 =	vand.u32 $0xFFFFFFF8, v21  }
0x93: {  	vm12 =	vlt.s32 v20, $0x1;
	vm13 =	vne.s32 v20, v61  }
0x94: {  	vm0 =	vmand vm12, vm13  }
0x95: {  	v21 =	vshra.s32 v21, $0x3;
	v62 =	vsel vm0, $0xFFFFFFFF, v1  }
0x96: {  	v21 =	vadd.s32 v62, v21  }
0x97: {  	v20 =	vsub.s32 v20, v4;
	vm14 =	vlt.s32 v21, $0x3E  }
0x98: {  	v20 =	vshll.u32 v20, $0x7;
	v22 =	vnsel vm14, $0x3E, v21  }
0x99: {  	v20 =	vand.u32 $0x380, v20;
	v22 =	vshll.u32 v22, $0xA  }
0x9a: {  	vm15 =	vlt.s32 v21, $0x3F;
	v20 =	vor.u32 v20, v22  }
0x9b: {  	v20 =	vor.u32 v11, v20;
	_ =	sdelay $0x4  }
0x9c: {  	s20 =	simm.s32 $0x0;
	s21 =	simm.s32 $0x200;
	[tilespmem:v20+s15+$0x0] =	vst.idx.msk vm15, v3  }
0x9d: {  	[hbm4b:s5+s11] =	stream.strided.scatter [tilespmem:s15], [sflag:$0x1], $0xFC00, s12, s11, $0x38;
	v63 =	vld [tilespmem:$0x0]  }
.LBB2_4:
0x9e: {  	p0 =	sne.s32 s21, $0x3DE00;
	[tilespmem:s20+$0x10870] =	vst v0  }
0x9f: {  	[tilespmem:s20+$0x10800] =	vst v0  }
0xa0: {  	[tilespmem:s20+$0x10810] =	vst v0  }
.Ltmp1:
0xa1: {  	[tilespmem:s20+$0x10820] =	vst v0;
	(pc) =	sbr.rel @p0 .LBB2_4-.Ltmp1, $4  }
0xa2: {  	[tilespmem:s20+$0x10830] =	vst v0  }
0xa3: {  	[tilespmem:s20+$0x10840] =	vst v0  }
0xa4: {  	[tilespmem:s20+$0x10850] =	vst v0  }
0xa5: {  	[tilespmem:s20+$0x10860] =	vst v0;
	s20 =	sshra.s32 s21, $0x2;
	s21 =	sadd.s32 $0x200, s21  }
0xa6: {  	[tilespmem:s20+$0x10870] =	vst v0  }
0xa7: {  	[tilespmem:s20+$0x10800] =	vst v0  }
0xa8: {  	[tilespmem:s20+$0x10810] =	vst v0  }
0xa9: {  	[tilespmem:s20+$0x10820] =	vst v0  }
0xaa: {  	[tilespmem:s20+$0x10830] =	vst v0  }
0xab: {  	[tilespmem:s20+$0x10840] =	vst v0  }
0xac: {  	[tilespmem:s20+$0x10850] =	vst v0  }
0xad: {  	[tilespmem:s20+$0x10860] =	vst v0  }
0xae: {  	v20 =	vld [tilespmem:$0x0];
	_ =	sdelay $0x4  }
0xaf: {  	v21 =	vshra.s32 v20, $0x1F  }
0xb0: {  	v21 =	vshrl.u32 v21, $0x1D  }
0xb1: {  	v21 =	vadd.s32 v21, v20  }
0xb2: {  	v21 =	vshra.s32 v21, $0x3  }
0xb3: {  	v22 =	vshll.u32 v21, $0x3  }
0xb4: {  	vm0 =	vlt.s32 v20, $0x1;
	vm1 =	vne.s32 v20, v22  }
0xb5: {  	vm0 =	vmand vm0, vm1  }
0xb6: {  	v23 =	vsel vm0, $0xFFFFFFFF, v1  }
0xb7: {  	v21 =	vadd.s32 v23, v21  }
0xb8: {  	v20 =	vsub.s32 v20, v22;
	vm10 =	vgt.s32 v21, $0x3F  }
0xb9: {  	v20 =	vshll.u32 v20, $0x7;
	v41 =	vnsel vm10, $0x3F, v21  }
0xba: {  	v20 =	vand.u32 $0x380, v20;
	v22 =	vshll.u32 v41, $0xA  }
0xbb: {  	v20 =	vor.u32 v20, v22  }
0xbc: {  	vm11 =	vgt.s32 v21, $0x3E;
	v20 =	vor.u32 v2, v20  }
0xbd: {  	v20 =	vadd.s32 $0xFFFF0400, v20;
	_ =	sdelay $0x4  }
0xbe: {  	[tilespmem:v20+s16+$0x0] =	vst.idx.msk vm11, v3  }
0xbf: {  	v20 =	vld [tilespmem:$0x10];
	_ =	sdelay $0x4  }
0xc0: {  	v42 =	vshra.s32 v20, $0x1F  }
0xc1: {  	v21 =	vshrl.u32 v42, $0x1D  }
0xc2: {  	v21 =	vadd.s32 v21, v20  }
0xc3: {  	v43 =	vand.u32 $0xFFFFFFF8, v21  }
0xc4: {  	vm12 =	vlt.s32 v20, $0x1;
	vm13 =	vne.s32 v20, v43  }
0xc5: {  	vm0 =	vmand vm12, vm13  }
0xc6: {  	v21 =	vshra.s32 v21, $0x3;
	v44 =	vsel vm0, $0xFFFFFFFF, v1  }
0xc7: {  	v21 =	vadd.s32 v44, v21  }
0xc8: {  	v20 =	vsub.s32 v20, v4;
	vm14 =	vgt.s32 v21, $0x3F  }
0xc9: {  	v20 =	vshll.u32 v20, $0x7;
	v22 =	vnsel vm14, $0x3F, v21  }
0xca: {  	v20 =	vand.u32 $0x380, v20;
	v22 =	vshll.u32 v22, $0xA  }
0xcb: {  	v20 =	vor.u32 v20, v22  }
0xcc: {  	vm15 =	vgt.s32 v21, $0x3E;
	v20 =	vor.u32 v5, v20  }
0xcd: {  	v20 =	vadd.s32 $0xFFFF0400, v20;
	_ =	sdelay $0x4  }
0xce: {  	[tilespmem:v20+s16+$0x0] =	vst.idx.msk vm15, v3  }
0xcf: {  	v20 =	vld [tilespmem:$0x20];
	_ =	sdelay $0x4  }
0xd0: {  	v45 =	vshra.s32 v20, $0x1F  }
0xd1: {  	v21 =	vshrl.u32 v45, $0x1D  }
0xd2: {  	v21 =	vadd.s32 v21, v20  }
0xd3: {  	v46 =	vand.u32 $0xFFFFFFF8, v21  }
0xd4: {  	vm4 =	vlt.s32 v20, $0x1;
	vm5 =	vne.s32 v20, v46  }
0xd5: {  	vm0 =	vmand vm4, vm5  }
0xd6: {  	v21 =	vshra.s32 v21, $0x3;
	v47 =	vsel vm0, $0xFFFFFFFF, v1  }
0xd7: {  	v21 =	vadd.s32 v47, v21  }
0xd8: {  	v20 =	vsub.s32 v20, v4;
	vm6 =	vgt.s32 v21, $0x3F  }
0xd9: {  	v20 =	vshll.u32 v20, $0x7;
	v22 =	vnsel vm6, $0x3F, v21  }
0xda: {  	v20 =	vand.u32 $0x380, v20;
	v22 =	vshll.u32 v22, $0xA  }
0xdb: {  	v20 =	vor.u32 v20, v22  }
0xdc: {  	vm7 =	vgt.s32 v21, $0x3E;
	v20 =	vor.u32 v6, v20  }
0xdd: {  	v20 =	vadd.s32 $0xFFFF0400, v20;
	_ =	sdelay $0x4  }
0xde: {  	[tilespmem:v20+s16+$0x0] =	vst.idx.msk vm7, v3  }
0xdf: {  	v20 =	vld [tilespmem:$0x30];
	_ =	sdelay $0x4  }
0xe0: {  	v48 =	vshra.s32 v20, $0x1F  }
0xe1: {  	v21 =	vshrl.u32 v48, $0x1D  }
0xe2: {  	v21 =	vadd.s32 v21, v20  }
0xe3: {  	v49 =	vand.u32 $0xFFFFFFF8, v21  }
0xe4: {  	vm8 =	vlt.s32 v20, $0x1;
	vm9 =	vne.s32 v20, v49  }
0xe5: {  	vm0 =	vmand vm8, vm9  }
0xe6: {  	v21 =	vshra.s32 v21, $0x3;
	v50 =	vsel vm0, $0xFFFFFFFF, v1  }
0xe7: {  	v21 =	vadd.s32 v50, v21  }
0xe8: {  	v20 =	vsub.s32 v20, v4;
	vm10 =	vgt.s32 v21, $0x3F  }
0xe9: {  	v20 =	vshll.u32 v20, $0x7;
	v22 =	vnsel vm10, $0x3F, v21  }
0xea: {  	v20 =	vand.u32 $0x380, v20;
	v22 =	vshll.u32 v22, $0xA  }
0xeb: {  	v20 =	vor.u32 v20, v22  }
0xec: {  	vm11 =	vgt.s32 v21, $0x3E;
	v20 =	vor.u32 v7, v20  }
0xed: {  	v20 =	vadd.s32 $0xFFFF0400, v20;
	_ =	sdelay $0x4  }
0xee: {  	[tilespmem:v20+s16+$0x0] =	vst.idx.msk vm11, v3  }
0xef: {  	v20 =	vld [tilespmem:$0x40];
	_ =	sdelay $0x4  }
0xf0: {  	v51 =	vshra.s32 v20, $0x1F  }
0xf1: {  	v21 =	vshrl.u32 v51, $0x1D  }
0xf2: {  	v21 =	vadd.s32 v21, v20  }
0xf3: {  	v52 =	vand.u32 $0xFFFFFFF8, v21  }
0xf4: {  	vm12 =	vlt.s32 v20, $0x1;
	vm13 =	vne.s32 v20, v52  }
0xf5: {  	vm0 =	vmand vm12, vm13  }
0xf6: {  	v21 =	vshra.s32 v21, $0x3;
	v53 =	vsel vm0, $0xFFFFFFFF, v1  }
0xf7: {  	v21 =	vadd.s32 v53, v21  }
0xf8: {  	v20 =	vsub.s32 v20, v4;
	vm14 =	vgt.s32 v21, $0x3F  }
0xf9: {  	v20 =	vshll.u32 v20, $0x7;
	v22 =	vnsel vm14, $0x3F, v21  }
0xfa: {  	v20 =	vand.u32 $0x380, v20;
	v22 =	vshll.u32 v22, $0xA  }
0xfb: {  	v20 =	vor.u32 v20, v22  }
0xfc: {  	vm15 =	vgt.s32 v21, $0x3E;
	v20 =	vor.u32 v8, v20  }
0xfd: {  	v20 =	vadd.s32 $0xFFFF0400, v20;
	_ =	sdelay $0x4  }
0xfe: {  	[tilespmem:v20+s16+$0x0] =	vst.idx.msk vm15, v3  }
0xff: {  	v20 =	vld [tilespmem:$0x50];
	_ =	sdelay $0x4  }
0x100: {  	v54 =	vshra.s32 v20, $0x1F  }
0x101: {  	v21 =	vshrl.u32 v54, $0x1D  }
0x102: {  	v21 =	vadd.s32 v21, v20  }
0x103: {  	v55 =	vand.u32 $0xFFFFFFF8, v21  }
0x104: {  	vm4 =	vlt.s32 v20, $0x1;
	vm5 =	vne.s32 v20, v55  }
0x105: {  	vm0 =	vmand vm4, vm5  }
0x106: {  	v21 =	vshra.s32 v21, $0x3;
	v56 =	vsel vm0, $0xFFFFFFFF, v1  }
0x107: {  	v21 =	vadd.s32 v56, v21  }
0x108: {  	v20 =	vsub.s32 v20, v4;
	vm6 =	vgt.s32 v21, $0x3F  }
0x109: {  	v20 =	vshll.u32 v20, $0x7;
	v22 =	vnsel vm6, $0x3F, v21  }
0x10a: {  	v20 =	vand.u32 $0x380, v20;
	v22 =	vshll.u32 v22, $0xA  }
0x10b: {  	v20 =	vor.u32 v20, v22  }
0x10c: {  	vm7 =	vgt.s32 v21, $0x3E;
	v20 =	vor.u32 v9, v20  }
0x10d: {  	v20 =	vadd.s32 $0xFFFF0400, v20;
	_ =	sdelay $0x4  }
0x10e: {  	[tilespmem:v20+s16+$0x0] =	vst.idx.msk vm7, v3  }
0x10f: {  	v20 =	vld [tilespmem:$0x60];
	_ =	sdelay $0x4  }
0x110: {  	v57 =	vshra.s32 v20, $0x1F  }
0x111: {  	v21 =	vshrl.u32 v57, $0x1D  }
0x112: {  	v21 =	vadd.s32 v21, v20  }
0x113: {  	v58 =	vand.u32 $0xFFFFFFF8, v21  }
0x114: {  	vm8 =	vlt.s32 v20, $0x1;
	vm9 =	vne.s32 v20, v58  }
0x115: {  	vm0 =	vmand vm8, vm9  }
0x116: {  	v21 =	vshra.s32 v21, $0x3;
	v59 =	vsel vm0, $0xFFFFFFFF, v1  }
0x117: {  	v21 =	vadd.s32 v59, v21  }
0x118: {  	v20 =	vsub.s32 v20, v4;
	vm10 =	vgt.s32 v21, $0x3F  }
0x119: {  	v20 =	vshll.u32 v20, $0x7;
	v22 =	vnsel vm10, $0x3F, v21  }
0x11a: {  	v20 =	vand.u32 $0x380, v20;
	v22 =	vshll.u32 v22, $0xA  }
0x11b: {  	v20 =	vor.u32 v20, v22  }
0x11c: {  	vm11 =	vgt.s32 v21, $0x3E;
	v20 =	vor.u32 v10, v20  }
0x11d: {  	v20 =	vadd.s32 $0xFFFF0400, v20;
	_ =	sdelay $0x4  }
0x11e: {  	[tilespmem:v20+s16+$0x0] =	vst.idx.msk vm11, v3  }
0x11f: {  	v20 =	vld [tilespmem:$0x70];
	_ =	sdelay $0x4  }
0x120: {  	v60 =	vshra.s32 v20, $0x1F  }
0x121: {  	v21 =	vshrl.u32 v60, $0x1D  }
0x122: {  	v21 =	vadd.s32 v21, v20  }
0x123: {  	v61 =	vand.u32 $0xFFFFFFF8, v21  }
0x124: {  	vm12 =	vlt.s32 v20, $0x1;
	vm13 =	vne.s32 v20, v61  }
0x125: {  	vm0 =	vmand vm12, vm13  }
0x126: {  	v21 =	vshra.s32 v21, $0x3;
	v62 =	vsel vm0, $0xFFFFFFFF, v1  }
0x127: {  	v21 =	vadd.s32 v62, v21  }
0x128: {  	v20 =	vsub.s32 v20, v4;
	vm14 =	vgt.s32 v21, $0x3F  }
0x129: {  	v20 =	vshll.u32 v20, $0x7;
	v22 =	vnsel vm14, $0x3F, v21  }
0x12a: {  	v20 =	vand.u32 $0x380, v20;
	v22 =	vshll.u32 v22, $0xA  }
0x12b: {  	v20 =	vor.u32 v20, v22  }
0x12c: {  	vm15 =	vgt.s32 v21, $0x3E;
	v20 =	vor.u32 v11, v20  }
0x12d: {  	v20 =	vadd.s32 $0xFFFF0400, v20;
	_ =	sdelay $0x4  }
0x12e: {  	s20 =	simm.s32 $0x0;
	s21 =	simm.s32 $0x80;
	s22 =	smov.u32 s9;
	[tilespmem:v20+s16+$0x0] =	vst.idx.msk vm15, v3  }
0x12f: {  	[hbm4b:s7+s11] =	stream.strided.scatter [tilespmem:s16], [sflag:$0x2], $0xF800, s12, s11, $0x38;
	v63 =	vld [tilespmem:$0x0]  }
.LBB2_6:
0x130: {  	_ =	swait.ge [sflag:s17], $0xFC00  }
0x131: {  	[sflag:s17] =	ssyncset.done $0x0  }
0x132: {  	[sflag:s17] =	ssyncadd.s32 $0xFFFF0400  }
0x133: {  	v20 =	vld [tilespmem:s21+$0xFFFFFF80];
	_ =	sdelay $0x4  }
0x134: {  	v21 =	vshra.s32 v20, $0x1F  }
0x135: {  	v21 =	vshrl.u32 v21, $0x1D  }
0x136: {  	v21 =	vadd.s32 v21, v20  }
0x137: {  	v21 =	vshra.s32 v21, $0x3  }
0x138: {  	v22 =	vshll.u32 v21, $0x3  }
0x139: {  	vm0 =	vlt.s32 v20, $0x1;
	vm1 =	vne.s32 v20, v22  }
0x13a: {  	vm0 =	vmand vm0, vm1  }
0x13b: {  	v23 =	vsel vm0, $0xFFFFFFFF, v1  }
0x13c: {  	v21 =	vadd.s32 v23, v21  }
0x13d: {  	v20 =	vsub.s32 v20, v22;
	vm10 =	vlt.s32 v21, $0x3E  }
0x13e: {  	v20 =	vshll.u32 v20, $0x7;
	v47 =	vnsel vm10, $0x3E, v21  }
0x13f: {  	v20 =	vand.u32 $0x380, v20;
	v22 =	vshll.u32 v47, $0xA  }
0x140: {  	vm11 =	vlt.s32 v21, $0x3F;
	v20 =	vor.u32 v20, v22  }
0x141: {  	v20 =	vor.u32 v2, v20;
	_ =	sdelay $0x4  }
0x142: {  	[tilespmem:v20+s15+$0x0] =	vst.idx.msk vm11, v0  }
0x143: {  	v20 =	vld [tilespmem:s21+$0xFFFFFF90];
	_ =	sdelay $0x4  }
0x144: {  	v48 =	vshra.s32 v20, $0x1F  }
0x145: {  	v21 =	vshrl.u32 v48, $0x1D  }
0x146: {  	v21 =	vadd.s32 v21, v20  }
0x147: {  	v49 =	vand.u32 $0xFFFFFFF8, v21  }
0x148: {  	vm12 =	vlt.s32 v20, $0x1;
	vm13 =	vne.s32 v20, v49  }
0x149: {  	vm0 =	vmand vm12, vm13  }
0x14a: {  	v21 =	vshra.s32 v21, $0x3;
	v50 =	vsel vm0, $0xFFFFFFFF, v1  }
0x14b: {  	v21 =	vadd.s32 v50, v21  }
0x14c: {  	v20 =	vsub.s32 v20, v4;
	vm14 =	vlt.s32 v21, $0x3E  }
0x14d: {  	v20 =	vshll.u32 v20, $0x7;
	v22 =	vnsel vm14, $0x3E, v21  }
0x14e: {  	v20 =	vand.u32 $0x380, v20;
	v22 =	vshll.u32 v22, $0xA  }
0x14f: {  	vm15 =	vlt.s32 v21, $0x3F;
	v20 =	vor.u32 v20, v22  }
0x150: {  	v20 =	vor.u32 v5, v20;
	_ =	sdelay $0x4  }
0x151: {  	[tilespmem:v20+s15+$0x0] =	vst.idx.msk vm15, v0  }
0x152: {  	v20 =	vld [tilespmem:s21+$0xFFFFFFA0];
	_ =	sdelay $0x4  }
0x153: {  	v51 =	vshra.s32 v20, $0x1F  }
0x154: {  	v21 =	vshrl.u32 v51, $0x1D  }
0x155: {  	v21 =	vadd.s32 v21, v20  }
0x156: {  	v52 =	vand.u32 $0xFFFFFFF8, v21  }
0x157: {  	vm4 =	vlt.s32 v20, $0x1;
	vm5 =	vne.s32 v20, v52  }
0x158: {  	vm0 =	vmand vm4, vm5  }
0x159: {  	v21 =	vshra.s32 v21, $0x3;
	v53 =	vsel vm0, $0xFFFFFFFF, v1  }
0x15a: {  	v21 =	vadd.s32 v53, v21  }
0x15b: {  	v20 =	vsub.s32 v20, v4;
	vm6 =	vlt.s32 v21, $0x3E  }
0x15c: {  	v20 =	vshll.u32 v20, $0x7;
	v22 =	vnsel vm6, $0x3E, v21  }
0x15d: {  	v20 =	vand.u32 $0x380, v20;
	v22 =	vshll.u32 v22, $0xA  }
0x15e: {  	vm7 =	vlt.s32 v21, $0x3F;
	v20 =	vor.u32 v20, v22  }
0x15f: {  	v20 =	vor.u32 v6, v20;
	_ =	sdelay $0x4  }
0x160: {  	[tilespmem:v20+s15+$0x0] =	vst.idx.msk vm7, v0  }
0x161: {  	v20 =	vld [tilespmem:s21+$0xFFFFFFB0];
	_ =	sdelay $0x4  }
0x162: {  	v54 =	vshra.s32 v20, $0x1F  }
0x163: {  	v21 =	vshrl.u32 v54, $0x1D  }
0x164: {  	v21 =	vadd.s32 v21, v20  }
0x165: {  	v55 =	vand.u32 $0xFFFFFFF8, v21  }
0x166: {  	vm8 =	vlt.s32 v20, $0x1;
	vm9 =	vne.s32 v20, v55  }
0x167: {  	vm0 =	vmand vm8, vm9  }
0x168: {  	v21 =	vshra.s32 v21, $0x3;
	v56 =	vsel vm0, $0xFFFFFFFF, v1  }
0x169: {  	v21 =	vadd.s32 v56, v21  }
0x16a: {  	v20 =	vsub.s32 v20, v4;
	vm10 =	vlt.s32 v21, $0x3E  }
0x16b: {  	v20 =	vshll.u32 v20, $0x7;
	v22 =	vnsel vm10, $0x3E, v21  }
0x16c: {  	v20 =	vand.u32 $0x380, v20;
	v22 =	vshll.u32 v22, $0xA  }
0x16d: {  	vm11 =	vlt.s32 v21, $0x3F;
	v20 =	vor.u32 v20, v22  }
0x16e: {  	v20 =	vor.u32 v7, v20;
	_ =	sdelay $0x4  }
0x16f: {  	[tilespmem:v20+s15+$0x0] =	vst.idx.msk vm11, v0  }
0x170: {  	v20 =	vld [tilespmem:s21+$0xFFFFFFC0];
	_ =	sdelay $0x4  }
0x171: {  	v57 =	vshra.s32 v20, $0x1F  }
0x172: {  	v21 =	vshrl.u32 v57, $0x1D  }
0x173: {  	v21 =	vadd.s32 v21, v20  }
0x174: {  	v58 =	vand.u32 $0xFFFFFFF8, v21  }
0x175: {  	vm12 =	vlt.s32 v20, $0x1;
	vm13 =	vne.s32 v20, v58  }
0x176: {  	vm0 =	vmand vm12, vm13  }
0x177: {  	v21 =	vshra.s32 v21, $0x3;
	v59 =	vsel vm0, $0xFFFFFFFF, v1  }
0x178: {  	v21 =	vadd.s32 v59, v21  }
0x179: {  	v20 =	vsub.s32 v20, v4;
	vm14 =	vlt.s32 v21, $0x3E  }
0x17a: {  	v20 =	vshll.u32 v20, $0x7;
	v22 =	vnsel vm14, $0x3E, v21  }
0x17b: {  	v20 =	vand.u32 $0x380, v20;
	v22 =	vshll.u32 v22, $0xA  }
0x17c: {  	vm15 =	vlt.s32 v21, $0x3F;
	v20 =	vor.u32 v20, v22  }
0x17d: {  	v20 =	vor.u32 v8, v20;
	_ =	sdelay $0x4  }
0x17e: {  	[tilespmem:v20+s15+$0x0] =	vst.idx.msk vm15, v0  }
0x17f: {  	v20 =	vld [tilespmem:s21+$0xFFFFFFD0];
	_ =	sdelay $0x4  }
0x180: {  	v60 =	vshra.s32 v20, $0x1F  }
0x181: {  	v21 =	vshrl.u32 v60, $0x1D  }
0x182: {  	v21 =	vadd.s32 v21, v20  }
0x183: {  	v61 =	vand.u32 $0xFFFFFFF8, v21  }
0x184: {  	vm4 =	vlt.s32 v20, $0x1;
	vm5 =	vne.s32 v20, v61  }
0x185: {  	vm0 =	vmand vm4, vm5  }
0x186: {  	v21 =	vshra.s32 v21, $0x3;
	v62 =	vsel vm0, $0xFFFFFFFF, v1  }
0x187: {  	v21 =	vadd.s32 v62, v21  }
0x188: {  	v20 =	vsub.s32 v20, v4;
	vm6 =	vlt.s32 v21, $0x3E  }
0x189: {  	v20 =	vshll.u32 v20, $0x7;
	v22 =	vnsel vm6, $0x3E, v21  }
0x18a: {  	v20 =	vand.u32 $0x380, v20;
	v22 =	vshll.u32 v22, $0xA  }
0x18b: {  	vm7 =	vlt.s32 v21, $0x3F;
	v20 =	vor.u32 v20, v22  }
0x18c: {  	v20 =	vor.u32 v9, v20;
	_ =	sdelay $0x4  }
0x18d: {  	[tilespmem:v20+s15+$0x0] =	vst.idx.msk vm7, v0  }
0x18e: {  	v20 =	vld [tilespmem:s21+$0xFFFFFFE0];
	_ =	sdelay $0x4  }
0x18f: {  	v24 =	vshra.s32 v20, $0x1F  }
0x190: {  	v21 =	vshrl.u32 v24, $0x1D  }
0x191: {  	v21 =	vadd.s32 v21, v20  }
0x192: {  	v25 =	vand.u32 $0xFFFFFFF8, v21  }
0x193: {  	vm8 =	vlt.s32 v20, $0x1;
	vm9 =	vne.s32 v20, v25  }
0x194: {  	vm0 =	vmand vm8, vm9  }
0x195: {  	v21 =	vshra.s32 v21, $0x3;
	v26 =	vsel vm0, $0xFFFFFFFF, v1  }
0x196: {  	v21 =	vadd.s32 v26, v21  }
0x197: {  	v20 =	vsub.s32 v20, v4;
	vm10 =	vlt.s32 v21, $0x3E  }
0x198: {  	v20 =	vshll.u32 v20, $0x7;
	v22 =	vnsel vm10, $0x3E, v21  }
0x199: {  	v20 =	vand.u32 $0x380, v20;
	v22 =	vshll.u32 v22, $0xA  }
0x19a: {  	vm11 =	vlt.s32 v21, $0x3F;
	v20 =	vor.u32 v20, v22  }
0x19b: {  	v20 =	vor.u32 v10, v20;
	_ =	sdelay $0x4  }
0x19c: {  	[tilespmem:v20+s15+$0x0] =	vst.idx.msk vm11, v0  }
0x19d: {  	v20 =	vld [tilespmem:s21+$0xFFFFFFF0];
	_ =	sdelay $0x4  }
0x19e: {  	v27 =	vshra.s32 v20, $0x1F  }
0x19f: {  	v21 =	vshrl.u32 v27, $0x1D  }
0x1a0: {  	v21 =	vadd.s32 v21, v20  }
0x1a1: {  	v28 =	vand.u32 $0xFFFFFFF8, v21  }
0x1a2: {  	vm12 =	vlt.s32 v20, $0x1;
	vm13 =	vne.s32 v20, v28  }
0x1a3: {  	vm0 =	vmand vm12, vm13  }
0x1a4: {  	v21 =	vshra.s32 v21, $0x3;
	v29 =	vsel vm0, $0xFFFFFFFF, v1  }
0x1a5: {  	v21 =	vadd.s32 v29, v21  }
0x1a6: {  	v20 =	vsub.s32 v20, v4;
	vm14 =	vlt.s32 v21, $0x3E  }
0x1a7: {  	v20 =	vshll.u32 v20, $0x7;
	v22 =	vnsel vm14, $0x3E, v21  }
0x1a8: {  	v20 =	vand.u32 $0x380, v20;
	v22 =	vshll.u32 v22, $0xA  }
0x1a9: {  	vm15 =	vlt.s32 v21, $0x3F;
	v20 =	vor.u32 v20, v22  }
0x1aa: {  	v20 =	vor.u32 v11, v20;
	_ =	sdelay $0x4  }
0x1ab: {  	[tilespmem:v20+s15+$0x0] =	vst.idx.msk vm15, v0  }
0x1ac: {  	v20 =	vld [tilespmem:s21+$0x0];
	_ =	sdelay $0x4  }
0x1ad: {  	v30 =	vshra.s32 v20, $0x1F  }
0x1ae: {  	v21 =	vshrl.u32 v30, $0x1D  }
0x1af: {  	v21 =	vadd.s32 v21, v20  }
0x1b0: {  	v31 =	vand.u32 $0xFFFFFFF8, v21  }
0x1b1: {  	vm4 =	vlt.s32 v20, $0x1;
	vm5 =	vne.s32 v20, v31  }
0x1b2: {  	vm0 =	vmand vm4, vm5  }
0x1b3: {  	v21 =	vshra.s32 v21, $0x3;
	v32 =	vsel vm0, $0xFFFFFFFF, v1  }
0x1b4: {  	v21 =	vadd.s32 v32, v21  }
0x1b5: {  	v20 =	vsub.s32 v20, v4;
	vm6 =	vlt.s32 v21, $0x3E  }
0x1b6: {  	v20 =	vshll.u32 v20, $0x7;
	v22 =	vnsel vm6, $0x3E, v21  }
0x1b7: {  	v20 =	vand.u32 $0x380, v20;
	v22 =	vshll.u32 v22, $0xA  }
0x1b8: {  	vm7 =	vlt.s32 v21, $0x3F;
	v20 =	vor.u32 v20, v22  }
0x1b9: {  	v20 =	vor.u32 v2, v20;
	_ =	sdelay $0x4  }
0x1ba: {  	[tilespmem:v20+s15+$0x0] =	vst.idx.msk vm7, v3  }
0x1bb: {  	v20 =	vld [tilespmem:s21+$0x10];
	_ =	sdelay $0x4  }
0x1bc: {  	v33 =	vshra.s32 v20, $0x1F  }
0x1bd: {  	v21 =	vshrl.u32 v33, $0x1D  }
0x1be: {  	v21 =	vadd.s32 v21, v20  }
0x1bf: {  	v34 =	vand.u32 $0xFFFFFFF8, v21  }
0x1c0: {  	vm8 =	vlt.s32 v20, $0x1;
	vm9 =	vne.s32 v20, v34  }
0x1c1: {  	vm0 =	vmand vm8, vm9  }
0x1c2: {  	v21 =	vshra.s32 v21, $0x3;
	v35 =	vsel vm0, $0xFFFFFFFF, v1  }
0x1c3: {  	v21 =	vadd.s32 v35, v21  }
0x1c4: {  	v20 =	vsub.s32 v20, v4;
	vm10 =	vlt.s32 v21, $0x3E  }
0x1c5: {  	v20 =	vshll.u32 v20, $0x7;
	v22 =	vnsel vm10, $0x3E, v21  }
0x1c6: {  	v20 =	vand.u32 $0x380, v20;
	v22 =	vshll.u32 v22, $0xA  }
0x1c7: {  	vm11 =	vlt.s32 v21, $0x3F;
	v20 =	vor.u32 v20, v22  }
0x1c8: {  	v20 =	vor.u32 v5, v20;
	_ =	sdelay $0x4  }
0x1c9: {  	[tilespmem:v20+s15+$0x0] =	vst.idx.msk vm11, v3  }
0x1ca: {  	v20 =	vld [tilespmem:s21+$0x20];
	_ =	sdelay $0x4  }
0x1cb: {  	v36 =	vshra.s32 v20, $0x1F  }
0x1cc: {  	v21 =	vshrl.u32 v36, $0x1D  }
0x1cd: {  	v21 =	vadd.s32 v21, v20  }
0x1ce: {  	v37 =	vand.u32 $0xFFFFFFF8, v21  }
0x1cf: {  	vm12 =	vlt.s32 v20, $0x1;
	vm13 =	vne.s32 v20, v37  }
0x1d0: {  	vm0 =	vmand vm12, vm13  }
0x1d1: {  	v21 =	vshra.s32 v21, $0x3;
	v38 =	vsel vm0, $0xFFFFFFFF, v1  }
0x1d2: {  	v21 =	vadd.s32 v38, v21  }
0x1d3: {  	v20 =	vsub.s32 v20, v4;
	vm14 =	vlt.s32 v21, $0x3E  }
0x1d4: {  	v20 =	vshll.u32 v20, $0x7;
	v22 =	vnsel vm14, $0x3E, v21  }
0x1d5: {  	v20 =	vand.u32 $0x380, v20;
	v22 =	vshll.u32 v22, $0xA  }
0x1d6: {  	vm15 =	vlt.s32 v21, $0x3F;
	v20 =	vor.u32 v20, v22  }
0x1d7: {  	v20 =	vor.u32 v6, v20;
	_ =	sdelay $0x4  }
0x1d8: {  	[tilespmem:v20+s15+$0x0] =	vst.idx.msk vm15, v3  }
0x1d9: {  	v20 =	vld [tilespmem:s21+$0x30];
	_ =	sdelay $0x4  }
0x1da: {  	v39 =	vshra.s32 v20, $0x1F  }
0x1db: {  	v21 =	vshrl.u32 v39, $0x1D  }
0x1dc: {  	v21 =	vadd.s32 v21, v20  }
0x1dd: {  	v40 =	vand.u32 $0xFFFFFFF8, v21  }
0x1de: {  	vm4 =	vlt.s32 v20, $0x1;
	vm5 =	vne.s32 v20, v40  }
0x1df: {  	vm0 =	vmand vm4, vm5  }
0x1e0: {  	v21 =	vshra.s32 v21, $0x3;
	v41 =	vsel vm0, $0xFFFFFFFF, v1  }
0x1e1: {  	v21 =	vadd.s32 v41, v21  }
0x1e2: {  	v20 =	vsub.s32 v20, v4;
	vm6 =	vlt.s32 v21, $0x3E  }
0x1e3: {  	v20 =	vshll.u32 v20, $0x7;
	v22 =	vnsel vm6, $0x3E, v21  }
0x1e4: {  	v20 =	vand.u32 $0x380, v20;
	v22 =	vshll.u32 v22, $0xA  }
0x1e5: {  	vm7 =	vlt.s32 v21, $0x3F;
	v20 =	vor.u32 v20, v22  }
0x1e6: {  	v20 =	vor.u32 v7, v20;
	_ =	sdelay $0x4  }
0x1e7: {  	[tilespmem:v20+s15+$0x0] =	vst.idx.msk vm7, v3  }
0x1e8: {  	v20 =	vld [tilespmem:s21+$0x40];
	_ =	sdelay $0x4  }
0x1e9: {  	v42 =	vshra.s32 v20, $0x1F  }
0x1ea: {  	v21 =	vshrl.u32 v42, $0x1D  }
0x1eb: {  	v21 =	vadd.s32 v21, v20  }
0x1ec: {  	v43 =	vand.u32 $0xFFFFFFF8, v21  }
0x1ed: {  	vm8 =	vlt.s32 v20, $0x1;
	vm9 =	vne.s32 v20, v43  }
0x1ee: {  	vm0 =	vmand vm8, vm9  }
0x1ef: {  	v21 =	vshra.s32 v21, $0x3;
	v44 =	vsel vm0, $0xFFFFFFFF, v1  }
0x1f0: {  	v21 =	vadd.s32 v44, v21  }
0x1f1: {  	v20 =	vsub.s32 v20, v4;
	vm10 =	vlt.s32 v21, $0x3E  }
0x1f2: {  	v20 =	vshll.u32 v20, $0x7;
	v22 =	vnsel vm10, $0x3E, v21  }
0x1f3: {  	v20 =	vand.u32 $0x380, v20;
	v22 =	vshll.u32 v22, $0xA  }
0x1f4: {  	vm11 =	vlt.s32 v21, $0x3F;
	v20 =	vor.u32 v20, v22  }
0x1f5: {  	v20 =	vor.u32 v8, v20;
	_ =	sdelay $0x4  }
0x1f6: {  	[tilespmem:v20+s15+$0x0] =	vst.idx.msk vm11, v3  }
0x1f7: {  	v20 =	vld [tilespmem:s21+$0x50];
	_ =	sdelay $0x4  }
0x1f8: {  	v45 =	vshra.s32 v20, $0x1F  }
0x1f9: {  	v21 =	vshrl.u32 v45, $0x1D  }
0x1fa: {  	v21 =	vadd.s32 v21, v20  }
0x1fb: {  	v46 =	vand.u32 $0xFFFFFFF8, v21  }
0x1fc: {  	vm12 =	vlt.s32 v20, $0x1;
	vm13 =	vne.s32 v20, v46  }
0x1fd: {  	vm0 =	vmand vm12, vm13  }
0x1fe: {  	v21 =	vshra.s32 v21, $0x3;
	v47 =	vsel vm0, $0xFFFFFFFF, v1  }
0x1ff: {  	v21 =	vadd.s32 v47, v21  }
0x200: {  	v20 =	vsub.s32 v20, v4;
	vm14 =	vlt.s32 v21, $0x3E  }
0x201: {  	v20 =	vshll.u32 v20, $0x7;
	v22 =	vnsel vm14, $0x3E, v21  }
0x202: {  	v20 =	vand.u32 $0x380, v20;
	v22 =	vshll.u32 v22, $0xA  }
0x203: {  	vm15 =	vlt.s32 v21, $0x3F;
	v20 =	vor.u32 v20, v22  }
0x204: {  	v20 =	vor.u32 v9, v20;
	_ =	sdelay $0x4  }
0x205: {  	[tilespmem:v20+s15+$0x0] =	vst.idx.msk vm15, v3  }
0x206: {  	v20 =	vld [tilespmem:s21+$0x60];
	_ =	sdelay $0x4  }
0x207: {  	v48 =	vshra.s32 v20, $0x1F  }
0x208: {  	v21 =	vshrl.u32 v48, $0x1D  }
0x209: {  	v21 =	vadd.s32 v21, v20  }
0x20a: {  	v49 =	vand.u32 $0xFFFFFFF8, v21  }
0x20b: {  	vm4 =	vlt.s32 v20, $0x1;
	vm5 =	vne.s32 v20, v49  }
0x20c: {  	vm0 =	vmand vm4, vm5  }
0x20d: {  	v21 =	vshra.s32 v21, $0x3;
	v50 =	vsel vm0, $0xFFFFFFFF, v1  }
0x20e: {  	v21 =	vadd.s32 v50, v21  }
0x20f: {  	v20 =	vsub.s32 v20, v4;
	vm6 =	vlt.s32 v21, $0x3E  }
0x210: {  	v20 =	vshll.u32 v20, $0x7;
	v22 =	vnsel vm6, $0x3E, v21  }
0x211: {  	v20 =	vand.u32 $0x380, v20;
	v22 =	vshll.u32 v22, $0xA  }
0x212: {  	vm7 =	vlt.s32 v21, $0x3F;
	v20 =	vor.u32 v20, v22  }
0x213: {  	v20 =	vor.u32 v10, v20;
	_ =	sdelay $0x4  }
0x214: {  	[tilespmem:v20+s15+$0x0] =	vst.idx.msk vm7, v3  }
0x215: {  	v20 =	vld [tilespmem:s21+$0x70];
	_ =	sdelay $0x4  }
0x216: {  	v51 =	vshra.s32 v20, $0x1F  }
0x217: {  	v21 =	vshrl.u32 v51, $0x1D  }
0x218: {  	v21 =	vadd.s32 v21, v20  }
0x219: {  	v52 =	vand.u32 $0xFFFFFFF8, v21  }
0x21a: {  	vm8 =	vlt.s32 v20, $0x1;
	vm9 =	vne.s32 v20, v52  }
0x21b: {  	vm0 =	vmand vm8, vm9  }
0x21c: {  	v21 =	vshra.s32 v21, $0x3;
	v53 =	vsel vm0, $0xFFFFFFFF, v1  }
0x21d: {  	v21 =	vadd.s32 v53, v21  }
0x21e: {  	v20 =	vsub.s32 v20, v4;
	vm10 =	vlt.s32 v21, $0x3E  }
0x21f: {  	v20 =	vshll.u32 v20, $0x7;
	v22 =	vnsel vm10, $0x3E, v21  }
0x220: {  	v20 =	vand.u32 $0x380, v20;
	v22 =	vshll.u32 v22, $0xA  }
0x221: {  	vm11 =	vlt.s32 v21, $0x3F;
	v20 =	vor.u32 v20, v22  }
0x222: {  	v20 =	vor.u32 v11, v20;
	_ =	sdelay $0x3  }
0x223: {  	s23 =	sshrl.u32 s22, $0x3  }
0x224: {  	s23 =	sadd.s32 s1, s23;
	[tilespmem:v20+s15+$0x0] =	vst.idx.msk vm11, v3  }
0x225: {  	[hbm4b:s23+s11] =	stream.strided.scatter [tilespmem:s15], [sflag:$0x1], $0xFC00, s12, s11, $0x38;
	v63 =	vld [tilespmem:$0x0]  }
0x226: {  	_ =	swait.ge [sflag:s18], $0xF800  }
0x227: {  	[sflag:s18] =	ssyncset.done $0x0  }
0x228: {  	[sflag:s18] =	ssyncadd.s32 $0xFFFF0800  }
0x229: {  	v20 =	vld [tilespmem:s21+$0xFFFFFF80];
	_ =	sdelay $0x4  }
0x22a: {  	v54 =	vshra.s32 v20, $0x1F  }
0x22b: {  	v21 =	vshrl.u32 v54, $0x1D  }
0x22c: {  	v21 =	vadd.s32 v21, v20  }
0x22d: {  	v55 =	vand.u32 $0xFFFFFFF8, v21  }
0x22e: {  	vm12 =	vlt.s32 v20, $0x1;
	vm13 =	vne.s32 v20, v55  }
0x22f: {  	vm0 =	vmand vm12, vm13  }
0x230: {  	v21 =	vshra.s32 v21, $0x3;
	v56 =	vsel vm0, $0xFFFFFFFF, v1  }
0x231: {  	v21 =	vadd.s32 v56, v21  }
0x232: {  	v20 =	vsub.s32 v20, v4;
	vm14 =	vgt.s32 v21, $0x3F  }
0x233: {  	v20 =	vshll.u32 v20, $0x7;
	v22 =	vnsel vm14, $0x3F, v21  }
0x234: {  	v20 =	vand.u32 $0x380, v20;
	v22 =	vshll.u32 v22, $0xA  }
0x235: {  	vm15 =	vgt.s32 v21, $0x3E;
	v20 =	vor.u32 v20, v22  }
0x236: {  	v20 =	vadd.s32 v12, v20;
	_ =	sdelay $0x4  }
0x237: {  	[tilespmem:v20+s16+$0x0] =	vst.idx.msk vm15, v0  }
0x238: {  	v20 =	vld [tilespmem:s21+$0xFFFFFF90];
	_ =	sdelay $0x4  }
0x239: {  	v57 =	vshra.s32 v20, $0x1F  }
0x23a: {  	v21 =	vshrl.u32 v57, $0x1D  }
0x23b: {  	v21 =	vadd.s32 v21, v20  }
0x23c: {  	v58 =	vand.u32 $0xFFFFFFF8, v21  }
0x23d: {  	vm4 =	vlt.s32 v20, $0x1;
	vm5 =	vne.s32 v20, v58  }
0x23e: {  	vm0 =	vmand vm4, vm5  }
0x23f: {  	v21 =	vshra.s32 v21, $0x3;
	v59 =	vsel vm0, $0xFFFFFFFF, v1  }
0x240: {  	v21 =	vadd.s32 v59, v21  }
0x241: {  	v20 =	vsub.s32 v20, v4;
	vm6 =	vgt.s32 v21, $0x3F  }
0x242: {  	v20 =	vshll.u32 v20, $0x7;
	v22 =	vnsel vm6, $0x3F, v21  }
0x243: {  	v20 =	vand.u32 $0x380, v20;
	v22 =	vshll.u32 v22, $0xA  }
0x244: {  	vm7 =	vgt.s32 v21, $0x3E;
	v20 =	vor.u32 v20, v22  }
0x245: {  	v20 =	vadd.s32 v13, v20;
	_ =	sdelay $0x4  }
0x246: {  	[tilespmem:v20+s16+$0x0] =	vst.idx.msk vm7, v0  }
0x247: {  	v20 =	vld [tilespmem:s21+$0xFFFFFFA0];
	_ =	sdelay $0x4  }
0x248: {  	v60 =	vshra.s32 v20, $0x1F  }
0x249: {  	v21 =	vshrl.u32 v60, $0x1D  }
0x24a: {  	v21 =	vadd.s32 v21, v20  }
0x24b: {  	v61 =	vand.u32 $0xFFFFFFF8, v21  }
0x24c: {  	vm8 =	vlt.s32 v20, $0x1;
	vm9 =	vne.s32 v20, v61  }
0x24d: {  	vm0 =	vmand vm8, vm9  }
0x24e: {  	v21 =	vshra.s32 v21, $0x3;
	v62 =	vsel vm0, $0xFFFFFFFF, v1  }
0x24f: {  	v21 =	vadd.s32 v62, v21  }
0x250: {  	v20 =	vsub.s32 v20, v4;
	vm10 =	vgt.s32 v21, $0x3F  }
0x251: {  	v20 =	vshll.u32 v20, $0x7;
	v22 =	vnsel vm10, $0x3F, v21  }
0x252: {  	v20 =	vand.u32 $0x380, v20;
	v22 =	vshll.u32 v22, $0xA  }
0x253: {  	vm11 =	vgt.s32 v21, $0x3E;
	v20 =	vor.u32 v20, v22  }
0x254: {  	v20 =	vadd.s32 v14, v20;
	_ =	sdelay $0x4  }
0x255: {  	[tilespmem:v20+s16+$0x0] =	vst.idx.msk vm11, v0  }
0x256: {  	v20 =	vld [tilespmem:s21+$0xFFFFFFB0];
	_ =	sdelay $0x4  }
0x257: {  	v24 =	vshra.s32 v20, $0x1F  }
0x258: {  	v21 =	vshrl.u32 v24, $0x1D  }
0x259: {  	v21 =	vadd.s32 v21, v20  }
0x25a: {  	v25 =	vand.u32 $0xFFFFFFF8, v21  }
0x25b: {  	vm12 =	vlt.s32 v20, $0x1;
	vm13 =	vne.s32 v20, v25  }
0x25c: {  	vm0 =	vmand vm12, vm13  }
0x25d: {  	v21 =	vshra.s32 v21, $0x3;
	v26 =	vsel vm0, $0xFFFFFFFF, v1  }
0x25e: {  	v21 =	vadd.s32 v26, v21  }
0x25f: {  	v20 =	vsub.s32 v20, v4;
	vm14 =	vgt.s32 v21, $0x3F  }
0x260: {  	v20 =	vshll.u32 v20, $0x7;
	v22 =	vnsel vm14, $0x3F, v21  }
0x261: {  	v20 =	vand.u32 $0x380, v20;
	v22 =	vshll.u32 v22, $0xA  }
0x262: {  	vm15 =	vgt.s32 v21, $0x3E;
	v20 =	vor.u32 v20, v22  }
0x263: {  	v20 =	vadd.s32 v15, v20;
	_ =	sdelay $0x4  }
0x264: {  	[tilespmem:v20+s16+$0x0] =	vst.idx.msk vm15, v0  }
0x265: {  	v20 =	vld [tilespmem:s21+$0xFFFFFFC0];
	_ =	sdelay $0x4  }
0x266: {  	v27 =	vshra.s32 v20, $0x1F  }
0x267: {  	v21 =	vshrl.u32 v27, $0x1D  }
0x268: {  	v21 =	vadd.s32 v21, v20  }
0x269: {  	v28 =	vand.u32 $0xFFFFFFF8, v21  }
0x26a: {  	vm4 =	vlt.s32 v20, $0x1;
	vm5 =	vne.s32 v20, v28  }
0x26b: {  	vm0 =	vmand vm4, vm5  }
0x26c: {  	v21 =	vshra.s32 v21, $0x3;
	v29 =	vsel vm0, $0xFFFFFFFF, v1  }
0x26d: {  	v21 =	vadd.s32 v29, v21  }
0x26e: {  	v20 =	vsub.s32 v20, v4;
	vm6 =	vgt.s32 v21, $0x3F  }
0x26f: {  	v20 =	vshll.u32 v20, $0x7;
	v22 =	vnsel vm6, $0x3F, v21  }
0x270: {  	v20 =	vand.u32 $0x380, v20;
	v22 =	vshll.u32 v22, $0xA  }
0x271: {  	vm7 =	vgt.s32 v21, $0x3E;
	v20 =	vor.u32 v20, v22  }
0x272: {  	v20 =	vadd.s32 v16, v20;
	_ =	sdelay $0x4  }
0x273: {  	[tilespmem:v20+s16+$0x0] =	vst.idx.msk vm7, v0  }
0x274: {  	v20 =	vld [tilespmem:s21+$0xFFFFFFD0];
	_ =	sdelay $0x4  }
0x275: {  	v30 =	vshra.s32 v20, $0x1F  }
0x276: {  	v21 =	vshrl.u32 v30, $0x1D  }
0x277: {  	v21 =	vadd.s32 v21, v20  }
0x278: {  	v31 =	vand.u32 $0xFFFFFFF8, v21  }
0x279: {  	vm8 =	vlt.s32 v20, $0x1;
	vm9 =	vne.s32 v20, v31  }
0x27a: {  	vm0 =	vmand vm8, vm9  }
0x27b: {  	v21 =	vshra.s32 v21, $0x3;
	v32 =	vsel vm0, $0xFFFFFFFF, v1  }
0x27c: {  	v21 =	vadd.s32 v32, v21  }
0x27d: {  	v20 =	vsub.s32 v20, v4;
	vm10 =	vgt.s32 v21, $0x3F  }
0x27e: {  	v20 =	vshll.u32 v20, $0x7;
	v22 =	vnsel vm10, $0x3F, v21  }
0x27f: {  	v20 =	vand.u32 $0x380, v20;
	v22 =	vshll.u32 v22, $0xA  }
0x280: {  	vm11 =	vgt.s32 v21, $0x3E;
	v20 =	vor.u32 v20, v22  }
0x281: {  	v20 =	vadd.s32 v17, v20;
	_ =	sdelay $0x4  }
0x282: {  	[tilespmem:v20+s16+$0x0] =	vst.idx.msk vm11, v0  }
0x283: {  	v20 =	vld [tilespmem:s21+$0xFFFFFFE0];
	_ =	sdelay $0x4  }
0x284: {  	v33 =	vshra.s32 v20, $0x1F  }
0x285: {  	v21 =	vshrl.u32 v33, $0x1D  }
0x286: {  	v21 =	vadd.s32 v21, v20  }
0x287: {  	v34 =	vand.u32 $0xFFFFFFF8, v21  }
0x288: {  	vm12 =	vlt.s32 v20, $0x1;
	vm13 =	vne.s32 v20, v34  }
0x289: {  	vm0 =	vmand vm12, vm13  }
0x28a: {  	v21 =	vshra.s32 v21, $0x3;
	v35 =	vsel vm0, $0xFFFFFFFF, v1  }
0x28b: {  	v21 =	vadd.s32 v35, v21  }
0x28c: {  	v20 =	vsub.s32 v20, v4;
	vm14 =	vgt.s32 v21, $0x3F  }
0x28d: {  	v20 =	vshll.u32 v20, $0x7;
	v22 =	vnsel vm14, $0x3F, v21  }
0x28e: {  	v20 =	vand.u32 $0x380, v20;
	v22 =	vshll.u32 v22, $0xA  }
0x28f: {  	vm15 =	vgt.s32 v21, $0x3E;
	v20 =	vor.u32 v20, v22  }
0x290: {  	v20 =	vadd.s32 v18, v20;
	_ =	sdelay $0x4  }
0x291: {  	[tilespmem:v20+s16+$0x0] =	vst.idx.msk vm15, v0  }
0x292: {  	v20 =	vld [tilespmem:s21+$0xFFFFFFF0];
	_ =	sdelay $0x4  }
0x293: {  	v36 =	vshra.s32 v20, $0x1F  }
0x294: {  	v21 =	vshrl.u32 v36, $0x1D  }
0x295: {  	v21 =	vadd.s32 v21, v20  }
0x296: {  	v37 =	vand.u32 $0xFFFFFFF8, v21  }
0x297: {  	vm4 =	vlt.s32 v20, $0x1;
	vm5 =	vne.s32 v20, v37  }
0x298: {  	vm0 =	vmand vm4, vm5  }
0x299: {  	v21 =	vshra.s32 v21, $0x3;
	v38 =	vsel vm0, $0xFFFFFFFF, v1  }
0x29a: {  	v21 =	vadd.s32 v38, v21  }
0x29b: {  	v20 =	vsub.s32 v20, v4;
	vm6 =	vgt.s32 v21, $0x3F  }
0x29c: {  	v20 =	vshll.u32 v20, $0x7;
	v22 =	vnsel vm6, $0x3F, v21  }
0x29d: {  	v20 =	vand.u32 $0x380, v20;
	v22 =	vshll.u32 v22, $0xA  }
0x29e: {  	vm7 =	vgt.s32 v21, $0x3E;
	v20 =	vor.u32 v20, v22  }
0x29f: {  	v20 =	vadd.s32 v19, v20;
	_ =	sdelay $0x4  }
0x2a0: {  	[tilespmem:v20+s16+$0x0] =	vst.idx.msk vm7, v0  }
0x2a1: {  	v20 =	vld [tilespmem:s21+$0x0];
	_ =	sdelay $0x4  }
0x2a2: {  	v39 =	vshra.s32 v20, $0x1F  }
0x2a3: {  	v21 =	vshrl.u32 v39, $0x1D  }
0x2a4: {  	v21 =	vadd.s32 v21, v20  }
0x2a5: {  	v40 =	vand.u32 $0xFFFFFFF8, v21  }
0x2a6: {  	vm8 =	vlt.s32 v20, $0x1;
	vm9 =	vne.s32 v20, v40  }
0x2a7: {  	vm0 =	vmand vm8, vm9  }
0x2a8: {  	v21 =	vshra.s32 v21, $0x3;
	v41 =	vsel vm0, $0xFFFFFFFF, v1  }
0x2a9: {  	v21 =	vadd.s32 v41, v21  }
0x2aa: {  	v20 =	vsub.s32 v20, v4;
	vm10 =	vgt.s32 v21, $0x3F  }
0x2ab: {  	v20 =	vshll.u32 v20, $0x7;
	v22 =	vnsel vm10, $0x3F, v21  }
0x2ac: {  	v20 =	vand.u32 $0x380, v20;
	v22 =	vshll.u32 v22, $0xA  }
0x2ad: {  	vm11 =	vgt.s32 v21, $0x3E;
	v20 =	vor.u32 v20, v22  }
0x2ae: {  	v20 =	vadd.s32 v12, v20;
	_ =	sdelay $0x4  }
0x2af: {  	[tilespmem:v20+s16+$0x0] =	vst.idx.msk vm11, v3  }
0x2b0: {  	v20 =	vld [tilespmem:s21+$0x10];
	_ =	sdelay $0x4  }
0x2b1: {  	v42 =	vshra.s32 v20, $0x1F  }
0x2b2: {  	v21 =	vshrl.u32 v42, $0x1D  }
0x2b3: {  	v21 =	vadd.s32 v21, v20  }
0x2b4: {  	v43 =	vand.u32 $0xFFFFFFF8, v21  }
0x2b5: {  	vm12 =	vlt.s32 v20, $0x1;
	vm13 =	vne.s32 v20, v43  }
0x2b6: {  	vm0 =	vmand vm12, vm13  }
0x2b7: {  	v21 =	vshra.s32 v21, $0x3;
	v44 =	vsel vm0, $0xFFFFFFFF, v1  }
0x2b8: {  	v21 =	vadd.s32 v44, v21  }
0x2b9: {  	v20 =	vsub.s32 v20, v4;
	vm14 =	vgt.s32 v21, $0x3F  }
0x2ba: {  	v20 =	vshll.u32 v20, $0x7;
	v22 =	vnsel vm14, $0x3F, v21  }
0x2bb: {  	v20 =	vand.u32 $0x380, v20;
	v22 =	vshll.u32 v22, $0xA  }
0x2bc: {  	vm15 =	vgt.s32 v21, $0x3E;
	v20 =	vor.u32 v20, v22  }
0x2bd: {  	v20 =	vadd.s32 v13, v20;
	_ =	sdelay $0x4  }
0x2be: {  	[tilespmem:v20+s16+$0x0] =	vst.idx.msk vm15, v3  }
0x2bf: {  	v20 =	vld [tilespmem:s21+$0x20];
	_ =	sdelay $0x4  }
0x2c0: {  	v45 =	vshra.s32 v20, $0x1F  }
0x2c1: {  	v21 =	vshrl.u32 v45, $0x1D  }
0x2c2: {  	v21 =	vadd.s32 v21, v20  }
0x2c3: {  	v46 =	vand.u32 $0xFFFFFFF8, v21  }
0x2c4: {  	vm4 =	vlt.s32 v20, $0x1;
	vm5 =	vne.s32 v20, v46  }
0x2c5: {  	vm0 =	vmand vm4, vm5  }
0x2c6: {  	v21 =	vshra.s32 v21, $0x3;
	v47 =	vsel vm0, $0xFFFFFFFF, v1  }
0x2c7: {  	v21 =	vadd.s32 v47, v21  }
0x2c8: {  	v20 =	vsub.s32 v20, v4;
	vm6 =	vgt.s32 v21, $0x3F  }
0x2c9: {  	v20 =	vshll.u32 v20, $0x7;
	v22 =	vnsel vm6, $0x3F, v21  }
0x2ca: {  	v20 =	vand.u32 $0x380, v20;
	v22 =	vshll.u32 v22, $0xA  }
0x2cb: {  	vm7 =	vgt.s32 v21, $0x3E;
	v20 =	vor.u32 v20, v22  }
0x2cc: {  	v20 =	vadd.s32 v14, v20;
	_ =	sdelay $0x4  }
0x2cd: {  	[tilespmem:v20+s16+$0x0] =	vst.idx.msk vm7, v3  }
0x2ce: {  	v20 =	vld [tilespmem:s21+$0x30];
	_ =	sdelay $0x4  }
0x2cf: {  	v48 =	vshra.s32 v20, $0x1F  }
0x2d0: {  	v21 =	vshrl.u32 v48, $0x1D  }
0x2d1: {  	v21 =	vadd.s32 v21, v20  }
0x2d2: {  	v49 =	vand.u32 $0xFFFFFFF8, v21  }
0x2d3: {  	vm8 =	vlt.s32 v20, $0x1;
	vm9 =	vne.s32 v20, v49  }
0x2d4: {  	vm0 =	vmand vm8, vm9  }
0x2d5: {  	v21 =	vshra.s32 v21, $0x3;
	v50 =	vsel vm0, $0xFFFFFFFF, v1  }
0x2d6: {  	v21 =	vadd.s32 v50, v21  }
0x2d7: {  	v20 =	vsub.s32 v20, v4;
	vm10 =	vgt.s32 v21, $0x3F  }
0x2d8: {  	v20 =	vshll.u32 v20, $0x7;
	v22 =	vnsel vm10, $0x3F, v21  }
0x2d9: {  	v20 =	vand.u32 $0x380, v20;
	v22 =	vshll.u32 v22, $0xA  }
0x2da: {  	vm11 =	vgt.s32 v21, $0x3E;
	v20 =	vor.u32 v20, v22  }
0x2db: {  	v20 =	vadd.s32 v15, v20;
	_ =	sdelay $0x4  }
0x2dc: {  	[tilespmem:v20+s16+$0x0] =	vst.idx.msk vm11, v3  }
0x2dd: {  	v20 =	vld [tilespmem:s21+$0x40];
	_ =	sdelay $0x4  }
0x2de: {  	v51 =	vshra.s32 v20, $0x1F  }
0x2df: {  	v21 =	vshrl.u32 v51, $0x1D  }
0x2e0: {  	v21 =	vadd.s32 v21, v20  }
0x2e1: {  	v52 =	vand.u32 $0xFFFFFFF8, v21  }
0x2e2: {  	vm12 =	vlt.s32 v20, $0x1;
	vm13 =	vne.s32 v20, v52  }
0x2e3: {  	vm0 =	vmand vm12, vm13  }
0x2e4: {  	v21 =	vshra.s32 v21, $0x3;
	v53 =	vsel vm0, $0xFFFFFFFF, v1  }
0x2e5: {  	v21 =	vadd.s32 v53, v21  }
0x2e6: {  	v20 =	vsub.s32 v20, v4;
	vm14 =	vgt.s32 v21, $0x3F  }
0x2e7: {  	v20 =	vshll.u32 v20, $0x7;
	v22 =	vnsel vm14, $0x3F, v21  }
0x2e8: {  	v20 =	vand.u32 $0x380, v20;
	v22 =	vshll.u32 v22, $0xA  }
0x2e9: {  	vm15 =	vgt.s32 v21, $0x3E;
	v20 =	vor.u32 v20, v22  }
0x2ea: {  	v20 =	vadd.s32 v16, v20;
	_ =	sdelay $0x4  }
0x2eb: {  	[tilespmem:v20+s16+$0x0] =	vst.idx.msk vm15, v3  }
0x2ec: {  	v20 =	vld [tilespmem:s21+$0x50];
	_ =	sdelay $0x4  }
0x2ed: {  	v54 =	vshra.s32 v20, $0x1F  }
0x2ee: {  	v21 =	vshrl.u32 v54, $0x1D  }
0x2ef: {  	v21 =	vadd.s32 v21, v20  }
0x2f0: {  	v55 =	vand.u32 $0xFFFFFFF8, v21  }
0x2f1: {  	vm4 =	vlt.s32 v20, $0x1;
	vm5 =	vne.s32 v20, v55  }
0x2f2: {  	vm0 =	vmand vm4, vm5  }
0x2f3: {  	v21 =	vshra.s32 v21, $0x3;
	v56 =	vsel vm0, $0xFFFFFFFF, v1  }
0x2f4: {  	v21 =	vadd.s32 v56, v21  }
0x2f5: {  	v20 =	vsub.s32 v20, v4;
	vm6 =	vgt.s32 v21, $0x3F  }
0x2f6: {  	v20 =	vshll.u32 v20, $0x7;
	v22 =	vnsel vm6, $0x3F, v21  }
0x2f7: {  	v20 =	vand.u32 $0x380, v20;
	v22 =	vshll.u32 v22, $0xA  }
0x2f8: {  	vm7 =	vgt.s32 v21, $0x3E;
	v20 =	vor.u32 v20, v22  }
0x2f9: {  	v20 =	vadd.s32 v17, v20;
	_ =	sdelay $0x4  }
0x2fa: {  	[tilespmem:v20+s16+$0x0] =	vst.idx.msk vm7, v3  }
0x2fb: {  	v20 =	vld [tilespmem:s21+$0x60];
	_ =	sdelay $0x4  }
0x2fc: {  	v57 =	vshra.s32 v20, $0x1F  }
0x2fd: {  	v21 =	vshrl.u32 v57, $0x1D  }
0x2fe: {  	v21 =	vadd.s32 v21, v20  }
0x2ff: {  	v58 =	vand.u32 $0xFFFFFFF8, v21  }
0x300: {  	vm8 =	vlt.s32 v20, $0x1;
	vm9 =	vne.s32 v20, v58  }
0x301: {  	vm0 =	vmand vm8, vm9  }
0x302: {  	v21 =	vshra.s32 v21, $0x3;
	v59 =	vsel vm0, $0xFFFFFFFF, v1  }
0x303: {  	v21 =	vadd.s32 v59, v21  }
0x304: {  	v20 =	vsub.s32 v20, v4;
	vm10 =	vgt.s32 v21, $0x3F  }
0x305: {  	v20 =	vshll.u32 v20, $0x7;
	v22 =	vnsel vm10, $0x3F, v21  }
0x306: {  	v20 =	vand.u32 $0x380, v20;
	v22 =	vshll.u32 v22, $0xA  }
0x307: {  	vm11 =	vgt.s32 v21, $0x3E;
	v20 =	vor.u32 v20, v22  }
0x308: {  	v20 =	vadd.s32 v18, v20;
	_ =	sdelay $0x4  }
0x309: {  	[tilespmem:v20+s16+$0x0] =	vst.idx.msk vm11, v3  }
0x30a: {  	v20 =	vld [tilespmem:s21+$0x70];
	_ =	sdelay $0x4  }
0x30b: {  	v60 =	vshra.s32 v20, $0x1F  }
0x30c: {  	v21 =	vshrl.u32 v60, $0x1D  }
0x30d: {  	v21 =	vadd.s32 v21, v20  }
0x30e: {  	v61 =	vand.u32 $0xFFFFFFF8, v21  }
0x30f: {  	vm12 =	vlt.s32 v20, $0x1;
	vm13 =	vne.s32 v20, v61  }
0x310: {  	vm0 =	vmand vm12, vm13  }
0x311: {  	v21 =	vshra.s32 v21, $0x3;
	v62 =	vsel vm0, $0xFFFFFFFF, v1  }
0x312: {  	v21 =	vadd.s32 v62, v21  }
0x313: {  	v20 =	vsub.s32 v20, v4;
	vm14 =	vgt.s32 v21, $0x3F  }
0x314: {  	v20 =	vshll.u32 v20, $0x7;
	v22 =	vnsel vm14, $0x3F, v21  }
0x315: {  	v20 =	vand.u32 $0x380, v20;
	v22 =	vshll.u32 v22, $0xA  }
0x316: {  	vm15 =	vgt.s32 v21, $0x3E;
	v20 =	vor.u32 v20, v22  }
0x317: {  	v20 =	vadd.s32 v19, v20  }
0x318: {  	p0 =	sne.s32 s20, $0x8CA000  }
.Ltmp2:
0x319: {  	_ = 	snop;
	(pc) =	sbr.rel @p0 .LBB2_6-.Ltmp2, $4  }
0x31a: {  	_ = 	snop  }
0x31b: {  	s31 =	sadd.s32 s20, s10  }
0x31c: {  	s22 =	sadd.s32 $0x3E8000, s22;
	s20 =	sadd.s32 $0x7D000, s20;
	s21 =	sadd.s32 $0x80, s21;
	[tilespmem:v20+s16+$0x0] =	vst.idx.msk vm15, v3  }
0x31d: {  	[hbm4b:s31+s11] =	stream.strided.scatter [tilespmem:s16], [sflag:$0x2], $0xF800, s12, s11, $0x38;
	v63 =	vld [tilespmem:$0x0]  }
0x31e: {  	s19 =	sadd.s32 $0x1, s19  }
0x31f: {  	_ =	swait.ge [sflag:s17], $0xFC00;
	p0 =	sne.s32 s19, s8  }
.Ltmp3:
0x320: {  	[sflag:s17] =	ssyncset.done $0x0;
	(pc) =	sbr.rel @p0 .LBB2_1-.Ltmp3, $4  }
0x321: {  	[sflag:s17] =	ssyncadd.s32 $0xFFFF0400  }
0x322: {  	_ =	swait.ge [sflag:s18], $0xF800  }
0x323: {  	[sflag:s18] =	ssyncset.done $0x0  }
0x324: {  	[sflag:s18] =	ssyncadd.s32 $0xFFFF0800  }
0x325: {  	_ =	sfence.sel $0x180000  }
0x326: {  	[bflag:$0x0] =	sbarrier.arrive $0xFFFF  }
0x327: {  	p0 =	sne.s32 s2, $0x0;
	_ =	strace $0x90000047  }
0x328: {  	s0 =	sadd.s32 @!p0 $0x100000, s0;
	[bflag:$0x2] =	sbarrier.arrive $0xFFFF  }
0x329: {  	[sflag:s0] =	ssyncadd.tile.s32 @!p0 $0x1;
	_ =	shalt  }
.Lfunc_end2:
_tile_overlayer_lowered:
.L_overlay_start_2:
0x32a: {  	(tag) =	ssettag $0x2  }
0x32b: {  	s0 =	rddreg [dreg:$0x0];
	s2 =	stileid.u32  }
0x32c: {  	s1 =	rddreg [dreg:$0x1];
	p0 =	sne.s32 s2, $0x0  }
0x32d: {  	s3 =	rddreg [dreg:$0x2];
	[bflag:$0x3] =	sbarrier.arrive $0xFFFF;
	s2 =	simm.s32 @!p0 $0x1C03  }
0x32e: {  	[timem:s3], [sflag:s2] =	dma.local @!p0 [hbm:s0], s1  }
0x32f: {  	s0 =	simm.s32 @!p0 $0x3  }
0x330: {  	_ =	swait.ge @!p0 [sflag:s0], s1  }
0x331: {  	s1 =	ssub.s32 @!p0 $0x0, s1;
	[sflag:s0] =	ssyncset.done @!p0 $0x0  }
0x332: {  	[sflag:s0] =	ssyncadd.s32 @!p0 s1  }
0x333: {  	[bflag:$0x3] =	sbarrier.arrive $0xFFFF  }
0x334: {  	_ =	shalt  }

</sc_bundles>
